<compile_context>
chip_gen: v7x
topology: tpu7x:2x2x1
jax: 0.10.2.dev20260603
libtpu: 0.0.44.dev20260713+nightly
codegen_flags: <defaults>
</compile_context>

<pallas_src>
import jax
import jax.numpy as jnp
from jax import lax
from jax.experimental import pallas as pl
from jax.experimental.pallas import tpu as pltpu
from jax.experimental.pallas import tpu_sc as plsc

N = 10000
E = 160000
D = 256
DH = 128
DG = 8
NSUB = 16
EPT = E // NSUB
CH = 80
NCH = EPT // CH
RPT = 632
NP = NSUB * RPT
BN = 2 * RPT

NBUF = 3
NIDX = 6


def _sc_agg_body(x_hbm, src_hbm, dst_hbm, ones_hbm, agg_hbm, deg_hbm,
                 agg_sh, deg_sh, ones_v, *rest):
    bufs = rest[0:NBUF]
    rvs = rest[NBUF:NBUF + NIDX]
    svs = rest[NBUF + NIDX:NBUF + 2 * NIDX]
    dvs = rest[NBUF + 2 * NIDX:NBUF + 3 * NIDX]
    semg = rest[NBUF + 3 * NIDX:2 * NBUF + 3 * NIDX]
    sems = rest[2 * NBUF + 3 * NIDX:3 * NBUF + 3 * NIDX]
    semd = rest[3 * NBUF + 3 * NIDX:4 * NBUF + 3 * NIDX]
    semi = rest[4 * NBUF + 3 * NIDX:4 * NBUF + 4 * NIDX]
    c = lax.axis_index("c")
    s = lax.axis_index("s")

    pltpu.sync_copy(ones_hbm, ones_v)

    def zfill(i, carry):
        for j in range(DH // 16):
            bufs[0][i, pl.ds(j * 16, 16)] = jnp.zeros((16,), jnp.float32)
        return carry

    lax.fori_loop(0, CH, zfill, 0)
    nz = RPT // CH
    rz = RPT - nz * CH
    for k in range(nz):
        pltpu.async_copy(bufs[0], agg_sh.at[pl.ds(s * RPT + k * CH, CH)],
                         sems[0])
    pltpu.async_copy(bufs[0].at[pl.ds(0, rz)],
                     agg_sh.at[pl.ds(s * RPT + nz * CH, rz)], sems[0])
    for k in range(8):
        pltpu.async_copy(bufs[0].at[pl.ds(0, RPT // 8), pl.ds(0, DG)],
                         deg_sh.at[pl.ds(s * RPT + k * (RPT // 8), RPT // 8)],
                         sems[1])

    ebase = s * EPT

    def prep(q, k):
        pltpu.async_copy(src_hbm.at[pl.ds(ebase + k * CH, CH)],
                         rvs[q], semi[q])
        pltpu.async_copy(dst_hbm.at[pl.ds(ebase + k * CH, CH)],
                         dvs[q], semi[q])

    def idxwait(q):
        pltpu.make_async_copy(src_hbm.at[pl.ds(0, CH)], rvs[q],
                              semi[q]).wait()
        pltpu.make_async_copy(dst_hbm.at[pl.ds(0, CH)], dvs[q],
                              semi[q]).wait()
        for j in range(CH // 16):
            v = rvs[q][pl.ds(j * 16, 16)]
            svs[q][pl.ds(j * 16, 16)] = v + v + c

    def gstart(b, q):
        pltpu.async_copy(x_hbm.at[svs[q]], bufs[b], semg[b])

    def gwait(b, q):
        pltpu.make_async_copy(x_hbm.at[svs[q]], bufs[b], semg[b]).wait()

    def sstart(b, q):
        pltpu.async_copy(bufs[b], agg_sh.at[dvs[q]], sems[b], add=True)
        pltpu.async_copy(ones_v, deg_sh.at[dvs[q]], semd[b], add=True)

    def swait(b, q):
        pltpu.make_async_copy(bufs[b], agg_sh.at[dvs[q]], sems[b]).wait()
        pltpu.make_async_copy(ones_v, deg_sh.at[dvs[q]], semd[b]).wait()

    def step(k, kk):
        b, q = kk % NBUF, kk % NIDX
        swait((kk - 1) % NBUF, (kk - 1) % NIDX)
        prep((kk + 5) % NIDX, k + 5)
        q2, b2 = (kk + 2) % NIDX, (kk + 2) % NBUF
        idxwait(q2)
        gstart(b2, q2)
        gwait(b, q)
        sstart(b, q)

    for k in range(5):
        prep(k % NIDX, k)
    idxwait(1)
    gstart(1, 1)
    prep(5, 5)
    idxwait(2)
    gstart(2, 2)
    for k in range(nz):
        pltpu.make_async_copy(bufs[0], agg_sh.at[pl.ds(0, CH)],
                              sems[0]).wait()
    pltpu.make_async_copy(bufs[0].at[pl.ds(0, rz)],
                          agg_sh.at[pl.ds(0, rz)], sems[0]).wait()
    for k in range(8):
        pltpu.make_async_copy(bufs[0].at[pl.ds(0, RPT // 8), pl.ds(0, DG)],
                              deg_sh.at[pl.ds(0, RPT // 8)], sems[1]).wait()
    idxwait(0)
    gstart(0, 0)
    plsc.subcore_barrier()
    gwait(0, 0)
    sstart(0, 0)

    NU = (NCH - 11) // 6

    def six(g, carry):
        k0 = 6 * g + 1
        for j in range(6):
            step(k0 + j, 1 + j)
        return carry

    lax.fori_loop(0, NU, six, 0)

    for k in range(6 * NU + 1, NCH - 5):
        step(k, k)

    for k in range(NCH - 5, NCH):
        b, q = k % NBUF, k % NIDX
        swait((k - 1) % NBUF, (k - 1) % NIDX)
        if k + 2 <= NCH - 1:
            q2, b2 = (k + 2) % NIDX, (k + 2) % NBUF
            idxwait(q2)
            gstart(b2, q2)
        gwait(b, q)
        sstart(b, q)
    swait((NCH - 1) % NBUF, (NCH - 1) % NIDX)
    plsc.subcore_barrier()

    pltpu.async_copy(deg_sh.at[pl.ds(s * RPT, RPT)],
                     deg_hbm.at[pl.ds(c * NP + s * RPT, RPT)], semg[1])
    pltpu.async_copy(agg_sh.at[pl.ds(s * RPT, RPT)],
                     agg_hbm.at[pl.ds(c * NP + s * RPT, RPT)], semg[0])
    pltpu.make_async_copy(deg_sh.at[pl.ds(s * RPT, RPT)],
                          deg_hbm.at[pl.ds(0, RPT)], semg[1]).wait()
    pltpu.make_async_copy(agg_sh.at[pl.ds(s * RPT, RPT)],
                          agg_hbm.at[pl.ds(0, RPT)], semg[0]).wait()


def _sc_aggregate(x2, src, dst, ones8):
    mesh = plsc.VectorSubcoreMesh(core_axis_name="c", subcore_axis_name="s")
    scratch = (
        [pltpu.VMEM_SHARED((NP, DH), jnp.float32),
         pltpu.VMEM_SHARED((NP, DG), jnp.float32),
         pltpu.VMEM((CH, DG), jnp.float32)]
        + [pltpu.VMEM((CH, DH), jnp.float32)] * NBUF
        + [pltpu.VMEM((CH,), jnp.int32)] * NIDX
        + [pltpu.VMEM((CH,), jnp.int32)] * NIDX
        + [pltpu.VMEM((CH,), jnp.int32)] * NIDX
        + [pltpu.SemaphoreType.DMA] * (3 * NBUF + NIDX)
    )
    return pl.kernel(
        _sc_agg_body,
        out_type=(jax.ShapeDtypeStruct((2 * NP, DH), jnp.float32),
                  jax.ShapeDtypeStruct((2 * NP, DG), jnp.float32)),
        mesh=mesh,
        scratch_types=scratch,
        compiler_params=pltpu.CompilerParams(use_tc_tiling_on_sc=False),
    )(x2, src, dst, ones8)


def _tc_xwr_body(x_ref, wr_ref, bl_ref, o_ref):
    o_ref[...] = (jnp.dot(x_ref[...], wr_ref[...],
                          preferred_element_type=jnp.float32)
                  + bl_ref[...]).astype(jnp.bfloat16)


def _tc_xwr(x, W_r, b_l):
    return pl.pallas_call(
        _tc_xwr_body,
        grid=(N // BN + 1,),
        in_specs=[
            pl.BlockSpec((BN, D), lambda i: (i, 0)),
            pl.BlockSpec((D, D), lambda i: (0, 0)),
            pl.BlockSpec((1, D), lambda i: (0, 0)),
        ],
        out_specs=pl.BlockSpec((BN, D), lambda i: (i, 0)),
        out_shape=jax.ShapeDtypeStruct((N, D), jnp.bfloat16),
    )(x, W_r, b_l)


def _tc_body(a0_ref, a1_ref, deg_ref, r_ref, x_ref, wl_ref, g_ref, b_ref,
             o_ref):
    inv = 1.0 / jnp.maximum(deg_ref[:, 0:1], 1.0)
    m0 = (a0_ref[...] * inv).astype(jnp.bfloat16)
    m1 = (a1_ref[...] * inv).astype(jnp.bfloat16)
    h = (jnp.dot(m0, wl_ref[:128, :], preferred_element_type=jnp.float32)
         + jnp.dot(m1, wl_ref[128:, :], preferred_element_type=jnp.float32)
         + r_ref[...].astype(jnp.float32))
    mu = jnp.mean(h, axis=-1, keepdims=True)
    dlt = h - mu
    var = jnp.mean(dlt * dlt, axis=-1, keepdims=True)
    hn = dlt * lax.rsqrt(var + 1e-5) * g_ref[...] + b_ref[...]
    ge = 0.5 * hn * (1.0 + lax.erf(hn * 0.7071067811865476))
    o_ref[...] = ge + x_ref[...]


def _tc_finish(agg, deg, r, x, W_l, gamma, beta):
    nb = NP // BN
    return pl.pallas_call(
        _tc_body,
        grid=(N // BN + 1,),
        in_specs=[
            pl.BlockSpec((BN, DH), lambda i: (i, 0)),
            pl.BlockSpec((BN, DH), lambda i: (nb + i, 0)),
            pl.BlockSpec((BN, DG), lambda i: (i, 0)),
            pl.BlockSpec((BN, D), lambda i: (i, 0)),
            pl.BlockSpec((BN, D), lambda i: (i, 0)),
            pl.BlockSpec((D, D), lambda i: (0, 0)),
            pl.BlockSpec((1, D), lambda i: (0, 0)),
            pl.BlockSpec((1, D), lambda i: (0, 0)),
        ],
        out_specs=pl.BlockSpec((BN, D), lambda i: (i, 0)),
        out_shape=jax.ShapeDtypeStruct((N, D), jnp.float32),
    )(agg, agg, deg, r, x, W_l, gamma, beta)


def kernel(x, edge_index, W_l, b_l, W_r, gamma, beta):
    x2 = x.reshape(2 * N, DH)
    src = edge_index[0].astype(jnp.int32)
    dst = edge_index[1].astype(jnp.int32)
    ones8 = jnp.ones((CH, DG), jnp.float32)
    r = _tc_xwr(x, W_r, b_l.reshape(1, D))
    agg, deg = _sc_aggregate(x2, src, dst, ones8)
    return _tc_finish(agg, deg, r, x, W_l.astype(jnp.bfloat16),
                      gamma.reshape(1, D), beta.reshape(1, D))

# --- scband reference (transcript-rebuilt; emitter-appended) ---
"""Pipeline reference for scband-residual-sageblock-64690797412601 (READ-ONLY COPY).

The authoritative reference and input builder live on the scoring server;
editing this copy changes nothing except your own understanding.
"""

import jax, jax.numpy as jnp
import numpy as np

N = 10000
E = 160000
D = 256

def setup_inputs(seed: int = 0) -> dict:
    key = jax.random.key(seed)
    ks = jax.random.split(key, 8)
    x = jax.random.normal(ks[0], (N, D), dtype=jnp.float32)
    edge_index = jax.random.randint(ks[1], (2, E), 0, N)
    s = 1.0 / np.sqrt(D)
    W_l = jax.random.uniform(ks[2], (D, D), dtype=jnp.float32, minval=-s, maxval=s)
    b_l = jax.random.uniform(ks[3], (D,), dtype=jnp.float32, minval=-s, maxval=s)
    W_r = jax.random.uniform(ks[4], (D, D), dtype=jnp.float32, minval=-s, maxval=s)
    gamma = jnp.ones((D,), dtype=jnp.float32)
    beta = jnp.zeros((D,), dtype=jnp.float32)
    return {"x": x, "edge_index": edge_index, "W_l": W_l, "b_l": b_l, "W_r": W_r, "gamma": gamma, "beta": beta}

def reference(x, edge_index, W_l, b_l, W_r, gamma, beta):
    # SAGEConv (mean aggregation): lin_l(mean_neighbors) + lin_r(x)
    src = edge_index[0]
    dst = edge_index[1]
    msg = jnp.take(x, src, axis=0)
    agg = jax.ops.segment_sum(msg, dst, num_segments=N)
    deg = jax.ops.segment_sum(jnp.ones((E,), dtype=x.dtype), dst, num_segments=N)
    mean_agg = agg / jnp.clip(deg, 1.0, None)[:, None]
    h = mean_agg @ W_l + b_l + x @ W_r
    # LayerNorm (eps=1e-5)
    mu = jnp.mean(h, axis=-1, keepdims=True)
    var = jnp.var(h, axis=-1, keepdims=True)
    hn = (h - mu) / jnp.sqrt(var + 1e-5) * gamma + beta
    # GELU (exact, matches torch default)
    hg = jax.nn.gelu(hn, approximate=False)
    # dropout is identity in eval mode; proj is Identity since in_dim == out_dim
    return hg + x

if __name__ == "__main__":
    import jax
    _d = setup_inputs()
    print(jax.jit(kernel)(*tuple(_d.values())))

</pallas_src>

<mosaic_0001>
#map = affine_map<(d0, d1) -> (0, 0)>
#map1 = affine_map<(d0, d1) -> (0)>
module attributes {stable_mosaic.version = 14 : i64} {
  func.func @_sc_agg_body(%arg0: i32, %arg1: i32, %arg2: memref<20000x128xf32, #tpu.memory_space<hbm>>, %arg3: memref<160000xi32, #tpu.memory_space<hbm>>, %arg4: memref<160000xi32, #tpu.memory_space<hbm>>, %arg5: memref<80x8xf32, #tpu.memory_space<hbm>>, %arg6: memref<20224x128xf32, #tpu.memory_space<hbm>>, %arg7: memref<20224x8xf32, #tpu.memory_space<hbm>>, %arg8: memref<10112x128xf32, #tpu.memory_space<vmem_shared>>, %arg9: memref<10112x8xf32, #tpu.memory_space<vmem_shared>>, %arg10: memref<80x8xf32, #tpu.memory_space<vmem>>, %arg11: memref<80x128xf32, #tpu.memory_space<vmem>>, %arg12: memref<80x128xf32, #tpu.memory_space<vmem>>, %arg13: memref<80x128xf32, #tpu.memory_space<vmem>>, %arg14: memref<80xi32, #tpu.memory_space<vmem>>, %arg15: memref<80xi32, #tpu.memory_space<vmem>>, %arg16: memref<80xi32, #tpu.memory_space<vmem>>, %arg17: memref<80xi32, #tpu.memory_space<vmem>>, %arg18: memref<80xi32, #tpu.memory_space<vmem>>, %arg19: memref<80xi32, #tpu.memory_space<vmem>>, %arg20: memref<80xi32, #tpu.memory_space<vmem>>, %arg21: memref<80xi32, #tpu.memory_space<vmem>>, %arg22: memref<80xi32, #tpu.memory_space<vmem>>, %arg23: memref<80xi32, #tpu.memory_space<vmem>>, %arg24: memref<80xi32, #tpu.memory_space<vmem>>, %arg25: memref<80xi32, #tpu.memory_space<vmem>>, %arg26: memref<80xi32, #tpu.memory_space<vmem>>, %arg27: memref<80xi32, #tpu.memory_space<vmem>>, %arg28: memref<80xi32, #tpu.memory_space<vmem>>, %arg29: memref<80xi32, #tpu.memory_space<vmem>>, %arg30: memref<80xi32, #tpu.memory_space<vmem>>, %arg31: memref<80xi32, #tpu.memory_space<vmem>>, %arg32: memref<!tpu.dma_semaphore, #tpu.memory_space<semaphore_mem>>, %arg33: memref<!tpu.dma_semaphore, #tpu.memory_space<semaphore_mem>>, %arg34: memref<!tpu.dma_semaphore, #tpu.memory_space<semaphore_mem>>, %arg35: memref<!tpu.dma_semaphore, #tpu.memory_space<semaphore_mem>>, %arg36: memref<!tpu.dma_semaphore, #tpu.memory_space<semaphore_mem>>, %arg37: memref<!tpu.dma_semaphore, #tpu.memory_space<semaphore_mem>>, %arg38: memref<!tpu.dma_semaphore, #tpu.memory_space<semaphore_mem>>, %arg39: memref<!tpu.dma_semaphore, #tpu.memory_space<semaphore_mem>>, %arg40: memref<!tpu.dma_semaphore, #tpu.memory_space<semaphore_mem>>, %arg41: memref<!tpu.dma_semaphore, #tpu.memory_space<semaphore_mem>>, %arg42: memref<!tpu.dma_semaphore, #tpu.memory_space<semaphore_mem>>, %arg43: memref<!tpu.dma_semaphore, #tpu.memory_space<semaphore_mem>>, %arg44: memref<!tpu.dma_semaphore, #tpu.memory_space<semaphore_mem>>, %arg45: memref<!tpu.dma_semaphore, #tpu.memory_space<semaphore_mem>>, %arg46: memref<!tpu.dma_semaphore, #tpu.memory_space<semaphore_mem>>) attributes {dimension_semantics = [#tpu.dimension_semantics<core_parallel>, #tpu.dimension_semantics<subcore_parallel>], iteration_bounds = array<i64: 2, 16>, scalar_prefetch = 0 : i64, scratch_operands = 39 : i64, tpu.core_type = #tpu.core_type<sc_vector_subcore>, window_params = [{transform_indices = #map}, {transform_indices = #map1}, {transform_indices = #map1}, {transform_indices = #map}, {transform_indices = #map}, {transform_indices = #map}]} {
    "tpu.region"() ({
      %run_scoped3A = tpu.sem_alloc : memref<!tpu.dma_semaphore, #tpu.memory_space<semaphore_mem>>
      tpu.enqueue_dma source(%arg5 : memref<80x8xf32, #tpu.memory_space<hbm>>) target(%arg10 : memref<80x8xf32, #tpu.memory_space<vmem>>) target_semaphore(%run_scoped3A : memref<!tpu.dma_semaphore, #tpu.memory_space<semaphore_mem>>)
      tpu.wait_dma2 semaphore(%run_scoped3A : memref<!tpu.dma_semaphore, #tpu.memory_space<semaphore_mem>>) src(%arg5 : memref<80x8xf32, #tpu.memory_space<hbm>>) dst(%arg10 : memref<80x8xf32, #tpu.memory_space<vmem>>)
      tpu.yield
    }) : () -> ()
    %scan3A = arith.constant 0 : i32
    %scan3A_0 = arith.constant 0 : i32
    %scan3A_1 = arith.constant 80 : i32
    %scan3A_2 = arith.addi %scan3A_0, %scan3A_1 : i32
    %scan3A_3 = arith.constant 1 : i32
    scf.for %scan3A_1300 = %scan3A_0 to %scan3A_2 step %scan3A_3  : i32 {
      %broadcast_in_dim3A = arith.constant 0.000000e+00 : f32
      %broadcast_in_dim3A_1301 = vector.broadcast %broadcast_in_dim3A : f32 to vector<16xf32>
      %swap3A_1302 = arith.index_cast %scan3A_1300 : i32 to index
      %swap3A_1303 = arith.constant 0 : index
      %swap3A_1304 = tpu.vector_load %arg11[%swap3A_1302, %swap3A_1303] {strides = array<i32>} : memref<80x128xf32, #tpu.memory_space<vmem>>, vector<1x16xf32>,
      %swap3A_1305 = vector.shape_cast %swap3A_1304 : vector<1x16xf32> to vector<16xf32>
      %swap3A_1306 = vector.shape_cast %broadcast_in_dim3A_1301 : vector<16xf32> to vector<1x16xf32>
      tpu.vector_store %arg11[%swap3A_1302, %swap3A_1303], %swap3A_1306 {strides = array<i32>} : memref<80x128xf32, #tpu.memory_space<vmem>>, vector<1x16xf32>,
      %broadcast_in_dim3A_1307 = arith.constant 0.000000e+00 : f32
      %broadcast_in_dim3A_1308 = vector.broadcast %broadcast_in_dim3A_1307 : f32 to vector<16xf32>
      %swap3A_1309 = arith.index_cast %scan3A_1300 : i32 to index
      %swap3A_1310 = arith.constant 16 : index
      %swap3A_1311 = tpu.vector_load %arg11[%swap3A_1309, %swap3A_1310] {strides = array<i32>} : memref<80x128xf32, #tpu.memory_space<vmem>>, vector<1x16xf32>,
      %swap3A_1312 = vector.shape_cast %swap3A_1311 : vector<1x16xf32> to vector<16xf32>
      %swap3A_1313 = vector.shape_cast %broadcast_in_dim3A_1308 : vector<16xf32> to vector<1x16xf32>
      tpu.vector_store %arg11[%swap3A_1309, %swap3A_1310], %swap3A_1313 {strides = array<i32>} : memref<80x128xf32, #tpu.memory_space<vmem>>, vector<1x16xf32>,
      %broadcast_in_dim3A_1314 = arith.constant 0.000000e+00 : f32
      %broadcast_in_dim3A_1315 = vector.broadcast %broadcast_in_dim3A_1314 : f32 to vector<16xf32>
      %swap3A_1316 = arith.index_cast %scan3A_1300 : i32 to index
      %swap3A_1317 = arith.constant 32 : index
      %swap3A_1318 = tpu.vector_load %arg11[%swap3A_1316, %swap3A_1317] {strides = array<i32>} : memref<80x128xf32, #tpu.memory_space<vmem>>, vector<1x16xf32>,
      %swap3A_1319 = vector.shape_cast %swap3A_1318 : vector<1x16xf32> to vector<16xf32>
      %swap3A_1320 = vector.shape_cast %broadcast_in_dim3A_1315 : vector<16xf32> to vector<1x16xf32>
      tpu.vector_store %arg11[%swap3A_1316, %swap3A_1317], %swap3A_1320 {strides = array<i32>} : memref<80x128xf32, #tpu.memory_space<vmem>>, vector<1x16xf32>,
      %broadcast_in_dim3A_1321 = arith.constant 0.000000e+00 : f32
      %broadcast_in_dim3A_1322 = vector.broadcast %broadcast_in_dim3A_1321 : f32 to vector<16xf32>
      %swap3A_1323 = arith.index_cast %scan3A_1300 : i32 to index
      %swap3A_1324 = arith.constant 48 : index
      %swap3A_1325 = tpu.vector_load %arg11[%swap3A_1323, %swap3A_1324] {strides = array<i32>} : memref<80x128xf32, #tpu.memory_space<vmem>>, vector<1x16xf32>,
      %swap3A_1326 = vector.shape_cast %swap3A_1325 : vector<1x16xf32> to vector<16xf32>
      %swap3A_1327 = vector.shape_cast %broadcast_in_dim3A_1322 : vector<16xf32> to vector<1x16xf32>
      tpu.vector_store %arg11[%swap3A_1323, %swap3A_1324], %swap3A_1327 {strides = array<i32>} : memref<80x128xf32, #tpu.memory_space<vmem>>, vector<1x16xf32>,
      %broadcast_in_dim3A_1328 = arith.constant 0.000000e+00 : f32
      %broadcast_in_dim3A_1329 = vector.broadcast %broadcast_in_dim3A_1328 : f32 to vector<16xf32>
      %swap3A_1330 = arith.index_cast %scan3A_1300 : i32 to index
      %swap3A_1331 = arith.constant 64 : index
      %swap3A_1332 = tpu.vector_load %arg11[%swap3A_1330, %swap3A_1331] {strides = array<i32>} : memref<80x128xf32, #tpu.memory_space<vmem>>, vector<1x16xf32>,
      %swap3A_1333 = vector.shape_cast %swap3A_1332 : vector<1x16xf32> to vector<16xf32>
      %swap3A_1334 = vector.shape_cast %broadcast_in_dim3A_1329 : vector<16xf32> to vector<1x16xf32>
      tpu.vector_store %arg11[%swap3A_1330, %swap3A_1331], %swap3A_1334 {strides = array<i32>} : memref<80x128xf32, #tpu.memory_space<vmem>>, vector<1x16xf32>,
      %broadcast_in_dim3A_1335 = arith.constant 0.000000e+00 : f32
      %broadcast_in_dim3A_1336 = vector.broadcast %broadcast_in_dim3A_1335 : f32 to vector<16xf32>
      %swap3A_1337 = arith.index_cast %scan3A_1300 : i32 to index
      %swap3A_1338 = arith.constant 80 : index
      %swap3A_1339 = tpu.vector_load %arg11[%swap3A_1337, %swap3A_1338] {strides = array<i32>} : memref<80x128xf32, #tpu.memory_space<vmem>>, vector<1x16xf32>,
      %swap3A_1340 = vector.shape_cast %swap3A_1339 : vector<1x16xf32> to vector<16xf32>
      %swap3A_1341 = vector.shape_cast %broadcast_in_dim3A_1336 : vector<16xf32> to vector<1x16xf32>
      tpu.vector_store %arg11[%swap3A_1337, %swap3A_1338], %swap3A_1341 {strides = array<i32>} : memref<80x128xf32, #tpu.memory_space<vmem>>, vector<1x16xf32>,
      %broadcast_in_dim3A_1342 = arith.constant 0.000000e+00 : f32
      %broadcast_in_dim3A_1343 = vector.broadcast %broadcast_in_dim3A_1342 : f32 to vector<16xf32>
      %swap3A_1344 = arith.index_cast %scan3A_1300 : i32 to index
      %swap3A_1345 = arith.constant 96 : index
      %swap3A_1346 = tpu.vector_load %arg11[%swap3A_1344, %swap3A_1345] {strides = array<i32>} : memref<80x128xf32, #tpu.memory_space<vmem>>, vector<1x16xf32>,
      %swap3A_1347 = vector.shape_cast %swap3A_1346 : vector<1x16xf32> to vector<16xf32>
      %swap3A_1348 = vector.shape_cast %broadcast_in_dim3A_1343 : vector<16xf32> to vector<1x16xf32>
      tpu.vector_store %arg11[%swap3A_1344, %swap3A_1345], %swap3A_1348 {strides = array<i32>} : memref<80x128xf32, #tpu.memory_space<vmem>>, vector<1x16xf32>,
      %broadcast_in_dim3A_1349 = arith.constant 0.000000e+00 : f32
      %broadcast_in_dim3A_1350 = vector.broadcast %broadcast_in_dim3A_1349 : f32 to vector<16xf32>
      %swap3A_1351 = arith.index_cast %scan3A_1300 : i32 to index
      %swap3A_1352 = arith.constant 112 : index
      %swap3A_1353 = tpu.vector_load %arg11[%swap3A_1351, %swap3A_1352] {strides = array<i32>} : memref<80x128xf32, #tpu.memory_space<vmem>>, vector<1x16xf32>,
      %swap3A_1354 = vector.shape_cast %swap3A_1353 : vector<1x16xf32> to vector<16xf32>
      %swap3A_1355 = vector.shape_cast %broadcast_in_dim3A_1350 : vector<16xf32> to vector<1x16xf32>
      tpu.vector_store %arg11[%swap3A_1351, %swap3A_1352], %swap3A_1355 {strides = array<i32>} : memref<80x128xf32, #tpu.memory_space<vmem>>, vector<1x16xf32>,
    }
    %scan3A_4 = arith.constant 80 : i32
    %mul3A = arith.constant 632 : i32
    %mul3A_5 = arith.muli %arg1, %mul3A : i32
    %add3A = arith.constant 0 : i32
    %add3A_6 = arith.addi %mul3A_5, %add3A : i32
    %dma_start3A = arith.constant 0 : i32
    %dma_start3A_7 = tpu.memref_slice %arg8[%add3A_6, %dma_start3A] : memref<10112x128xf32, #tpu.memory_space<vmem_shared>> -> memref<80x128xf32, #tpu.memory_space<vmem_shared>>
    %dma_start3A_8 = arith.constant 0 : i32
    %dma_start3A_9 = tpu.memref_slice %arg8[%add3A_6, %dma_start3A_8] : memref<10112x128xf32, #tpu.memory_space<vmem_shared>> -> memref<80x128xf32, #tpu.memory_space<vmem_shared>>
    tpu.enqueue_dma source(%arg11 : memref<80x128xf32, #tpu.memory_space<vmem>>) target(%dma_start3A_9 : memref<80x128xf32, #tpu.memory_space<vmem_shared>>) target_semaphore(%arg35 : memref<!tpu.dma_semaphore, #tpu.memory_space<semaphore_mem>>)
    %mul3A_10 = arith.constant 632 : i32
    %mul3A_11 = arith.muli %arg1, %mul3A_10 : i32
    %add3A_12 = arith.constant 80 : i32
    %add3A_13 = arith.addi %mul3A_11, %add3A_12 : i32
    %dma_start3A_14 = arith.constant 0 : i32
    %dma_start3A_15 = tpu.memref_slice %arg8[%add3A_13, %dma_start3A_14] : memref<10112x128xf32, #tpu.memory_space<vmem_shared>> -> memref<80x128xf32, #tpu.memory_space<vmem_shared>>
    %dma_start3A_16 = arith.constant 0 : i32
    %dma_start3A_17 = tpu.memref_slice %arg8[%add3A_13, %dma_start3A_16] : memref<10112x128xf32, #tpu.memory_space<vmem_shared>> -> memref<80x128xf32, #tpu.memory_space<vmem_shared>>
    tpu.enqueue_dma source(%arg11 : memref<80x128xf32, #tpu.memory_space<vmem>>) target(%dma_start3A_17 : memref<80x128xf32, #tpu.memory_space<vmem_shared>>) target_semaphore(%arg35 : memref<!tpu.dma_semaphore, #tpu.memory_space<semaphore_mem>>)
    %mul3A_18 = arith.constant 632 : i32
    %mul3A_19 = arith.muli %arg1, %mul3A_18 : i32
    %add3A_20 = arith.constant 160 : i32
    %add3A_21 = arith.addi %mul3A_19, %add3A_20 : i32
    %dma_start3A_22 = arith.constant 0 : i32
    %dma_start3A_23 = tpu.memref_slice %arg8[%add3A_21, %dma_start3A_22] : memref<10112x128xf32, #tpu.memory_space<vmem_shared>> -> memref<80x128xf32, #tpu.memory_space<vmem_shared>>
    %dma_start3A_24 = arith.constant 0 : i32
    %dma_start3A_25 = tpu.memref_slice %arg8[%add3A_21, %dma_start3A_24] : memref<10112x128xf32, #tpu.memory_space<vmem_shared>> -> memref<80x128xf32, #tpu.memory_space<vmem_shared>>
    tpu.enqueue_dma source(%arg11 : memref<80x128xf32, #tpu.memory_space<vmem>>) target(%dma_start3A_25 : memref<80x128xf32, #tpu.memory_space<vmem_shared>>) target_semaphore(%arg35 : memref<!tpu.dma_semaphore, #tpu.memory_space<semaphore_mem>>)
    %mul3A_26 = arith.constant 632 : i32
    %mul3A_27 = arith.muli %arg1, %mul3A_26 : i32
    %add3A_28 = arith.constant 240 : i32
    %add3A_29 = arith.addi %mul3A_27, %add3A_28 : i32
    %dma_start3A_30 = arith.constant 0 : i32
    %dma_start3A_31 = tpu.memref_slice %arg8[%add3A_29, %dma_start3A_30] : memref<10112x128xf32, #tpu.memory_space<vmem_shared>> -> memref<80x128xf32, #tpu.memory_space<vmem_shared>>
    %dma_start3A_32 = arith.constant 0 : i32
    %dma_start3A_33 = tpu.memref_slice %arg8[%add3A_29, %dma_start3A_32] : memref<10112x128xf32, #tpu.memory_space<vmem_shared>> -> memref<80x128xf32, #tpu.memory_space<vmem_shared>>
    tpu.enqueue_dma source(%arg11 : memref<80x128xf32, #tpu.memory_space<vmem>>) target(%dma_start3A_33 : memref<80x128xf32, #tpu.memory_space<vmem_shared>>) target_semaphore(%arg35 : memref<!tpu.dma_semaphore, #tpu.memory_space<semaphore_mem>>)
    %mul3A_34 = arith.constant 632 : i32
    %mul3A_35 = arith.muli %arg1, %mul3A_34 : i32
    %add3A_36 = arith.constant 320 : i32
    %add3A_37 = arith.addi %mul3A_35, %add3A_36 : i32
    %dma_start3A_38 = arith.constant 0 : i32
    %dma_start3A_39 = tpu.memref_slice %arg8[%add3A_37, %dma_start3A_38] : memref<10112x128xf32, #tpu.memory_space<vmem_shared>> -> memref<80x128xf32, #tpu.memory_space<vmem_shared>>
    %dma_start3A_40 = arith.constant 0 : i32
    %dma_start3A_41 = tpu.memref_slice %arg8[%add3A_37, %dma_start3A_40] : memref<10112x128xf32, #tpu.memory_space<vmem_shared>> -> memref<80x128xf32, #tpu.memory_space<vmem_shared>>
    tpu.enqueue_dma source(%arg11 : memref<80x128xf32, #tpu.memory_space<vmem>>) target(%dma_start3A_41 : memref<80x128xf32, #tpu.memory_space<vmem_shared>>) target_semaphore(%arg35 : memref<!tpu.dma_semaphore, #tpu.memory_space<semaphore_mem>>)
    %mul3A_42 = arith.constant 632 : i32
    %mul3A_43 = arith.muli %arg1, %mul3A_42 : i32
    %add3A_44 = arith.constant 400 : i32
    %add3A_45 = arith.addi %mul3A_43, %add3A_44 : i32
    %dma_start3A_46 = arith.constant 0 : i32
    %dma_start3A_47 = tpu.memref_slice %arg8[%add3A_45, %dma_start3A_46] : memref<10112x128xf32, #tpu.memory_space<vmem_shared>> -> memref<80x128xf32, #tpu.memory_space<vmem_shared>>
    %dma_start3A_48 = arith.constant 0 : i32
    %dma_start3A_49 = tpu.memref_slice %arg8[%add3A_45, %dma_start3A_48] : memref<10112x128xf32, #tpu.memory_space<vmem_shared>> -> memref<80x128xf32, #tpu.memory_space<vmem_shared>>
    tpu.enqueue_dma source(%arg11 : memref<80x128xf32, #tpu.memory_space<vmem>>) target(%dma_start3A_49 : memref<80x128xf32, #tpu.memory_space<vmem_shared>>) target_semaphore(%arg35 : memref<!tpu.dma_semaphore, #tpu.memory_space<semaphore_mem>>)
    %mul3A_50 = arith.constant 632 : i32
    %mul3A_51 = arith.muli %arg1, %mul3A_50 : i32
    %add3A_52 = arith.constant 480 : i32
    %add3A_53 = arith.addi %mul3A_51, %add3A_52 : i32
    %dma_start3A_54 = arith.constant 0 : i32
    %dma_start3A_55 = tpu.memref_slice %arg8[%add3A_53, %dma_start3A_54] : memref<10112x128xf32, #tpu.memory_space<vmem_shared>> -> memref<80x128xf32, #tpu.memory_space<vmem_shared>>
    %dma_start3A_56 = arith.constant 0 : i32
    %dma_start3A_57 = tpu.memref_slice %arg8[%add3A_53, %dma_start3A_56] : memref<10112x128xf32, #tpu.memory_space<vmem_shared>> -> memref<80x128xf32, #tpu.memory_space<vmem_shared>>
    tpu.enqueue_dma source(%arg11 : memref<80x128xf32, #tpu.memory_space<vmem>>) target(%dma_start3A_57 : memref<80x128xf32, #tpu.memory_space<vmem_shared>>) target_semaphore(%arg35 : memref<!tpu.dma_semaphore, #tpu.memory_space<semaphore_mem>>)
    %mul3A_58 = arith.constant 632 : i32
    %mul3A_59 = arith.muli %arg1, %mul3A_58 : i32
    %add3A_60 = arith.constant 560 : i32
    %add3A_61 = arith.addi %mul3A_59, %add3A_60 : i32
    %dma_start3A_62 = arith.constant 0 : i32
    %dma_start3A_63 = arith.constant 0 : i32
    %dma_start3A_64 = tpu.memref_slice %arg11[%dma_start3A_62, %dma_start3A_63] : memref<80x128xf32, #tpu.memory_space<vmem>> -> memref<72x128xf32, #tpu.memory_space<vmem>>
    %dma_start3A_65 = arith.constant 0 : i32
    %dma_start3A_66 = tpu.memref_slice %arg8[%add3A_61, %dma_start3A_65] : memref<10112x128xf32, #tpu.memory_space<vmem_shared>> -> memref<72x128xf32, #tpu.memory_space<vmem_shared>>
    %dma_start3A_67 = arith.constant 0 : i32
    %dma_start3A_68 = tpu.memref_slice %arg8[%add3A_61, %dma_start3A_67] : memref<10112x128xf32, #tpu.memory_space<vmem_shared>> -> memref<72x128xf32, #tpu.memory_space<vmem_shared>>
    %dma_start3A_69 = arith.constant 0 : i32
    %dma_start3A_70 = arith.constant 0 : i32
    %dma_start3A_71 = tpu.memref_slice %arg11[%dma_start3A_69, %dma_start3A_70] : memref<80x128xf32, #tpu.memory_space<vmem>> -> memref<72x128xf32, #tpu.memory_space<vmem>>
    tpu.enqueue_dma source(%dma_start3A_71 : memref<72x128xf32, #tpu.memory_space<vmem>>) target(%dma_start3A_68 : memref<72x128xf32, #tpu.memory_space<vmem_shared>>) target_semaphore(%arg35 : memref<!tpu.dma_semaphore, #tpu.memory_space<semaphore_mem>>)
    %mul3A_72 = arith.constant 632 : i32
    %mul3A_73 = arith.muli %arg1, %mul3A_72 : i32
    %add3A_74 = arith.constant 0 : i32
    %add3A_75 = arith.addi %mul3A_73, %add3A_74 : i32
    %dma_start3A_76 = arith.constant 0 : i32
    %dma_start3A_77 = arith.constant 0 : i32
    %dma_start3A_78 = tpu.memref_slice %arg11[%dma_start3A_76, %dma_start3A_77] : memref<80x128xf32, #tpu.memory_space<vmem>> -> memref<79x8xf32, #tpu.memory_space<vmem>>
    %dma_start3A_79 = arith.constant 0 : i32
    %dma_start3A_80 = tpu.memref_slice %arg9[%add3A_75, %dma_start3A_79] : memref<10112x8xf32, #tpu.memory_space<vmem_shared>> -> memref<79x8xf32, #tpu.memory_space<vmem_shared>>
    %dma_start3A_81 = arith.constant 0 : i32
    %dma_start3A_82 = tpu.memref_slice %arg9[%add3A_75, %dma_start3A_81] : memref<10112x8xf32, #tpu.memory_space<vmem_shared>> -> memref<79x8xf32, #tpu.memory_space<vmem_shared>>
    %dma_start3A_83 = arith.constant 0 : i32
    %dma_start3A_84 = arith.constant 0 : i32
    %dma_start3A_85 = tpu.memref_slice %arg11[%dma_start3A_83, %dma_start3A_84] : memref<80x128xf32, #tpu.memory_space<vmem>> -> memref<79x8xf32, #tpu.memory_space<vmem>>
    tpu.enqueue_dma source(%dma_start3A_85 : memref<79x8xf32, #tpu.memory_space<vmem>>) target(%dma_start3A_82 : memref<79x8xf32, #tpu.memory_space<vmem_shared>>) target_semaphore(%arg36 : memref<!tpu.dma_semaphore, #tpu.memory_space<semaphore_mem>>)
    %mul3A_86 = arith.constant 632 : i32
    %mul3A_87 = arith.muli %arg1, %mul3A_86 : i32
    %add3A_88 = arith.constant 79 : i32
    %add3A_89 = arith.addi %mul3A_87, %add3A_88 : i32
    %dma_start3A_90 = arith.constant 0 : i32
    %dma_start3A_91 = arith.constant 0 : i32
    %dma_start3A_92 = tpu.memref_slice %arg11[%dma_start3A_90, %dma_start3A_91] : memref<80x128xf32, #tpu.memory_space<vmem>> -> memref<79x8xf32, #tpu.memory_space<vmem>>
    %dma_start3A_93 = arith.constant 0 : i32
    %dma_start3A_94 = tpu.memref_slice %arg9[%add3A_89, %dma_start3A_93] : memref<10112x8xf32, #tpu.memory_space<vmem_shared>> -> memref<79x8xf32, #tpu.memory_space<vmem_shared>>
    %dma_start3A_95 = arith.constant 0 : i32
    %dma_start3A_96 = tpu.memref_slice %arg9[%add3A_89, %dma_start3A_95] : memref<10112x8xf32, #tpu.memory_space<vmem_shared>> -> memref<79x8xf32, #tpu.memory_space<vmem_shared>>
    %dma_start3A_97 = arith.constant 0 : i32
    %dma_start3A_98 = arith.constant 0 : i32
    %dma_start3A_99 = tpu.memref_slice %arg11[%dma_start3A_97, %dma_start3A_98] : memref<80x128xf32, #tpu.memory_space<vmem>> -> memref<79x8xf32, #tpu.memory_space<vmem>>
    tpu.enqueue_dma source(%dma_start3A_99 : memref<79x8xf32, #tpu.memory_space<vmem>>) target(%dma_start3A_96 : memref<79x8xf32, #tpu.memory_space<vmem_shared>>) target_semaphore(%arg36 : memref<!tpu.dma_semaphore, #tpu.memory_space<semaphore_mem>>)
    %mul3A_100 = arith.constant 632 : i32
    %mul3A_101 = arith.muli %arg1, %mul3A_100 : i32
    %add3A_102 = arith.constant 158 : i32
    %add3A_103 = arith.addi %mul3A_101, %add3A_102 : i32
    %dma_start3A_104 = arith.constant 0 : i32
    %dma_start3A_105 = arith.constant 0 : i32
    %dma_start3A_106 = tpu.memref_slice %arg11[%dma_start3A_104, %dma_start3A_105] : memref<80x128xf32, #tpu.memory_space<vmem>> -> memref<79x8xf32, #tpu.memory_space<vmem>>
    %dma_start3A_107 = arith.constant 0 : i32
    %dma_start3A_108 = tpu.memref_slice %arg9[%add3A_103, %dma_start3A_107] : memref<10112x8xf32, #tpu.memory_space<vmem_shared>> -> memref<79x8xf32, #tpu.memory_space<vmem_shared>>
    %dma_start3A_109 = arith.constant 0 : i32
    %dma_start3A_110 = tpu.memref_slice %arg9[%add3A_103, %dma_start3A_109] : memref<10112x8xf32, #tpu.memory_space<vmem_shared>> -> memref<79x8xf32, #tpu.memory_space<vmem_shared>>
    %dma_start3A_111 = arith.constant 0 : i32
    %dma_start3A_112 = arith.constant 0 : i32
    %dma_start3A_113 = tpu.memref_slice %arg11[%dma_start3A_111, %dma_start3A_112] : memref<80x128xf32, #tpu.memory_space<vmem>> -> memref<79x8xf32, #tpu.memory_space<vmem>>
    tpu.enqueue_dma source(%dma_start3A_113 : memref<79x8xf32, #tpu.memory_space<vmem>>) target(%dma_start3A_110 : memref<79x8xf32, #tpu.memory_space<vmem_shared>>) target_semaphore(%arg36 : memref<!tpu.dma_semaphore, #tpu.memory_space<semaphore_mem>>)
    %mul3A_114 = arith.constant 632 : i32
    %mul3A_115 = arith.muli %arg1, %mul3A_114 : i32
    %add3A_116 = arith.constant 237 : i32
    %add3A_117 = arith.addi %mul3A_115, %add3A_116 : i32
    %dma_start3A_118 = arith.constant 0 : i32
    %dma_start3A_119 = arith.constant 0 : i32
    %dma_start3A_120 = tpu.memref_slice %arg11[%dma_start3A_118, %dma_start3A_119] : memref<80x128xf32, #tpu.memory_space<vmem>> -> memref<79x8xf32, #tpu.memory_space<vmem>>
    %dma_start3A_121 = arith.constant 0 : i32
    %dma_start3A_122 = tpu.memref_slice %arg9[%add3A_117, %dma_start3A_121] : memref<10112x8xf32, #tpu.memory_space<vmem_shared>> -> memref<79x8xf32, #tpu.memory_space<vmem_shared>>
    %dma_start3A_123 = arith.constant 0 : i32
    %dma_start3A_124 = tpu.memref_slice %arg9[%add3A_117, %dma_start3A_123] : memref<10112x8xf32, #tpu.memory_space<vmem_shared>> -> memref<79x8xf32, #tpu.memory_space<vmem_shared>>
    %dma_start3A_125 = arith.constant 0 : i32
    %dma_start3A_126 = arith.constant 0 : i32
    %dma_start3A_127 = tpu.memref_slice %arg11[%dma_start3A_125, %dma_start3A_126] : memref<80x128xf32, #tpu.memory_space<vmem>> -> memref<79x8xf32, #tpu.memory_space<vmem>>
    tpu.enqueue_dma source(%dma_start3A_127 : memref<79x8xf32, #tpu.memory_space<vmem>>) target(%dma_start3A_124 : memref<79x8xf32, #tpu.memory_space<vmem_shared>>) target_semaphore(%arg36 : memref<!tpu.dma_semaphore, #tpu.memory_space<semaphore_mem>>)
    %mul3A_128 = arith.constant 632 : i32
    %mul3A_129 = arith.muli %arg1, %mul3A_128 : i32
    %add3A_130 = arith.constant 316 : i32
    %add3A_131 = arith.addi %mul3A_129, %add3A_130 : i32
    %dma_start3A_132 = arith.constant 0 : i32
    %dma_start3A_133 = arith.constant 0 : i32
    %dma_start3A_134 = tpu.memref_slice %arg11[%dma_start3A_132, %dma_start3A_133] : memref<80x128xf32, #tpu.memory_space<vmem>> -> memref<79x8xf32, #tpu.memory_space<vmem>>
    %dma_start3A_135 = arith.constant 0 : i32
    %dma_start3A_136 = tpu.memref_slice %arg9[%add3A_131, %dma_start3A_135] : memref<10112x8xf32, #tpu.memory_space<vmem_shared>> -> memref<79x8xf32, #tpu.memory_space<vmem_shared>>
    %dma_start3A_137 = arith.constant 0 : i32
    %dma_start3A_138 = tpu.memref_slice %arg9[%add3A_131, %dma_start3A_137] : memref<10112x8xf32, #tpu.memory_space<vmem_shared>> -> memref<79x8xf32, #tpu.memory_space<vmem_shared>>
    %dma_start3A_139 = arith.constant 0 : i32
    %dma_start3A_140 = arith.constant 0 : i32
    %dma_start3A_141 = tpu.memref_slice %arg11[%dma_start3A_139, %dma_start3A_140] : memref<80x128xf32, #tpu.memory_space<vmem>> -> memref<79x8xf32, #tpu.memory_space<vmem>>
    tpu.enqueue_dma source(%dma_start3A_141 : memref<79x8xf32, #tpu.memory_space<vmem>>) target(%dma_start3A_138 : memref<79x8xf32, #tpu.memory_space<vmem_shared>>) target_semaphore(%arg36 : memref<!tpu.dma_semaphore, #tpu.memory_space<semaphore_mem>>)
    %mul3A_142 = arith.constant 632 : i32
    %mul3A_143 = arith.muli %arg1, %mul3A_142 : i32
    %add3A_144 = arith.constant 395 : i32
    %add3A_145 = arith.addi %mul3A_143, %add3A_144 : i32
    %dma_start3A_146 = arith.constant 0 : i32
    %dma_start3A_147 = arith.constant 0 : i32
    %dma_start3A_148 = tpu.memref_slice %arg11[%dma_start3A_146, %dma_start3A_147] : memref<80x128xf32, #tpu.memory_space<vmem>> -> memref<79x8xf32, #tpu.memory_space<vmem>>
    %dma_start3A_149 = arith.constant 0 : i32
    %dma_start3A_150 = tpu.memref_slice %arg9[%add3A_145, %dma_start3A_149] : memref<10112x8xf32, #tpu.memory_space<vmem_shared>> -> memref<79x8xf32, #tpu.memory_space<vmem_shared>>
    %dma_start3A_151 = arith.constant 0 : i32
    %dma_start3A_152 = tpu.memref_slice %arg9[%add3A_145, %dma_start3A_151] : memref<10112x8xf32, #tpu.memory_space<vmem_shared>> -> memref<79x8xf32, #tpu.memory_space<vmem_shared>>
    %dma_start3A_153 = arith.constant 0 : i32
    %dma_start3A_154 = arith.constant 0 : i32
    %dma_start3A_155 = tpu.memref_slice %arg11[%dma_start3A_153, %dma_start3A_154] : memref<80x128xf32, #tpu.memory_space<vmem>> -> memref<79x8xf32, #tpu.memory_space<vmem>>
    tpu.enqueue_dma source(%dma_start3A_155 : memref<79x8xf32, #tpu.memory_space<vmem>>) target(%dma_start3A_152 : memref<79x8xf32, #tpu.memory_space<vmem_shared>>) target_semaphore(%arg36 : memref<!tpu.dma_semaphore, #tpu.memory_space<semaphore_mem>>)
    %mul3A_156 = arith.constant 632 : i32
    %mul3A_157 = arith.muli %arg1, %mul3A_156 : i32
    %add3A_158 = arith.constant 474 : i32
    %add3A_159 = arith.addi %mul3A_157, %add3A_158 : i32
    %dma_start3A_160 = arith.constant 0 : i32
    %dma_start3A_161 = arith.constant 0 : i32
    %dma_start3A_162 = tpu.memref_slice %arg11[%dma_start3A_160, %dma_start3A_161] : memref<80x128xf32, #tpu.memory_space<vmem>> -> memref<79x8xf32, #tpu.memory_space<vmem>>
    %dma_start3A_163 = arith.constant 0 : i32
    %dma_start3A_164 = tpu.memref_slice %arg9[%add3A_159, %dma_start3A_163] : memref<10112x8xf32, #tpu.memory_space<vmem_shared>> -> memref<79x8xf32, #tpu.memory_space<vmem_shared>>
    %dma_start3A_165 = arith.constant 0 : i32
    %dma_start3A_166 = tpu.memref_slice %arg9[%add3A_159, %dma_start3A_165] : memref<10112x8xf32, #tpu.memory_space<vmem_shared>> -> memref<79x8xf32, #tpu.memory_space<vmem_shared>>
    %dma_start3A_167 = arith.constant 0 : i32
    %dma_start3A_168 = arith.constant 0 : i32
    %dma_start3A_169 = tpu.memref_slice %arg11[%dma_start3A_167, %dma_start3A_168] : memref<80x128xf32, #tpu.memory_space<vmem>> -> memref<79x8xf32, #tpu.memory_space<vmem>>
    tpu.enqueue_dma source(%dma_start3A_169 : memref<79x8xf32, #tpu.memory_space<vmem>>) target(%dma_start3A_166 : memref<79x8xf32, #tpu.memory_space<vmem_shared>>) target_semaphore(%arg36 : memref<!tpu.dma_semaphore, #tpu.memory_space<semaphore_mem>>)
    %mul3A_170 = arith.constant 632 : i32
    %mul3A_171 = arith.muli %arg1, %mul3A_170 : i32
    %add3A_172 = arith.constant 553 : i32
    %add3A_173 = arith.addi %mul3A_171, %add3A_172 : i32
    %dma_start3A_174 = arith.constant 0 : i32
    %dma_start3A_175 = arith.constant 0 : i32
    %dma_start3A_176 = tpu.memref_slice %arg11[%dma_start3A_174, %dma_start3A_175] : memref<80x128xf32, #tpu.memory_space<vmem>> -> memref<79x8xf32, #tpu.memory_space<vmem>>
    %dma_start3A_177 = arith.constant 0 : i32
    %dma_start3A_178 = tpu.memref_slice %arg9[%add3A_173, %dma_start3A_177] : memref<10112x8xf32, #tpu.memory_space<vmem_shared>> -> memref<79x8xf32, #tpu.memory_space<vmem_shared>>
    %dma_start3A_179 = arith.constant 0 : i32
    %dma_start3A_180 = tpu.memref_slice %arg9[%add3A_173, %dma_start3A_179] : memref<10112x8xf32, #tpu.memory_space<vmem_shared>> -> memref<79x8xf32, #tpu.memory_space<vmem_shared>>
    %dma_start3A_181 = arith.constant 0 : i32
    %dma_start3A_182 = arith.constant 0 : i32
    %dma_start3A_183 = tpu.memref_slice %arg11[%dma_start3A_181, %dma_start3A_182] : memref<80x128xf32, #tpu.memory_space<vmem>> -> memref<79x8xf32, #tpu.memory_space<vmem>>
    tpu.enqueue_dma source(%dma_start3A_183 : memref<79x8xf32, #tpu.memory_space<vmem>>) target(%dma_start3A_180 : memref<79x8xf32, #tpu.memory_space<vmem_shared>>) target_semaphore(%arg36 : memref<!tpu.dma_semaphore, #tpu.memory_space<semaphore_mem>>)
    %mul3A_184 = arith.constant 10000 : i32
    %mul3A_185 = arith.muli %arg1, %mul3A_184 : i32
    %add3A_186 = arith.constant 0 : i32
    %add3A_187 = arith.addi %mul3A_185, %add3A_186 : i32
    %dma_start3A_188 = tpu.memref_slice %arg3[%add3A_187] : memref<160000xi32, #tpu.memory_space<hbm>> -> memref<80xi32, #tpu.memory_space<hbm>>
    %dma_start3A_189 = tpu.memref_slice %arg3[%add3A_187] : memref<160000xi32, #tpu.memory_space<hbm>> -> memref<80xi32, #tpu.memory_space<hbm>>
    tpu.enqueue_dma source(%dma_start3A_189 : memref<80xi32, #tpu.memory_space<hbm>>) target(%arg14 : memref<80xi32, #tpu.memory_space<vmem>>) target_semaphore(%arg41 : memref<!tpu.dma_semaphore, #tpu.memory_space<semaphore_mem>>)
    %add3A_190 = arith.constant 0 : i32
    %add3A_191 = arith.addi %mul3A_185, %add3A_190 : i32
    %dma_start3A_192 = tpu.memref_slice %arg4[%add3A_191] : memref<160000xi32, #tpu.memory_space<hbm>> -> memref<80xi32, #tpu.memory_space<hbm>>
    %dma_start3A_193 = tpu.memref_slice %arg4[%add3A_191] : memref<160000xi32, #tpu.memory_space<hbm>> -> memref<80xi32, #tpu.memory_space<hbm>>
    tpu.enqueue_dma source(%dma_start3A_193 : memref<80xi32, #tpu.memory_space<hbm>>) target(%arg26 : memref<80xi32, #tpu.memory_space<vmem>>) target_semaphore(%arg41 : memref<!tpu.dma_semaphore, #tpu.memory_space<semaphore_mem>>)
    %add3A_194 = arith.constant 80 : i32
    %add3A_195 = arith.addi %mul3A_185, %add3A_194 : i32
    %dma_start3A_196 = tpu.memref_slice %arg3[%add3A_195] : memref<160000xi32, #tpu.memory_space<hbm>> -> memref<80xi32, #tpu.memory_space<hbm>>
    %dma_start3A_197 = tpu.memref_slice %arg3[%add3A_195] : memref<160000xi32, #tpu.memory_space<hbm>> -> memref<80xi32, #tpu.memory_space<hbm>>
    tpu.enqueue_dma source(%dma_start3A_197 : memref<80xi32, #tpu.memory_space<hbm>>) target(%arg15 : memref<80xi32, #tpu.memory_space<vmem>>) target_semaphore(%arg42 : memref<!tpu.dma_semaphore, #tpu.memory_space<semaphore_mem>>)
    %add3A_198 = arith.constant 80 : i32
    %add3A_199 = arith.addi %mul3A_185, %add3A_198 : i32
    %dma_start3A_200 = tpu.memref_slice %arg4[%add3A_199] : memref<160000xi32, #tpu.memory_space<hbm>> -> memref<80xi32, #tpu.memory_space<hbm>>
    %dma_start3A_201 = tpu.memref_slice %arg4[%add3A_199] : memref<160000xi32, #tpu.memory_space<hbm>> -> memref<80xi32, #tpu.memory_space<hbm>>
    tpu.enqueue_dma source(%dma_start3A_201 : memref<80xi32, #tpu.memory_space<hbm>>) target(%arg27 : memref<80xi32, #tpu.memory_space<vmem>>) target_semaphore(%arg42 : memref<!tpu.dma_semaphore, #tpu.memory_space<semaphore_mem>>)
    %add3A_202 = arith.constant 160 : i32
    %add3A_203 = arith.addi %mul3A_185, %add3A_202 : i32
    %dma_start3A_204 = tpu.memref_slice %arg3[%add3A_203] : memref<160000xi32, #tpu.memory_space<hbm>> -> memref<80xi32, #tpu.memory_space<hbm>>
    %dma_start3A_205 = tpu.memref_slice %arg3[%add3A_203] : memref<160000xi32, #tpu.memory_space<hbm>> -> memref<80xi32, #tpu.memory_space<hbm>>
    tpu.enqueue_dma source(%dma_start3A_205 : memref<80xi32, #tpu.memory_space<hbm>>) target(%arg16 : memref<80xi32, #tpu.memory_space<vmem>>) target_semaphore(%arg43 : memref<!tpu.dma_semaphore, #tpu.memory_space<semaphore_mem>>)
    %add3A_206 = arith.constant 160 : i32
    %add3A_207 = arith.addi %mul3A_185, %add3A_206 : i32
    %dma_start3A_208 = tpu.memref_slice %arg4[%add3A_207] : memref<160000xi32, #tpu.memory_space<hbm>> -> memref<80xi32, #tpu.memory_space<hbm>>
    %dma_start3A_209 = tpu.memref_slice %arg4[%add3A_207] : memref<160000xi32, #tpu.memory_space<hbm>> -> memref<80xi32, #tpu.memory_space<hbm>>
    tpu.enqueue_dma source(%dma_start3A_209 : memref<80xi32, #tpu.memory_space<hbm>>) target(%arg28 : memref<80xi32, #tpu.memory_space<vmem>>) target_semaphore(%arg43 : memref<!tpu.dma_semaphore, #tpu.memory_space<semaphore_mem>>)
    %add3A_210 = arith.constant 240 : i32
    %add3A_211 = arith.addi %mul3A_185, %add3A_210 : i32
    %dma_start3A_212 = tpu.memref_slice %arg3[%add3A_211] : memref<160000xi32, #tpu.memory_space<hbm>> -> memref<80xi32, #tpu.memory_space<hbm>>
    %dma_start3A_213 = tpu.memref_slice %arg3[%add3A_211] : memref<160000xi32, #tpu.memory_space<hbm>> -> memref<80xi32, #tpu.memory_space<hbm>>
    tpu.enqueue_dma source(%dma_start3A_213 : memref<80xi32, #tpu.memory_space<hbm>>) target(%arg17 : memref<80xi32, #tpu.memory_space<vmem>>) target_semaphore(%arg44 : memref<!tpu.dma_semaphore, #tpu.memory_space<semaphore_mem>>)
    %add3A_214 = arith.constant 240 : i32
    %add3A_215 = arith.addi %mul3A_185, %add3A_214 : i32
    %dma_start3A_216 = tpu.memref_slice %arg4[%add3A_215] : memref<160000xi32, #tpu.memory_space<hbm>> -> memref<80xi32, #tpu.memory_space<hbm>>
    %dma_start3A_217 = tpu.memref_slice %arg4[%add3A_215] : memref<160000xi32, #tpu.memory_space<hbm>> -> memref<80xi32, #tpu.memory_space<hbm>>
    tpu.enqueue_dma source(%dma_start3A_217 : memref<80xi32, #tpu.memory_space<hbm>>) target(%arg29 : memref<80xi32, #tpu.memory_space<vmem>>) target_semaphore(%arg44 : memref<!tpu.dma_semaphore, #tpu.memory_space<semaphore_mem>>)
    %add3A_218 = arith.constant 320 : i32
    %add3A_219 = arith.addi %mul3A_185, %add3A_218 : i32
    %dma_start3A_220 = tpu.memref_slice %arg3[%add3A_219] : memref<160000xi32, #tpu.memory_space<hbm>> -> memref<80xi32, #tpu.memory_space<hbm>>
    %dma_start3A_221 = tpu.memref_slice %arg3[%add3A_219] : memref<160000xi32, #tpu.memory_space<hbm>> -> memref<80xi32, #tpu.memory_space<hbm>>
    tpu.enqueue_dma source(%dma_start3A_221 : memref<80xi32, #tpu.memory_space<hbm>>) target(%arg18 : memref<80xi32, #tpu.memory_space<vmem>>) target_semaphore(%arg45 : memref<!tpu.dma_semaphore, #tpu.memory_space<semaphore_mem>>)
    %add3A_222 = arith.constant 320 : i32
    %add3A_223 = arith.addi %mul3A_185, %add3A_222 : i32
    %dma_start3A_224 = tpu.memref_slice %arg4[%add3A_223] : memref<160000xi32, #tpu.memory_space<hbm>> -> memref<80xi32, #tpu.memory_space<hbm>>
    %dma_start3A_225 = tpu.memref_slice %arg4[%add3A_223] : memref<160000xi32, #tpu.memory_space<hbm>> -> memref<80xi32, #tpu.memory_space<hbm>>
    tpu.enqueue_dma source(%dma_start3A_225 : memref<80xi32, #tpu.memory_space<hbm>>) target(%arg30 : memref<80xi32, #tpu.memory_space<vmem>>) target_semaphore(%arg45 : memref<!tpu.dma_semaphore, #tpu.memory_space<semaphore_mem>>)
    %dma_wait3A = arith.constant 0 : i32
    %dma_wait3A_226 = tpu.memref_slice %arg3[%dma_wait3A] : memref<160000xi32, #tpu.memory_space<hbm>> -> memref<80xi32, #tpu.memory_space<hbm>>
    %dma_wait3A_227 = arith.constant 0 : i32
    %dma_wait3A_228 = tpu.memref_slice %arg3[%dma_wait3A_227] : memref<160000xi32, #tpu.memory_space<hbm>> -> memref<80xi32, #tpu.memory_space<hbm>>
    tpu.wait_dma2 semaphore(%arg42 : memref<!tpu.dma_semaphore, #tpu.memory_space<semaphore_mem>>) src(%dma_wait3A_228 : memref<80xi32, #tpu.memory_space<hbm>>) dst(%arg15 : memref<80xi32, #tpu.memory_space<vmem>>)
    %dma_wait3A_229 = arith.constant 0 : i32
    %dma_wait3A_230 = tpu.memref_slice %arg4[%dma_wait3A_229] : memref<160000xi32, #tpu.memory_space<hbm>> -> memref<80xi32, #tpu.memory_space<hbm>>
    %dma_wait3A_231 = arith.constant 0 : i32
    %dma_wait3A_232 = tpu.memref_slice %arg4[%dma_wait3A_231] : memref<160000xi32, #tpu.memory_space<hbm>> -> memref<80xi32, #tpu.memory_space<hbm>>
    tpu.wait_dma2 semaphore(%arg42 : memref<!tpu.dma_semaphore, #tpu.memory_space<semaphore_mem>>) src(%dma_wait3A_232 : memref<80xi32, #tpu.memory_space<hbm>>) dst(%arg27 : memref<80xi32, #tpu.memory_space<vmem>>)
    %get3A = arith.constant 0 : index
    %get3A_233 = tpu.vector_load %arg15[%get3A] {strides = array<i32>} : memref<80xi32, #tpu.memory_space<vmem>>, vector<16xi32>,
    %get3A_234 = vector.shape_cast %get3A_233 : vector<16xi32> to vector<16xi32>
    %add3A_235 = arith.addi %get3A_234, %get3A_234 : vector<16xi32>
    %add3A_236 = vector.broadcast %arg0 : i32 to vector<16xi32>
    %add3A_237 = arith.addi %add3A_235, %add3A_236 : vector<16xi32>
    %swap3A = arith.constant 0 : index
    %swap3A_238 = tpu.vector_load %arg21[%swap3A] {strides = array<i32>} : memref<80xi32, #tpu.memory_space<vmem>>, vector<16xi32>,
    %swap3A_239 = vector.shape_cast %swap3A_238 : vector<16xi32> to vector<16xi32>
    %swap3A_240 = vector.shape_cast %add3A_237 : vector<16xi32> to vector<16xi32>
    tpu.vector_store %arg21[%swap3A], %swap3A_240 {strides = array<i32>} : memref<80xi32, #tpu.memory_space<vmem>>, vector<16xi32>,
    %get3A_241 = arith.constant 16 : index
    %get3A_242 = tpu.vector_load %arg15[%get3A_241] {strides = array<i32>} : memref<80xi32, #tpu.memory_space<vmem>>, vector<16xi32>,
    %get3A_243 = vector.shape_cast %get3A_242 : vector<16xi32> to vector<16xi32>
    %add3A_244 = arith.addi %get3A_243, %get3A_243 : vector<16xi32>
    %add3A_245 = vector.broadcast %arg0 : i32 to vector<16xi32>
    %add3A_246 = arith.addi %add3A_244, %add3A_245 : vector<16xi32>
    %swap3A_247 = arith.constant 16 : index
    %swap3A_248 = tpu.vector_load %arg21[%swap3A_247] {strides = array<i32>} : memref<80xi32, #tpu.memory_space<vmem>>, vector<16xi32>,
    %swap3A_249 = vector.shape_cast %swap3A_248 : vector<16xi32> to vector<16xi32>
    %swap3A_250 = vector.shape_cast %add3A_246 : vector<16xi32> to vector<16xi32>
    tpu.vector_store %arg21[%swap3A_247], %swap3A_250 {strides = array<i32>} : memref<80xi32, #tpu.memory_space<vmem>>, vector<16xi32>,
    %get3A_251 = arith.constant 32 : index
    %get3A_252 = tpu.vector_load %arg15[%get3A_251] {strides = array<i32>} : memref<80xi32, #tpu.memory_space<vmem>>, vector<16xi32>,
    %get3A_253 = vector.shape_cast %get3A_252 : vector<16xi32> to vector<16xi32>
    %add3A_254 = arith.addi %get3A_253, %get3A_253 : vector<16xi32>
    %add3A_255 = vector.broadcast %arg0 : i32 to vector<16xi32>
    %add3A_256 = arith.addi %add3A_254, %add3A_255 : vector<16xi32>
    %swap3A_257 = arith.constant 32 : index
    %swap3A_258 = tpu.vector_load %arg21[%swap3A_257] {strides = array<i32>} : memref<80xi32, #tpu.memory_space<vmem>>, vector<16xi32>,
    %swap3A_259 = vector.shape_cast %swap3A_258 : vector<16xi32> to vector<16xi32>
    %swap3A_260 = vector.shape_cast %add3A_256 : vector<16xi32> to vector<16xi32>
    tpu.vector_store %arg21[%swap3A_257], %swap3A_260 {strides = array<i32>} : memref<80xi32, #tpu.memory_space<vmem>>, vector<16xi32>,
    %get3A_261 = arith.constant 48 : index
    %get3A_262 = tpu.vector_load %arg15[%get3A_261] {strides = array<i32>} : memref<80xi32, #tpu.memory_space<vmem>>, vector<16xi32>,
    %get3A_263 = vector.shape_cast %get3A_262 : vector<16xi32> to vector<16xi32>
    %add3A_264 = arith.addi %get3A_263, %get3A_263 : vector<16xi32>
    %add3A_265 = vector.broadcast %arg0 : i32 to vector<16xi32>
    %add3A_266 = arith.addi %add3A_264, %add3A_265 : vector<16xi32>
    %swap3A_267 = arith.constant 48 : index
    %swap3A_268 = tpu.vector_load %arg21[%swap3A_267] {strides = array<i32>} : memref<80xi32, #tpu.memory_space<vmem>>, vector<16xi32>,
    %swap3A_269 = vector.shape_cast %swap3A_268 : vector<16xi32> to vector<16xi32>
    %swap3A_270 = vector.shape_cast %add3A_266 : vector<16xi32> to vector<16xi32>
    tpu.vector_store %arg21[%swap3A_267], %swap3A_270 {strides = array<i32>} : memref<80xi32, #tpu.memory_space<vmem>>, vector<16xi32>,
    %get3A_271 = arith.constant 64 : index
    %get3A_272 = tpu.vector_load %arg15[%get3A_271] {strides = array<i32>} : memref<80xi32, #tpu.memory_space<vmem>>, vector<16xi32>,
    %get3A_273 = vector.shape_cast %get3A_272 : vector<16xi32> to vector<16xi32>
    %add3A_274 = arith.addi %get3A_273, %get3A_273 : vector<16xi32>
    %add3A_275 = vector.broadcast %arg0 : i32 to vector<16xi32>
    %add3A_276 = arith.addi %add3A_274, %add3A_275 : vector<16xi32>
    %swap3A_277 = arith.constant 64 : index
    %swap3A_278 = tpu.vector_load %arg21[%swap3A_277] {strides = array<i32>} : memref<80xi32, #tpu.memory_space<vmem>>, vector<16xi32>,
    %swap3A_279 = vector.shape_cast %swap3A_278 : vector<16xi32> to vector<16xi32>
    %swap3A_280 = vector.shape_cast %add3A_276 : vector<16xi32> to vector<16xi32>
    tpu.vector_store %arg21[%swap3A_277], %swap3A_280 {strides = array<i32>} : memref<80xi32, #tpu.memory_space<vmem>>, vector<16xi32>,
    %dma_start3A_281 = arith.constant 0 : i32
    %dma_start3A_282 = arith.constant 0 : i32
    %dma_start3A_283 = tpu.memref_slice %arg2[%dma_start3A_281, %dma_start3A_282] : memref<20000x128xf32, #tpu.memory_space<hbm>> -> memref<20000x128xf32, #tpu.memory_space<hbm>>
    tpu.enqueue_indirect_dma source(%dma_start3A_283 : memref<20000x128xf32, #tpu.memory_space<hbm>>) target(%arg12 : memref<80x128xf32, #tpu.memory_space<vmem>>) offsets(%arg21 : memref<80xi32, #tpu.memory_space<vmem>>) semaphore(%arg33 : memref<!tpu.dma_semaphore, #tpu.memory_space<semaphore_mem>>)
    %add3A_284 = arith.constant 400 : i32
    %add3A_285 = arith.addi %mul3A_185, %add3A_284 : i32
    %dma_start3A_286 = tpu.memref_slice %arg3[%add3A_285] : memref<160000xi32, #tpu.memory_space<hbm>> -> memref<80xi32, #tpu.memory_space<hbm>>
    %dma_start3A_287 = tpu.memref_slice %arg3[%add3A_285] : memref<160000xi32, #tpu.memory_space<hbm>> -> memref<80xi32, #tpu.memory_space<hbm>>
    tpu.enqueue_dma source(%dma_start3A_287 : memref<80xi32, #tpu.memory_space<hbm>>) target(%arg19 : memref<80xi32, #tpu.memory_space<vmem>>) target_semaphore(%arg46 : memref<!tpu.dma_semaphore, #tpu.memory_space<semaphore_mem>>)
    %add3A_288 = arith.constant 400 : i32
    %add3A_289 = arith.addi %mul3A_185, %add3A_288 : i32
    %dma_start3A_290 = tpu.memref_slice %arg4[%add3A_289] : memref<160000xi32, #tpu.memory_space<hbm>> -> memref<80xi32, #tpu.memory_space<hbm>>
    %dma_start3A_291 = tpu.memref_slice %arg4[%add3A_289] : memref<160000xi32, #tpu.memory_space<hbm>> -> memref<80xi32, #tpu.memory_space<hbm>>
    tpu.enqueue_dma source(%dma_start3A_291 : memref<80xi32, #tpu.memory_space<hbm>>) target(%arg31 : memref<80xi32, #tpu.memory_space<vmem>>) target_semaphore(%arg46 : memref<!tpu.dma_semaphore, #tpu.memory_space<semaphore_mem>>)
    %dma_wait3A_292 = arith.constant 0 : i32
    %dma_wait3A_293 = tpu.memref_slice %arg3[%dma_wait3A_292] : memref<160000xi32, #tpu.memory_space<hbm>> -> memref<80xi32, #tpu.memory_space<hbm>>
    %dma_wait3A_294 = arith.constant 0 : i32
    %dma_wait3A_295 = tpu.memref_slice %arg3[%dma_wait3A_294] : memref<160000xi32, #tpu.memory_space<hbm>> -> memref<80xi32, #tpu.memory_space<hbm>>
    tpu.wait_dma2 semaphore(%arg43 : memref<!tpu.dma_semaphore, #tpu.memory_space<semaphore_mem>>) src(%dma_wait3A_295 : memref<80xi32, #tpu.memory_space<hbm>>) dst(%arg16 : memref<80xi32, #tpu.memory_space<vmem>>)
    %dma_wait3A_296 = arith.constant 0 : i32
    %dma_wait3A_297 = tpu.memref_slice %arg4[%dma_wait3A_296] : memref<160000xi32, #tpu.memory_space<hbm>> -> memref<80xi32, #tpu.memory_space<hbm>>
    %dma_wait3A_298 = arith.constant 0 : i32
    %dma_wait3A_299 = tpu.memref_slice %arg4[%dma_wait3A_298] : memref<160000xi32, #tpu.memory_space<hbm>> -> memref<80xi32, #tpu.memory_space<hbm>>
    tpu.wait_dma2 semaphore(%arg43 : memref<!tpu.dma_semaphore, #tpu.memory_space<semaphore_mem>>) src(%dma_wait3A_299 : memref<80xi32, #tpu.memory_space<hbm>>) dst(%arg28 : memref<80xi32, #tpu.memory_space<vmem>>)
    %get3A_300 = arith.constant 0 : index
    %get3A_301 = tpu.vector_load %arg16[%get3A_300] {strides = array<i32>} : memref<80xi32, #tpu.memory_space<vmem>>, vector<16xi32>,
    %get3A_302 = vector.shape_cast %get3A_301 : vector<16xi32> to vector<16xi32>
    %add3A_303 = arith.addi %get3A_302, %get3A_302 : vector<16xi32>
    %add3A_304 = vector.broadcast %arg0 : i32 to vector<16xi32>
    %add3A_305 = arith.addi %add3A_303, %add3A_304 : vector<16xi32>
    %swap3A_306 = arith.constant 0 : index
    %swap3A_307 = tpu.vector_load %arg22[%swap3A_306] {strides = array<i32>} : memref<80xi32, #tpu.memory_space<vmem>>, vector<16xi32>,
    %swap3A_308 = vector.shape_cast %swap3A_307 : vector<16xi32> to vector<16xi32>
    %swap3A_309 = vector.shape_cast %add3A_305 : vector<16xi32> to vector<16xi32>
    tpu.vector_store %arg22[%swap3A_306], %swap3A_309 {strides = array<i32>} : memref<80xi32, #tpu.memory_space<vmem>>, vector<16xi32>,
    %get3A_310 = arith.constant 16 : index
    %get3A_311 = tpu.vector_load %arg16[%get3A_310] {strides = array<i32>} : memref<80xi32, #tpu.memory_space<vmem>>, vector<16xi32>,
    %get3A_312 = vector.shape_cast %get3A_311 : vector<16xi32> to vector<16xi32>
    %add3A_313 = arith.addi %get3A_312, %get3A_312 : vector<16xi32>
    %add3A_314 = vector.broadcast %arg0 : i32 to vector<16xi32>
    %add3A_315 = arith.addi %add3A_313, %add3A_314 : vector<16xi32>
    %swap3A_316 = arith.constant 16 : index
    %swap3A_317 = tpu.vector_load %arg22[%swap3A_316] {strides = array<i32>} : memref<80xi32, #tpu.memory_space<vmem>>, vector<16xi32>,
    %swap3A_318 = vector.shape_cast %swap3A_317 : vector<16xi32> to vector<16xi32>
    %swap3A_319 = vector.shape_cast %add3A_315 : vector<16xi32> to vector<16xi32>
    tpu.vector_store %arg22[%swap3A_316], %swap3A_319 {strides = array<i32>} : memref<80xi32, #tpu.memory_space<vmem>>, vector<16xi32>,
    %get3A_320 = arith.constant 32 : index
    %get3A_321 = tpu.vector_load %arg16[%get3A_320] {strides = array<i32>} : memref<80xi32, #tpu.memory_space<vmem>>, vector<16xi32>,
    %get3A_322 = vector.shape_cast %get3A_321 : vector<16xi32> to vector<16xi32>
    %add3A_323 = arith.addi %get3A_322, %get3A_322 : vector<16xi32>
    %add3A_324 = vector.broadcast %arg0 : i32 to vector<16xi32>
    %add3A_325 = arith.addi %add3A_323, %add3A_324 : vector<16xi32>
    %swap3A_326 = arith.constant 32 : index
    %swap3A_327 = tpu.vector_load %arg22[%swap3A_326] {strides = array<i32>} : memref<80xi32, #tpu.memory_space<vmem>>, vector<16xi32>,
    %swap3A_328 = vector.shape_cast %swap3A_327 : vector<16xi32> to vector<16xi32>
    %swap3A_329 = vector.shape_cast %add3A_325 : vector<16xi32> to vector<16xi32>
    tpu.vector_store %arg22[%swap3A_326], %swap3A_329 {strides = array<i32>} : memref<80xi32, #tpu.memory_space<vmem>>, vector<16xi32>,
    %get3A_330 = arith.constant 48 : index
    %get3A_331 = tpu.vector_load %arg16[%get3A_330] {strides = array<i32>} : memref<80xi32, #tpu.memory_space<vmem>>, vector<16xi32>,
    %get3A_332 = vector.shape_cast %get3A_331 : vector<16xi32> to vector<16xi32>
    %add3A_333 = arith.addi %get3A_332, %get3A_332 : vector<16xi32>
    %add3A_334 = vector.broadcast %arg0 : i32 to vector<16xi32>
    %add3A_335 = arith.addi %add3A_333, %add3A_334 : vector<16xi32>
    %swap3A_336 = arith.constant 48 : index
    %swap3A_337 = tpu.vector_load %arg22[%swap3A_336] {strides = array<i32>} : memref<80xi32, #tpu.memory_space<vmem>>, vector<16xi32>,
    %swap3A_338 = vector.shape_cast %swap3A_337 : vector<16xi32> to vector<16xi32>
    %swap3A_339 = vector.shape_cast %add3A_335 : vector<16xi32> to vector<16xi32>
    tpu.vector_store %arg22[%swap3A_336], %swap3A_339 {strides = array<i32>} : memref<80xi32, #tpu.memory_space<vmem>>, vector<16xi32>,
    %get3A_340 = arith.constant 64 : index
    %get3A_341 = tpu.vector_load %arg16[%get3A_340] {strides = array<i32>} : memref<80xi32, #tpu.memory_space<vmem>>, vector<16xi32>,
    %get3A_342 = vector.shape_cast %get3A_341 : vector<16xi32> to vector<16xi32>
    %add3A_343 = arith.addi %get3A_342, %get3A_342 : vector<16xi32>
    %add3A_344 = vector.broadcast %arg0 : i32 to vector<16xi32>
    %add3A_345 = arith.addi %add3A_343, %add3A_344 : vector<16xi32>
    %swap3A_346 = arith.constant 64 : index
    %swap3A_347 = tpu.vector_load %arg22[%swap3A_346] {strides = array<i32>} : memref<80xi32, #tpu.memory_space<vmem>>, vector<16xi32>,
    %swap3A_348 = vector.shape_cast %swap3A_347 : vector<16xi32> to vector<16xi32>
    %swap3A_349 = vector.shape_cast %add3A_345 : vector<16xi32> to vector<16xi32>
    tpu.vector_store %arg22[%swap3A_346], %swap3A_349 {strides = array<i32>} : memref<80xi32, #tpu.memory_space<vmem>>, vector<16xi32>,
    %dma_start3A_350 = arith.constant 0 : i32
    %dma_start3A_351 = arith.constant 0 : i32
    %dma_start3A_352 = tpu.memref_slice %arg2[%dma_start3A_350, %dma_start3A_351] : memref<20000x128xf32, #tpu.memory_space<hbm>> -> memref<20000x128xf32, #tpu.memory_space<hbm>>
    tpu.enqueue_indirect_dma source(%dma_start3A_352 : memref<20000x128xf32, #tpu.memory_space<hbm>>) target(%arg13 : memref<80x128xf32, #tpu.memory_space<vmem>>) offsets(%arg22 : memref<80xi32, #tpu.memory_space<vmem>>) semaphore(%arg34 : memref<!tpu.dma_semaphore, #tpu.memory_space<semaphore_mem>>)
    %dma_wait3A_353 = arith.constant 0 : i32
    %dma_wait3A_354 = arith.constant 0 : i32
    %dma_wait3A_355 = tpu.memref_slice %arg8[%dma_wait3A_353, %dma_wait3A_354] : memref<10112x128xf32, #tpu.memory_space<vmem_shared>> -> memref<80x128xf32, #tpu.memory_space<vmem_shared>>
    %dma_wait3A_356 = arith.constant 0 : i32
    %dma_wait3A_357 = arith.constant 0 : i32
    %dma_wait3A_358 = tpu.memref_slice %arg8[%dma_wait3A_356, %dma_wait3A_357] : memref<10112x128xf32, #tpu.memory_space<vmem_shared>> -> memref<80x128xf32, #tpu.memory_space<vmem_shared>>
    tpu.wait_dma2 semaphore(%arg35 : memref<!tpu.dma_semaphore, #tpu.memory_space<semaphore_mem>>) src(%arg11 : memref<80x128xf32, #tpu.memory_space<vmem>>) dst(%dma_wait3A_358 : memref<80x128xf32, #tpu.memory_space<vmem_shared>>)
    %dma_wait3A_359 = arith.constant 0 : i32
    %dma_wait3A_360 = arith.constant 0 : i32
    %dma_wait3A_361 = tpu.memref_slice %arg8[%dma_wait3A_359, %dma_wait3A_360] : memref<10112x128xf32, #tpu.memory_space<vmem_shared>> -> memref<80x128xf32, #tpu.memory_space<vmem_shared>>
    %dma_wait3A_362 = arith.constant 0 : i32
    %dma_wait3A_363 = arith.constant 0 : i32
    %dma_wait3A_364 = tpu.memref_slice %arg8[%dma_wait3A_362, %dma_wait3A_363] : memref<10112x128xf32, #tpu.memory_space<vmem_shared>> -> memref<80x128xf32, #tpu.memory_space<vmem_shared>>
    tpu.wait_dma2 semaphore(%arg35 : memref<!tpu.dma_semaphore, #tpu.memory_space<semaphore_mem>>) src(%arg11 : memref<80x128xf32, #tpu.memory_space<vmem>>) dst(%dma_wait3A_364 : memref<80x128xf32, #tpu.memory_space<vmem_shared>>)
    %dma_wait3A_365 = arith.constant 0 : i32
    %dma_wait3A_366 = arith.constant 0 : i32
    %dma_wait3A_367 = tpu.memref_slice %arg8[%dma_wait3A_365, %dma_wait3A_366] : memref<10112x128xf32, #tpu.memory_space<vmem_shared>> -> memref<80x128xf32, #tpu.memory_space<vmem_shared>>
    %dma_wait3A_368 = arith.constant 0 : i32
    %dma_wait3A_369 = arith.constant 0 : i32
    %dma_wait3A_370 = tpu.memref_slice %arg8[%dma_wait3A_368, %dma_wait3A_369] : memref<10112x128xf32, #tpu.memory_space<vmem_shared>> -> memref<80x128xf32, #tpu.memory_space<vmem_shared>>
    tpu.wait_dma2 semaphore(%arg35 : memref<!tpu.dma_semaphore, #tpu.memory_space<semaphore_mem>>) src(%arg11 : memref<80x128xf32, #tpu.memory_space<vmem>>) dst(%dma_wait3A_370 : memref<80x128xf32, #tpu.memory_space<vmem_shared>>)
    %dma_wait3A_371 = arith.constant 0 : i32
    %dma_wait3A_372 = arith.constant 0 : i32
    %dma_wait3A_373 = tpu.memref_slice %arg8[%dma_wait3A_371, %dma_wait3A_372] : memref<10112x128xf32, #tpu.memory_space<vmem_shared>> -> memref<80x128xf32, #tpu.memory_space<vmem_shared>>
    %dma_wait3A_374 = arith.constant 0 : i32
    %dma_wait3A_375 = arith.constant 0 : i32
    %dma_wait3A_376 = tpu.memref_slice %arg8[%dma_wait3A_374, %dma_wait3A_375] : memref<10112x128xf32, #tpu.memory_space<vmem_shared>> -> memref<80x128xf32, #tpu.memory_space<vmem_shared>>
    tpu.wait_dma2 semaphore(%arg35 : memref<!tpu.dma_semaphore, #tpu.memory_space<semaphore_mem>>) src(%arg11 : memref<80x128xf32, #tpu.memory_space<vmem>>) dst(%dma_wait3A_376 : memref<80x128xf32, #tpu.memory_space<vmem_shared>>)
    %dma_wait3A_377 = arith.constant 0 : i32
    %dma_wait3A_378 = arith.constant 0 : i32
    %dma_wait3A_379 = tpu.memref_slice %arg8[%dma_wait3A_377, %dma_wait3A_378] : memref<10112x128xf32, #tpu.memory_space<vmem_shared>> -> memref<80x128xf32, #tpu.memory_space<vmem_shared>>
    %dma_wait3A_380 = arith.constant 0 : i32
    %dma_wait3A_381 = arith.constant 0 : i32
    %dma_wait3A_382 = tpu.memref_slice %arg8[%dma_wait3A_380, %dma_wait3A_381] : memref<10112x128xf32, #tpu.memory_space<vmem_shared>> -> memref<80x128xf32, #tpu.memory_space<vmem_shared>>
    tpu.wait_dma2 semaphore(%arg35 : memref<!tpu.dma_semaphore, #tpu.memory_space<semaphore_mem>>) src(%arg11 : memref<80x128xf32, #tpu.memory_space<vmem>>) dst(%dma_wait3A_382 : memref<80x128xf32, #tpu.memory_space<vmem_shared>>)
    %dma_wait3A_383 = arith.constant 0 : i32
    %dma_wait3A_384 = arith.constant 0 : i32
    %dma_wait3A_385 = tpu.memref_slice %arg8[%dma_wait3A_383, %dma_wait3A_384] : memref<10112x128xf32, #tpu.memory_space<vmem_shared>> -> memref<80x128xf32, #tpu.memory_space<vmem_shared>>
    %dma_wait3A_386 = arith.constant 0 : i32
    %dma_wait3A_387 = arith.constant 0 : i32
    %dma_wait3A_388 = tpu.memref_slice %arg8[%dma_wait3A_386, %dma_wait3A_387] : memref<10112x128xf32, #tpu.memory_space<vmem_shared>> -> memref<80x128xf32, #tpu.memory_space<vmem_shared>>
    tpu.wait_dma2 semaphore(%arg35 : memref<!tpu.dma_semaphore, #tpu.memory_space<semaphore_mem>>) src(%arg11 : memref<80x128xf32, #tpu.memory_space<vmem>>) dst(%dma_wait3A_388 : memref<80x128xf32, #tpu.memory_space<vmem_shared>>)
    %dma_wait3A_389 = arith.constant 0 : i32
    %dma_wait3A_390 = arith.constant 0 : i32
    %dma_wait3A_391 = tpu.memref_slice %arg8[%dma_wait3A_389, %dma_wait3A_390] : memref<10112x128xf32, #tpu.memory_space<vmem_shared>> -> memref<80x128xf32, #tpu.memory_space<vmem_shared>>
    %dma_wait3A_392 = arith.constant 0 : i32
    %dma_wait3A_393 = arith.constant 0 : i32
    %dma_wait3A_394 = tpu.memref_slice %arg8[%dma_wait3A_392, %dma_wait3A_393] : memref<10112x128xf32, #tpu.memory_space<vmem_shared>> -> memref<80x128xf32, #tpu.memory_space<vmem_shared>>
    tpu.wait_dma2 semaphore(%arg35 : memref<!tpu.dma_semaphore, #tpu.memory_space<semaphore_mem>>) src(%arg11 : memref<80x128xf32, #tpu.memory_space<vmem>>) dst(%dma_wait3A_394 : memref<80x128xf32, #tpu.memory_space<vmem_shared>>)
    %dma_wait3A_395 = arith.constant 0 : i32
    %dma_wait3A_396 = arith.constant 0 : i32
    %dma_wait3A_397 = tpu.memref_slice %arg11[%dma_wait3A_395, %dma_wait3A_396] : memref<80x128xf32, #tpu.memory_space<vmem>> -> memref<72x128xf32, #tpu.memory_space<vmem>>
    %dma_wait3A_398 = arith.constant 0 : i32
    %dma_wait3A_399 = arith.constant 0 : i32
    %dma_wait3A_400 = tpu.memref_slice %arg8[%dma_wait3A_398, %dma_wait3A_399] : memref<10112x128xf32, #tpu.memory_space<vmem_shared>> -> memref<72x128xf32, #tpu.memory_space<vmem_shared>>
    %dma_wait3A_401 = arith.constant 0 : i32
    %dma_wait3A_402 = arith.constant 0 : i32
    %dma_wait3A_403 = tpu.memref_slice %arg8[%dma_wait3A_401, %dma_wait3A_402] : memref<10112x128xf32, #tpu.memory_space<vmem_shared>> -> memref<72x128xf32, #tpu.memory_space<vmem_shared>>
    %dma_wait3A_404 = arith.constant 0 : i32
    %dma_wait3A_405 = arith.constant 0 : i32
    %dma_wait3A_406 = tpu.memref_slice %arg11[%dma_wait3A_404, %dma_wait3A_405] : memref<80x128xf32, #tpu.memory_space<vmem>> -> memref<72x128xf32, #tpu.memory_space<vmem>>
    tpu.wait_dma2 semaphore(%arg35 : memref<!tpu.dma_semaphore, #tpu.memory_space<semaphore_mem>>) src(%dma_wait3A_406 : memref<72x128xf32, #tpu.memory_space<vmem>>) dst(%dma_wait3A_403 : memref<72x128xf32, #tpu.memory_space<vmem_shared>>)
    %dma_wait3A_407 = arith.constant 0 : i32
    %dma_wait3A_408 = arith.constant 0 : i32
    %dma_wait3A_409 = tpu.memref_slice %arg11[%dma_wait3A_407, %dma_wait3A_408] : memref<80x128xf32, #tpu.memory_space<vmem>> -> memref<79x8xf32, #tpu.memory_space<vmem>>
    %dma_wait3A_410 = arith.constant 0 : i32
    %dma_wait3A_411 = arith.constant 0 : i32
    %dma_wait3A_412 = tpu.memref_slice %arg9[%dma_wait3A_410, %dma_wait3A_411] : memref<10112x8xf32, #tpu.memory_space<vmem_shared>> -> memref<79x8xf32, #tpu.memory_space<vmem_shared>>
    %dma_wait3A_413 = arith.constant 0 : i32
    %dma_wait3A_414 = arith.constant 0 : i32
    %dma_wait3A_415 = tpu.memref_slice %arg9[%dma_wait3A_413, %dma_wait3A_414] : memref<10112x8xf32, #tpu.memory_space<vmem_shared>> -> memref<79x8xf32, #tpu.memory_space<vmem_shared>>
    %dma_wait3A_416 = arith.constant 0 : i32
    %dma_wait3A_417 = arith.constant 0 : i32
    %dma_wait3A_418 = tpu.memref_slice %arg11[%dma_wait3A_416, %dma_wait3A_417] : memref<80x128xf32, #tpu.memory_space<vmem>> -> memref<79x8xf32, #tpu.memory_space<vmem>>
    tpu.wait_dma2 semaphore(%arg36 : memref<!tpu.dma_semaphore, #tpu.memory_space<semaphore_mem>>) src(%dma_wait3A_418 : memref<79x8xf32, #tpu.memory_space<vmem>>) dst(%dma_wait3A_415 : memref<79x8xf32, #tpu.memory_space<vmem_shared>>)
    %dma_wait3A_419 = arith.constant 0 : i32
    %dma_wait3A_420 = arith.constant 0 : i32
    %dma_wait3A_421 = tpu.memref_slice %arg11[%dma_wait3A_419, %dma_wait3A_420] : memref<80x128xf32, #tpu.memory_space<vmem>> -> memref<79x8xf32, #tpu.memory_space<vmem>>
    %dma_wait3A_422 = arith.constant 0 : i32
    %dma_wait3A_423 = arith.constant 0 : i32
    %dma_wait3A_424 = tpu.memref_slice %arg9[%dma_wait3A_422, %dma_wait3A_423] : memref<10112x8xf32, #tpu.memory_space<vmem_shared>> -> memref<79x8xf32, #tpu.memory_space<vmem_shared>>
    %dma_wait3A_425 = arith.constant 0 : i32
    %dma_wait3A_426 = arith.constant 0 : i32
    %dma_wait3A_427 = tpu.memref_slice %arg9[%dma_wait3A_425, %dma_wait3A_426] : memref<10112x8xf32, #tpu.memory_space<vmem_shared>> -> memref<79x8xf32, #tpu.memory_space<vmem_shared>>
    %dma_wait3A_428 = arith.constant 0 : i32
    %dma_wait3A_429 = arith.constant 0 : i32
    %dma_wait3A_430 = tpu.memref_slice %arg11[%dma_wait3A_428, %dma_wait3A_429] : memref<80x128xf32, #tpu.memory_space<vmem>> -> memref<79x8xf32, #tpu.memory_space<vmem>>
    tpu.wait_dma2 semaphore(%arg36 : memref<!tpu.dma_semaphore, #tpu.memory_space<semaphore_mem>>) src(%dma_wait3A_430 : memref<79x8xf32, #tpu.memory_space<vmem>>) dst(%dma_wait3A_427 : memref<79x8xf32, #tpu.memory_space<vmem_shared>>)
    %dma_wait3A_431 = arith.constant 0 : i32
    %dma_wait3A_432 = arith.constant 0 : i32
    %dma_wait3A_433 = tpu.memref_slice %arg11[%dma_wait3A_431, %dma_wait3A_432] : memref<80x128xf32, #tpu.memory_space<vmem>> -> memref<79x8xf32, #tpu.memory_space<vmem>>
    %dma_wait3A_434 = arith.constant 0 : i32
    %dma_wait3A_435 = arith.constant 0 : i32
    %dma_wait3A_436 = tpu.memref_slice %arg9[%dma_wait3A_434, %dma_wait3A_435] : memref<10112x8xf32, #tpu.memory_space<vmem_shared>> -> memref<79x8xf32, #tpu.memory_space<vmem_shared>>
    %dma_wait3A_437 = arith.constant 0 : i32
    %dma_wait3A_438 = arith.constant 0 : i32
    %dma_wait3A_439 = tpu.memref_slice %arg9[%dma_wait3A_437, %dma_wait3A_438] : memref<10112x8xf32, #tpu.memory_space<vmem_shared>> -> memref<79x8xf32, #tpu.memory_space<vmem_shared>>
    %dma_wait3A_440 = arith.constant 0 : i32
    %dma_wait3A_441 = arith.constant 0 : i32
    %dma_wait3A_442 = tpu.memref_slice %arg11[%dma_wait3A_440, %dma_wait3A_441] : memref<80x128xf32, #tpu.memory_space<vmem>> -> memref<79x8xf32, #tpu.memory_space<vmem>>
    tpu.wait_dma2 semaphore(%arg36 : memref<!tpu.dma_semaphore, #tpu.memory_space<semaphore_mem>>) src(%dma_wait3A_442 : memref<79x8xf32, #tpu.memory_space<vmem>>) dst(%dma_wait3A_439 : memref<79x8xf32, #tpu.memory_space<vmem_shared>>)
    %dma_wait3A_443 = arith.constant 0 : i32
    %dma_wait3A_444 = arith.constant 0 : i32
    %dma_wait3A_445 = tpu.memref_slice %arg11[%dma_wait3A_443, %dma_wait3A_444] : memref<80x128xf32, #tpu.memory_space<vmem>> -> memref<79x8xf32, #tpu.memory_space<vmem>>
    %dma_wait3A_446 = arith.constant 0 : i32
    %dma_wait3A_447 = arith.constant 0 : i32
    %dma_wait3A_448 = tpu.memref_slice %arg9[%dma_wait3A_446, %dma_wait3A_447] : memref<10112x8xf32, #tpu.memory_space<vmem_shared>> -> memref<79x8xf32, #tpu.memory_space<vmem_shared>>
    %dma_wait3A_449 = arith.constant 0 : i32
    %dma_wait3A_450 = arith.constant 0 : i32
    %dma_wait3A_451 = tpu.memref_slice %arg9[%dma_wait3A_449, %dma_wait3A_450] : memref<10112x8xf32, #tpu.memory_space<vmem_shared>> -> memref<79x8xf32, #tpu.memory_space<vmem_shared>>
    %dma_wait3A_452 = arith.constant 0 : i32
    %dma_wait3A_453 = arith.constant 0 : i32
    %dma_wait3A_454 = tpu.memref_slice %arg11[%dma_wait3A_452, %dma_wait3A_453] : memref<80x128xf32, #tpu.memory_space<vmem>> -> memref<79x8xf32, #tpu.memory_space<vmem>>
    tpu.wait_dma2 semaphore(%arg36 : memref<!tpu.dma_semaphore, #tpu.memory_space<semaphore_mem>>) src(%dma_wait3A_454 : memref<79x8xf32, #tpu.memory_space<vmem>>) dst(%dma_wait3A_451 : memref<79x8xf32, #tpu.memory_space<vmem_shared>>)
    %dma_wait3A_455 = arith.constant 0 : i32
    %dma_wait3A_456 = arith.constant 0 : i32
    %dma_wait3A_457 = tpu.memref_slice %arg11[%dma_wait3A_455, %dma_wait3A_456] : memref<80x128xf32, #tpu.memory_space<vmem>> -> memref<79x8xf32, #tpu.memory_space<vmem>>
    %dma_wait3A_458 = arith.constant 0 : i32
    %dma_wait3A_459 = arith.constant 0 : i32
    %dma_wait3A_460 = tpu.memref_slice %arg9[%dma_wait3A_458, %dma_wait3A_459] : memref<10112x8xf32, #tpu.memory_space<vmem_shared>> -> memref<79x8xf32, #tpu.memory_space<vmem_shared>>
    %dma_wait3A_461 = arith.constant 0 : i32
    %dma_wait3A_462 = arith.constant 0 : i32
    %dma_wait3A_463 = tpu.memref_slice %arg9[%dma_wait3A_461, %dma_wait3A_462] : memref<10112x8xf32, #tpu.memory_space<vmem_shared>> -> memref<79x8xf32, #tpu.memory_space<vmem_shared>>
    %dma_wait3A_464 = arith.constant 0 : i32
    %dma_wait3A_465 = arith.constant 0 : i32
    %dma_wait3A_466 = tpu.memref_slice %arg11[%dma_wait3A_464, %dma_wait3A_465] : memref<80x128xf32, #tpu.memory_space<vmem>> -> memref<79x8xf32, #tpu.memory_space<vmem>>
    tpu.wait_dma2 semaphore(%arg36 : memref<!tpu.dma_semaphore, #tpu.memory_space<semaphore_mem>>) src(%dma_wait3A_466 : memref<79x8xf32, #tpu.memory_space<vmem>>) dst(%dma_wait3A_463 : memref<79x8xf32, #tpu.memory_space<vmem_shared>>)
    %dma_wait3A_467 = arith.constant 0 : i32
    %dma_wait3A_468 = arith.constant 0 : i32
    %dma_wait3A_469 = tpu.memref_slice %arg11[%dma_wait3A_467, %dma_wait3A_468] : memref<80x128xf32, #tpu.memory_space<vmem>> -> memref<79x8xf32, #tpu.memory_space<vmem>>
    %dma_wait3A_470 = arith.constant 0 : i32
    %dma_wait3A_471 = arith.constant 0 : i32
    %dma_wait3A_472 = tpu.memref_slice %arg9[%dma_wait3A_470, %dma_wait3A_471] : memref<10112x8xf32, #tpu.memory_space<vmem_shared>> -> memref<79x8xf32, #tpu.memory_space<vmem_shared>>
    %dma_wait3A_473 = arith.constant 0 : i32
    %dma_wait3A_474 = arith.constant 0 : i32
    %dma_wait3A_475 = tpu.memref_slice %arg9[%dma_wait3A_473, %dma_wait3A_474] : memref<10112x8xf32, #tpu.memory_space<vmem_shared>> -> memref<79x8xf32, #tpu.memory_space<vmem_shared>>
    %dma_wait3A_476 = arith.constant 0 : i32
    %dma_wait3A_477 = arith.constant 0 : i32
    %dma_wait3A_478 = tpu.memref_slice %arg11[%dma_wait3A_476, %dma_wait3A_477] : memref<80x128xf32, #tpu.memory_space<vmem>> -> memref<79x8xf32, #tpu.memory_space<vmem>>
    tpu.wait_dma2 semaphore(%arg36 : memref<!tpu.dma_semaphore, #tpu.memory_space<semaphore_mem>>) src(%dma_wait3A_478 : memref<79x8xf32, #tpu.memory_space<vmem>>) dst(%dma_wait3A_475 : memref<79x8xf32, #tpu.memory_space<vmem_shared>>)
    %dma_wait3A_479 = arith.constant 0 : i32
    %dma_wait3A_480 = arith.constant 0 : i32
    %dma_wait3A_481 = tpu.memref_slice %arg11[%dma_wait3A_479, %dma_wait3A_480] : memref<80x128xf32, #tpu.memory_space<vmem>> -> memref<79x8xf32, #tpu.memory_space<vmem>>
    %dma_wait3A_482 = arith.constant 0 : i32
    %dma_wait3A_483 = arith.constant 0 : i32
    %dma_wait3A_484 = tpu.memref_slice %arg9[%dma_wait3A_482, %dma_wait3A_483] : memref<10112x8xf32, #tpu.memory_space<vmem_shared>> -> memref<79x8xf32, #tpu.memory_space<vmem_shared>>
    %dma_wait3A_485 = arith.constant 0 : i32
    %dma_wait3A_486 = arith.constant 0 : i32
    %dma_wait3A_487 = tpu.memref_slice %arg9[%dma_wait3A_485, %dma_wait3A_486] : memref<10112x8xf32, #tpu.memory_space<vmem_shared>> -> memref<79x8xf32, #tpu.memory_space<vmem_shared>>
    %dma_wait3A_488 = arith.constant 0 : i32
    %dma_wait3A_489 = arith.constant 0 : i32
    %dma_wait3A_490 = tpu.memref_slice %arg11[%dma_wait3A_488, %dma_wait3A_489] : memref<80x128xf32, #tpu.memory_space<vmem>> -> memref<79x8xf32, #tpu.memory_space<vmem>>
    tpu.wait_dma2 semaphore(%arg36 : memref<!tpu.dma_semaphore, #tpu.memory_space<semaphore_mem>>) src(%dma_wait3A_490 : memref<79x8xf32, #tpu.memory_space<vmem>>) dst(%dma_wait3A_487 : memref<79x8xf32, #tpu.memory_space<vmem_shared>>)
    %dma_wait3A_491 = arith.constant 0 : i32
    %dma_wait3A_492 = arith.constant 0 : i32
    %dma_wait3A_493 = tpu.memref_slice %arg11[%dma_wait3A_491, %dma_wait3A_492] : memref<80x128xf32, #tpu.memory_space<vmem>> -> memref<79x8xf32, #tpu.memory_space<vmem>>
    %dma_wait3A_494 = arith.constant 0 : i32
    %dma_wait3A_495 = arith.constant 0 : i32
    %dma_wait3A_496 = tpu.memref_slice %arg9[%dma_wait3A_494, %dma_wait3A_495] : memref<10112x8xf32, #tpu.memory_space<vmem_shared>> -> memref<79x8xf32, #tpu.memory_space<vmem_shared>>
    %dma_wait3A_497 = arith.constant 0 : i32
    %dma_wait3A_498 = arith.constant 0 : i32
    %dma_wait3A_499 = tpu.memref_slice %arg9[%dma_wait3A_497, %dma_wait3A_498] : memref<10112x8xf32, #tpu.memory_space<vmem_shared>> -> memref<79x8xf32, #tpu.memory_space<vmem_shared>>
    %dma_wait3A_500 = arith.constant 0 : i32
    %dma_wait3A_501 = arith.constant 0 : i32
    %dma_wait3A_502 = tpu.memref_slice %arg11[%dma_wait3A_500, %dma_wait3A_501] : memref<80x128xf32, #tpu.memory_space<vmem>> -> memref<79x8xf32, #tpu.memory_space<vmem>>
    tpu.wait_dma2 semaphore(%arg36 : memref<!tpu.dma_semaphore, #tpu.memory_space<semaphore_mem>>) src(%dma_wait3A_502 : memref<79x8xf32, #tpu.memory_space<vmem>>) dst(%dma_wait3A_499 : memref<79x8xf32, #tpu.memory_space<vmem_shared>>)
    %dma_wait3A_503 = arith.constant 0 : i32
    %dma_wait3A_504 = tpu.memref_slice %arg3[%dma_wait3A_503] : memref<160000xi32, #tpu.memory_space<hbm>> -> memref<80xi32, #tpu.memory_space<hbm>>
    %dma_wait3A_505 = arith.constant 0 : i32
    %dma_wait3A_506 = tpu.memref_slice %arg3[%dma_wait3A_505] : memref<160000xi32, #tpu.memory_space<hbm>> -> memref<80xi32, #tpu.memory_space<hbm>>
    tpu.wait_dma2 semaphore(%arg41 : memref<!tpu.dma_semaphore, #tpu.memory_space<semaphore_mem>>) src(%dma_wait3A_506 : memref<80xi32, #tpu.memory_space<hbm>>) dst(%arg14 : memref<80xi32, #tpu.memory_space<vmem>>)
    %dma_wait3A_507 = arith.constant 0 : i32
    %dma_wait3A_508 = tpu.memref_slice %arg4[%dma_wait3A_507] : memref<160000xi32, #tpu.memory_space<hbm>> -> memref<80xi32, #tpu.memory_space<hbm>>
    %dma_wait3A_509 = arith.constant 0 : i32
    %dma_wait3A_510 = tpu.memref_slice %arg4[%dma_wait3A_509] : memref<160000xi32, #tpu.memory_space<hbm>> -> memref<80xi32, #tpu.memory_space<hbm>>
    tpu.wait_dma2 semaphore(%arg41 : memref<!tpu.dma_semaphore, #tpu.memory_space<semaphore_mem>>) src(%dma_wait3A_510 : memref<80xi32, #tpu.memory_space<hbm>>) dst(%arg26 : memref<80xi32, #tpu.memory_space<vmem>>)
    %get3A_511 = arith.constant 0 : index
    %get3A_512 = tpu.vector_load %arg14[%get3A_511] {strides = array<i32>} : memref<80xi32, #tpu.memory_space<vmem>>, vector<16xi32>,
    %get3A_513 = vector.shape_cast %get3A_512 : vector<16xi32> to vector<16xi32>
    %add3A_514 = arith.addi %get3A_513, %get3A_513 : vector<16xi32>
    %add3A_515 = vector.broadcast %arg0 : i32 to vector<16xi32>
    %add3A_516 = arith.addi %add3A_514, %add3A_515 : vector<16xi32>
    %swap3A_517 = arith.constant 0 : index
    %swap3A_518 = tpu.vector_load %arg20[%swap3A_517] {strides = array<i32>} : memref<80xi32, #tpu.memory_space<vmem>>, vector<16xi32>,
    %swap3A_519 = vector.shape_cast %swap3A_518 : vector<16xi32> to vector<16xi32>
    %swap3A_520 = vector.shape_cast %add3A_516 : vector<16xi32> to vector<16xi32>
    tpu.vector_store %arg20[%swap3A_517], %swap3A_520 {strides = array<i32>} : memref<80xi32, #tpu.memory_space<vmem>>, vector<16xi32>,
    %get3A_521 = arith.constant 16 : index
    %get3A_522 = tpu.vector_load %arg14[%get3A_521] {strides = array<i32>} : memref<80xi32, #tpu.memory_space<vmem>>, vector<16xi32>,
    %get3A_523 = vector.shape_cast %get3A_522 : vector<16xi32> to vector<16xi32>
    %add3A_524 = arith.addi %get3A_523, %get3A_523 : vector<16xi32>
    %add3A_525 = vector.broadcast %arg0 : i32 to vector<16xi32>
    %add3A_526 = arith.addi %add3A_524, %add3A_525 : vector<16xi32>
    %swap3A_527 = arith.constant 16 : index
    %swap3A_528 = tpu.vector_load %arg20[%swap3A_527] {strides = array<i32>} : memref<80xi32, #tpu.memory_space<vmem>>, vector<16xi32>,
    %swap3A_529 = vector.shape_cast %swap3A_528 : vector<16xi32> to vector<16xi32>
    %swap3A_530 = vector.shape_cast %add3A_526 : vector<16xi32> to vector<16xi32>
    tpu.vector_store %arg20[%swap3A_527], %swap3A_530 {strides = array<i32>} : memref<80xi32, #tpu.memory_space<vmem>>, vector<16xi32>,
    %get3A_531 = arith.constant 32 : index
    %get3A_532 = tpu.vector_load %arg14[%get3A_531] {strides = array<i32>} : memref<80xi32, #tpu.memory_space<vmem>>, vector<16xi32>,
    %get3A_533 = vector.shape_cast %get3A_532 : vector<16xi32> to vector<16xi32>
    %add3A_534 = arith.addi %get3A_533, %get3A_533 : vector<16xi32>
    %add3A_535 = vector.broadcast %arg0 : i32 to vector<16xi32>
    %add3A_536 = arith.addi %add3A_534, %add3A_535 : vector<16xi32>
    %swap3A_537 = arith.constant 32 : index
    %swap3A_538 = tpu.vector_load %arg20[%swap3A_537] {strides = array<i32>} : memref<80xi32, #tpu.memory_space<vmem>>, vector<16xi32>,
    %swap3A_539 = vector.shape_cast %swap3A_538 : vector<16xi32> to vector<16xi32>
    %swap3A_540 = vector.shape_cast %add3A_536 : vector<16xi32> to vector<16xi32>
    tpu.vector_store %arg20[%swap3A_537], %swap3A_540 {strides = array<i32>} : memref<80xi32, #tpu.memory_space<vmem>>, vector<16xi32>,
    %get3A_541 = arith.constant 48 : index
    %get3A_542 = tpu.vector_load %arg14[%get3A_541] {strides = array<i32>} : memref<80xi32, #tpu.memory_space<vmem>>, vector<16xi32>,
    %get3A_543 = vector.shape_cast %get3A_542 : vector<16xi32> to vector<16xi32>
    %add3A_544 = arith.addi %get3A_543, %get3A_543 : vector<16xi32>
    %add3A_545 = vector.broadcast %arg0 : i32 to vector<16xi32>
    %add3A_546 = arith.addi %add3A_544, %add3A_545 : vector<16xi32>
    %swap3A_547 = arith.constant 48 : index
    %swap3A_548 = tpu.vector_load %arg20[%swap3A_547] {strides = array<i32>} : memref<80xi32, #tpu.memory_space<vmem>>, vector<16xi32>,
    %swap3A_549 = vector.shape_cast %swap3A_548 : vector<16xi32> to vector<16xi32>
    %swap3A_550 = vector.shape_cast %add3A_546 : vector<16xi32> to vector<16xi32>
    tpu.vector_store %arg20[%swap3A_547], %swap3A_550 {strides = array<i32>} : memref<80xi32, #tpu.memory_space<vmem>>, vector<16xi32>,
    %get3A_551 = arith.constant 64 : index
    %get3A_552 = tpu.vector_load %arg14[%get3A_551] {strides = array<i32>} : memref<80xi32, #tpu.memory_space<vmem>>, vector<16xi32>,
    %get3A_553 = vector.shape_cast %get3A_552 : vector<16xi32> to vector<16xi32>
    %add3A_554 = arith.addi %get3A_553, %get3A_553 : vector<16xi32>
    %add3A_555 = vector.broadcast %arg0 : i32 to vector<16xi32>
    %add3A_556 = arith.addi %add3A_554, %add3A_555 : vector<16xi32>
    %swap3A_557 = arith.constant 64 : index
    %swap3A_558 = tpu.vector_load %arg20[%swap3A_557] {strides = array<i32>} : memref<80xi32, #tpu.memory_space<vmem>>, vector<16xi32>,
    %swap3A_559 = vector.shape_cast %swap3A_558 : vector<16xi32> to vector<16xi32>
    %swap3A_560 = vector.shape_cast %add3A_556 : vector<16xi32> to vector<16xi32>
    tpu.vector_store %arg20[%swap3A_557], %swap3A_560 {strides = array<i32>} : memref<80xi32, #tpu.memory_space<vmem>>, vector<16xi32>,
    %dma_start3A_561 = arith.constant 0 : i32
    %dma_start3A_562 = arith.constant 0 : i32
    %dma_start3A_563 = tpu.memref_slice %arg2[%dma_start3A_561, %dma_start3A_562] : memref<20000x128xf32, #tpu.memory_space<hbm>> -> memref<20000x128xf32, #tpu.memory_space<hbm>>
    tpu.enqueue_indirect_dma source(%dma_start3A_563 : memref<20000x128xf32, #tpu.memory_space<hbm>>) target(%arg11 : memref<80x128xf32, #tpu.memory_space<vmem>>) offsets(%arg20 : memref<80xi32, #tpu.memory_space<vmem>>) semaphore(%arg32 : memref<!tpu.dma_semaphore, #tpu.memory_space<semaphore_mem>>)
    %barrier3A = arith.constant 0 : index
    tpu.barrier barrier_id(%barrier3A)
    %dma_wait3A_564 = arith.constant 0 : i32
    %dma_wait3A_565 = arith.constant 0 : i32
    %dma_wait3A_566 = tpu.memref_slice %arg2[%dma_wait3A_564, %dma_wait3A_565] : memref<20000x128xf32, #tpu.memory_space<hbm>> -> memref<20000x128xf32, #tpu.memory_space<hbm>>
    tpu.wait_indirect_dma semaphore(%arg32 : memref<!tpu.dma_semaphore, #tpu.memory_space<semaphore_mem>>) src(%dma_wait3A_566 : memref<20000x128xf32, #tpu.memory_space<hbm>>) dst(%arg11 : memref<80x128xf32, #tpu.memory_space<vmem>>)
    %dma_start3A_567 = arith.constant 0 : i32
    %dma_start3A_568 = arith.constant 0 : i32
    %dma_start3A_569 = tpu.memref_slice %arg8[%dma_start3A_567, %dma_start3A_568] : memref<10112x128xf32, #tpu.memory_space<vmem_shared>> -> memref<10112x128xf32, #tpu.memory_space<vmem_shared>>
    tpu.enqueue_indirect_dma source(%arg11 : memref<80x128xf32, #tpu.memory_space<vmem>>) target(%dma_start3A_569 : memref<10112x128xf32, #tpu.memory_space<vmem_shared>>) offsets(%arg26 : memref<80xi32, #tpu.memory_space<vmem>>) semaphore(%arg35 : memref<!tpu.dma_semaphore, #tpu.memory_space<semaphore_mem>>) {add = true}
    %dma_start3A_570 = arith.constant 0 : i32
    %dma_start3A_571 = arith.constant 0 : i32
    %dma_start3A_572 = tpu.memref_slice %arg9[%dma_start3A_570, %dma_start3A_571] : memref<10112x8xf32, #tpu.memory_space<vmem_shared>> -> memref<10112x8xf32, #tpu.memory_space<vmem_shared>>
    tpu.enqueue_indirect_dma source(%arg10 : memref<80x8xf32, #tpu.memory_space<vmem>>) target(%dma_start3A_572 : memref<10112x8xf32, #tpu.memory_space<vmem_shared>>) offsets(%arg26 : memref<80xi32, #tpu.memory_space<vmem>>) semaphore(%arg38 : memref<!tpu.dma_semaphore, #tpu.memory_space<semaphore_mem>>) {add = true}
    %scan3A_573 = arith.constant 0 : i32
    %scan3A_574 = arith.constant 0 : i32
    %scan3A_575 = arith.constant 19 : i32
    %scan3A_576 = arith.addi %scan3A_574, %scan3A_575 : i32
    %scan3A_577 = arith.constant 1 : i32
    scf.for %scan3A_1300 = %scan3A_574 to %scan3A_576 step %scan3A_577  : i32 {
      %mul3A_1301 = arith.constant 6 : i32
      %mul3A_1302 = arith.muli %mul3A_1301, %scan3A_1300 : i32
      %add3A_1303 = arith.constant 1 : i32
      %add3A_1304 = arith.addi %mul3A_1302, %add3A_1303 : i32
      %add3A_1305 = arith.constant 0 : i32
      %add3A_1306 = arith.addi %add3A_1304, %add3A_1305 : i32
      %dma_wait3A_1307 = arith.constant 0 : i32
      %dma_wait3A_1308 = arith.constant 0 : i32
      %dma_wait3A_1309 = tpu.memref_slice %arg8[%dma_wait3A_1307, %dma_wait3A_1308] : memref<10112x128xf32, #tpu.memory_space<vmem_shared>> -> memref<10112x128xf32, #tpu.memory_space<vmem_shared>>
      tpu.wait_indirect_dma semaphore(%arg35 : memref<!tpu.dma_semaphore, #tpu.memory_space<semaphore_mem>>) src(%arg11 : memref<80x128xf32, #tpu.memory_space<vmem>>) dst(%dma_wait3A_1309 : memref<10112x128xf32, #tpu.memory_space<vmem_shared>>)
      %dma_wait3A_1310 = arith.constant 0 : i32
      %dma_wait3A_1311 = arith.constant 0 : i32
      %dma_wait3A_1312 = tpu.memref_slice %arg9[%dma_wait3A_1310, %dma_wait3A_1311] : memref<10112x8xf32, #tpu.memory_space<vmem_shared>> -> memref<10112x8xf32, #tpu.memory_space<vmem_shared>>
      tpu.wait_indirect_dma semaphore(%arg38 : memref<!tpu.dma_semaphore, #tpu.memory_space<semaphore_mem>>) src(%arg10 : memref<80x8xf32, #tpu.memory_space<vmem>>) dst(%dma_wait3A_1312 : memref<10112x8xf32, #tpu.memory_space<vmem_shared>>)
      %add3A_1313 = arith.constant 5 : i32
      %add3A_1314 = arith.addi %add3A_1306, %add3A_1313 : i32
      %mul3A_1315 = arith.constant 80 : i32
      %mul3A_1316 = arith.muli %add3A_1314, %mul3A_1315 : i32
      %add3A_1317 = arith.addi %mul3A_185, %mul3A_1316 : i32
      %dma_start3A_1318 = tpu.memref_slice %arg3[%add3A_1317] : memref<160000xi32, #tpu.memory_space<hbm>> -> memref<80xi32, #tpu.memory_space<hbm>>
      %dma_start3A_1319 = tpu.memref_slice %arg3[%add3A_1317] : memref<160000xi32, #tpu.memory_space<hbm>> -> memref<80xi32, #tpu.memory_space<hbm>>
      tpu.enqueue_dma source(%dma_start3A_1319 : memref<80xi32, #tpu.memory_space<hbm>>) target(%arg14 : memref<80xi32, #tpu.memory_space<vmem>>) target_semaphore(%arg41 : memref<!tpu.dma_semaphore, #tpu.memory_space<semaphore_mem>>)
      %mul3A_1320 = arith.constant 80 : i32
      %mul3A_1321 = arith.muli %add3A_1314, %mul3A_1320 : i32
      %add3A_1322 = arith.addi %mul3A_185, %mul3A_1321 : i32
      %dma_start3A_1323 = tpu.memref_slice %arg4[%add3A_1322] : memref<160000xi32, #tpu.memory_space<hbm>> -> memref<80xi32, #tpu.memory_space<hbm>>
      %dma_start3A_1324 = tpu.memref_slice %arg4[%add3A_1322] : memref<160000xi32, #tpu.memory_space<hbm>> -> memref<80xi32, #tpu.memory_space<hbm>>
      tpu.enqueue_dma source(%dma_start3A_1324 : memref<80xi32, #tpu.memory_space<hbm>>) target(%arg26 : memref<80xi32, #tpu.memory_space<vmem>>) target_semaphore(%arg41 : memref<!tpu.dma_semaphore, #tpu.memory_space<semaphore_mem>>)
      %dma_wait3A_1325 = arith.constant 0 : i32
      %dma_wait3A_1326 = tpu.memref_slice %arg3[%dma_wait3A_1325] : memref<160000xi32, #tpu.memory_space<hbm>> -> memref<80xi32, #tpu.memory_space<hbm>>
      %dma_wait3A_1327 = arith.constant 0 : i32
      %dma_wait3A_1328 = tpu.memref_slice %arg3[%dma_wait3A_1327] : memref<160000xi32, #tpu.memory_space<hbm>> -> memref<80xi32, #tpu.memory_space<hbm>>
      tpu.wait_dma2 semaphore(%arg44 : memref<!tpu.dma_semaphore, #tpu.memory_space<semaphore_mem>>) src(%dma_wait3A_1328 : memref<80xi32, #tpu.memory_space<hbm>>) dst(%arg17 : memref<80xi32, #tpu.memory_space<vmem>>)
      %dma_wait3A_1329 = arith.constant 0 : i32
      %dma_wait3A_1330 = tpu.memref_slice %arg4[%dma_wait3A_1329] : memref<160000xi32, #tpu.memory_space<hbm>> -> memref<80xi32, #tpu.memory_space<hbm>>
      %dma_wait3A_1331 = arith.constant 0 : i32
      %dma_wait3A_1332 = tpu.memref_slice %arg4[%dma_wait3A_1331] : memref<160000xi32, #tpu.memory_space<hbm>> -> memref<80xi32, #tpu.memory_space<hbm>>
      tpu.wait_dma2 semaphore(%arg44 : memref<!tpu.dma_semaphore, #tpu.memory_space<semaphore_mem>>) src(%dma_wait3A_1332 : memref<80xi32, #tpu.memory_space<hbm>>) dst(%arg29 : memref<80xi32, #tpu.memory_space<vmem>>)
      %get3A_1333 = arith.constant 0 : index
      %get3A_1334 = tpu.vector_load %arg17[%get3A_1333] {strides = array<i32>} : memref<80xi32, #tpu.memory_space<vmem>>, vector<16xi32>,
      %get3A_1335 = vector.shape_cast %get3A_1334 : vector<16xi32> to vector<16xi32>
      %add3A_1336 = arith.addi %get3A_1335, %get3A_1335 : vector<16xi32>
      %add3A_1337 = vector.broadcast %arg0 : i32 to vector<16xi32>
      %add3A_1338 = arith.addi %add3A_1336, %add3A_1337 : vector<16xi32>
      %swap3A_1339 = arith.constant 0 : index
      %swap3A_1340 = tpu.vector_load %arg23[%swap3A_1339] {strides = array<i32>} : memref<80xi32, #tpu.memory_space<vmem>>, vector<16xi32>,
      %swap3A_1341 = vector.shape_cast %swap3A_1340 : vector<16xi32> to vector<16xi32>
      %swap3A_1342 = vector.shape_cast %add3A_1338 : vector<16xi32> to vector<16xi32>
      tpu.vector_store %arg23[%swap3A_1339], %swap3A_1342 {strides = array<i32>} : memref<80xi32, #tpu.memory_space<vmem>>, vector<16xi32>,
      %get3A_1343 = arith.constant 16 : index
      %get3A_1344 = tpu.vector_load %arg17[%get3A_1343] {strides = array<i32>} : memref<80xi32, #tpu.memory_space<vmem>>, vector<16xi32>,
      %get3A_1345 = vector.shape_cast %get3A_1344 : vector<16xi32> to vector<16xi32>
      %add3A_1346 = arith.addi %get3A_1345, %get3A_1345 : vector<16xi32>
      %add3A_1347 = vector.broadcast %arg0 : i32 to vector<16xi32>
      %add3A_1348 = arith.addi %add3A_1346, %add3A_1347 : vector<16xi32>
      %swap3A_1349 = arith.constant 16 : index
      %swap3A_1350 = tpu.vector_load %arg23[%swap3A_1349] {strides = array<i32>} : memref<80xi32, #tpu.memory_space<vmem>>, vector<16xi32>,
      %swap3A_1351 = vector.shape_cast %swap3A_1350 : vector<16xi32> to vector<16xi32>
      %swap3A_1352 = vector.shape_cast %add3A_1348 : vector<16xi32> to vector<16xi32>
      tpu.vector_store %arg23[%swap3A_1349], %swap3A_1352 {strides = array<i32>} : memref<80xi32, #tpu.memory_space<vmem>>, vector<16xi32>,
      %get3A_1353 = arith.constant 32 : index
      %get3A_1354 = tpu.vector_load %arg17[%get3A_1353] {strides = array<i32>} : memref<80xi32, #tpu.memory_space<vmem>>, vector<16xi32>,
      %get3A_1355 = vector.shape_cast %get3A_1354 : vector<16xi32> to vector<16xi32>
      %add3A_1356 = arith.addi %get3A_1355, %get3A_1355 : vector<16xi32>
      %add3A_1357 = vector.broadcast %arg0 : i32 to vector<16xi32>
      %add3A_1358 = arith.addi %add3A_1356, %add3A_1357 : vector<16xi32>
      %swap3A_1359 = arith.constant 32 : index
      %swap3A_1360 = tpu.vector_load %arg23[%swap3A_1359] {strides = array<i32>} : memref<80xi32, #tpu.memory_space<vmem>>, vector<16xi32>,
      %swap3A_1361 = vector.shape_cast %swap3A_1360 : vector<16xi32> to vector<16xi32>
      %swap3A_1362 = vector.shape_cast %add3A_1358 : vector<16xi32> to vector<16xi32>
      tpu.vector_store %arg23[%swap3A_1359], %swap3A_1362 {strides = array<i32>} : memref<80xi32, #tpu.memory_space<vmem>>, vector<16xi32>,
      %get3A_1363 = arith.constant 48 : index
      %get3A_1364 = tpu.vector_load %arg17[%get3A_1363] {strides = array<i32>} : memref<80xi32, #tpu.memory_space<vmem>>, vector<16xi32>,
      %get3A_1365 = vector.shape_cast %get3A_1364 : vector<16xi32> to vector<16xi32>
      %add3A_1366 = arith.addi %get3A_1365, %get3A_1365 : vector<16xi32>
      %add3A_1367 = vector.broadcast %arg0 : i32 to vector<16xi32>
      %add3A_1368 = arith.addi %add3A_1366, %add3A_1367 : vector<16xi32>
      %swap3A_1369 = arith.constant 48 : index
      %swap3A_1370 = tpu.vector_load %arg23[%swap3A_1369] {strides = array<i32>} : memref<80xi32, #tpu.memory_space<vmem>>, vector<16xi32>,
      %swap3A_1371 = vector.shape_cast %swap3A_1370 : vector<16xi32> to vector<16xi32>
      %swap3A_1372 = vector.shape_cast %add3A_1368 : vector<16xi32> to vector<16xi32>
      tpu.vector_store %arg23[%swap3A_1369], %swap3A_1372 {strides = array<i32>} : memref<80xi32, #tpu.memory_space<vmem>>, vector<16xi32>,
      %get3A_1373 = arith.constant 64 : index
      %get3A_1374 = tpu.vector_load %arg17[%get3A_1373] {strides = array<i32>} : memref<80xi32, #tpu.memory_space<vmem>>, vector<16xi32>,
      %get3A_1375 = vector.shape_cast %get3A_1374 : vector<16xi32> to vector<16xi32>
      %add3A_1376 = arith.addi %get3A_1375, %get3A_1375 : vector<16xi32>
      %add3A_1377 = vector.broadcast %arg0 : i32 to vector<16xi32>
      %add3A_1378 = arith.addi %add3A_1376, %add3A_1377 : vector<16xi32>
      %swap3A_1379 = arith.constant 64 : index
      %swap3A_1380 = tpu.vector_load %arg23[%swap3A_1379] {strides = array<i32>} : memref<80xi32, #tpu.memory_space<vmem>>, vector<16xi32>,
      %swap3A_1381 = vector.shape_cast %swap3A_1380 : vector<16xi32> to vector<16xi32>
      %swap3A_1382 = vector.shape_cast %add3A_1378 : vector<16xi32> to vector<16xi32>
      tpu.vector_store %arg23[%swap3A_1379], %swap3A_1382 {strides = array<i32>} : memref<80xi32, #tpu.memory_space<vmem>>, vector<16xi32>,
      %dma_start3A_1383 = arith.constant 0 : i32
      %dma_start3A_1384 = arith.constant 0 : i32
      %dma_start3A_1385 = tpu.memref_slice %arg2[%dma_start3A_1383, %dma_start3A_1384] : memref<20000x128xf32, #tpu.memory_space<hbm>> -> memref<20000x128xf32, #tpu.memory_space<hbm>>
      tpu.enqueue_indirect_dma source(%dma_start3A_1385 : memref<20000x128xf32, #tpu.memory_space<hbm>>) target(%arg11 : memref<80x128xf32, #tpu.memory_space<vmem>>) offsets(%arg23 : memref<80xi32, #tpu.memory_space<vmem>>) semaphore(%arg32 : memref<!tpu.dma_semaphore, #tpu.memory_space<semaphore_mem>>)
      %dma_wait3A_1386 = arith.constant 0 : i32
      %dma_wait3A_1387 = arith.constant 0 : i32
      %dma_wait3A_1388 = tpu.memref_slice %arg2[%dma_wait3A_1386, %dma_wait3A_1387] : memref<20000x128xf32, #tpu.memory_space<hbm>> -> memref<20000x128xf32, #tpu.memory_space<hbm>>
      tpu.wait_indirect_dma semaphore(%arg33 : memref<!tpu.dma_semaphore, #tpu.memory_space<semaphore_mem>>) src(%dma_wait3A_1388 : memref<20000x128xf32, #tpu.memory_space<hbm>>) dst(%arg12 : memref<80x128xf32, #tpu.memory_space<vmem>>)
      %dma_start3A_1389 = arith.constant 0 : i32
      %dma_start3A_1390 = arith.constant 0 : i32
      %dma_start3A_1391 = tpu.memref_slice %arg8[%dma_start3A_1389, %dma_start3A_1390] : memref<10112x128xf32, #tpu.memory_space<vmem_shared>> -> memref<10112x128xf32, #tpu.memory_space<vmem_shared>>
      tpu.enqueue_indirect_dma source(%arg12 : memref<80x128xf32, #tpu.memory_space<vmem>>) target(%dma_start3A_1391 : memref<10112x128xf32, #tpu.memory_space<vmem_shared>>) offsets(%arg27 : memref<80xi32, #tpu.memory_space<vmem>>) semaphore(%arg36 : memref<!tpu.dma_semaphore, #tpu.memory_space<semaphore_mem>>) {add = true}
      %dma_start3A_1392 = arith.constant 0 : i32
      %dma_start3A_1393 = arith.constant 0 : i32
      %dma_start3A_1394 = tpu.memref_slice %arg9[%dma_start3A_1392, %dma_start3A_1393] : memref<10112x8xf32, #tpu.memory_space<vmem_shared>> -> memref<10112x8xf32, #tpu.memory_space<vmem_shared>>
      tpu.enqueue_indirect_dma source(%arg10 : memref<80x8xf32, #tpu.memory_space<vmem>>) target(%dma_start3A_1394 : memref<10112x8xf32, #tpu.memory_space<vmem_shared>>) offsets(%arg27 : memref<80xi32, #tpu.memory_space<vmem>>) semaphore(%arg39 : memref<!tpu.dma_semaphore, #tpu.memory_space<semaphore_mem>>) {add = true}
      %add3A_1395 = arith.constant 1 : i32
      %add3A_1396 = arith.addi %add3A_1304, %add3A_1395 : i32
      %dma_wait3A_1397 = arith.constant 0 : i32
      %dma_wait3A_1398 = arith.constant 0 : i32
      %dma_wait3A_1399 = tpu.memref_slice %arg8[%dma_wait3A_1397, %dma_wait3A_1398] : memref<10112x128xf32, #tpu.memory_space<vmem_shared>> -> memref<10112x128xf32, #tpu.memory_space<vmem_shared>>
      tpu.wait_indirect_dma semaphore(%arg36 : memref<!tpu.dma_semaphore, #tpu.memory_space<semaphore_mem>>) src(%arg12 : memref<80x128xf32, #tpu.memory_space<vmem>>) dst(%dma_wait3A_1399 : memref<10112x128xf32, #tpu.memory_space<vmem_shared>>)
      %dma_wait3A_1400 = arith.constant 0 : i32
      %dma_wait3A_1401 = arith.constant 0 : i32
      %dma_wait3A_1402 = tpu.memref_slice %arg9[%dma_wait3A_1400, %dma_wait3A_1401] : memref<10112x8xf32, #tpu.memory_space<vmem_shared>> -> memref<10112x8xf32, #tpu.memory_space<vmem_shared>>
      tpu.wait_indirect_dma semaphore(%arg39 : memref<!tpu.dma_semaphore, #tpu.memory_space<semaphore_mem>>) src(%arg10 : memref<80x8xf32, #tpu.memory_space<vmem>>) dst(%dma_wait3A_1402 : memref<10112x8xf32, #tpu.memory_space<vmem_shared>>)
      %add3A_1403 = arith.constant 5 : i32
      %add3A_1404 = arith.addi %add3A_1396, %add3A_1403 : i32
      %mul3A_1405 = arith.constant 80 : i32
      %mul3A_1406 = arith.muli %add3A_1404, %mul3A_1405 : i32
      %add3A_1407 = arith.addi %mul3A_185, %mul3A_1406 : i32
      %dma_start3A_1408 = tpu.memref_slice %arg3[%add3A_1407] : memref<160000xi32, #tpu.memory_space<hbm>> -> memref<80xi32, #tpu.memory_space<hbm>>
      %dma_start3A_1409 = tpu.memref_slice %arg3[%add3A_1407] : memref<160000xi32, #tpu.memory_space<hbm>> -> memref<80xi32, #tpu.memory_space<hbm>>
      tpu.enqueue_dma source(%dma_start3A_1409 : memref<80xi32, #tpu.memory_space<hbm>>) target(%arg15 : memref<80xi32, #tpu.memory_space<vmem>>) target_semaphore(%arg42 : memref<!tpu.dma_semaphore, #tpu.memory_space<semaphore_mem>>)
      %mul3A_1410 = arith.constant 80 : i32
      %mul3A_1411 = arith.muli %add3A_1404, %mul3A_1410 : i32
      %add3A_1412 = arith.addi %mul3A_185, %mul3A_1411 : i32
      %dma_start3A_1413 = tpu.memref_slice %arg4[%add3A_1412] : memref<160000xi32, #tpu.memory_space<hbm>> -> memref<80xi32, #tpu.memory_space<hbm>>
      %dma_start3A_1414 = tpu.memref_slice %arg4[%add3A_1412] : memref<160000xi32, #tpu.memory_space<hbm>> -> memref<80xi32, #tpu.memory_space<hbm>>
      tpu.enqueue_dma source(%dma_start3A_1414 : memref<80xi32, #tpu.memory_space<hbm>>) target(%arg27 : memref<80xi32, #tpu.memory_space<vmem>>) target_semaphore(%arg42 : memref<!tpu.dma_semaphore, #tpu.memory_space<semaphore_mem>>)
      %dma_wait3A_1415 = arith.constant 0 : i32
      %dma_wait3A_1416 = tpu.memref_slice %arg3[%dma_wait3A_1415] : memref<160000xi32, #tpu.memory_space<hbm>> -> memref<80xi32, #tpu.memory_space<hbm>>
      %dma_wait3A_1417 = arith.constant 0 : i32
      %dma_wait3A_1418 = tpu.memref_slice %arg3[%dma_wait3A_1417] : memref<160000xi32, #tpu.memory_space<hbm>> -> memref<80xi32, #tpu.memory_space<hbm>>
      tpu.wait_dma2 semaphore(%arg45 : memref<!tpu.dma_semaphore, #tpu.memory_space<semaphore_mem>>) src(%dma_wait3A_1418 : memref<80xi32, #tpu.memory_space<hbm>>) dst(%arg18 : memref<80xi32, #tpu.memory_space<vmem>>)
      %dma_wait3A_1419 = arith.constant 0 : i32
      %dma_wait3A_1420 = tpu.memref_slice %arg4[%dma_wait3A_1419] : memref<160000xi32, #tpu.memory_space<hbm>> -> memref<80xi32, #tpu.memory_space<hbm>>
      %dma_wait3A_1421 = arith.constant 0 : i32
      %dma_wait3A_1422 = tpu.memref_slice %arg4[%dma_wait3A_1421] : memref<160000xi32, #tpu.memory_space<hbm>> -> memref<80xi32, #tpu.memory_space<hbm>>
      tpu.wait_dma2 semaphore(%arg45 : memref<!tpu.dma_semaphore, #tpu.memory_space<semaphore_mem>>) src(%dma_wait3A_1422 : memref<80xi32, #tpu.memory_space<hbm>>) dst(%arg30 : memref<80xi32, #tpu.memory_space<vmem>>)
      %get3A_1423 = arith.constant 0 : index
      %get3A_1424 = tpu.vector_load %arg18[%get3A_1423] {strides = array<i32>} : memref<80xi32, #tpu.memory_space<vmem>>, vector<16xi32>,
      %get3A_1425 = vector.shape_cast %get3A_1424 : vector<16xi32> to vector<16xi32>
      %add3A_1426 = arith.addi %get3A_1425, %get3A_1425 : vector<16xi32>
      %add3A_1427 = vector.broadcast %arg0 : i32 to vector<16xi32>
      %add3A_1428 = arith.addi %add3A_1426, %add3A_1427 : vector<16xi32>
      %swap3A_1429 = arith.constant 0 : index
      %swap3A_1430 = tpu.vector_load %arg24[%swap3A_1429] {strides = array<i32>} : memref<80xi32, #tpu.memory_space<vmem>>, vector<16xi32>,
      %swap3A_1431 = vector.shape_cast %swap3A_1430 : vector<16xi32> to vector<16xi32>
      %swap3A_1432 = vector.shape_cast %add3A_1428 : vector<16xi32> to vector<16xi32>
      tpu.vector_store %arg24[%swap3A_1429], %swap3A_1432 {strides = array<i32>} : memref<80xi32, #tpu.memory_space<vmem>>, vector<16xi32>,
      %get3A_1433 = arith.constant 16 : index
      %get3A_1434 = tpu.vector_load %arg18[%get3A_1433] {strides = array<i32>} : memref<80xi32, #tpu.memory_space<vmem>>, vector<16xi32>,
      %get3A_1435 = vector.shape_cast %get3A_1434 : vector<16xi32> to vector<16xi32>
      %add3A_1436 = arith.addi %get3A_1435, %get3A_1435 : vector<16xi32>
      %add3A_1437 = vector.broadcast %arg0 : i32 to vector<16xi32>
      %add3A_1438 = arith.addi %add3A_1436, %add3A_1437 : vector<16xi32>
      %swap3A_1439 = arith.constant 16 : index
      %swap3A_1440 = tpu.vector_load %arg24[%swap3A_1439] {strides = array<i32>} : memref<80xi32, #tpu.memory_space<vmem>>, vector<16xi32>,
      %swap3A_1441 = vector.shape_cast %swap3A_1440 : vector<16xi32> to vector<16xi32>
      %swap3A_1442 = vector.shape_cast %add3A_1438 : vector<16xi32> to vector<16xi32>
      tpu.vector_store %arg24[%swap3A_1439], %swap3A_1442 {strides = array<i32>} : memref<80xi32, #tpu.memory_space<vmem>>, vector<16xi32>,
      %get3A_1443 = arith.constant 32 : index
      %get3A_1444 = tpu.vector_load %arg18[%get3A_1443] {strides = array<i32>} : memref<80xi32, #tpu.memory_space<vmem>>, vector<16xi32>,
      %get3A_1445 = vector.shape_cast %get3A_1444 : vector<16xi32> to vector<16xi32>
      %add3A_1446 = arith.addi %get3A_1445, %get3A_1445 : vector<16xi32>
      %add3A_1447 = vector.broadcast %arg0 : i32 to vector<16xi32>
      %add3A_1448 = arith.addi %add3A_1446, %add3A_1447 : vector<16xi32>
      %swap3A_1449 = arith.constant 32 : index
      %swap3A_1450 = tpu.vector_load %arg24[%swap3A_1449] {strides = array<i32>} : memref<80xi32, #tpu.memory_space<vmem>>, vector<16xi32>,
      %swap3A_1451 = vector.shape_cast %swap3A_1450 : vector<16xi32> to vector<16xi32>
      %swap3A_1452 = vector.shape_cast %add3A_1448 : vector<16xi32> to vector<16xi32>
      tpu.vector_store %arg24[%swap3A_1449], %swap3A_1452 {strides = array<i32>} : memref<80xi32, #tpu.memory_space<vmem>>, vector<16xi32>,
      %get3A_1453 = arith.constant 48 : index
      %get3A_1454 = tpu.vector_load %arg18[%get3A_1453] {strides = array<i32>} : memref<80xi32, #tpu.memory_space<vmem>>, vector<16xi32>,
      %get3A_1455 = vector.shape_cast %get3A_1454 : vector<16xi32> to vector<16xi32>
      %add3A_1456 = arith.addi %get3A_1455, %get3A_1455 : vector<16xi32>
      %add3A_1457 = vector.broadcast %arg0 : i32 to vector<16xi32>
      %add3A_1458 = arith.addi %add3A_1456, %add3A_1457 : vector<16xi32>
      %swap3A_1459 = arith.constant 48 : index
      %swap3A_1460 = tpu.vector_load %arg24[%swap3A_1459] {strides = array<i32>} : memref<80xi32, #tpu.memory_space<vmem>>, vector<16xi32>,
      %swap3A_1461 = vector.shape_cast %swap3A_1460 : vector<16xi32> to vector<16xi32>
      %swap3A_1462 = vector.shape_cast %add3A_1458 : vector<16xi32> to vector<16xi32>
      tpu.vector_store %arg24[%swap3A_1459], %swap3A_1462 {strides = array<i32>} : memref<80xi32, #tpu.memory_space<vmem>>, vector<16xi32>,
      %get3A_1463 = arith.constant 64 : index
      %get3A_1464 = tpu.vector_load %arg18[%get3A_1463] {strides = array<i32>} : memref<80xi32, #tpu.memory_space<vmem>>, vector<16xi32>,
      %get3A_1465 = vector.shape_cast %get3A_1464 : vector<16xi32> to vector<16xi32>
      %add3A_1466 = arith.addi %get3A_1465, %get3A_1465 : vector<16xi32>
      %add3A_1467 = vector.broadcast %arg0 : i32 to vector<16xi32>
      %add3A_1468 = arith.addi %add3A_1466, %add3A_1467 : vector<16xi32>
      %swap3A_1469 = arith.constant 64 : index
      %swap3A_1470 = tpu.vector_load %arg24[%swap3A_1469] {strides = array<i32>} : memref<80xi32, #tpu.memory_space<vmem>>, vector<16xi32>,
      %swap3A_1471 = vector.shape_cast %swap3A_1470 : vector<16xi32> to vector<16xi32>
      %swap3A_1472 = vector.shape_cast %add3A_1468 : vector<16xi32> to vector<16xi32>
      tpu.vector_store %arg24[%swap3A_1469], %swap3A_1472 {strides = array<i32>} : memref<80xi32, #tpu.memory_space<vmem>>, vector<16xi32>,
      %dma_start3A_1473 = arith.constant 0 : i32
      %dma_start3A_1474 = arith.constant 0 : i32
      %dma_start3A_1475 = tpu.memref_slice %arg2[%dma_start3A_1473, %dma_start3A_1474] : memref<20000x128xf32, #tpu.memory_space<hbm>> -> memref<20000x128xf32, #tpu.memory_space<hbm>>
      tpu.enqueue_indirect_dma source(%dma_start3A_1475 : memref<20000x128xf32, #tpu.memory_space<hbm>>) target(%arg12 : memref<80x128xf32, #tpu.memory_space<vmem>>) offsets(%arg24 : memref<80xi32, #tpu.memory_space<vmem>>) semaphore(%arg33 : memref<!tpu.dma_semaphore, #tpu.memory_space<semaphore_mem>>)
      %dma_wait3A_1476 = arith.constant 0 : i32
      %dma_wait3A_1477 = arith.constant 0 : i32
      %dma_wait3A_1478 = tpu.memref_slice %arg2[%dma_wait3A_1476, %dma_wait3A_1477] : memref<20000x128xf32, #tpu.memory_space<hbm>> -> memref<20000x128xf32, #tpu.memory_space<hbm>>
      tpu.wait_indirect_dma semaphore(%arg34 : memref<!tpu.dma_semaphore, #tpu.memory_space<semaphore_mem>>) src(%dma_wait3A_1478 : memref<20000x128xf32, #tpu.memory_space<hbm>>) dst(%arg13 : memref<80x128xf32, #tpu.memory_space<vmem>>)
      %dma_start3A_1479 = arith.constant 0 : i32
      %dma_start3A_1480 = arith.constant 0 : i32
      %dma_start3A_1481 = tpu.memref_slice %arg8[%dma_start3A_1479, %dma_start3A_1480] : memref<10112x128xf32, #tpu.memory_space<vmem_shared>> -> memref<10112x128xf32, #tpu.memory_space<vmem_shared>>
      tpu.enqueue_indirect_dma source(%arg13 : memref<80x128xf32, #tpu.memory_space<vmem>>) target(%dma_start3A_1481 : memref<10112x128xf32, #tpu.memory_space<vmem_shared>>) offsets(%arg28 : memref<80xi32, #tpu.memory_space<vmem>>) semaphore(%arg37 : memref<!tpu.dma_semaphore, #tpu.memory_space<semaphore_mem>>) {add = true}
      %dma_start3A_1482 = arith.constant 0 : i32
      %dma_start3A_1483 = arith.constant 0 : i32
      %dma_start3A_1484 = tpu.memref_slice %arg9[%dma_start3A_1482, %dma_start3A_1483] : memref<10112x8xf32, #tpu.memory_space<vmem_shared>> -> memref<10112x8xf32, #tpu.memory_space<vmem_shared>>
      tpu.enqueue_indirect_dma source(%arg10 : memref<80x8xf32, #tpu.memory_space<vmem>>) target(%dma_start3A_1484 : memref<10112x8xf32, #tpu.memory_space<vmem_shared>>) offsets(%arg28 : memref<80xi32, #tpu.memory_space<vmem>>) semaphore(%arg40 : memref<!tpu.dma_semaphore, #tpu.memory_space<semaphore_mem>>) {add = true}
      %add3A_1485 = arith.constant 2 : i32
      %add3A_1486 = arith.addi %add3A_1304, %add3A_1485 : i32
      %dma_wait3A_1487 = arith.constant 0 : i32
      %dma_wait3A_1488 = arith.constant 0 : i32
      %dma_wait3A_1489 = tpu.memref_slice %arg8[%dma_wait3A_1487, %dma_wait3A_1488] : memref<10112x128xf32, #tpu.memory_space<vmem_shared>> -> memref<10112x128xf32, #tpu.memory_space<vmem_shared>>
      tpu.wait_indirect_dma semaphore(%arg37 : memref<!tpu.dma_semaphore, #tpu.memory_space<semaphore_mem>>) src(%arg13 : memref<80x128xf32, #tpu.memory_space<vmem>>) dst(%dma_wait3A_1489 : memref<10112x128xf32, #tpu.memory_space<vmem_shared>>)
      %dma_wait3A_1490 = arith.constant 0 : i32
      %dma_wait3A_1491 = arith.constant 0 : i32
      %dma_wait3A_1492 = tpu.memref_slice %arg9[%dma_wait3A_1490, %dma_wait3A_1491] : memref<10112x8xf32, #tpu.memory_space<vmem_shared>> -> memref<10112x8xf32, #tpu.memory_space<vmem_shared>>
      tpu.wait_indirect_dma semaphore(%arg40 : memref<!tpu.dma_semaphore, #tpu.memory_space<semaphore_mem>>) src(%arg10 : memref<80x8xf32, #tpu.memory_space<vmem>>) dst(%dma_wait3A_1492 : memref<10112x8xf32, #tpu.memory_space<vmem_shared>>)
      %add3A_1493 = arith.constant 5 : i32
      %add3A_1494 = arith.addi %add3A_1486, %add3A_1493 : i32
      %mul3A_1495 = arith.constant 80 : i32
      %mul3A_1496 = arith.muli %add3A_1494, %mul3A_1495 : i32
      %add3A_1497 = arith.addi %mul3A_185, %mul3A_1496 : i32
      %dma_start3A_1498 = tpu.memref_slice %arg3[%add3A_1497] : memref<160000xi32, #tpu.memory_space<hbm>> -> memref<80xi32, #tpu.memory_space<hbm>>
      %dma_start3A_1499 = tpu.memref_slice %arg3[%add3A_1497] : memref<160000xi32, #tpu.memory_space<hbm>> -> memref<80xi32, #tpu.memory_space<hbm>>
      tpu.enqueue_dma source(%dma_start3A_1499 : memref<80xi32, #tpu.memory_space<hbm>>) target(%arg16 : memref<80xi32, #tpu.memory_space<vmem>>) target_semaphore(%arg43 : memref<!tpu.dma_semaphore, #tpu.memory_space<semaphore_mem>>)
      %mul3A_1500 = arith.constant 80 : i32
      %mul3A_1501 = arith.muli %add3A_1494, %mul3A_1500 : i32
      %add3A_1502 = arith.addi %mul3A_185, %mul3A_1501 : i32
      %dma_start3A_1503 = tpu.memref_slice %arg4[%add3A_1502] : memref<160000xi32, #tpu.memory_space<hbm>> -> memref<80xi32, #tpu.memory_space<hbm>>
      %dma_start3A_1504 = tpu.memref_slice %arg4[%add3A_1502] : memref<160000xi32, #tpu.memory_space<hbm>> -> memref<80xi32, #tpu.memory_space<hbm>>
      tpu.enqueue_dma source(%dma_start3A_1504 : memref<80xi32, #tpu.memory_space<hbm>>) target(%arg28 : memref<80xi32, #tpu.memory_space<vmem>>) target_semaphore(%arg43 : memref<!tpu.dma_semaphore, #tpu.memory_space<semaphore_mem>>)
      %dma_wait3A_1505 = arith.constant 0 : i32
      %dma_wait3A_1506 = tpu.memref_slice %arg3[%dma_wait3A_1505] : memref<160000xi32, #tpu.memory_space<hbm>> -> memref<80xi32, #tpu.memory_space<hbm>>
      %dma_wait3A_1507 = arith.constant 0 : i32
      %dma_wait3A_1508 = tpu.memref_slice %arg3[%dma_wait3A_1507] : memref<160000xi32, #tpu.memory_space<hbm>> -> memref<80xi32, #tpu.memory_space<hbm>>
      tpu.wait_dma2 semaphore(%arg46 : memref<!tpu.dma_semaphore, #tpu.memory_space<semaphore_mem>>) src(%dma_wait3A_1508 : memref<80xi32, #tpu.memory_space<hbm>>) dst(%arg19 : memref<80xi32, #tpu.memory_space<vmem>>)
      %dma_wait3A_1509 = arith.constant 0 : i32
      %dma_wait3A_1510 = tpu.memref_slice %arg4[%dma_wait3A_1509] : memref<160000xi32, #tpu.memory_space<hbm>> -> memref<80xi32, #tpu.memory_space<hbm>>
      %dma_wait3A_1511 = arith.constant 0 : i32
      %dma_wait3A_1512 = tpu.memref_slice %arg4[%dma_wait3A_1511] : memref<160000xi32, #tpu.memory_space<hbm>> -> memref<80xi32, #tpu.memory_space<hbm>>
      tpu.wait_dma2 semaphore(%arg46 : memref<!tpu.dma_semaphore, #tpu.memory_space<semaphore_mem>>) src(%dma_wait3A_1512 : memref<80xi32, #tpu.memory_space<hbm>>) dst(%arg31 : memref<80xi32, #tpu.memory_space<vmem>>)
      %get3A_1513 = arith.constant 0 : index
      %get3A_1514 = tpu.vector_load %arg19[%get3A_1513] {strides = array<i32>} : memref<80xi32, #tpu.memory_space<vmem>>, vector<16xi32>,
      %get3A_1515 = vector.shape_cast %get3A_1514 : vector<16xi32> to vector<16xi32>
      %add3A_1516 = arith.addi %get3A_1515, %get3A_1515 : vector<16xi32>
      %add3A_1517 = vector.broadcast %arg0 : i32 to vector<16xi32>
      %add3A_1518 = arith.addi %add3A_1516, %add3A_1517 : vector<16xi32>
      %swap3A_1519 = arith.constant 0 : index
      %swap3A_1520 = tpu.vector_load %arg25[%swap3A_1519] {strides = array<i32>} : memref<80xi32, #tpu.memory_space<vmem>>, vector<16xi32>,
      %swap3A_1521 = vector.shape_cast %swap3A_1520 : vector<16xi32> to vector<16xi32>
      %swap3A_1522 = vector.shape_cast %add3A_1518 : vector<16xi32> to vector<16xi32>
      tpu.vector_store %arg25[%swap3A_1519], %swap3A_1522 {strides = array<i32>} : memref<80xi32, #tpu.memory_space<vmem>>, vector<16xi32>,
      %get3A_1523 = arith.constant 16 : index
      %get3A_1524 = tpu.vector_load %arg19[%get3A_1523] {strides = array<i32>} : memref<80xi32, #tpu.memory_space<vmem>>, vector<16xi32>,
      %get3A_1525 = vector.shape_cast %get3A_1524 : vector<16xi32> to vector<16xi32>
      %add3A_1526 = arith.addi %get3A_1525, %get3A_1525 : vector<16xi32>
      %add3A_1527 = vector.broadcast %arg0 : i32 to vector<16xi32>
      %add3A_1528 = arith.addi %add3A_1526, %add3A_1527 : vector<16xi32>
      %swap3A_1529 = arith.constant 16 : index
      %swap3A_1530 = tpu.vector_load %arg25[%swap3A_1529] {strides = array<i32>} : memref<80xi32, #tpu.memory_space<vmem>>, vector<16xi32>,
      %swap3A_1531 = vector.shape_cast %swap3A_1530 : vector<16xi32> to vector<16xi32>
      %swap3A_1532 = vector.shape_cast %add3A_1528 : vector<16xi32> to vector<16xi32>
      tpu.vector_store %arg25[%swap3A_1529], %swap3A_1532 {strides = array<i32>} : memref<80xi32, #tpu.memory_space<vmem>>, vector<16xi32>,
      %get3A_1533 = arith.constant 32 : index
      %get3A_1534 = tpu.vector_load %arg19[%get3A_1533] {strides = array<i32>} : memref<80xi32, #tpu.memory_space<vmem>>, vector<16xi32>,
      %get3A_1535 = vector.shape_cast %get3A_1534 : vector<16xi32> to vector<16xi32>
      %add3A_1536 = arith.addi %get3A_1535, %get3A_1535 : vector<16xi32>
      %add3A_1537 = vector.broadcast %arg0 : i32 to vector<16xi32>
      %add3A_1538 = arith.addi %add3A_1536, %add3A_1537 : vector<16xi32>
      %swap3A_1539 = arith.constant 32 : index
      %swap3A_1540 = tpu.vector_load %arg25[%swap3A_1539] {strides = array<i32>} : memref<80xi32, #tpu.memory_space<vmem>>, vector<16xi32>,
      %swap3A_1541 = vector.shape_cast %swap3A_1540 : vector<16xi32> to vector<16xi32>
      %swap3A_1542 = vector.shape_cast %add3A_1538 : vector<16xi32> to vector<16xi32>
      tpu.vector_store %arg25[%swap3A_1539], %swap3A_1542 {strides = array<i32>} : memref<80xi32, #tpu.memory_space<vmem>>, vector<16xi32>,
      %get3A_1543 = arith.constant 48 : index
      %get3A_1544 = tpu.vector_load %arg19[%get3A_1543] {strides = array<i32>} : memref<80xi32, #tpu.memory_space<vmem>>, vector<16xi32>,
      %get3A_1545 = vector.shape_cast %get3A_1544 : vector<16xi32> to vector<16xi32>
      %add3A_1546 = arith.addi %get3A_1545, %get3A_1545 : vector<16xi32>
      %add3A_1547 = vector.broadcast %arg0 : i32 to vector<16xi32>
      %add3A_1548 = arith.addi %add3A_1546, %add3A_1547 : vector<16xi32>
      %swap3A_1549 = arith.constant 48 : index
      %swap3A_1550 = tpu.vector_load %arg25[%swap3A_1549] {strides = array<i32>} : memref<80xi32, #tpu.memory_space<vmem>>, vector<16xi32>,
      %swap3A_1551 = vector.shape_cast %swap3A_1550 : vector<16xi32> to vector<16xi32>
      %swap3A_1552 = vector.shape_cast %add3A_1548 : vector<16xi32> to vector<16xi32>
      tpu.vector_store %arg25[%swap3A_1549], %swap3A_1552 {strides = array<i32>} : memref<80xi32, #tpu.memory_space<vmem>>, vector<16xi32>,
      %get3A_1553 = arith.constant 64 : index
      %get3A_1554 = tpu.vector_load %arg19[%get3A_1553] {strides = array<i32>} : memref<80xi32, #tpu.memory_space<vmem>>, vector<16xi32>,
      %get3A_1555 = vector.shape_cast %get3A_1554 : vector<16xi32> to vector<16xi32>
      %add3A_1556 = arith.addi %get3A_1555, %get3A_1555 : vector<16xi32>
      %add3A_1557 = vector.broadcast %arg0 : i32 to vector<16xi32>
      %add3A_1558 = arith.addi %add3A_1556, %add3A_1557 : vector<16xi32>
      %swap3A_1559 = arith.constant 64 : index
      %swap3A_1560 = tpu.vector_load %arg25[%swap3A_1559] {strides = array<i32>} : memref<80xi32, #tpu.memory_space<vmem>>, vector<16xi32>,
      %swap3A_1561 = vector.shape_cast %swap3A_1560 : vector<16xi32> to vector<16xi32>
      %swap3A_1562 = vector.shape_cast %add3A_1558 : vector<16xi32> to vector<16xi32>
      tpu.vector_store %arg25[%swap3A_1559], %swap3A_1562 {strides = array<i32>} : memref<80xi32, #tpu.memory_space<vmem>>, vector<16xi32>,
      %dma_start3A_1563 = arith.constant 0 : i32
      %dma_start3A_1564 = arith.constant 0 : i32
      %dma_start3A_1565 = tpu.memref_slice %arg2[%dma_start3A_1563, %dma_start3A_1564] : memref<20000x128xf32, #tpu.memory_space<hbm>> -> memref<20000x128xf32, #tpu.memory_space<hbm>>
      tpu.enqueue_indirect_dma source(%dma_start3A_1565 : memref<20000x128xf32, #tpu.memory_space<hbm>>) target(%arg13 : memref<80x128xf32, #tpu.memory_space<vmem>>) offsets(%arg25 : memref<80xi32, #tpu.memory_space<vmem>>) semaphore(%arg34 : memref<!tpu.dma_semaphore, #tpu.memory_space<semaphore_mem>>)
      %dma_wait3A_1566 = arith.constant 0 : i32
      %dma_wait3A_1567 = arith.constant 0 : i32
      %dma_wait3A_1568 = tpu.memref_slice %arg2[%dma_wait3A_1566, %dma_wait3A_1567] : memref<20000x128xf32, #tpu.memory_space<hbm>> -> memref<20000x128xf32, #tpu.memory_space<hbm>>
      tpu.wait_indirect_dma semaphore(%arg32 : memref<!tpu.dma_semaphore, #tpu.memory_space<semaphore_mem>>) src(%dma_wait3A_1568 : memref<20000x128xf32, #tpu.memory_space<hbm>>) dst(%arg11 : memref<80x128xf32, #tpu.memory_space<vmem>>)
      %dma_start3A_1569 = arith.constant 0 : i32
      %dma_start3A_1570 = arith.constant 0 : i32
      %dma_start3A_1571 = tpu.memref_slice %arg8[%dma_start3A_1569, %dma_start3A_1570] : memref<10112x128xf32, #tpu.memory_space<vmem_shared>> -> memref<10112x128xf32, #tpu.memory_space<vmem_shared>>
      tpu.enqueue_indirect_dma source(%arg11 : memref<80x128xf32, #tpu.memory_space<vmem>>) target(%dma_start3A_1571 : memref<10112x128xf32, #tpu.memory_space<vmem_shared>>) offsets(%arg29 : memref<80xi32, #tpu.memory_space<vmem>>) semaphore(%arg35 : memref<!tpu.dma_semaphore, #tpu.memory_space<semaphore_mem>>) {add = true}
      %dma_start3A_1572 = arith.constant 0 : i32
      %dma_start3A_1573 = arith.constant 0 : i32
      %dma_start3A_1574 = tpu.memref_slice %arg9[%dma_start3A_1572, %dma_start3A_1573] : memref<10112x8xf32, #tpu.memory_space<vmem_shared>> -> memref<10112x8xf32, #tpu.memory_space<vmem_shared>>
      tpu.enqueue_indirect_dma source(%arg10 : memref<80x8xf32, #tpu.memory_space<vmem>>) target(%dma_start3A_1574 : memref<10112x8xf32, #tpu.memory_space<vmem_shared>>) offsets(%arg29 : memref<80xi32, #tpu.memory_space<vmem>>) semaphore(%arg38 : memref<!tpu.dma_semaphore, #tpu.memory_space<semaphore_mem>>) {add = true}
      %add3A_1575 = arith.constant 3 : i32
      %add3A_1576 = arith.addi %add3A_1304, %add3A_1575 : i32
      %dma_wait3A_1577 = arith.constant 0 : i32
      %dma_wait3A_1578 = arith.constant 0 : i32
      %dma_wait3A_1579 = tpu.memref_slice %arg8[%dma_wait3A_1577, %dma_wait3A_1578] : memref<10112x128xf32, #tpu.memory_space<vmem_shared>> -> memref<10112x128xf32, #tpu.memory_space<vmem_shared>>
      tpu.wait_indirect_dma semaphore(%arg35 : memref<!tpu.dma_semaphore, #tpu.memory_space<semaphore_mem>>) src(%arg11 : memref<80x128xf32, #tpu.memory_space<vmem>>) dst(%dma_wait3A_1579 : memref<10112x128xf32, #tpu.memory_space<vmem_shared>>)
      %dma_wait3A_1580 = arith.constant 0 : i32
      %dma_wait3A_1581 = arith.constant 0 : i32
      %dma_wait3A_1582 = tpu.memref_slice %arg9[%dma_wait3A_1580, %dma_wait3A_1581] : memref<10112x8xf32, #tpu.memory_space<vmem_shared>> -> memref<10112x8xf32, #tpu.memory_space<vmem_shared>>
      tpu.wait_indirect_dma semaphore(%arg38 : memref<!tpu.dma_semaphore, #tpu.memory_space<semaphore_mem>>) src(%arg10 : memref<80x8xf32, #tpu.memory_space<vmem>>) dst(%dma_wait3A_1582 : memref<10112x8xf32, #tpu.memory_space<vmem_shared>>)
      %add3A_1583 = arith.constant 5 : i32
      %add3A_1584 = arith.addi %add3A_1576, %add3A_1583 : i32
      %mul3A_1585 = arith.constant 80 : i32
      %mul3A_1586 = arith.muli %add3A_1584, %mul3A_1585 : i32
      %add3A_1587 = arith.addi %mul3A_185, %mul3A_1586 : i32
      %dma_start3A_1588 = tpu.memref_slice %arg3[%add3A_1587] : memref<160000xi32, #tpu.memory_space<hbm>> -> memref<80xi32, #tpu.memory_space<hbm>>
      %dma_start3A_1589 = tpu.memref_slice %arg3[%add3A_1587] : memref<160000xi32, #tpu.memory_space<hbm>> -> memref<80xi32, #tpu.memory_space<hbm>>
      tpu.enqueue_dma source(%dma_start3A_1589 : memref<80xi32, #tpu.memory_space<hbm>>) target(%arg17 : memref<80xi32, #tpu.memory_space<vmem>>) target_semaphore(%arg44 : memref<!tpu.dma_semaphore, #tpu.memory_space<semaphore_mem>>)
      %mul3A_1590 = arith.constant 80 : i32
      %mul3A_1591 = arith.muli %add3A_1584, %mul3A_1590 : i32
      %add3A_1592 = arith.addi %mul3A_185, %mul3A_1591 : i32
      %dma_start3A_1593 = tpu.memref_slice %arg4[%add3A_1592] : memref<160000xi32, #tpu.memory_space<hbm>> -> memref<80xi32, #tpu.memory_space<hbm>>
      %dma_start3A_1594 = tpu.memref_slice %arg4[%add3A_1592] : memref<160000xi32, #tpu.memory_space<hbm>> -> memref<80xi32, #tpu.memory_space<hbm>>
      tpu.enqueue_dma source(%dma_start3A_1594 : memref<80xi32, #tpu.memory_space<hbm>>) target(%arg29 : memref<80xi32, #tpu.memory_space<vmem>>) target_semaphore(%arg44 : memref<!tpu.dma_semaphore, #tpu.memory_space<semaphore_mem>>)
      %dma_wait3A_1595 = arith.constant 0 : i32
      %dma_wait3A_1596 = tpu.memref_slice %arg3[%dma_wait3A_1595] : memref<160000xi32, #tpu.memory_space<hbm>> -> memref<80xi32, #tpu.memory_space<hbm>>
      %dma_wait3A_1597 = arith.constant 0 : i32
      %dma_wait3A_1598 = tpu.memref_slice %arg3[%dma_wait3A_1597] : memref<160000xi32, #tpu.memory_space<hbm>> -> memref<80xi32, #tpu.memory_space<hbm>>
      tpu.wait_dma2 semaphore(%arg41 : memref<!tpu.dma_semaphore, #tpu.memory_space<semaphore_mem>>) src(%dma_wait3A_1598 : memref<80xi32, #tpu.memory_space<hbm>>) dst(%arg14 : memref<80xi32, #tpu.memory_space<vmem>>)
      %dma_wait3A_1599 = arith.constant 0 : i32
      %dma_wait3A_1600 = tpu.memref_slice %arg4[%dma_wait3A_1599] : memref<160000xi32, #tpu.memory_space<hbm>> -> memref<80xi32, #tpu.memory_space<hbm>>
      %dma_wait3A_1601 = arith.constant 0 : i32
      %dma_wait3A_1602 = tpu.memref_slice %arg4[%dma_wait3A_1601] : memref<160000xi32, #tpu.memory_space<hbm>> -> memref<80xi32, #tpu.memory_space<hbm>>
      tpu.wait_dma2 semaphore(%arg41 : memref<!tpu.dma_semaphore, #tpu.memory_space<semaphore_mem>>) src(%dma_wait3A_1602 : memref<80xi32, #tpu.memory_space<hbm>>) dst(%arg26 : memref<80xi32, #tpu.memory_space<vmem>>)
      %get3A_1603 = arith.constant 0 : index
      %get3A_1604 = tpu.vector_load %arg14[%get3A_1603] {strides = array<i32>} : memref<80xi32, #tpu.memory_space<vmem>>, vector<16xi32>,
      %get3A_1605 = vector.shape_cast %get3A_1604 : vector<16xi32> to vector<16xi32>
      %add3A_1606 = arith.addi %get3A_1605, %get3A_1605 : vector<16xi32>
      %add3A_1607 = vector.broadcast %arg0 : i32 to vector<16xi32>
      %add3A_1608 = arith.addi %add3A_1606, %add3A_1607 : vector<16xi32>
      %swap3A_1609 = arith.constant 0 : index
      %swap3A_1610 = tpu.vector_load %arg20[%swap3A_1609] {strides = array<i32>} : memref<80xi32, #tpu.memory_space<vmem>>, vector<16xi32>,
      %swap3A_1611 = vector.shape_cast %swap3A_1610 : vector<16xi32> to vector<16xi32>
      %swap3A_1612 = vector.shape_cast %add3A_1608 : vector<16xi32> to vector<16xi32>
      tpu.vector_store %arg20[%swap3A_1609], %swap3A_1612 {strides = array<i32>} : memref<80xi32, #tpu.memory_space<vmem>>, vector<16xi32>,
      %get3A_1613 = arith.constant 16 : index
      %get3A_1614 = tpu.vector_load %arg14[%get3A_1613] {strides = array<i32>} : memref<80xi32, #tpu.memory_space<vmem>>, vector<16xi32>,
      %get3A_1615 = vector.shape_cast %get3A_1614 : vector<16xi32> to vector<16xi32>
      %add3A_1616 = arith.addi %get3A_1615, %get3A_1615 : vector<16xi32>
      %add3A_1617 = vector.broadcast %arg0 : i32 to vector<16xi32>
      %add3A_1618 = arith.addi %add3A_1616, %add3A_1617 : vector<16xi32>
      %swap3A_1619 = arith.constant 16 : index
      %swap3A_1620 = tpu.vector_load %arg20[%swap3A_1619] {strides = array<i32>} : memref<80xi32, #tpu.memory_space<vmem>>, vector<16xi32>,
      %swap3A_1621 = vector.shape_cast %swap3A_1620 : vector<16xi32> to vector<16xi32>
      %swap3A_1622 = vector.shape_cast %add3A_1618 : vector<16xi32> to vector<16xi32>
      tpu.vector_store %arg20[%swap3A_1619], %swap3A_1622 {strides = array<i32>} : memref<80xi32, #tpu.memory_space<vmem>>, vector<16xi32>,
      %get3A_1623 = arith.constant 32 : index
      %get3A_1624 = tpu.vector_load %arg14[%get3A_1623] {strides = array<i32>} : memref<80xi32, #tpu.memory_space<vmem>>, vector<16xi32>,
      %get3A_1625 = vector.shape_cast %get3A_1624 : vector<16xi32> to vector<16xi32>
      %add3A_1626 = arith.addi %get3A_1625, %get3A_1625 : vector<16xi32>
      %add3A_1627 = vector.broadcast %arg0 : i32 to vector<16xi32>
      %add3A_1628 = arith.addi %add3A_1626, %add3A_1627 : vector<16xi32>
      %swap3A_1629 = arith.constant 32 : index
      %swap3A_1630 = tpu.vector_load %arg20[%swap3A_1629] {strides = array<i32>} : memref<80xi32, #tpu.memory_space<vmem>>, vector<16xi32>,
      %swap3A_1631 = vector.shape_cast %swap3A_1630 : vector<16xi32> to vector<16xi32>
      %swap3A_1632 = vector.shape_cast %add3A_1628 : vector<16xi32> to vector<16xi32>
      tpu.vector_store %arg20[%swap3A_1629], %swap3A_1632 {strides = array<i32>} : memref<80xi32, #tpu.memory_space<vmem>>, vector<16xi32>,
      %get3A_1633 = arith.constant 48 : index
      %get3A_1634 = tpu.vector_load %arg14[%get3A_1633] {strides = array<i32>} : memref<80xi32, #tpu.memory_space<vmem>>, vector<16xi32>,
      %get3A_1635 = vector.shape_cast %get3A_1634 : vector<16xi32> to vector<16xi32>
      %add3A_1636 = arith.addi %get3A_1635, %get3A_1635 : vector<16xi32>
      %add3A_1637 = vector.broadcast %arg0 : i32 to vector<16xi32>
      %add3A_1638 = arith.addi %add3A_1636, %add3A_1637 : vector<16xi32>
      %swap3A_1639 = arith.constant 48 : index
      %swap3A_1640 = tpu.vector_load %arg20[%swap3A_1639] {strides = array<i32>} : memref<80xi32, #tpu.memory_space<vmem>>, vector<16xi32>,
      %swap3A_1641 = vector.shape_cast %swap3A_1640 : vector<16xi32> to vector<16xi32>
      %swap3A_1642 = vector.shape_cast %add3A_1638 : vector<16xi32> to vector<16xi32>
      tpu.vector_store %arg20[%swap3A_1639], %swap3A_1642 {strides = array<i32>} : memref<80xi32, #tpu.memory_space<vmem>>, vector<16xi32>,
      %get3A_1643 = arith.constant 64 : index
      %get3A_1644 = tpu.vector_load %arg14[%get3A_1643] {strides = array<i32>} : memref<80xi32, #tpu.memory_space<vmem>>, vector<16xi32>,
      %get3A_1645 = vector.shape_cast %get3A_1644 : vector<16xi32> to vector<16xi32>
      %add3A_1646 = arith.addi %get3A_1645, %get3A_1645 : vector<16xi32>
      %add3A_1647 = vector.broadcast %arg0 : i32 to vector<16xi32>
      %add3A_1648 = arith.addi %add3A_1646, %add3A_1647 : vector<16xi32>
      %swap3A_1649 = arith.constant 64 : index
      %swap3A_1650 = tpu.vector_load %arg20[%swap3A_1649] {strides = array<i32>} : memref<80xi32, #tpu.memory_space<vmem>>, vector<16xi32>,
      %swap3A_1651 = vector.shape_cast %swap3A_1650 : vector<16xi32> to vector<16xi32>
      %swap3A_1652 = vector.shape_cast %add3A_1648 : vector<16xi32> to vector<16xi32>
      tpu.vector_store %arg20[%swap3A_1649], %swap3A_1652 {strides = array<i32>} : memref<80xi32, #tpu.memory_space<vmem>>, vector<16xi32>,
      %dma_start3A_1653 = arith.constant 0 : i32
      %dma_start3A_1654 = arith.constant 0 : i32
      %dma_start3A_1655 = tpu.memref_slice %arg2[%dma_start3A_1653, %dma_start3A_1654] : memref<20000x128xf32, #tpu.memory_space<hbm>> -> memref<20000x128xf32, #tpu.memory_space<hbm>>
      tpu.enqueue_indirect_dma source(%dma_start3A_1655 : memref<20000x128xf32, #tpu.memory_space<hbm>>) target(%arg11 : memref<80x128xf32, #tpu.memory_space<vmem>>) offsets(%arg20 : memref<80xi32, #tpu.memory_space<vmem>>) semaphore(%arg32 : memref<!tpu.dma_semaphore, #tpu.memory_space<semaphore_mem>>)
      %dma_wait3A_1656 = arith.constant 0 : i32
      %dma_wait3A_1657 = arith.constant 0 : i32
      %dma_wait3A_1658 = tpu.memref_slice %arg2[%dma_wait3A_1656, %dma_wait3A_1657] : memref<20000x128xf32, #tpu.memory_space<hbm>> -> memref<20000x128xf32, #tpu.memory_space<hbm>>
      tpu.wait_indirect_dma semaphore(%arg33 : memref<!tpu.dma_semaphore, #tpu.memory_space<semaphore_mem>>) src(%dma_wait3A_1658 : memref<20000x128xf32, #tpu.memory_space<hbm>>) dst(%arg12 : memref<80x128xf32, #tpu.memory_space<vmem>>)
      %dma_start3A_1659 = arith.constant 0 : i32
      %dma_start3A_1660 = arith.constant 0 : i32
      %dma_start3A_1661 = tpu.memref_slice %arg8[%dma_start3A_1659, %dma_start3A_1660] : memref<10112x128xf32, #tpu.memory_space<vmem_shared>> -> memref<10112x128xf32, #tpu.memory_space<vmem_shared>>
      tpu.enqueue_indirect_dma source(%arg12 : memref<80x128xf32, #tpu.memory_space<vmem>>) target(%dma_start3A_1661 : memref<10112x128xf32, #tpu.memory_space<vmem_shared>>) offsets(%arg30 : memref<80xi32, #tpu.memory_space<vmem>>) semaphore(%arg36 : memref<!tpu.dma_semaphore, #tpu.memory_space<semaphore_mem>>) {add = true}
      %dma_start3A_1662 = arith.constant 0 : i32
      %dma_start3A_1663 = arith.constant 0 : i32
      %dma_start3A_1664 = tpu.memref_slice %arg9[%dma_start3A_1662, %dma_start3A_1663] : memref<10112x8xf32, #tpu.memory_space<vmem_shared>> -> memref<10112x8xf32, #tpu.memory_space<vmem_shared>>
      tpu.enqueue_indirect_dma source(%arg10 : memref<80x8xf32, #tpu.memory_space<vmem>>) target(%dma_start3A_1664 : memref<10112x8xf32, #tpu.memory_space<vmem_shared>>) offsets(%arg30 : memref<80xi32, #tpu.memory_space<vmem>>) semaphore(%arg39 : memref<!tpu.dma_semaphore, #tpu.memory_space<semaphore_mem>>) {add = true}
      %add3A_1665 = arith.constant 4 : i32
      %add3A_1666 = arith.addi %add3A_1304, %add3A_1665 : i32
      %dma_wait3A_1667 = arith.constant 0 : i32
      %dma_wait3A_1668 = arith.constant 0 : i32
      %dma_wait3A_1669 = tpu.memref_slice %arg8[%dma_wait3A_1667, %dma_wait3A_1668] : memref<10112x128xf32, #tpu.memory_space<vmem_shared>> -> memref<10112x128xf32, #tpu.memory_space<vmem_shared>>
      tpu.wait_indirect_dma semaphore(%arg36 : memref<!tpu.dma_semaphore, #tpu.memory_space<semaphore_mem>>) src(%arg12 : memref<80x128xf32, #tpu.memory_space<vmem>>) dst(%dma_wait3A_1669 : memref<10112x128xf32, #tpu.memory_space<vmem_shared>>)
      %dma_wait3A_1670 = arith.constant 0 : i32
      %dma_wait3A_1671 = arith.constant 0 : i32
      %dma_wait3A_1672 = tpu.memref_slice %arg9[%dma_wait3A_1670, %dma_wait3A_1671] : memref<10112x8xf32, #tpu.memory_space<vmem_shared>> -> memref<10112x8xf32, #tpu.memory_space<vmem_shared>>
      tpu.wait_indirect_dma semaphore(%arg39 : memref<!tpu.dma_semaphore, #tpu.memory_space<semaphore_mem>>) src(%arg10 : memref<80x8xf32, #tpu.memory_space<vmem>>) dst(%dma_wait3A_1672 : memref<10112x8xf32, #tpu.memory_space<vmem_shared>>)
      %add3A_1673 = arith.constant 5 : i32
      %add3A_1674 = arith.addi %add3A_1666, %add3A_1673 : i32
      %mul3A_1675 = arith.constant 80 : i32
      %mul3A_1676 = arith.muli %add3A_1674, %mul3A_1675 : i32
      %add3A_1677 = arith.addi %mul3A_185, %mul3A_1676 : i32
      %dma_start3A_1678 = tpu.memref_slice %arg3[%add3A_1677] : memref<160000xi32, #tpu.memory_space<hbm>> -> memref<80xi32, #tpu.memory_space<hbm>>
      %dma_start3A_1679 = tpu.memref_slice %arg3[%add3A_1677] : memref<160000xi32, #tpu.memory_space<hbm>> -> memref<80xi32, #tpu.memory_space<hbm>>
      tpu.enqueue_dma source(%dma_start3A_1679 : memref<80xi32, #tpu.memory_space<hbm>>) target(%arg18 : memref<80xi32, #tpu.memory_space<vmem>>) target_semaphore(%arg45 : memref<!tpu.dma_semaphore, #tpu.memory_space<semaphore_mem>>)
      %mul3A_1680 = arith.constant 80 : i32
      %mul3A_1681 = arith.muli %add3A_1674, %mul3A_1680 : i32
      %add3A_1682 = arith.addi %mul3A_185, %mul3A_1681 : i32
      %dma_start3A_1683 = tpu.memref_slice %arg4[%add3A_1682] : memref<160000xi32, #tpu.memory_space<hbm>> -> memref<80xi32, #tpu.memory_space<hbm>>
      %dma_start3A_1684 = tpu.memref_slice %arg4[%add3A_1682] : memref<160000xi32, #tpu.memory_space<hbm>> -> memref<80xi32, #tpu.memory_space<hbm>>
      tpu.enqueue_dma source(%dma_start3A_1684 : memref<80xi32, #tpu.memory_space<hbm>>) target(%arg30 : memref<80xi32, #tpu.memory_space<vmem>>) target_semaphore(%arg45 : memref<!tpu.dma_semaphore, #tpu.memory_space<semaphore_mem>>)
      %dma_wait3A_1685 = arith.constant 0 : i32
      %dma_wait3A_1686 = tpu.memref_slice %arg3[%dma_wait3A_1685] : memref<160000xi32, #tpu.memory_space<hbm>> -> memref<80xi32, #tpu.memory_space<hbm>>
      %dma_wait3A_1687 = arith.constant 0 : i32
      %dma_wait3A_1688 = tpu.memref_slice %arg3[%dma_wait3A_1687] : memref<160000xi32, #tpu.memory_space<hbm>> -> memref<80xi32, #tpu.memory_space<hbm>>
      tpu.wait_dma2 semaphore(%arg42 : memref<!tpu.dma_semaphore, #tpu.memory_space<semaphore_mem>>) src(%dma_wait3A_1688 : memref<80xi32, #tpu.memory_space<hbm>>) dst(%arg15 : memref<80xi32, #tpu.memory_space<vmem>>)
      %dma_wait3A_1689 = arith.constant 0 : i32
      %dma_wait3A_1690 = tpu.memref_slice %arg4[%dma_wait3A_1689] : memref<160000xi32, #tpu.memory_space<hbm>> -> memref<80xi32, #tpu.memory_space<hbm>>
      %dma_wait3A_1691 = arith.constant 0 : i32
      %dma_wait3A_1692 = tpu.memref_slice %arg4[%dma_wait3A_1691] : memref<160000xi32, #tpu.memory_space<hbm>> -> memref<80xi32, #tpu.memory_space<hbm>>
      tpu.wait_dma2 semaphore(%arg42 : memref<!tpu.dma_semaphore, #tpu.memory_space<semaphore_mem>>) src(%dma_wait3A_1692 : memref<80xi32, #tpu.memory_space<hbm>>) dst(%arg27 : memref<80xi32, #tpu.memory_space<vmem>>)
      %get3A_1693 = arith.constant 0 : index
      %get3A_1694 = tpu.vector_load %arg15[%get3A_1693] {strides = array<i32>} : memref<80xi32, #tpu.memory_space<vmem>>, vector<16xi32>,
      %get3A_1695 = vector.shape_cast %get3A_1694 : vector<16xi32> to vector<16xi32>
      %add3A_1696 = arith.addi %get3A_1695, %get3A_1695 : vector<16xi32>
      %add3A_1697 = vector.broadcast %arg0 : i32 to vector<16xi32>
      %add3A_1698 = arith.addi %add3A_1696, %add3A_1697 : vector<16xi32>
      %swap3A_1699 = arith.constant 0 : index
      %swap3A_1700 = tpu.vector_load %arg21[%swap3A_1699] {strides = array<i32>} : memref<80xi32, #tpu.memory_space<vmem>>, vector<16xi32>,
      %swap3A_1701 = vector.shape_cast %swap3A_1700 : vector<16xi32> to vector<16xi32>
      %swap3A_1702 = vector.shape_cast %add3A_1698 : vector<16xi32> to vector<16xi32>
      tpu.vector_store %arg21[%swap3A_1699], %swap3A_1702 {strides = array<i32>} : memref<80xi32, #tpu.memory_space<vmem>>, vector<16xi32>,
      %get3A_1703 = arith.constant 16 : index
      %get3A_1704 = tpu.vector_load %arg15[%get3A_1703] {strides = array<i32>} : memref<80xi32, #tpu.memory_space<vmem>>, vector<16xi32>,
      %get3A_1705 = vector.shape_cast %get3A_1704 : vector<16xi32> to vector<16xi32>
      %add3A_1706 = arith.addi %get3A_1705, %get3A_1705 : vector<16xi32>
      %add3A_1707 = vector.broadcast %arg0 : i32 to vector<16xi32>
      %add3A_1708 = arith.addi %add3A_1706, %add3A_1707 : vector<16xi32>
      %swap3A_1709 = arith.constant 16 : index
      %swap3A_1710 = tpu.vector_load %arg21[%swap3A_1709] {strides = array<i32>} : memref<80xi32, #tpu.memory_space<vmem>>, vector<16xi32>,
      %swap3A_1711 = vector.shape_cast %swap3A_1710 : vector<16xi32> to vector<16xi32>
      %swap3A_1712 = vector.shape_cast %add3A_1708 : vector<16xi32> to vector<16xi32>
      tpu.vector_store %arg21[%swap3A_1709], %swap3A_1712 {strides = array<i32>} : memref<80xi32, #tpu.memory_space<vmem>>, vector<16xi32>,
      %get3A_1713 = arith.constant 32 : index
      %get3A_1714 = tpu.vector_load %arg15[%get3A_1713] {strides = array<i32>} : memref<80xi32, #tpu.memory_space<vmem>>, vector<16xi32>,
      %get3A_1715 = vector.shape_cast %get3A_1714 : vector<16xi32> to vector<16xi32>
      %add3A_1716 = arith.addi %get3A_1715, %get3A_1715 : vector<16xi32>
      %add3A_1717 = vector.broadcast %arg0 : i32 to vector<16xi32>
      %add3A_1718 = arith.addi %add3A_1716, %add3A_1717 : vector<16xi32>
      %swap3A_1719 = arith.constant 32 : index
      %swap3A_1720 = tpu.vector_load %arg21[%swap3A_1719] {strides = array<i32>} : memref<80xi32, #tpu.memory_space<vmem>>, vector<16xi32>,
      %swap3A_1721 = vector.shape_cast %swap3A_1720 : vector<16xi32> to vector<16xi32>
      %swap3A_1722 = vector.shape_cast %add3A_1718 : vector<16xi32> to vector<16xi32>
      tpu.vector_store %arg21[%swap3A_1719], %swap3A_1722 {strides = array<i32>} : memref<80xi32, #tpu.memory_space<vmem>>, vector<16xi32>,
      %get3A_1723 = arith.constant 48 : index
      %get3A_1724 = tpu.vector_load %arg15[%get3A_1723] {strides = array<i32>} : memref<80xi32, #tpu.memory_space<vmem>>, vector<16xi32>,
      %get3A_1725 = vector.shape_cast %get3A_1724 : vector<16xi32> to vector<16xi32>
      %add3A_1726 = arith.addi %get3A_1725, %get3A_1725 : vector<16xi32>
      %add3A_1727 = vector.broadcast %arg0 : i32 to vector<16xi32>
      %add3A_1728 = arith.addi %add3A_1726, %add3A_1727 : vector<16xi32>
      %swap3A_1729 = arith.constant 48 : index
      %swap3A_1730 = tpu.vector_load %arg21[%swap3A_1729] {strides = array<i32>} : memref<80xi32, #tpu.memory_space<vmem>>, vector<16xi32>,
      %swap3A_1731 = vector.shape_cast %swap3A_1730 : vector<16xi32> to vector<16xi32>
      %swap3A_1732 = vector.shape_cast %add3A_1728 : vector<16xi32> to vector<16xi32>
      tpu.vector_store %arg21[%swap3A_1729], %swap3A_1732 {strides = array<i32>} : memref<80xi32, #tpu.memory_space<vmem>>, vector<16xi32>,
      %get3A_1733 = arith.constant 64 : index
      %get3A_1734 = tpu.vector_load %arg15[%get3A_1733] {strides = array<i32>} : memref<80xi32, #tpu.memory_space<vmem>>, vector<16xi32>,
      %get3A_1735 = vector.shape_cast %get3A_1734 : vector<16xi32> to vector<16xi32>
      %add3A_1736 = arith.addi %get3A_1735, %get3A_1735 : vector<16xi32>
      %add3A_1737 = vector.broadcast %arg0 : i32 to vector<16xi32>
      %add3A_1738 = arith.addi %add3A_1736, %add3A_1737 : vector<16xi32>
      %swap3A_1739 = arith.constant 64 : index
      %swap3A_1740 = tpu.vector_load %arg21[%swap3A_1739] {strides = array<i32>} : memref<80xi32, #tpu.memory_space<vmem>>, vector<16xi32>,
      %swap3A_1741 = vector.shape_cast %swap3A_1740 : vector<16xi32> to vector<16xi32>
      %swap3A_1742 = vector.shape_cast %add3A_1738 : vector<16xi32> to vector<16xi32>
      tpu.vector_store %arg21[%swap3A_1739], %swap3A_1742 {strides = array<i32>} : memref<80xi32, #tpu.memory_space<vmem>>, vector<16xi32>,
      %dma_start3A_1743 = arith.constant 0 : i32
      %dma_start3A_1744 = arith.constant 0 : i32
      %dma_start3A_1745 = tpu.memref_slice %arg2[%dma_start3A_1743, %dma_start3A_1744] : memref<20000x128xf32, #tpu.memory_space<hbm>> -> memref<20000x128xf32, #tpu.memory_space<hbm>>
      tpu.enqueue_indirect_dma source(%dma_start3A_1745 : memref<20000x128xf32, #tpu.memory_space<hbm>>) target(%arg12 : memref<80x128xf32, #tpu.memory_space<vmem>>) offsets(%arg21 : memref<80xi32, #tpu.memory_space<vmem>>) semaphore(%arg33 : memref<!tpu.dma_semaphore, #tpu.memory_space<semaphore_mem>>)
      %dma_wait3A_1746 = arith.constant 0 : i32
      %dma_wait3A_1747 = arith.constant 0 : i32
      %dma_wait3A_1748 = tpu.memref_slice %arg2[%dma_wait3A_1746, %dma_wait3A_1747] : memref<20000x128xf32, #tpu.memory_space<hbm>> -> memref<20000x128xf32, #tpu.memory_space<hbm>>
      tpu.wait_indirect_dma semaphore(%arg34 : memref<!tpu.dma_semaphore, #tpu.memory_space<semaphore_mem>>) src(%dma_wait3A_1748 : memref<20000x128xf32, #tpu.memory_space<hbm>>) dst(%arg13 : memref<80x128xf32, #tpu.memory_space<vmem>>)
      %dma_start3A_1749 = arith.constant 0 : i32
      %dma_start3A_1750 = arith.constant 0 : i32
      %dma_start3A_1751 = tpu.memref_slice %arg8[%dma_start3A_1749, %dma_start3A_1750] : memref<10112x128xf32, #tpu.memory_space<vmem_shared>> -> memref<10112x128xf32, #tpu.memory_space<vmem_shared>>
      tpu.enqueue_indirect_dma source(%arg13 : memref<80x128xf32, #tpu.memory_space<vmem>>) target(%dma_start3A_1751 : memref<10112x128xf32, #tpu.memory_space<vmem_shared>>) offsets(%arg31 : memref<80xi32, #tpu.memory_space<vmem>>) semaphore(%arg37 : memref<!tpu.dma_semaphore, #tpu.memory_space<semaphore_mem>>) {add = true}
      %dma_start3A_1752 = arith.constant 0 : i32
      %dma_start3A_1753 = arith.constant 0 : i32
      %dma_start3A_1754 = tpu.memref_slice %arg9[%dma_start3A_1752, %dma_start3A_1753] : memref<10112x8xf32, #tpu.memory_space<vmem_shared>> -> memref<10112x8xf32, #tpu.memory_space<vmem_shared>>
      tpu.enqueue_indirect_dma source(%arg10 : memref<80x8xf32, #tpu.memory_space<vmem>>) target(%dma_start3A_1754 : memref<10112x8xf32, #tpu.memory_space<vmem_shared>>) offsets(%arg31 : memref<80xi32, #tpu.memory_space<vmem>>) semaphore(%arg40 : memref<!tpu.dma_semaphore, #tpu.memory_space<semaphore_mem>>) {add = true}
      %add3A_1755 = arith.constant 5 : i32
      %add3A_1756 = arith.addi %add3A_1304, %add3A_1755 : i32
      %dma_wait3A_1757 = arith.constant 0 : i32
      %dma_wait3A_1758 = arith.constant 0 : i32
      %dma_wait3A_1759 = tpu.memref_slice %arg8[%dma_wait3A_1757, %dma_wait3A_1758] : memref<10112x128xf32, #tpu.memory_space<vmem_shared>> -> memref<10112x128xf32, #tpu.memory_space<vmem_shared>>
      tpu.wait_indirect_dma semaphore(%arg37 : memref<!tpu.dma_semaphore, #tpu.memory_space<semaphore_mem>>) src(%arg13 : memref<80x128xf32, #tpu.memory_space<vmem>>) dst(%dma_wait3A_1759 : memref<10112x128xf32, #tpu.memory_space<vmem_shared>>)
      %dma_wait3A_1760 = arith.constant 0 : i32
      %dma_wait3A_1761 = arith.constant 0 : i32
      %dma_wait3A_1762 = tpu.memref_slice %arg9[%dma_wait3A_1760, %dma_wait3A_1761] : memref<10112x8xf32, #tpu.memory_space<vmem_shared>> -> memref<10112x8xf32, #tpu.memory_space<vmem_shared>>
      tpu.wait_indirect_dma semaphore(%arg40 : memref<!tpu.dma_semaphore, #tpu.memory_space<semaphore_mem>>) src(%arg10 : memref<80x8xf32, #tpu.memory_space<vmem>>) dst(%dma_wait3A_1762 : memref<10112x8xf32, #tpu.memory_space<vmem_shared>>)
      %add3A_1763 = arith.constant 5 : i32
      %add3A_1764 = arith.addi %add3A_1756, %add3A_1763 : i32
      %mul3A_1765 = arith.constant 80 : i32
      %mul3A_1766 = arith.muli %add3A_1764, %mul3A_1765 : i32
      %add3A_1767 = arith.addi %mul3A_185, %mul3A_1766 : i32
      %dma_start3A_1768 = tpu.memref_slice %arg3[%add3A_1767] : memref<160000xi32, #tpu.memory_space<hbm>> -> memref<80xi32, #tpu.memory_space<hbm>>
      %dma_start3A_1769 = tpu.memref_slice %arg3[%add3A_1767] : memref<160000xi32, #tpu.memory_space<hbm>> -> memref<80xi32, #tpu.memory_space<hbm>>
      tpu.enqueue_dma source(%dma_start3A_1769 : memref<80xi32, #tpu.memory_space<hbm>>) target(%arg19 : memref<80xi32, #tpu.memory_space<vmem>>) target_semaphore(%arg46 : memref<!tpu.dma_semaphore, #tpu.memory_space<semaphore_mem>>)
      %mul3A_1770 = arith.constant 80 : i32
      %mul3A_1771 = arith.muli %add3A_1764, %mul3A_1770 : i32
      %add3A_1772 = arith.addi %mul3A_185, %mul3A_1771 : i32
      %dma_start3A_1773 = tpu.memref_slice %arg4[%add3A_1772] : memref<160000xi32, #tpu.memory_space<hbm>> -> memref<80xi32, #tpu.memory_space<hbm>>
      %dma_start3A_1774 = tpu.memref_slice %arg4[%add3A_1772] : memref<160000xi32, #tpu.memory_space<hbm>> -> memref<80xi32, #tpu.memory_space<hbm>>
      tpu.enqueue_dma source(%dma_start3A_1774 : memref<80xi32, #tpu.memory_space<hbm>>) target(%arg31 : memref<80xi32, #tpu.memory_space<vmem>>) target_semaphore(%arg46 : memref<!tpu.dma_semaphore, #tpu.memory_space<semaphore_mem>>)
      %dma_wait3A_1775 = arith.constant 0 : i32
      %dma_wait3A_1776 = tpu.memref_slice %arg3[%dma_wait3A_1775] : memref<160000xi32, #tpu.memory_space<hbm>> -> memref<80xi32, #tpu.memory_space<hbm>>
      %dma_wait3A_1777 = arith.constant 0 : i32
      %dma_wait3A_1778 = tpu.memref_slice %arg3[%dma_wait3A_1777] : memref<160000xi32, #tpu.memory_space<hbm>> -> memref<80xi32, #tpu.memory_space<hbm>>
      tpu.wait_dma2 semaphore(%arg43 : memref<!tpu.dma_semaphore, #tpu.memory_space<semaphore_mem>>) src(%dma_wait3A_1778 : memref<80xi32, #tpu.memory_space<hbm>>) dst(%arg16 : memref<80xi32, #tpu.memory_space<vmem>>)
      %dma_wait3A_1779 = arith.constant 0 : i32
      %dma_wait3A_1780 = tpu.memref_slice %arg4[%dma_wait3A_1779] : memref<160000xi32, #tpu.memory_space<hbm>> -> memref<80xi32, #tpu.memory_space<hbm>>
      %dma_wait3A_1781 = arith.constant 0 : i32
      %dma_wait3A_1782 = tpu.memref_slice %arg4[%dma_wait3A_1781] : memref<160000xi32, #tpu.memory_space<hbm>> -> memref<80xi32, #tpu.memory_space<hbm>>
      tpu.wait_dma2 semaphore(%arg43 : memref<!tpu.dma_semaphore, #tpu.memory_space<semaphore_mem>>) src(%dma_wait3A_1782 : memref<80xi32, #tpu.memory_space<hbm>>) dst(%arg28 : memref<80xi32, #tpu.memory_space<vmem>>)
      %get3A_1783 = arith.constant 0 : index
      %get3A_1784 = tpu.vector_load %arg16[%get3A_1783] {strides = array<i32>} : memref<80xi32, #tpu.memory_space<vmem>>, vector<16xi32>,
      %get3A_1785 = vector.shape_cast %get3A_1784 : vector<16xi32> to vector<16xi32>
      %add3A_1786 = arith.addi %get3A_1785, %get3A_1785 : vector<16xi32>
      %add3A_1787 = vector.broadcast %arg0 : i32 to vector<16xi32>
      %add3A_1788 = arith.addi %add3A_1786, %add3A_1787 : vector<16xi32>
      %swap3A_1789 = arith.constant 0 : index
      %swap3A_1790 = tpu.vector_load %arg22[%swap3A_1789] {strides = array<i32>} : memref<80xi32, #tpu.memory_space<vmem>>, vector<16xi32>,
      %swap3A_1791 = vector.shape_cast %swap3A_1790 : vector<16xi32> to vector<16xi32>
      %swap3A_1792 = vector.shape_cast %add3A_1788 : vector<16xi32> to vector<16xi32>
      tpu.vector_store %arg22[%swap3A_1789], %swap3A_1792 {strides = array<i32>} : memref<80xi32, #tpu.memory_space<vmem>>, vector<16xi32>,
      %get3A_1793 = arith.constant 16 : index
      %get3A_1794 = tpu.vector_load %arg16[%get3A_1793] {strides = array<i32>} : memref<80xi32, #tpu.memory_space<vmem>>, vector<16xi32>,
      %get3A_1795 = vector.shape_cast %get3A_1794 : vector<16xi32> to vector<16xi32>
      %add3A_1796 = arith.addi %get3A_1795, %get3A_1795 : vector<16xi32>
      %add3A_1797 = vector.broadcast %arg0 : i32 to vector<16xi32>
      %add3A_1798 = arith.addi %add3A_1796, %add3A_1797 : vector<16xi32>
      %swap3A_1799 = arith.constant 16 : index
      %swap3A_1800 = tpu.vector_load %arg22[%swap3A_1799] {strides = array<i32>} : memref<80xi32, #tpu.memory_space<vmem>>, vector<16xi32>,
      %swap3A_1801 = vector.shape_cast %swap3A_1800 : vector<16xi32> to vector<16xi32>
      %swap3A_1802 = vector.shape_cast %add3A_1798 : vector<16xi32> to vector<16xi32>
      tpu.vector_store %arg22[%swap3A_1799], %swap3A_1802 {strides = array<i32>} : memref<80xi32, #tpu.memory_space<vmem>>, vector<16xi32>,
      %get3A_1803 = arith.constant 32 : index
      %get3A_1804 = tpu.vector_load %arg16[%get3A_1803] {strides = array<i32>} : memref<80xi32, #tpu.memory_space<vmem>>, vector<16xi32>,
      %get3A_1805 = vector.shape_cast %get3A_1804 : vector<16xi32> to vector<16xi32>
      %add3A_1806 = arith.addi %get3A_1805, %get3A_1805 : vector<16xi32>
      %add3A_1807 = vector.broadcast %arg0 : i32 to vector<16xi32>
      %add3A_1808 = arith.addi %add3A_1806, %add3A_1807 : vector<16xi32>
      %swap3A_1809 = arith.constant 32 : index
      %swap3A_1810 = tpu.vector_load %arg22[%swap3A_1809] {strides = array<i32>} : memref<80xi32, #tpu.memory_space<vmem>>, vector<16xi32>,
      %swap3A_1811 = vector.shape_cast %swap3A_1810 : vector<16xi32> to vector<16xi32>
      %swap3A_1812 = vector.shape_cast %add3A_1808 : vector<16xi32> to vector<16xi32>
      tpu.vector_store %arg22[%swap3A_1809], %swap3A_1812 {strides = array<i32>} : memref<80xi32, #tpu.memory_space<vmem>>, vector<16xi32>,
      %get3A_1813 = arith.constant 48 : index
      %get3A_1814 = tpu.vector_load %arg16[%get3A_1813] {strides = array<i32>} : memref<80xi32, #tpu.memory_space<vmem>>, vector<16xi32>,
      %get3A_1815 = vector.shape_cast %get3A_1814 : vector<16xi32> to vector<16xi32>
      %add3A_1816 = arith.addi %get3A_1815, %get3A_1815 : vector<16xi32>
      %add3A_1817 = vector.broadcast %arg0 : i32 to vector<16xi32>
      %add3A_1818 = arith.addi %add3A_1816, %add3A_1817 : vector<16xi32>
      %swap3A_1819 = arith.constant 48 : index
      %swap3A_1820 = tpu.vector_load %arg22[%swap3A_1819] {strides = array<i32>} : memref<80xi32, #tpu.memory_space<vmem>>, vector<16xi32>,
      %swap3A_1821 = vector.shape_cast %swap3A_1820 : vector<16xi32> to vector<16xi32>
      %swap3A_1822 = vector.shape_cast %add3A_1818 : vector<16xi32> to vector<16xi32>
      tpu.vector_store %arg22[%swap3A_1819], %swap3A_1822 {strides = array<i32>} : memref<80xi32, #tpu.memory_space<vmem>>, vector<16xi32>,
      %get3A_1823 = arith.constant 64 : index
      %get3A_1824 = tpu.vector_load %arg16[%get3A_1823] {strides = array<i32>} : memref<80xi32, #tpu.memory_space<vmem>>, vector<16xi32>,
      %get3A_1825 = vector.shape_cast %get3A_1824 : vector<16xi32> to vector<16xi32>
      %add3A_1826 = arith.addi %get3A_1825, %get3A_1825 : vector<16xi32>
      %add3A_1827 = vector.broadcast %arg0 : i32 to vector<16xi32>
      %add3A_1828 = arith.addi %add3A_1826, %add3A_1827 : vector<16xi32>
      %swap3A_1829 = arith.constant 64 : index
      %swap3A_1830 = tpu.vector_load %arg22[%swap3A_1829] {strides = array<i32>} : memref<80xi32, #tpu.memory_space<vmem>>, vector<16xi32>,
      %swap3A_1831 = vector.shape_cast %swap3A_1830 : vector<16xi32> to vector<16xi32>
      %swap3A_1832 = vector.shape_cast %add3A_1828 : vector<16xi32> to vector<16xi32>
      tpu.vector_store %arg22[%swap3A_1829], %swap3A_1832 {strides = array<i32>} : memref<80xi32, #tpu.memory_space<vmem>>, vector<16xi32>,
      %dma_start3A_1833 = arith.constant 0 : i32
      %dma_start3A_1834 = arith.constant 0 : i32
      %dma_start3A_1835 = tpu.memref_slice %arg2[%dma_start3A_1833, %dma_start3A_1834] : memref<20000x128xf32, #tpu.memory_space<hbm>> -> memref<20000x128xf32, #tpu.memory_space<hbm>>
      tpu.enqueue_indirect_dma source(%dma_start3A_1835 : memref<20000x128xf32, #tpu.memory_space<hbm>>) target(%arg13 : memref<80x128xf32, #tpu.memory_space<vmem>>) offsets(%arg22 : memref<80xi32, #tpu.memory_space<vmem>>) semaphore(%arg34 : memref<!tpu.dma_semaphore, #tpu.memory_space<semaphore_mem>>)
      %dma_wait3A_1836 = arith.constant 0 : i32
      %dma_wait3A_1837 = arith.constant 0 : i32
      %dma_wait3A_1838 = tpu.memref_slice %arg2[%dma_wait3A_1836, %dma_wait3A_1837] : memref<20000x128xf32, #tpu.memory_space<hbm>> -> memref<20000x128xf32, #tpu.memory_space<hbm>>
      tpu.wait_indirect_dma semaphore(%arg32 : memref<!tpu.dma_semaphore, #tpu.memory_space<semaphore_mem>>) src(%dma_wait3A_1838 : memref<20000x128xf32, #tpu.memory_space<hbm>>) dst(%arg11 : memref<80x128xf32, #tpu.memory_space<vmem>>)
      %dma_start3A_1839 = arith.constant 0 : i32
      %dma_start3A_1840 = arith.constant 0 : i32
      %dma_start3A_1841 = tpu.memref_slice %arg8[%dma_start3A_1839, %dma_start3A_1840] : memref<10112x128xf32, #tpu.memory_space<vmem_shared>> -> memref<10112x128xf32, #tpu.memory_space<vmem_shared>>
      tpu.enqueue_indirect_dma source(%arg11 : memref<80x128xf32, #tpu.memory_space<vmem>>) target(%dma_start3A_1841 : memref<10112x128xf32, #tpu.memory_space<vmem_shared>>) offsets(%arg26 : memref<80xi32, #tpu.memory_space<vmem>>) semaphore(%arg35 : memref<!tpu.dma_semaphore, #tpu.memory_space<semaphore_mem>>) {add = true}
      %dma_start3A_1842 = arith.constant 0 : i32
      %dma_start3A_1843 = arith.constant 0 : i32
      %dma_start3A_1844 = tpu.memref_slice %arg9[%dma_start3A_1842, %dma_start3A_1843] : memref<10112x8xf32, #tpu.memory_space<vmem_shared>> -> memref<10112x8xf32, #tpu.memory_space<vmem_shared>>
      tpu.enqueue_indirect_dma source(%arg10 : memref<80x8xf32, #tpu.memory_space<vmem>>) target(%dma_start3A_1844 : memref<10112x8xf32, #tpu.memory_space<vmem_shared>>) offsets(%arg26 : memref<80xi32, #tpu.memory_space<vmem>>) semaphore(%arg38 : memref<!tpu.dma_semaphore, #tpu.memory_space<semaphore_mem>>) {add = true}
    }
    %scan3A_578 = arith.constant 19 : i32
    %dma_wait3A_579 = arith.constant 0 : i32
    %dma_wait3A_580 = arith.constant 0 : i32
    %dma_wait3A_581 = tpu.memref_slice %arg8[%dma_wait3A_579, %dma_wait3A_580] : memref<10112x128xf32, #tpu.memory_space<vmem_shared>> -> memref<10112x128xf32, #tpu.memory_space<vmem_shared>>
    tpu.wait_indirect_dma semaphore(%arg35 : memref<!tpu.dma_semaphore, #tpu.memory_space<semaphore_mem>>) src(%arg11 : memref<80x128xf32, #tpu.memory_space<vmem>>) dst(%dma_wait3A_581 : memref<10112x128xf32, #tpu.memory_space<vmem_shared>>)
    %dma_wait3A_582 = arith.constant 0 : i32
    %dma_wait3A_583 = arith.constant 0 : i32
    %dma_wait3A_584 = tpu.memref_slice %arg9[%dma_wait3A_582, %dma_wait3A_583] : memref<10112x8xf32, #tpu.memory_space<vmem_shared>> -> memref<10112x8xf32, #tpu.memory_space<vmem_shared>>
    tpu.wait_indirect_dma semaphore(%arg38 : memref<!tpu.dma_semaphore, #tpu.memory_space<semaphore_mem>>) src(%arg10 : memref<80x8xf32, #tpu.memory_space<vmem>>) dst(%dma_wait3A_584 : memref<10112x8xf32, #tpu.memory_space<vmem_shared>>)
    %add3A_585 = arith.constant 9600 : i32
    %add3A_586 = arith.addi %mul3A_185, %add3A_585 : i32
    %dma_start3A_587 = tpu.memref_slice %arg3[%add3A_586] : memref<160000xi32, #tpu.memory_space<hbm>> -> memref<80xi32, #tpu.memory_space<hbm>>
    %dma_start3A_588 = tpu.memref_slice %arg3[%add3A_586] : memref<160000xi32, #tpu.memory_space<hbm>> -> memref<80xi32, #tpu.memory_space<hbm>>
    tpu.enqueue_dma source(%dma_start3A_588 : memref<80xi32, #tpu.memory_space<hbm>>) target(%arg14 : memref<80xi32, #tpu.memory_space<vmem>>) target_semaphore(%arg41 : memref<!tpu.dma_semaphore, #tpu.memory_space<semaphore_mem>>)
    %add3A_589 = arith.constant 9600 : i32
    %add3A_590 = arith.addi %mul3A_185, %add3A_589 : i32
    %dma_start3A_591 = tpu.memref_slice %arg4[%add3A_590] : memref<160000xi32, #tpu.memory_space<hbm>> -> memref<80xi32, #tpu.memory_space<hbm>>
    %dma_start3A_592 = tpu.memref_slice %arg4[%add3A_590] : memref<160000xi32, #tpu.memory_space<hbm>> -> memref<80xi32, #tpu.memory_space<hbm>>
    tpu.enqueue_dma source(%dma_start3A_592 : memref<80xi32, #tpu.memory_space<hbm>>) target(%arg26 : memref<80xi32, #tpu.memory_space<vmem>>) target_semaphore(%arg41 : memref<!tpu.dma_semaphore, #tpu.memory_space<semaphore_mem>>)
    %dma_wait3A_593 = arith.constant 0 : i32
    %dma_wait3A_594 = tpu.memref_slice %arg3[%dma_wait3A_593] : memref<160000xi32, #tpu.memory_space<hbm>> -> memref<80xi32, #tpu.memory_space<hbm>>
    %dma_wait3A_595 = arith.constant 0 : i32
    %dma_wait3A_596 = tpu.memref_slice %arg3[%dma_wait3A_595] : memref<160000xi32, #tpu.memory_space<hbm>> -> memref<80xi32, #tpu.memory_space<hbm>>
    tpu.wait_dma2 semaphore(%arg44 : memref<!tpu.dma_semaphore, #tpu.memory_space<semaphore_mem>>) src(%dma_wait3A_596 : memref<80xi32, #tpu.memory_space<hbm>>) dst(%arg17 : memref<80xi32, #tpu.memory_space<vmem>>)
    %dma_wait3A_597 = arith.constant 0 : i32
    %dma_wait3A_598 = tpu.memref_slice %arg4[%dma_wait3A_597] : memref<160000xi32, #tpu.memory_space<hbm>> -> memref<80xi32, #tpu.memory_space<hbm>>
    %dma_wait3A_599 = arith.constant 0 : i32
    %dma_wait3A_600 = tpu.memref_slice %arg4[%dma_wait3A_599] : memref<160000xi32, #tpu.memory_space<hbm>> -> memref<80xi32, #tpu.memory_space<hbm>>
    tpu.wait_dma2 semaphore(%arg44 : memref<!tpu.dma_semaphore, #tpu.memory_space<semaphore_mem>>) src(%dma_wait3A_600 : memref<80xi32, #tpu.memory_space<hbm>>) dst(%arg29 : memref<80xi32, #tpu.memory_space<vmem>>)
    %get3A_601 = arith.constant 0 : index
    %get3A_602 = tpu.vector_load %arg17[%get3A_601] {strides = array<i32>} : memref<80xi32, #tpu.memory_space<vmem>>, vector<16xi32>,
    %get3A_603 = vector.shape_cast %get3A_602 : vector<16xi32> to vector<16xi32>
    %add3A_604 = arith.addi %get3A_603, %get3A_603 : vector<16xi32>
    %add3A_605 = vector.broadcast %arg0 : i32 to vector<16xi32>
    %add3A_606 = arith.addi %add3A_604, %add3A_605 : vector<16xi32>
    %swap3A_607 = arith.constant 0 : index
    %swap3A_608 = tpu.vector_load %arg23[%swap3A_607] {strides = array<i32>} : memref<80xi32, #tpu.memory_space<vmem>>, vector<16xi32>,
    %swap3A_609 = vector.shape_cast %swap3A_608 : vector<16xi32> to vector<16xi32>
    %swap3A_610 = vector.shape_cast %add3A_606 : vector<16xi32> to vector<16xi32>
    tpu.vector_store %arg23[%swap3A_607], %swap3A_610 {strides = array<i32>} : memref<80xi32, #tpu.memory_space<vmem>>, vector<16xi32>,
    %get3A_611 = arith.constant 16 : index
    %get3A_612 = tpu.vector_load %arg17[%get3A_611] {strides = array<i32>} : memref<80xi32, #tpu.memory_space<vmem>>, vector<16xi32>,
    %get3A_613 = vector.shape_cast %get3A_612 : vector<16xi32> to vector<16xi32>
    %add3A_614 = arith.addi %get3A_613, %get3A_613 : vector<16xi32>
    %add3A_615 = vector.broadcast %arg0 : i32 to vector<16xi32>
    %add3A_616 = arith.addi %add3A_614, %add3A_615 : vector<16xi32>
    %swap3A_617 = arith.constant 16 : index
    %swap3A_618 = tpu.vector_load %arg23[%swap3A_617] {strides = array<i32>} : memref<80xi32, #tpu.memory_space<vmem>>, vector<16xi32>,
    %swap3A_619 = vector.shape_cast %swap3A_618 : vector<16xi32> to vector<16xi32>
    %swap3A_620 = vector.shape_cast %add3A_616 : vector<16xi32> to vector<16xi32>
    tpu.vector_store %arg23[%swap3A_617], %swap3A_620 {strides = array<i32>} : memref<80xi32, #tpu.memory_space<vmem>>, vector<16xi32>,
    %get3A_621 = arith.constant 32 : index
    %get3A_622 = tpu.vector_load %arg17[%get3A_621] {strides = array<i32>} : memref<80xi32, #tpu.memory_space<vmem>>, vector<16xi32>,
    %get3A_623 = vector.shape_cast %get3A_622 : vector<16xi32> to vector<16xi32>
    %add3A_624 = arith.addi %get3A_623, %get3A_623 : vector<16xi32>
    %add3A_625 = vector.broadcast %arg0 : i32 to vector<16xi32>
    %add3A_626 = arith.addi %add3A_624, %add3A_625 : vector<16xi32>
    %swap3A_627 = arith.constant 32 : index
    %swap3A_628 = tpu.vector_load %arg23[%swap3A_627] {strides = array<i32>} : memref<80xi32, #tpu.memory_space<vmem>>, vector<16xi32>,
    %swap3A_629 = vector.shape_cast %swap3A_628 : vector<16xi32> to vector<16xi32>
    %swap3A_630 = vector.shape_cast %add3A_626 : vector<16xi32> to vector<16xi32>
    tpu.vector_store %arg23[%swap3A_627], %swap3A_630 {strides = array<i32>} : memref<80xi32, #tpu.memory_space<vmem>>, vector<16xi32>,
    %get3A_631 = arith.constant 48 : index
    %get3A_632 = tpu.vector_load %arg17[%get3A_631] {strides = array<i32>} : memref<80xi32, #tpu.memory_space<vmem>>, vector<16xi32>,
    %get3A_633 = vector.shape_cast %get3A_632 : vector<16xi32> to vector<16xi32>
    %add3A_634 = arith.addi %get3A_633, %get3A_633 : vector<16xi32>
    %add3A_635 = vector.broadcast %arg0 : i32 to vector<16xi32>
    %add3A_636 = arith.addi %add3A_634, %add3A_635 : vector<16xi32>
    %swap3A_637 = arith.constant 48 : index
    %swap3A_638 = tpu.vector_load %arg23[%swap3A_637] {strides = array<i32>} : memref<80xi32, #tpu.memory_space<vmem>>, vector<16xi32>,
    %swap3A_639 = vector.shape_cast %swap3A_638 : vector<16xi32> to vector<16xi32>
    %swap3A_640 = vector.shape_cast %add3A_636 : vector<16xi32> to vector<16xi32>
    tpu.vector_store %arg23[%swap3A_637], %swap3A_640 {strides = array<i32>} : memref<80xi32, #tpu.memory_space<vmem>>, vector<16xi32>,
    %get3A_641 = arith.constant 64 : index
    %get3A_642 = tpu.vector_load %arg17[%get3A_641] {strides = array<i32>} : memref<80xi32, #tpu.memory_space<vmem>>, vector<16xi32>,
    %get3A_643 = vector.shape_cast %get3A_642 : vector<16xi32> to vector<16xi32>
    %add3A_644 = arith.addi %get3A_643, %get3A_643 : vector<16xi32>
    %add3A_645 = vector.broadcast %arg0 : i32 to vector<16xi32>
    %add3A_646 = arith.addi %add3A_644, %add3A_645 : vector<16xi32>
    %swap3A_647 = arith.constant 64 : index
    %swap3A_648 = tpu.vector_load %arg23[%swap3A_647] {strides = array<i32>} : memref<80xi32, #tpu.memory_space<vmem>>, vector<16xi32>,
    %swap3A_649 = vector.shape_cast %swap3A_648 : vector<16xi32> to vector<16xi32>
    %swap3A_650 = vector.shape_cast %add3A_646 : vector<16xi32> to vector<16xi32>
    tpu.vector_store %arg23[%swap3A_647], %swap3A_650 {strides = array<i32>} : memref<80xi32, #tpu.memory_space<vmem>>, vector<16xi32>,
    %dma_start3A_651 = arith.constant 0 : i32
    %dma_start3A_652 = arith.constant 0 : i32
    %dma_start3A_653 = tpu.memref_slice %arg2[%dma_start3A_651, %dma_start3A_652] : memref<20000x128xf32, #tpu.memory_space<hbm>> -> memref<20000x128xf32, #tpu.memory_space<hbm>>
    tpu.enqueue_indirect_dma source(%dma_start3A_653 : memref<20000x128xf32, #tpu.memory_space<hbm>>) target(%arg11 : memref<80x128xf32, #tpu.memory_space<vmem>>) offsets(%arg23 : memref<80xi32, #tpu.memory_space<vmem>>) semaphore(%arg32 : memref<!tpu.dma_semaphore, #tpu.memory_space<semaphore_mem>>)
    %dma_wait3A_654 = arith.constant 0 : i32
    %dma_wait3A_655 = arith.constant 0 : i32
    %dma_wait3A_656 = tpu.memref_slice %arg2[%dma_wait3A_654, %dma_wait3A_655] : memref<20000x128xf32, #tpu.memory_space<hbm>> -> memref<20000x128xf32, #tpu.memory_space<hbm>>
    tpu.wait_indirect_dma semaphore(%arg33 : memref<!tpu.dma_semaphore, #tpu.memory_space<semaphore_mem>>) src(%dma_wait3A_656 : memref<20000x128xf32, #tpu.memory_space<hbm>>) dst(%arg12 : memref<80x128xf32, #tpu.memory_space<vmem>>)
    %dma_start3A_657 = arith.constant 0 : i32
    %dma_start3A_658 = arith.constant 0 : i32
    %dma_start3A_659 = tpu.memref_slice %arg8[%dma_start3A_657, %dma_start3A_658] : memref<10112x128xf32, #tpu.memory_space<vmem_shared>> -> memref<10112x128xf32, #tpu.memory_space<vmem_shared>>
    tpu.enqueue_indirect_dma source(%arg12 : memref<80x128xf32, #tpu.memory_space<vmem>>) target(%dma_start3A_659 : memref<10112x128xf32, #tpu.memory_space<vmem_shared>>) offsets(%arg27 : memref<80xi32, #tpu.memory_space<vmem>>) semaphore(%arg36 : memref<!tpu.dma_semaphore, #tpu.memory_space<semaphore_mem>>) {add = true}
    %dma_start3A_660 = arith.constant 0 : i32
    %dma_start3A_661 = arith.constant 0 : i32
    %dma_start3A_662 = tpu.memref_slice %arg9[%dma_start3A_660, %dma_start3A_661] : memref<10112x8xf32, #tpu.memory_space<vmem_shared>> -> memref<10112x8xf32, #tpu.memory_space<vmem_shared>>
    tpu.enqueue_indirect_dma source(%arg10 : memref<80x8xf32, #tpu.memory_space<vmem>>) target(%dma_start3A_662 : memref<10112x8xf32, #tpu.memory_space<vmem_shared>>) offsets(%arg27 : memref<80xi32, #tpu.memory_space<vmem>>) semaphore(%arg39 : memref<!tpu.dma_semaphore, #tpu.memory_space<semaphore_mem>>) {add = true}
    %dma_wait3A_663 = arith.constant 0 : i32
    %dma_wait3A_664 = arith.constant 0 : i32
    %dma_wait3A_665 = tpu.memref_slice %arg8[%dma_wait3A_663, %dma_wait3A_664] : memref<10112x128xf32, #tpu.memory_space<vmem_shared>> -> memref<10112x128xf32, #tpu.memory_space<vmem_shared>>
    tpu.wait_indirect_dma semaphore(%arg36 : memref<!tpu.dma_semaphore, #tpu.memory_space<semaphore_mem>>) src(%arg12 : memref<80x128xf32, #tpu.memory_space<vmem>>) dst(%dma_wait3A_665 : memref<10112x128xf32, #tpu.memory_space<vmem_shared>>)
    %dma_wait3A_666 = arith.constant 0 : i32
    %dma_wait3A_667 = arith.constant 0 : i32
    %dma_wait3A_668 = tpu.memref_slice %arg9[%dma_wait3A_666, %dma_wait3A_667] : memref<10112x8xf32, #tpu.memory_space<vmem_shared>> -> memref<10112x8xf32, #tpu.memory_space<vmem_shared>>
    tpu.wait_indirect_dma semaphore(%arg39 : memref<!tpu.dma_semaphore, #tpu.memory_space<semaphore_mem>>) src(%arg10 : memref<80x8xf32, #tpu.memory_space<vmem>>) dst(%dma_wait3A_668 : memref<10112x8xf32, #tpu.memory_space<vmem_shared>>)
    %add3A_669 = arith.constant 9680 : i32
    %add3A_670 = arith.addi %mul3A_185, %add3A_669 : i32
    %dma_start3A_671 = tpu.memref_slice %arg3[%add3A_670] : memref<160000xi32, #tpu.memory_space<hbm>> -> memref<80xi32, #tpu.memory_space<hbm>>
    %dma_start3A_672 = tpu.memref_slice %arg3[%add3A_670] : memref<160000xi32, #tpu.memory_space<hbm>> -> memref<80xi32, #tpu.memory_space<hbm>>
    tpu.enqueue_dma source(%dma_start3A_672 : memref<80xi32, #tpu.memory_space<hbm>>) target(%arg15 : memref<80xi32, #tpu.memory_space<vmem>>) target_semaphore(%arg42 : memref<!tpu.dma_semaphore, #tpu.memory_space<semaphore_mem>>)
    %add3A_673 = arith.constant 9680 : i32
    %add3A_674 = arith.addi %mul3A_185, %add3A_673 : i32
    %dma_start3A_675 = tpu.memref_slice %arg4[%add3A_674] : memref<160000xi32, #tpu.memory_space<hbm>> -> memref<80xi32, #tpu.memory_space<hbm>>
    %dma_start3A_676 = tpu.memref_slice %arg4[%add3A_674] : memref<160000xi32, #tpu.memory_space<hbm>> -> memref<80xi32, #tpu.memory_space<hbm>>
    tpu.enqueue_dma source(%dma_start3A_676 : memref<80xi32, #tpu.memory_space<hbm>>) target(%arg27 : memref<80xi32, #tpu.memory_space<vmem>>) target_semaphore(%arg42 : memref<!tpu.dma_semaphore, #tpu.memory_space<semaphore_mem>>)
    %dma_wait3A_677 = arith.constant 0 : i32
    %dma_wait3A_678 = tpu.memref_slice %arg3[%dma_wait3A_677] : memref<160000xi32, #tpu.memory_space<hbm>> -> memref<80xi32, #tpu.memory_space<hbm>>
    %dma_wait3A_679 = arith.constant 0 : i32
    %dma_wait3A_680 = tpu.memref_slice %arg3[%dma_wait3A_679] : memref<160000xi32, #tpu.memory_space<hbm>> -> memref<80xi32, #tpu.memory_space<hbm>>
    tpu.wait_dma2 semaphore(%arg45 : memref<!tpu.dma_semaphore, #tpu.memory_space<semaphore_mem>>) src(%dma_wait3A_680 : memref<80xi32, #tpu.memory_space<hbm>>) dst(%arg18 : memref<80xi32, #tpu.memory_space<vmem>>)
    %dma_wait3A_681 = arith.constant 0 : i32
    %dma_wait3A_682 = tpu.memref_slice %arg4[%dma_wait3A_681] : memref<160000xi32, #tpu.memory_space<hbm>> -> memref<80xi32, #tpu.memory_space<hbm>>
    %dma_wait3A_683 = arith.constant 0 : i32
    %dma_wait3A_684 = tpu.memref_slice %arg4[%dma_wait3A_683] : memref<160000xi32, #tpu.memory_space<hbm>> -> memref<80xi32, #tpu.memory_space<hbm>>
    tpu.wait_dma2 semaphore(%arg45 : memref<!tpu.dma_semaphore, #tpu.memory_space<semaphore_mem>>) src(%dma_wait3A_684 : memref<80xi32, #tpu.memory_space<hbm>>) dst(%arg30 : memref<80xi32, #tpu.memory_space<vmem>>)
    %get3A_685 = arith.constant 0 : index
    %get3A_686 = tpu.vector_load %arg18[%get3A_685] {strides = array<i32>} : memref<80xi32, #tpu.memory_space<vmem>>, vector<16xi32>,
    %get3A_687 = vector.shape_cast %get3A_686 : vector<16xi32> to vector<16xi32>
    %add3A_688 = arith.addi %get3A_687, %get3A_687 : vector<16xi32>
    %add3A_689 = vector.broadcast %arg0 : i32 to vector<16xi32>
    %add3A_690 = arith.addi %add3A_688, %add3A_689 : vector<16xi32>
    %swap3A_691 = arith.constant 0 : index
    %swap3A_692 = tpu.vector_load %arg24[%swap3A_691] {strides = array<i32>} : memref<80xi32, #tpu.memory_space<vmem>>, vector<16xi32>,
    %swap3A_693 = vector.shape_cast %swap3A_692 : vector<16xi32> to vector<16xi32>
    %swap3A_694 = vector.shape_cast %add3A_690 : vector<16xi32> to vector<16xi32>
    tpu.vector_store %arg24[%swap3A_691], %swap3A_694 {strides = array<i32>} : memref<80xi32, #tpu.memory_space<vmem>>, vector<16xi32>,
    %get3A_695 = arith.constant 16 : index
    %get3A_696 = tpu.vector_load %arg18[%get3A_695] {strides = array<i32>} : memref<80xi32, #tpu.memory_space<vmem>>, vector<16xi32>,
    %get3A_697 = vector.shape_cast %get3A_696 : vector<16xi32> to vector<16xi32>
    %add3A_698 = arith.addi %get3A_697, %get3A_697 : vector<16xi32>
    %add3A_699 = vector.broadcast %arg0 : i32 to vector<16xi32>
    %add3A_700 = arith.addi %add3A_698, %add3A_699 : vector<16xi32>
    %swap3A_701 = arith.constant 16 : index
    %swap3A_702 = tpu.vector_load %arg24[%swap3A_701] {strides = array<i32>} : memref<80xi32, #tpu.memory_space<vmem>>, vector<16xi32>,
    %swap3A_703 = vector.shape_cast %swap3A_702 : vector<16xi32> to vector<16xi32>
    %swap3A_704 = vector.shape_cast %add3A_700 : vector<16xi32> to vector<16xi32>
    tpu.vector_store %arg24[%swap3A_701], %swap3A_704 {strides = array<i32>} : memref<80xi32, #tpu.memory_space<vmem>>, vector<16xi32>,
    %get3A_705 = arith.constant 32 : index
    %get3A_706 = tpu.vector_load %arg18[%get3A_705] {strides = array<i32>} : memref<80xi32, #tpu.memory_space<vmem>>, vector<16xi32>,
    %get3A_707 = vector.shape_cast %get3A_706 : vector<16xi32> to vector<16xi32>
    %add3A_708 = arith.addi %get3A_707, %get3A_707 : vector<16xi32>
    %add3A_709 = vector.broadcast %arg0 : i32 to vector<16xi32>
    %add3A_710 = arith.addi %add3A_708, %add3A_709 : vector<16xi32>
    %swap3A_711 = arith.constant 32 : index
    %swap3A_712 = tpu.vector_load %arg24[%swap3A_711] {strides = array<i32>} : memref<80xi32, #tpu.memory_space<vmem>>, vector<16xi32>,
    %swap3A_713 = vector.shape_cast %swap3A_712 : vector<16xi32> to vector<16xi32>
    %swap3A_714 = vector.shape_cast %add3A_710 : vector<16xi32> to vector<16xi32>
    tpu.vector_store %arg24[%swap3A_711], %swap3A_714 {strides = array<i32>} : memref<80xi32, #tpu.memory_space<vmem>>, vector<16xi32>,
    %get3A_715 = arith.constant 48 : index
    %get3A_716 = tpu.vector_load %arg18[%get3A_715] {strides = array<i32>} : memref<80xi32, #tpu.memory_space<vmem>>, vector<16xi32>,
    %get3A_717 = vector.shape_cast %get3A_716 : vector<16xi32> to vector<16xi32>
    %add3A_718 = arith.addi %get3A_717, %get3A_717 : vector<16xi32>
    %add3A_719 = vector.broadcast %arg0 : i32 to vector<16xi32>
    %add3A_720 = arith.addi %add3A_718, %add3A_719 : vector<16xi32>
    %swap3A_721 = arith.constant 48 : index
    %swap3A_722 = tpu.vector_load %arg24[%swap3A_721] {strides = array<i32>} : memref<80xi32, #tpu.memory_space<vmem>>, vector<16xi32>,
    %swap3A_723 = vector.shape_cast %swap3A_722 : vector<16xi32> to vector<16xi32>
    %swap3A_724 = vector.shape_cast %add3A_720 : vector<16xi32> to vector<16xi32>
    tpu.vector_store %arg24[%swap3A_721], %swap3A_724 {strides = array<i32>} : memref<80xi32, #tpu.memory_space<vmem>>, vector<16xi32>,
    %get3A_725 = arith.constant 64 : index
    %get3A_726 = tpu.vector_load %arg18[%get3A_725] {strides = array<i32>} : memref<80xi32, #tpu.memory_space<vmem>>, vector<16xi32>,
    %get3A_727 = vector.shape_cast %get3A_726 : vector<16xi32> to vector<16xi32>
    %add3A_728 = arith.addi %get3A_727, %get3A_727 : vector<16xi32>
    %add3A_729 = vector.broadcast %arg0 : i32 to vector<16xi32>
    %add3A_730 = arith.addi %add3A_728, %add3A_729 : vector<16xi32>
    %swap3A_731 = arith.constant 64 : index
    %swap3A_732 = tpu.vector_load %arg24[%swap3A_731] {strides = array<i32>} : memref<80xi32, #tpu.memory_space<vmem>>, vector<16xi32>,
    %swap3A_733 = vector.shape_cast %swap3A_732 : vector<16xi32> to vector<16xi32>
    %swap3A_734 = vector.shape_cast %add3A_730 : vector<16xi32> to vector<16xi32>
    tpu.vector_store %arg24[%swap3A_731], %swap3A_734 {strides = array<i32>} : memref<80xi32, #tpu.memory_space<vmem>>, vector<16xi32>,
    %dma_start3A_735 = arith.constant 0 : i32
    %dma_start3A_736 = arith.constant 0 : i32
    %dma_start3A_737 = tpu.memref_slice %arg2[%dma_start3A_735, %dma_start3A_736] : memref<20000x128xf32, #tpu.memory_space<hbm>> -> memref<20000x128xf32, #tpu.memory_space<hbm>>
    tpu.enqueue_indirect_dma source(%dma_start3A_737 : memref<20000x128xf32, #tpu.memory_space<hbm>>) target(%arg12 : memref<80x128xf32, #tpu.memory_space<vmem>>) offsets(%arg24 : memref<80xi32, #tpu.memory_space<vmem>>) semaphore(%arg33 : memref<!tpu.dma_semaphore, #tpu.memory_space<semaphore_mem>>)
    %dma_wait3A_738 = arith.constant 0 : i32
    %dma_wait3A_739 = arith.constant 0 : i32
    %dma_wait3A_740 = tpu.memref_slice %arg2[%dma_wait3A_738, %dma_wait3A_739] : memref<20000x128xf32, #tpu.memory_space<hbm>> -> memref<20000x128xf32, #tpu.memory_space<hbm>>
    tpu.wait_indirect_dma semaphore(%arg34 : memref<!tpu.dma_semaphore, #tpu.memory_space<semaphore_mem>>) src(%dma_wait3A_740 : memref<20000x128xf32, #tpu.memory_space<hbm>>) dst(%arg13 : memref<80x128xf32, #tpu.memory_space<vmem>>)
    %dma_start3A_741 = arith.constant 0 : i32
    %dma_start3A_742 = arith.constant 0 : i32
    %dma_start3A_743 = tpu.memref_slice %arg8[%dma_start3A_741, %dma_start3A_742] : memref<10112x128xf32, #tpu.memory_space<vmem_shared>> -> memref<10112x128xf32, #tpu.memory_space<vmem_shared>>
    tpu.enqueue_indirect_dma source(%arg13 : memref<80x128xf32, #tpu.memory_space<vmem>>) target(%dma_start3A_743 : memref<10112x128xf32, #tpu.memory_space<vmem_shared>>) offsets(%arg28 : memref<80xi32, #tpu.memory_space<vmem>>) semaphore(%arg37 : memref<!tpu.dma_semaphore, #tpu.memory_space<semaphore_mem>>) {add = true}
    %dma_start3A_744 = arith.constant 0 : i32
    %dma_start3A_745 = arith.constant 0 : i32
    %dma_start3A_746 = tpu.memref_slice %arg9[%dma_start3A_744, %dma_start3A_745] : memref<10112x8xf32, #tpu.memory_space<vmem_shared>> -> memref<10112x8xf32, #tpu.memory_space<vmem_shared>>
    tpu.enqueue_indirect_dma source(%arg10 : memref<80x8xf32, #tpu.memory_space<vmem>>) target(%dma_start3A_746 : memref<10112x8xf32, #tpu.memory_space<vmem_shared>>) offsets(%arg28 : memref<80xi32, #tpu.memory_space<vmem>>) semaphore(%arg40 : memref<!tpu.dma_semaphore, #tpu.memory_space<semaphore_mem>>) {add = true}
    %dma_wait3A_747 = arith.constant 0 : i32
    %dma_wait3A_748 = arith.constant 0 : i32
    %dma_wait3A_749 = tpu.memref_slice %arg8[%dma_wait3A_747, %dma_wait3A_748] : memref<10112x128xf32, #tpu.memory_space<vmem_shared>> -> memref<10112x128xf32, #tpu.memory_space<vmem_shared>>
    tpu.wait_indirect_dma semaphore(%arg37 : memref<!tpu.dma_semaphore, #tpu.memory_space<semaphore_mem>>) src(%arg13 : memref<80x128xf32, #tpu.memory_space<vmem>>) dst(%dma_wait3A_749 : memref<10112x128xf32, #tpu.memory_space<vmem_shared>>)
    %dma_wait3A_750 = arith.constant 0 : i32
    %dma_wait3A_751 = arith.constant 0 : i32
    %dma_wait3A_752 = tpu.memref_slice %arg9[%dma_wait3A_750, %dma_wait3A_751] : memref<10112x8xf32, #tpu.memory_space<vmem_shared>> -> memref<10112x8xf32, #tpu.memory_space<vmem_shared>>
    tpu.wait_indirect_dma semaphore(%arg40 : memref<!tpu.dma_semaphore, #tpu.memory_space<semaphore_mem>>) src(%arg10 : memref<80x8xf32, #tpu.memory_space<vmem>>) dst(%dma_wait3A_752 : memref<10112x8xf32, #tpu.memory_space<vmem_shared>>)
    %add3A_753 = arith.constant 9760 : i32
    %add3A_754 = arith.addi %mul3A_185, %add3A_753 : i32
    %dma_start3A_755 = tpu.memref_slice %arg3[%add3A_754] : memref<160000xi32, #tpu.memory_space<hbm>> -> memref<80xi32, #tpu.memory_space<hbm>>
    %dma_start3A_756 = tpu.memref_slice %arg3[%add3A_754] : memref<160000xi32, #tpu.memory_space<hbm>> -> memref<80xi32, #tpu.memory_space<hbm>>
    tpu.enqueue_dma source(%dma_start3A_756 : memref<80xi32, #tpu.memory_space<hbm>>) target(%arg16 : memref<80xi32, #tpu.memory_space<vmem>>) target_semaphore(%arg43 : memref<!tpu.dma_semaphore, #tpu.memory_space<semaphore_mem>>)
    %add3A_757 = arith.constant 9760 : i32
    %add3A_758 = arith.addi %mul3A_185, %add3A_757 : i32
    %dma_start3A_759 = tpu.memref_slice %arg4[%add3A_758] : memref<160000xi32, #tpu.memory_space<hbm>> -> memref<80xi32, #tpu.memory_space<hbm>>
    %dma_start3A_760 = tpu.memref_slice %arg4[%add3A_758] : memref<160000xi32, #tpu.memory_space<hbm>> -> memref<80xi32, #tpu.memory_space<hbm>>
    tpu.enqueue_dma source(%dma_start3A_760 : memref<80xi32, #tpu.memory_space<hbm>>) target(%arg28 : memref<80xi32, #tpu.memory_space<vmem>>) target_semaphore(%arg43 : memref<!tpu.dma_semaphore, #tpu.memory_space<semaphore_mem>>)
    %dma_wait3A_761 = arith.constant 0 : i32
    %dma_wait3A_762 = tpu.memref_slice %arg3[%dma_wait3A_761] : memref<160000xi32, #tpu.memory_space<hbm>> -> memref<80xi32, #tpu.memory_space<hbm>>
    %dma_wait3A_763 = arith.constant 0 : i32
    %dma_wait3A_764 = tpu.memref_slice %arg3[%dma_wait3A_763] : memref<160000xi32, #tpu.memory_space<hbm>> -> memref<80xi32, #tpu.memory_space<hbm>>
    tpu.wait_dma2 semaphore(%arg46 : memref<!tpu.dma_semaphore, #tpu.memory_space<semaphore_mem>>) src(%dma_wait3A_764 : memref<80xi32, #tpu.memory_space<hbm>>) dst(%arg19 : memref<80xi32, #tpu.memory_space<vmem>>)
    %dma_wait3A_765 = arith.constant 0 : i32
    %dma_wait3A_766 = tpu.memref_slice %arg4[%dma_wait3A_765] : memref<160000xi32, #tpu.memory_space<hbm>> -> memref<80xi32, #tpu.memory_space<hbm>>
    %dma_wait3A_767 = arith.constant 0 : i32
    %dma_wait3A_768 = tpu.memref_slice %arg4[%dma_wait3A_767] : memref<160000xi32, #tpu.memory_space<hbm>> -> memref<80xi32, #tpu.memory_space<hbm>>
    tpu.wait_dma2 semaphore(%arg46 : memref<!tpu.dma_semaphore, #tpu.memory_space<semaphore_mem>>) src(%dma_wait3A_768 : memref<80xi32, #tpu.memory_space<hbm>>) dst(%arg31 : memref<80xi32, #tpu.memory_space<vmem>>)
    %get3A_769 = arith.constant 0 : index
    %get3A_770 = tpu.vector_load %arg19[%get3A_769] {strides = array<i32>} : memref<80xi32, #tpu.memory_space<vmem>>, vector<16xi32>,
    %get3A_771 = vector.shape_cast %get3A_770 : vector<16xi32> to vector<16xi32>
    %add3A_772 = arith.addi %get3A_771, %get3A_771 : vector<16xi32>
    %add3A_773 = vector.broadcast %arg0 : i32 to vector<16xi32>
    %add3A_774 = arith.addi %add3A_772, %add3A_773 : vector<16xi32>
    %swap3A_775 = arith.constant 0 : index
    %swap3A_776 = tpu.vector_load %arg25[%swap3A_775] {strides = array<i32>} : memref<80xi32, #tpu.memory_space<vmem>>, vector<16xi32>,
    %swap3A_777 = vector.shape_cast %swap3A_776 : vector<16xi32> to vector<16xi32>
    %swap3A_778 = vector.shape_cast %add3A_774 : vector<16xi32> to vector<16xi32>
    tpu.vector_store %arg25[%swap3A_775], %swap3A_778 {strides = array<i32>} : memref<80xi32, #tpu.memory_space<vmem>>, vector<16xi32>,
    %get3A_779 = arith.constant 16 : index
    %get3A_780 = tpu.vector_load %arg19[%get3A_779] {strides = array<i32>} : memref<80xi32, #tpu.memory_space<vmem>>, vector<16xi32>,
    %get3A_781 = vector.shape_cast %get3A_780 : vector<16xi32> to vector<16xi32>
    %add3A_782 = arith.addi %get3A_781, %get3A_781 : vector<16xi32>
    %add3A_783 = vector.broadcast %arg0 : i32 to vector<16xi32>
    %add3A_784 = arith.addi %add3A_782, %add3A_783 : vector<16xi32>
    %swap3A_785 = arith.constant 16 : index
    %swap3A_786 = tpu.vector_load %arg25[%swap3A_785] {strides = array<i32>} : memref<80xi32, #tpu.memory_space<vmem>>, vector<16xi32>,
    %swap3A_787 = vector.shape_cast %swap3A_786 : vector<16xi32> to vector<16xi32>
    %swap3A_788 = vector.shape_cast %add3A_784 : vector<16xi32> to vector<16xi32>
    tpu.vector_store %arg25[%swap3A_785], %swap3A_788 {strides = array<i32>} : memref<80xi32, #tpu.memory_space<vmem>>, vector<16xi32>,
    %get3A_789 = arith.constant 32 : index
    %get3A_790 = tpu.vector_load %arg19[%get3A_789] {strides = array<i32>} : memref<80xi32, #tpu.memory_space<vmem>>, vector<16xi32>,
    %get3A_791 = vector.shape_cast %get3A_790 : vector<16xi32> to vector<16xi32>
    %add3A_792 = arith.addi %get3A_791, %get3A_791 : vector<16xi32>
    %add3A_793 = vector.broadcast %arg0 : i32 to vector<16xi32>
    %add3A_794 = arith.addi %add3A_792, %add3A_793 : vector<16xi32>
    %swap3A_795 = arith.constant 32 : index
    %swap3A_796 = tpu.vector_load %arg25[%swap3A_795] {strides = array<i32>} : memref<80xi32, #tpu.memory_space<vmem>>, vector<16xi32>,
    %swap3A_797 = vector.shape_cast %swap3A_796 : vector<16xi32> to vector<16xi32>
    %swap3A_798 = vector.shape_cast %add3A_794 : vector<16xi32> to vector<16xi32>
    tpu.vector_store %arg25[%swap3A_795], %swap3A_798 {strides = array<i32>} : memref<80xi32, #tpu.memory_space<vmem>>, vector<16xi32>,
    %get3A_799 = arith.constant 48 : index
    %get3A_800 = tpu.vector_load %arg19[%get3A_799] {strides = array<i32>} : memref<80xi32, #tpu.memory_space<vmem>>, vector<16xi32>,
    %get3A_801 = vector.shape_cast %get3A_800 : vector<16xi32> to vector<16xi32>
    %add3A_802 = arith.addi %get3A_801, %get3A_801 : vector<16xi32>
    %add3A_803 = vector.broadcast %arg0 : i32 to vector<16xi32>
    %add3A_804 = arith.addi %add3A_802, %add3A_803 : vector<16xi32>
    %swap3A_805 = arith.constant 48 : index
    %swap3A_806 = tpu.vector_load %arg25[%swap3A_805] {strides = array<i32>} : memref<80xi32, #tpu.memory_space<vmem>>, vector<16xi32>,
    %swap3A_807 = vector.shape_cast %swap3A_806 : vector<16xi32> to vector<16xi32>
    %swap3A_808 = vector.shape_cast %add3A_804 : vector<16xi32> to vector<16xi32>
    tpu.vector_store %arg25[%swap3A_805], %swap3A_808 {strides = array<i32>} : memref<80xi32, #tpu.memory_space<vmem>>, vector<16xi32>,
    %get3A_809 = arith.constant 64 : index
    %get3A_810 = tpu.vector_load %arg19[%get3A_809] {strides = array<i32>} : memref<80xi32, #tpu.memory_space<vmem>>, vector<16xi32>,
    %get3A_811 = vector.shape_cast %get3A_810 : vector<16xi32> to vector<16xi32>
    %add3A_812 = arith.addi %get3A_811, %get3A_811 : vector<16xi32>
    %add3A_813 = vector.broadcast %arg0 : i32 to vector<16xi32>
    %add3A_814 = arith.addi %add3A_812, %add3A_813 : vector<16xi32>
    %swap3A_815 = arith.constant 64 : index
    %swap3A_816 = tpu.vector_load %arg25[%swap3A_815] {strides = array<i32>} : memref<80xi32, #tpu.memory_space<vmem>>, vector<16xi32>,
    %swap3A_817 = vector.shape_cast %swap3A_816 : vector<16xi32> to vector<16xi32>
    %swap3A_818 = vector.shape_cast %add3A_814 : vector<16xi32> to vector<16xi32>
    tpu.vector_store %arg25[%swap3A_815], %swap3A_818 {strides = array<i32>} : memref<80xi32, #tpu.memory_space<vmem>>, vector<16xi32>,
    %dma_start3A_819 = arith.constant 0 : i32
    %dma_start3A_820 = arith.constant 0 : i32
    %dma_start3A_821 = tpu.memref_slice %arg2[%dma_start3A_819, %dma_start3A_820] : memref<20000x128xf32, #tpu.memory_space<hbm>> -> memref<20000x128xf32, #tpu.memory_space<hbm>>
    tpu.enqueue_indirect_dma source(%dma_start3A_821 : memref<20000x128xf32, #tpu.memory_space<hbm>>) target(%arg13 : memref<80x128xf32, #tpu.memory_space<vmem>>) offsets(%arg25 : memref<80xi32, #tpu.memory_space<vmem>>) semaphore(%arg34 : memref<!tpu.dma_semaphore, #tpu.memory_space<semaphore_mem>>)
    %dma_wait3A_822 = arith.constant 0 : i32
    %dma_wait3A_823 = arith.constant 0 : i32
    %dma_wait3A_824 = tpu.memref_slice %arg2[%dma_wait3A_822, %dma_wait3A_823] : memref<20000x128xf32, #tpu.memory_space<hbm>> -> memref<20000x128xf32, #tpu.memory_space<hbm>>
    tpu.wait_indirect_dma semaphore(%arg32 : memref<!tpu.dma_semaphore, #tpu.memory_space<semaphore_mem>>) src(%dma_wait3A_824 : memref<20000x128xf32, #tpu.memory_space<hbm>>) dst(%arg11 : memref<80x128xf32, #tpu.memory_space<vmem>>)
    %dma_start3A_825 = arith.constant 0 : i32
    %dma_start3A_826 = arith.constant 0 : i32
    %dma_start3A_827 = tpu.memref_slice %arg8[%dma_start3A_825, %dma_start3A_826] : memref<10112x128xf32, #tpu.memory_space<vmem_shared>> -> memref<10112x128xf32, #tpu.memory_space<vmem_shared>>
    tpu.enqueue_indirect_dma source(%arg11 : memref<80x128xf32, #tpu.memory_space<vmem>>) target(%dma_start3A_827 : memref<10112x128xf32, #tpu.memory_space<vmem_shared>>) offsets(%arg29 : memref<80xi32, #tpu.memory_space<vmem>>) semaphore(%arg35 : memref<!tpu.dma_semaphore, #tpu.memory_space<semaphore_mem>>) {add = true}
    %dma_start3A_828 = arith.constant 0 : i32
    %dma_start3A_829 = arith.constant 0 : i32
    %dma_start3A_830 = tpu.memref_slice %arg9[%dma_start3A_828, %dma_start3A_829] : memref<10112x8xf32, #tpu.memory_space<vmem_shared>> -> memref<10112x8xf32, #tpu.memory_space<vmem_shared>>
    tpu.enqueue_indirect_dma source(%arg10 : memref<80x8xf32, #tpu.memory_space<vmem>>) target(%dma_start3A_830 : memref<10112x8xf32, #tpu.memory_space<vmem_shared>>) offsets(%arg29 : memref<80xi32, #tpu.memory_space<vmem>>) semaphore(%arg38 : memref<!tpu.dma_semaphore, #tpu.memory_space<semaphore_mem>>) {add = true}
    %dma_wait3A_831 = arith.constant 0 : i32
    %dma_wait3A_832 = arith.constant 0 : i32
    %dma_wait3A_833 = tpu.memref_slice %arg8[%dma_wait3A_831, %dma_wait3A_832] : memref<10112x128xf32, #tpu.memory_space<vmem_shared>> -> memref<10112x128xf32, #tpu.memory_space<vmem_shared>>
    tpu.wait_indirect_dma semaphore(%arg35 : memref<!tpu.dma_semaphore, #tpu.memory_space<semaphore_mem>>) src(%arg11 : memref<80x128xf32, #tpu.memory_space<vmem>>) dst(%dma_wait3A_833 : memref<10112x128xf32, #tpu.memory_space<vmem_shared>>)
    %dma_wait3A_834 = arith.constant 0 : i32
    %dma_wait3A_835 = arith.constant 0 : i32
    %dma_wait3A_836 = tpu.memref_slice %arg9[%dma_wait3A_834, %dma_wait3A_835] : memref<10112x8xf32, #tpu.memory_space<vmem_shared>> -> memref<10112x8xf32, #tpu.memory_space<vmem_shared>>
    tpu.wait_indirect_dma semaphore(%arg38 : memref<!tpu.dma_semaphore, #tpu.memory_space<semaphore_mem>>) src(%arg10 : memref<80x8xf32, #tpu.memory_space<vmem>>) dst(%dma_wait3A_836 : memref<10112x8xf32, #tpu.memory_space<vmem_shared>>)
    %add3A_837 = arith.constant 9840 : i32
    %add3A_838 = arith.addi %mul3A_185, %add3A_837 : i32
    %dma_start3A_839 = tpu.memref_slice %arg3[%add3A_838] : memref<160000xi32, #tpu.memory_space<hbm>> -> memref<80xi32, #tpu.memory_space<hbm>>
    %dma_start3A_840 = tpu.memref_slice %arg3[%add3A_838] : memref<160000xi32, #tpu.memory_space<hbm>> -> memref<80xi32, #tpu.memory_space<hbm>>
    tpu.enqueue_dma source(%dma_start3A_840 : memref<80xi32, #tpu.memory_space<hbm>>) target(%arg17 : memref<80xi32, #tpu.memory_space<vmem>>) target_semaphore(%arg44 : memref<!tpu.dma_semaphore, #tpu.memory_space<semaphore_mem>>)
    %add3A_841 = arith.constant 9840 : i32
    %add3A_842 = arith.addi %mul3A_185, %add3A_841 : i32
    %dma_start3A_843 = tpu.memref_slice %arg4[%add3A_842] : memref<160000xi32, #tpu.memory_space<hbm>> -> memref<80xi32, #tpu.memory_space<hbm>>
    %dma_start3A_844 = tpu.memref_slice %arg4[%add3A_842] : memref<160000xi32, #tpu.memory_space<hbm>> -> memref<80xi32, #tpu.memory_space<hbm>>
    tpu.enqueue_dma source(%dma_start3A_844 : memref<80xi32, #tpu.memory_space<hbm>>) target(%arg29 : memref<80xi32, #tpu.memory_space<vmem>>) target_semaphore(%arg44 : memref<!tpu.dma_semaphore, #tpu.memory_space<semaphore_mem>>)
    %dma_wait3A_845 = arith.constant 0 : i32
    %dma_wait3A_846 = tpu.memref_slice %arg3[%dma_wait3A_845] : memref<160000xi32, #tpu.memory_space<hbm>> -> memref<80xi32, #tpu.memory_space<hbm>>
    %dma_wait3A_847 = arith.constant 0 : i32
    %dma_wait3A_848 = tpu.memref_slice %arg3[%dma_wait3A_847] : memref<160000xi32, #tpu.memory_space<hbm>> -> memref<80xi32, #tpu.memory_space<hbm>>
    tpu.wait_dma2 semaphore(%arg41 : memref<!tpu.dma_semaphore, #tpu.memory_space<semaphore_mem>>) src(%dma_wait3A_848 : memref<80xi32, #tpu.memory_space<hbm>>) dst(%arg14 : memref<80xi32, #tpu.memory_space<vmem>>)
    %dma_wait3A_849 = arith.constant 0 : i32
    %dma_wait3A_850 = tpu.memref_slice %arg4[%dma_wait3A_849] : memref<160000xi32, #tpu.memory_space<hbm>> -> memref<80xi32, #tpu.memory_space<hbm>>
    %dma_wait3A_851 = arith.constant 0 : i32
    %dma_wait3A_852 = tpu.memref_slice %arg4[%dma_wait3A_851] : memref<160000xi32, #tpu.memory_space<hbm>> -> memref<80xi32, #tpu.memory_space<hbm>>
    tpu.wait_dma2 semaphore(%arg41 : memref<!tpu.dma_semaphore, #tpu.memory_space<semaphore_mem>>) src(%dma_wait3A_852 : memref<80xi32, #tpu.memory_space<hbm>>) dst(%arg26 : memref<80xi32, #tpu.memory_space<vmem>>)
    %get3A_853 = arith.constant 0 : index
    %get3A_854 = tpu.vector_load %arg14[%get3A_853] {strides = array<i32>} : memref<80xi32, #tpu.memory_space<vmem>>, vector<16xi32>,
    %get3A_855 = vector.shape_cast %get3A_854 : vector<16xi32> to vector<16xi32>
    %add3A_856 = arith.addi %get3A_855, %get3A_855 : vector<16xi32>
    %add3A_857 = vector.broadcast %arg0 : i32 to vector<16xi32>
    %add3A_858 = arith.addi %add3A_856, %add3A_857 : vector<16xi32>
    %swap3A_859 = arith.constant 0 : index
    %swap3A_860 = tpu.vector_load %arg20[%swap3A_859] {strides = array<i32>} : memref<80xi32, #tpu.memory_space<vmem>>, vector<16xi32>,
    %swap3A_861 = vector.shape_cast %swap3A_860 : vector<16xi32> to vector<16xi32>
    %swap3A_862 = vector.shape_cast %add3A_858 : vector<16xi32> to vector<16xi32>
    tpu.vector_store %arg20[%swap3A_859], %swap3A_862 {strides = array<i32>} : memref<80xi32, #tpu.memory_space<vmem>>, vector<16xi32>,
    %get3A_863 = arith.constant 16 : index
    %get3A_864 = tpu.vector_load %arg14[%get3A_863] {strides = array<i32>} : memref<80xi32, #tpu.memory_space<vmem>>, vector<16xi32>,
    %get3A_865 = vector.shape_cast %get3A_864 : vector<16xi32> to vector<16xi32>
    %add3A_866 = arith.addi %get3A_865, %get3A_865 : vector<16xi32>
    %add3A_867 = vector.broadcast %arg0 : i32 to vector<16xi32>
    %add3A_868 = arith.addi %add3A_866, %add3A_867 : vector<16xi32>
    %swap3A_869 = arith.constant 16 : index
    %swap3A_870 = tpu.vector_load %arg20[%swap3A_869] {strides = array<i32>} : memref<80xi32, #tpu.memory_space<vmem>>, vector<16xi32>,
    %swap3A_871 = vector.shape_cast %swap3A_870 : vector<16xi32> to vector<16xi32>
    %swap3A_872 = vector.shape_cast %add3A_868 : vector<16xi32> to vector<16xi32>
    tpu.vector_store %arg20[%swap3A_869], %swap3A_872 {strides = array<i32>} : memref<80xi32, #tpu.memory_space<vmem>>, vector<16xi32>,
    %get3A_873 = arith.constant 32 : index
    %get3A_874 = tpu.vector_load %arg14[%get3A_873] {strides = array<i32>} : memref<80xi32, #tpu.memory_space<vmem>>, vector<16xi32>,
    %get3A_875 = vector.shape_cast %get3A_874 : vector<16xi32> to vector<16xi32>
    %add3A_876 = arith.addi %get3A_875, %get3A_875 : vector<16xi32>
    %add3A_877 = vector.broadcast %arg0 : i32 to vector<16xi32>
    %add3A_878 = arith.addi %add3A_876, %add3A_877 : vector<16xi32>
    %swap3A_879 = arith.constant 32 : index
    %swap3A_880 = tpu.vector_load %arg20[%swap3A_879] {strides = array<i32>} : memref<80xi32, #tpu.memory_space<vmem>>, vector<16xi32>,
    %swap3A_881 = vector.shape_cast %swap3A_880 : vector<16xi32> to vector<16xi32>
    %swap3A_882 = vector.shape_cast %add3A_878 : vector<16xi32> to vector<16xi32>
    tpu.vector_store %arg20[%swap3A_879], %swap3A_882 {strides = array<i32>} : memref<80xi32, #tpu.memory_space<vmem>>, vector<16xi32>,
    %get3A_883 = arith.constant 48 : index
    %get3A_884 = tpu.vector_load %arg14[%get3A_883] {strides = array<i32>} : memref<80xi32, #tpu.memory_space<vmem>>, vector<16xi32>,
    %get3A_885 = vector.shape_cast %get3A_884 : vector<16xi32> to vector<16xi32>
    %add3A_886 = arith.addi %get3A_885, %get3A_885 : vector<16xi32>
    %add3A_887 = vector.broadcast %arg0 : i32 to vector<16xi32>
    %add3A_888 = arith.addi %add3A_886, %add3A_887 : vector<16xi32>
    %swap3A_889 = arith.constant 48 : index
    %swap3A_890 = tpu.vector_load %arg20[%swap3A_889] {strides = array<i32>} : memref<80xi32, #tpu.memory_space<vmem>>, vector<16xi32>,
    %swap3A_891 = vector.shape_cast %swap3A_890 : vector<16xi32> to vector<16xi32>
    %swap3A_892 = vector.shape_cast %add3A_888 : vector<16xi32> to vector<16xi32>
    tpu.vector_store %arg20[%swap3A_889], %swap3A_892 {strides = array<i32>} : memref<80xi32, #tpu.memory_space<vmem>>, vector<16xi32>,
    %get3A_893 = arith.constant 64 : index
    %get3A_894 = tpu.vector_load %arg14[%get3A_893] {strides = array<i32>} : memref<80xi32, #tpu.memory_space<vmem>>, vector<16xi32>,
    %get3A_895 = vector.shape_cast %get3A_894 : vector<16xi32> to vector<16xi32>
    %add3A_896 = arith.addi %get3A_895, %get3A_895 : vector<16xi32>
    %add3A_897 = vector.broadcast %arg0 : i32 to vector<16xi32>
    %add3A_898 = arith.addi %add3A_896, %add3A_897 : vector<16xi32>
    %swap3A_899 = arith.constant 64 : index
    %swap3A_900 = tpu.vector_load %arg20[%swap3A_899] {strides = array<i32>} : memref<80xi32, #tpu.memory_space<vmem>>, vector<16xi32>,
    %swap3A_901 = vector.shape_cast %swap3A_900 : vector<16xi32> to vector<16xi32>
    %swap3A_902 = vector.shape_cast %add3A_898 : vector<16xi32> to vector<16xi32>
    tpu.vector_store %arg20[%swap3A_899], %swap3A_902 {strides = array<i32>} : memref<80xi32, #tpu.memory_space<vmem>>, vector<16xi32>,
    %dma_start3A_903 = arith.constant 0 : i32
    %dma_start3A_904 = arith.constant 0 : i32
    %dma_start3A_905 = tpu.memref_slice %arg2[%dma_start3A_903, %dma_start3A_904] : memref<20000x128xf32, #tpu.memory_space<hbm>> -> memref<20000x128xf32, #tpu.memory_space<hbm>>
    tpu.enqueue_indirect_dma source(%dma_start3A_905 : memref<20000x128xf32, #tpu.memory_space<hbm>>) target(%arg11 : memref<80x128xf32, #tpu.memory_space<vmem>>) offsets(%arg20 : memref<80xi32, #tpu.memory_space<vmem>>) semaphore(%arg32 : memref<!tpu.dma_semaphore, #tpu.memory_space<semaphore_mem>>)
    %dma_wait3A_906 = arith.constant 0 : i32
    %dma_wait3A_907 = arith.constant 0 : i32
    %dma_wait3A_908 = tpu.memref_slice %arg2[%dma_wait3A_906, %dma_wait3A_907] : memref<20000x128xf32, #tpu.memory_space<hbm>> -> memref<20000x128xf32, #tpu.memory_space<hbm>>
    tpu.wait_indirect_dma semaphore(%arg33 : memref<!tpu.dma_semaphore, #tpu.memory_space<semaphore_mem>>) src(%dma_wait3A_908 : memref<20000x128xf32, #tpu.memory_space<hbm>>) dst(%arg12 : memref<80x128xf32, #tpu.memory_space<vmem>>)
    %dma_start3A_909 = arith.constant 0 : i32
    %dma_start3A_910 = arith.constant 0 : i32
    %dma_start3A_911 = tpu.memref_slice %arg8[%dma_start3A_909, %dma_start3A_910] : memref<10112x128xf32, #tpu.memory_space<vmem_shared>> -> memref<10112x128xf32, #tpu.memory_space<vmem_shared>>
    tpu.enqueue_indirect_dma source(%arg12 : memref<80x128xf32, #tpu.memory_space<vmem>>) target(%dma_start3A_911 : memref<10112x128xf32, #tpu.memory_space<vmem_shared>>) offsets(%arg30 : memref<80xi32, #tpu.memory_space<vmem>>) semaphore(%arg36 : memref<!tpu.dma_semaphore, #tpu.memory_space<semaphore_mem>>) {add = true}
    %dma_start3A_912 = arith.constant 0 : i32
    %dma_start3A_913 = arith.constant 0 : i32
    %dma_start3A_914 = tpu.memref_slice %arg9[%dma_start3A_912, %dma_start3A_913] : memref<10112x8xf32, #tpu.memory_space<vmem_shared>> -> memref<10112x8xf32, #tpu.memory_space<vmem_shared>>
    tpu.enqueue_indirect_dma source(%arg10 : memref<80x8xf32, #tpu.memory_space<vmem>>) target(%dma_start3A_914 : memref<10112x8xf32, #tpu.memory_space<vmem_shared>>) offsets(%arg30 : memref<80xi32, #tpu.memory_space<vmem>>) semaphore(%arg39 : memref<!tpu.dma_semaphore, #tpu.memory_space<semaphore_mem>>) {add = true}
    %dma_wait3A_915 = arith.constant 0 : i32
    %dma_wait3A_916 = arith.constant 0 : i32
    %dma_wait3A_917 = tpu.memref_slice %arg8[%dma_wait3A_915, %dma_wait3A_916] : memref<10112x128xf32, #tpu.memory_space<vmem_shared>> -> memref<10112x128xf32, #tpu.memory_space<vmem_shared>>
    tpu.wait_indirect_dma semaphore(%arg36 : memref<!tpu.dma_semaphore, #tpu.memory_space<semaphore_mem>>) src(%arg12 : memref<80x128xf32, #tpu.memory_space<vmem>>) dst(%dma_wait3A_917 : memref<10112x128xf32, #tpu.memory_space<vmem_shared>>)
    %dma_wait3A_918 = arith.constant 0 : i32
    %dma_wait3A_919 = arith.constant 0 : i32
    %dma_wait3A_920 = tpu.memref_slice %arg9[%dma_wait3A_918, %dma_wait3A_919] : memref<10112x8xf32, #tpu.memory_space<vmem_shared>> -> memref<10112x8xf32, #tpu.memory_space<vmem_shared>>
    tpu.wait_indirect_dma semaphore(%arg39 : memref<!tpu.dma_semaphore, #tpu.memory_space<semaphore_mem>>) src(%arg10 : memref<80x8xf32, #tpu.memory_space<vmem>>) dst(%dma_wait3A_920 : memref<10112x8xf32, #tpu.memory_space<vmem_shared>>)
    %add3A_921 = arith.constant 9920 : i32
    %add3A_922 = arith.addi %mul3A_185, %add3A_921 : i32
    %dma_start3A_923 = tpu.memref_slice %arg3[%add3A_922] : memref<160000xi32, #tpu.memory_space<hbm>> -> memref<80xi32, #tpu.memory_space<hbm>>
    %dma_start3A_924 = tpu.memref_slice %arg3[%add3A_922] : memref<160000xi32, #tpu.memory_space<hbm>> -> memref<80xi32, #tpu.memory_space<hbm>>
    tpu.enqueue_dma source(%dma_start3A_924 : memref<80xi32, #tpu.memory_space<hbm>>) target(%arg18 : memref<80xi32, #tpu.memory_space<vmem>>) target_semaphore(%arg45 : memref<!tpu.dma_semaphore, #tpu.memory_space<semaphore_mem>>)
    %add3A_925 = arith.constant 9920 : i32
    %add3A_926 = arith.addi %mul3A_185, %add3A_925 : i32
    %dma_start3A_927 = tpu.memref_slice %arg4[%add3A_926] : memref<160000xi32, #tpu.memory_space<hbm>> -> memref<80xi32, #tpu.memory_space<hbm>>
    %dma_start3A_928 = tpu.memref_slice %arg4[%add3A_926] : memref<160000xi32, #tpu.memory_space<hbm>> -> memref<80xi32, #tpu.memory_space<hbm>>
    tpu.enqueue_dma source(%dma_start3A_928 : memref<80xi32, #tpu.memory_space<hbm>>) target(%arg30 : memref<80xi32, #tpu.memory_space<vmem>>) target_semaphore(%arg45 : memref<!tpu.dma_semaphore, #tpu.memory_space<semaphore_mem>>)
    %dma_wait3A_929 = arith.constant 0 : i32
    %dma_wait3A_930 = tpu.memref_slice %arg3[%dma_wait3A_929] : memref<160000xi32, #tpu.memory_space<hbm>> -> memref<80xi32, #tpu.memory_space<hbm>>
    %dma_wait3A_931 = arith.constant 0 : i32
    %dma_wait3A_932 = tpu.memref_slice %arg3[%dma_wait3A_931] : memref<160000xi32, #tpu.memory_space<hbm>> -> memref<80xi32, #tpu.memory_space<hbm>>
    tpu.wait_dma2 semaphore(%arg42 : memref<!tpu.dma_semaphore, #tpu.memory_space<semaphore_mem>>) src(%dma_wait3A_932 : memref<80xi32, #tpu.memory_space<hbm>>) dst(%arg15 : memref<80xi32, #tpu.memory_space<vmem>>)
    %dma_wait3A_933 = arith.constant 0 : i32
    %dma_wait3A_934 = tpu.memref_slice %arg4[%dma_wait3A_933] : memref<160000xi32, #tpu.memory_space<hbm>> -> memref<80xi32, #tpu.memory_space<hbm>>
    %dma_wait3A_935 = arith.constant 0 : i32
    %dma_wait3A_936 = tpu.memref_slice %arg4[%dma_wait3A_935] : memref<160000xi32, #tpu.memory_space<hbm>> -> memref<80xi32, #tpu.memory_space<hbm>>
    tpu.wait_dma2 semaphore(%arg42 : memref<!tpu.dma_semaphore, #tpu.memory_space<semaphore_mem>>) src(%dma_wait3A_936 : memref<80xi32, #tpu.memory_space<hbm>>) dst(%arg27 : memref<80xi32, #tpu.memory_space<vmem>>)
    %get3A_937 = arith.constant 0 : index
    %get3A_938 = tpu.vector_load %arg15[%get3A_937] {strides = array<i32>} : memref<80xi32, #tpu.memory_space<vmem>>, vector<16xi32>,
    %get3A_939 = vector.shape_cast %get3A_938 : vector<16xi32> to vector<16xi32>
    %add3A_940 = arith.addi %get3A_939, %get3A_939 : vector<16xi32>
    %add3A_941 = vector.broadcast %arg0 : i32 to vector<16xi32>
    %add3A_942 = arith.addi %add3A_940, %add3A_941 : vector<16xi32>
    %swap3A_943 = arith.constant 0 : index
    %swap3A_944 = tpu.vector_load %arg21[%swap3A_943] {strides = array<i32>} : memref<80xi32, #tpu.memory_space<vmem>>, vector<16xi32>,
    %swap3A_945 = vector.shape_cast %swap3A_944 : vector<16xi32> to vector<16xi32>
    %swap3A_946 = vector.shape_cast %add3A_942 : vector<16xi32> to vector<16xi32>
    tpu.vector_store %arg21[%swap3A_943], %swap3A_946 {strides = array<i32>} : memref<80xi32, #tpu.memory_space<vmem>>, vector<16xi32>,
    %get3A_947 = arith.constant 16 : index
    %get3A_948 = tpu.vector_load %arg15[%get3A_947] {strides = array<i32>} : memref<80xi32, #tpu.memory_space<vmem>>, vector<16xi32>,
    %get3A_949 = vector.shape_cast %get3A_948 : vector<16xi32> to vector<16xi32>
    %add3A_950 = arith.addi %get3A_949, %get3A_949 : vector<16xi32>
    %add3A_951 = vector.broadcast %arg0 : i32 to vector<16xi32>
    %add3A_952 = arith.addi %add3A_950, %add3A_951 : vector<16xi32>
    %swap3A_953 = arith.constant 16 : index
    %swap3A_954 = tpu.vector_load %arg21[%swap3A_953] {strides = array<i32>} : memref<80xi32, #tpu.memory_space<vmem>>, vector<16xi32>,
    %swap3A_955 = vector.shape_cast %swap3A_954 : vector<16xi32> to vector<16xi32>
    %swap3A_956 = vector.shape_cast %add3A_952 : vector<16xi32> to vector<16xi32>
    tpu.vector_store %arg21[%swap3A_953], %swap3A_956 {strides = array<i32>} : memref<80xi32, #tpu.memory_space<vmem>>, vector<16xi32>,
    %get3A_957 = arith.constant 32 : index
    %get3A_958 = tpu.vector_load %arg15[%get3A_957] {strides = array<i32>} : memref<80xi32, #tpu.memory_space<vmem>>, vector<16xi32>,
    %get3A_959 = vector.shape_cast %get3A_958 : vector<16xi32> to vector<16xi32>
    %add3A_960 = arith.addi %get3A_959, %get3A_959 : vector<16xi32>
    %add3A_961 = vector.broadcast %arg0 : i32 to vector<16xi32>
    %add3A_962 = arith.addi %add3A_960, %add3A_961 : vector<16xi32>
    %swap3A_963 = arith.constant 32 : index
    %swap3A_964 = tpu.vector_load %arg21[%swap3A_963] {strides = array<i32>} : memref<80xi32, #tpu.memory_space<vmem>>, vector<16xi32>,
    %swap3A_965 = vector.shape_cast %swap3A_964 : vector<16xi32> to vector<16xi32>
    %swap3A_966 = vector.shape_cast %add3A_962 : vector<16xi32> to vector<16xi32>
    tpu.vector_store %arg21[%swap3A_963], %swap3A_966 {strides = array<i32>} : memref<80xi32, #tpu.memory_space<vmem>>, vector<16xi32>,
    %get3A_967 = arith.constant 48 : index
    %get3A_968 = tpu.vector_load %arg15[%get3A_967] {strides = array<i32>} : memref<80xi32, #tpu.memory_space<vmem>>, vector<16xi32>,
    %get3A_969 = vector.shape_cast %get3A_968 : vector<16xi32> to vector<16xi32>
    %add3A_970 = arith.addi %get3A_969, %get3A_969 : vector<16xi32>
    %add3A_971 = vector.broadcast %arg0 : i32 to vector<16xi32>
    %add3A_972 = arith.addi %add3A_970, %add3A_971 : vector<16xi32>
    %swap3A_973 = arith.constant 48 : index
    %swap3A_974 = tpu.vector_load %arg21[%swap3A_973] {strides = array<i32>} : memref<80xi32, #tpu.memory_space<vmem>>, vector<16xi32>,
    %swap3A_975 = vector.shape_cast %swap3A_974 : vector<16xi32> to vector<16xi32>
    %swap3A_976 = vector.shape_cast %add3A_972 : vector<16xi32> to vector<16xi32>
    tpu.vector_store %arg21[%swap3A_973], %swap3A_976 {strides = array<i32>} : memref<80xi32, #tpu.memory_space<vmem>>, vector<16xi32>,
    %get3A_977 = arith.constant 64 : index
    %get3A_978 = tpu.vector_load %arg15[%get3A_977] {strides = array<i32>} : memref<80xi32, #tpu.memory_space<vmem>>, vector<16xi32>,
    %get3A_979 = vector.shape_cast %get3A_978 : vector<16xi32> to vector<16xi32>
    %add3A_980 = arith.addi %get3A_979, %get3A_979 : vector<16xi32>
    %add3A_981 = vector.broadcast %arg0 : i32 to vector<16xi32>
    %add3A_982 = arith.addi %add3A_980, %add3A_981 : vector<16xi32>
    %swap3A_983 = arith.constant 64 : index
    %swap3A_984 = tpu.vector_load %arg21[%swap3A_983] {strides = array<i32>} : memref<80xi32, #tpu.memory_space<vmem>>, vector<16xi32>,
    %swap3A_985 = vector.shape_cast %swap3A_984 : vector<16xi32> to vector<16xi32>
    %swap3A_986 = vector.shape_cast %add3A_982 : vector<16xi32> to vector<16xi32>
    tpu.vector_store %arg21[%swap3A_983], %swap3A_986 {strides = array<i32>} : memref<80xi32, #tpu.memory_space<vmem>>, vector<16xi32>,
    %dma_start3A_987 = arith.constant 0 : i32
    %dma_start3A_988 = arith.constant 0 : i32
    %dma_start3A_989 = tpu.memref_slice %arg2[%dma_start3A_987, %dma_start3A_988] : memref<20000x128xf32, #tpu.memory_space<hbm>> -> memref<20000x128xf32, #tpu.memory_space<hbm>>
    tpu.enqueue_indirect_dma source(%dma_start3A_989 : memref<20000x128xf32, #tpu.memory_space<hbm>>) target(%arg12 : memref<80x128xf32, #tpu.memory_space<vmem>>) offsets(%arg21 : memref<80xi32, #tpu.memory_space<vmem>>) semaphore(%arg33 : memref<!tpu.dma_semaphore, #tpu.memory_space<semaphore_mem>>)
    %dma_wait3A_990 = arith.constant 0 : i32
    %dma_wait3A_991 = arith.constant 0 : i32
    %dma_wait3A_992 = tpu.memref_slice %arg2[%dma_wait3A_990, %dma_wait3A_991] : memref<20000x128xf32, #tpu.memory_space<hbm>> -> memref<20000x128xf32, #tpu.memory_space<hbm>>
    tpu.wait_indirect_dma semaphore(%arg34 : memref<!tpu.dma_semaphore, #tpu.memory_space<semaphore_mem>>) src(%dma_wait3A_992 : memref<20000x128xf32, #tpu.memory_space<hbm>>) dst(%arg13 : memref<80x128xf32, #tpu.memory_space<vmem>>)
    %dma_start3A_993 = arith.constant 0 : i32
    %dma_start3A_994 = arith.constant 0 : i32
    %dma_start3A_995 = tpu.memref_slice %arg8[%dma_start3A_993, %dma_start3A_994] : memref<10112x128xf32, #tpu.memory_space<vmem_shared>> -> memref<10112x128xf32, #tpu.memory_space<vmem_shared>>
    tpu.enqueue_indirect_dma source(%arg13 : memref<80x128xf32, #tpu.memory_space<vmem>>) target(%dma_start3A_995 : memref<10112x128xf32, #tpu.memory_space<vmem_shared>>) offsets(%arg31 : memref<80xi32, #tpu.memory_space<vmem>>) semaphore(%arg37 : memref<!tpu.dma_semaphore, #tpu.memory_space<semaphore_mem>>) {add = true}
    %dma_start3A_996 = arith.constant 0 : i32
    %dma_start3A_997 = arith.constant 0 : i32
    %dma_start3A_998 = tpu.memref_slice %arg9[%dma_start3A_996, %dma_start3A_997] : memref<10112x8xf32, #tpu.memory_space<vmem_shared>> -> memref<10112x8xf32, #tpu.memory_space<vmem_shared>>
    tpu.enqueue_indirect_dma source(%arg10 : memref<80x8xf32, #tpu.memory_space<vmem>>) target(%dma_start3A_998 : memref<10112x8xf32, #tpu.memory_space<vmem_shared>>) offsets(%arg31 : memref<80xi32, #tpu.memory_space<vmem>>) semaphore(%arg40 : memref<!tpu.dma_semaphore, #tpu.memory_space<semaphore_mem>>) {add = true}
    %dma_wait3A_999 = arith.constant 0 : i32
    %dma_wait3A_1000 = arith.constant 0 : i32
    %dma_wait3A_1001 = tpu.memref_slice %arg8[%dma_wait3A_999, %dma_wait3A_1000] : memref<10112x128xf32, #tpu.memory_space<vmem_shared>> -> memref<10112x128xf32, #tpu.memory_space<vmem_shared>>
    tpu.wait_indirect_dma semaphore(%arg37 : memref<!tpu.dma_semaphore, #tpu.memory_space<semaphore_mem>>) src(%arg13 : memref<80x128xf32, #tpu.memory_space<vmem>>) dst(%dma_wait3A_1001 : memref<10112x128xf32, #tpu.memory_space<vmem_shared>>)
    %dma_wait3A_1002 = arith.constant 0 : i32
    %dma_wait3A_1003 = arith.constant 0 : i32
    %dma_wait3A_1004 = tpu.memref_slice %arg9[%dma_wait3A_1002, %dma_wait3A_1003] : memref<10112x8xf32, #tpu.memory_space<vmem_shared>> -> memref<10112x8xf32, #tpu.memory_space<vmem_shared>>
    tpu.wait_indirect_dma semaphore(%arg40 : memref<!tpu.dma_semaphore, #tpu.memory_space<semaphore_mem>>) src(%arg10 : memref<80x8xf32, #tpu.memory_space<vmem>>) dst(%dma_wait3A_1004 : memref<10112x8xf32, #tpu.memory_space<vmem_shared>>)
    %dma_wait3A_1005 = arith.constant 0 : i32
    %dma_wait3A_1006 = tpu.memref_slice %arg3[%dma_wait3A_1005] : memref<160000xi32, #tpu.memory_space<hbm>> -> memref<80xi32, #tpu.memory_space<hbm>>
    %dma_wait3A_1007 = arith.constant 0 : i32
    %dma_wait3A_1008 = tpu.memref_slice %arg3[%dma_wait3A_1007] : memref<160000xi32, #tpu.memory_space<hbm>> -> memref<80xi32, #tpu.memory_space<hbm>>
    tpu.wait_dma2 semaphore(%arg43 : memref<!tpu.dma_semaphore, #tpu.memory_space<semaphore_mem>>) src(%dma_wait3A_1008 : memref<80xi32, #tpu.memory_space<hbm>>) dst(%arg16 : memref<80xi32, #tpu.memory_space<vmem>>)
    %dma_wait3A_1009 = arith.constant 0 : i32
    %dma_wait3A_1010 = tpu.memref_slice %arg4[%dma_wait3A_1009] : memref<160000xi32, #tpu.memory_space<hbm>> -> memref<80xi32, #tpu.memory_space<hbm>>
    %dma_wait3A_1011 = arith.constant 0 : i32
    %dma_wait3A_1012 = tpu.memref_slice %arg4[%dma_wait3A_1011] : memref<160000xi32, #tpu.memory_space<hbm>> -> memref<80xi32, #tpu.memory_space<hbm>>
    tpu.wait_dma2 semaphore(%arg43 : memref<!tpu.dma_semaphore, #tpu.memory_space<semaphore_mem>>) src(%dma_wait3A_1012 : memref<80xi32, #tpu.memory_space<hbm>>) dst(%arg28 : memref<80xi32, #tpu.memory_space<vmem>>)
    %get3A_1013 = arith.constant 0 : index
    %get3A_1014 = tpu.vector_load %arg16[%get3A_1013] {strides = array<i32>} : memref<80xi32, #tpu.memory_space<vmem>>, vector<16xi32>,
    %get3A_1015 = vector.shape_cast %get3A_1014 : vector<16xi32> to vector<16xi32>
    %add3A_1016 = arith.addi %get3A_1015, %get3A_1015 : vector<16xi32>
    %add3A_1017 = vector.broadcast %arg0 : i32 to vector<16xi32>
    %add3A_1018 = arith.addi %add3A_1016, %add3A_1017 : vector<16xi32>
    %swap3A_1019 = arith.constant 0 : index
    %swap3A_1020 = tpu.vector_load %arg22[%swap3A_1019] {strides = array<i32>} : memref<80xi32, #tpu.memory_space<vmem>>, vector<16xi32>,
    %swap3A_1021 = vector.shape_cast %swap3A_1020 : vector<16xi32> to vector<16xi32>
    %swap3A_1022 = vector.shape_cast %add3A_1018 : vector<16xi32> to vector<16xi32>
    tpu.vector_store %arg22[%swap3A_1019], %swap3A_1022 {strides = array<i32>} : memref<80xi32, #tpu.memory_space<vmem>>, vector<16xi32>,
    %get3A_1023 = arith.constant 16 : index
    %get3A_1024 = tpu.vector_load %arg16[%get3A_1023] {strides = array<i32>} : memref<80xi32, #tpu.memory_space<vmem>>, vector<16xi32>,
    %get3A_1025 = vector.shape_cast %get3A_1024 : vector<16xi32> to vector<16xi32>
    %add3A_1026 = arith.addi %get3A_1025, %get3A_1025 : vector<16xi32>
    %add3A_1027 = vector.broadcast %arg0 : i32 to vector<16xi32>
    %add3A_1028 = arith.addi %add3A_1026, %add3A_1027 : vector<16xi32>
    %swap3A_1029 = arith.constant 16 : index
    %swap3A_1030 = tpu.vector_load %arg22[%swap3A_1029] {strides = array<i32>} : memref<80xi32, #tpu.memory_space<vmem>>, vector<16xi32>,
    %swap3A_1031 = vector.shape_cast %swap3A_1030 : vector<16xi32> to vector<16xi32>
    %swap3A_1032 = vector.shape_cast %add3A_1028 : vector<16xi32> to vector<16xi32>
    tpu.vector_store %arg22[%swap3A_1029], %swap3A_1032 {strides = array<i32>} : memref<80xi32, #tpu.memory_space<vmem>>, vector<16xi32>,
    %get3A_1033 = arith.constant 32 : index
    %get3A_1034 = tpu.vector_load %arg16[%get3A_1033] {strides = array<i32>} : memref<80xi32, #tpu.memory_space<vmem>>, vector<16xi32>,
    %get3A_1035 = vector.shape_cast %get3A_1034 : vector<16xi32> to vector<16xi32>
    %add3A_1036 = arith.addi %get3A_1035, %get3A_1035 : vector<16xi32>
    %add3A_1037 = vector.broadcast %arg0 : i32 to vector<16xi32>
    %add3A_1038 = arith.addi %add3A_1036, %add3A_1037 : vector<16xi32>
    %swap3A_1039 = arith.constant 32 : index
    %swap3A_1040 = tpu.vector_load %arg22[%swap3A_1039] {strides = array<i32>} : memref<80xi32, #tpu.memory_space<vmem>>, vector<16xi32>,
    %swap3A_1041 = vector.shape_cast %swap3A_1040 : vector<16xi32> to vector<16xi32>
    %swap3A_1042 = vector.shape_cast %add3A_1038 : vector<16xi32> to vector<16xi32>
    tpu.vector_store %arg22[%swap3A_1039], %swap3A_1042 {strides = array<i32>} : memref<80xi32, #tpu.memory_space<vmem>>, vector<16xi32>,
    %get3A_1043 = arith.constant 48 : index
    %get3A_1044 = tpu.vector_load %arg16[%get3A_1043] {strides = array<i32>} : memref<80xi32, #tpu.memory_space<vmem>>, vector<16xi32>,
    %get3A_1045 = vector.shape_cast %get3A_1044 : vector<16xi32> to vector<16xi32>
    %add3A_1046 = arith.addi %get3A_1045, %get3A_1045 : vector<16xi32>
    %add3A_1047 = vector.broadcast %arg0 : i32 to vector<16xi32>
    %add3A_1048 = arith.addi %add3A_1046, %add3A_1047 : vector<16xi32>
    %swap3A_1049 = arith.constant 48 : index
    %swap3A_1050 = tpu.vector_load %arg22[%swap3A_1049] {strides = array<i32>} : memref<80xi32, #tpu.memory_space<vmem>>, vector<16xi32>,
    %swap3A_1051 = vector.shape_cast %swap3A_1050 : vector<16xi32> to vector<16xi32>
    %swap3A_1052 = vector.shape_cast %add3A_1048 : vector<16xi32> to vector<16xi32>
    tpu.vector_store %arg22[%swap3A_1049], %swap3A_1052 {strides = array<i32>} : memref<80xi32, #tpu.memory_space<vmem>>, vector<16xi32>,
    %get3A_1053 = arith.constant 64 : index
    %get3A_1054 = tpu.vector_load %arg16[%get3A_1053] {strides = array<i32>} : memref<80xi32, #tpu.memory_space<vmem>>, vector<16xi32>,
    %get3A_1055 = vector.shape_cast %get3A_1054 : vector<16xi32> to vector<16xi32>
    %add3A_1056 = arith.addi %get3A_1055, %get3A_1055 : vector<16xi32>
    %add3A_1057 = vector.broadcast %arg0 : i32 to vector<16xi32>
    %add3A_1058 = arith.addi %add3A_1056, %add3A_1057 : vector<16xi32>
    %swap3A_1059 = arith.constant 64 : index
    %swap3A_1060 = tpu.vector_load %arg22[%swap3A_1059] {strides = array<i32>} : memref<80xi32, #tpu.memory_space<vmem>>, vector<16xi32>,
    %swap3A_1061 = vector.shape_cast %swap3A_1060 : vector<16xi32> to vector<16xi32>
    %swap3A_1062 = vector.shape_cast %add3A_1058 : vector<16xi32> to vector<16xi32>
    tpu.vector_store %arg22[%swap3A_1059], %swap3A_1062 {strides = array<i32>} : memref<80xi32, #tpu.memory_space<vmem>>, vector<16xi32>,
    %dma_start3A_1063 = arith.constant 0 : i32
    %dma_start3A_1064 = arith.constant 0 : i32
    %dma_start3A_1065 = tpu.memref_slice %arg2[%dma_start3A_1063, %dma_start3A_1064] : memref<20000x128xf32, #tpu.memory_space<hbm>> -> memref<20000x128xf32, #tpu.memory_space<hbm>>
    tpu.enqueue_indirect_dma source(%dma_start3A_1065 : memref<20000x128xf32, #tpu.memory_space<hbm>>) target(%arg13 : memref<80x128xf32, #tpu.memory_space<vmem>>) offsets(%arg22 : memref<80xi32, #tpu.memory_space<vmem>>) semaphore(%arg34 : memref<!tpu.dma_semaphore, #tpu.memory_space<semaphore_mem>>)
    %dma_wait3A_1066 = arith.constant 0 : i32
    %dma_wait3A_1067 = arith.constant 0 : i32
    %dma_wait3A_1068 = tpu.memref_slice %arg2[%dma_wait3A_1066, %dma_wait3A_1067] : memref<20000x128xf32, #tpu.memory_space<hbm>> -> memref<20000x128xf32, #tpu.memory_space<hbm>>
    tpu.wait_indirect_dma semaphore(%arg32 : memref<!tpu.dma_semaphore, #tpu.memory_space<semaphore_mem>>) src(%dma_wait3A_1068 : memref<20000x128xf32, #tpu.memory_space<hbm>>) dst(%arg11 : memref<80x128xf32, #tpu.memory_space<vmem>>)
    %dma_start3A_1069 = arith.constant 0 : i32
    %dma_start3A_1070 = arith.constant 0 : i32
    %dma_start3A_1071 = tpu.memref_slice %arg8[%dma_start3A_1069, %dma_start3A_1070] : memref<10112x128xf32, #tpu.memory_space<vmem_shared>> -> memref<10112x128xf32, #tpu.memory_space<vmem_shared>>
    tpu.enqueue_indirect_dma source(%arg11 : memref<80x128xf32, #tpu.memory_space<vmem>>) target(%dma_start3A_1071 : memref<10112x128xf32, #tpu.memory_space<vmem_shared>>) offsets(%arg26 : memref<80xi32, #tpu.memory_space<vmem>>) semaphore(%arg35 : memref<!tpu.dma_semaphore, #tpu.memory_space<semaphore_mem>>) {add = true}
    %dma_start3A_1072 = arith.constant 0 : i32
    %dma_start3A_1073 = arith.constant 0 : i32
    %dma_start3A_1074 = tpu.memref_slice %arg9[%dma_start3A_1072, %dma_start3A_1073] : memref<10112x8xf32, #tpu.memory_space<vmem_shared>> -> memref<10112x8xf32, #tpu.memory_space<vmem_shared>>
    tpu.enqueue_indirect_dma source(%arg10 : memref<80x8xf32, #tpu.memory_space<vmem>>) target(%dma_start3A_1074 : memref<10112x8xf32, #tpu.memory_space<vmem_shared>>) offsets(%arg26 : memref<80xi32, #tpu.memory_space<vmem>>) semaphore(%arg38 : memref<!tpu.dma_semaphore, #tpu.memory_space<semaphore_mem>>) {add = true}
    %dma_wait3A_1075 = arith.constant 0 : i32
    %dma_wait3A_1076 = arith.constant 0 : i32
    %dma_wait3A_1077 = tpu.memref_slice %arg8[%dma_wait3A_1075, %dma_wait3A_1076] : memref<10112x128xf32, #tpu.memory_space<vmem_shared>> -> memref<10112x128xf32, #tpu.memory_space<vmem_shared>>
    tpu.wait_indirect_dma semaphore(%arg35 : memref<!tpu.dma_semaphore, #tpu.memory_space<semaphore_mem>>) src(%arg11 : memref<80x128xf32, #tpu.memory_space<vmem>>) dst(%dma_wait3A_1077 : memref<10112x128xf32, #tpu.memory_space<vmem_shared>>)
    %dma_wait3A_1078 = arith.constant 0 : i32
    %dma_wait3A_1079 = arith.constant 0 : i32
    %dma_wait3A_1080 = tpu.memref_slice %arg9[%dma_wait3A_1078, %dma_wait3A_1079] : memref<10112x8xf32, #tpu.memory_space<vmem_shared>> -> memref<10112x8xf32, #tpu.memory_space<vmem_shared>>
    tpu.wait_indirect_dma semaphore(%arg38 : memref<!tpu.dma_semaphore, #tpu.memory_space<semaphore_mem>>) src(%arg10 : memref<80x8xf32, #tpu.memory_space<vmem>>) dst(%dma_wait3A_1080 : memref<10112x8xf32, #tpu.memory_space<vmem_shared>>)
    %dma_wait3A_1081 = arith.constant 0 : i32
    %dma_wait3A_1082 = tpu.memref_slice %arg3[%dma_wait3A_1081] : memref<160000xi32, #tpu.memory_space<hbm>> -> memref<80xi32, #tpu.memory_space<hbm>>
    %dma_wait3A_1083 = arith.constant 0 : i32
    %dma_wait3A_1084 = tpu.memref_slice %arg3[%dma_wait3A_1083] : memref<160000xi32, #tpu.memory_space<hbm>> -> memref<80xi32, #tpu.memory_space<hbm>>
    tpu.wait_dma2 semaphore(%arg44 : memref<!tpu.dma_semaphore, #tpu.memory_space<semaphore_mem>>) src(%dma_wait3A_1084 : memref<80xi32, #tpu.memory_space<hbm>>) dst(%arg17 : memref<80xi32, #tpu.memory_space<vmem>>)
    %dma_wait3A_1085 = arith.constant 0 : i32
    %dma_wait3A_1086 = tpu.memref_slice %arg4[%dma_wait3A_1085] : memref<160000xi32, #tpu.memory_space<hbm>> -> memref<80xi32, #tpu.memory_space<hbm>>
    %dma_wait3A_1087 = arith.constant 0 : i32
    %dma_wait3A_1088 = tpu.memref_slice %arg4[%dma_wait3A_1087] : memref<160000xi32, #tpu.memory_space<hbm>> -> memref<80xi32, #tpu.memory_space<hbm>>
    tpu.wait_dma2 semaphore(%arg44 : memref<!tpu.dma_semaphore, #tpu.memory_space<semaphore_mem>>) src(%dma_wait3A_1088 : memref<80xi32, #tpu.memory_space<hbm>>) dst(%arg29 : memref<80xi32, #tpu.memory_space<vmem>>)
    %get3A_1089 = arith.constant 0 : index
    %get3A_1090 = tpu.vector_load %arg17[%get3A_1089] {strides = array<i32>} : memref<80xi32, #tpu.memory_space<vmem>>, vector<16xi32>,
    %get3A_1091 = vector.shape_cast %get3A_1090 : vector<16xi32> to vector<16xi32>
    %add3A_1092 = arith.addi %get3A_1091, %get3A_1091 : vector<16xi32>
    %add3A_1093 = vector.broadcast %arg0 : i32 to vector<16xi32>
    %add3A_1094 = arith.addi %add3A_1092, %add3A_1093 : vector<16xi32>
    %swap3A_1095 = arith.constant 0 : index
    %swap3A_1096 = tpu.vector_load %arg23[%swap3A_1095] {strides = array<i32>} : memref<80xi32, #tpu.memory_space<vmem>>, vector<16xi32>,
    %swap3A_1097 = vector.shape_cast %swap3A_1096 : vector<16xi32> to vector<16xi32>
    %swap3A_1098 = vector.shape_cast %add3A_1094 : vector<16xi32> to vector<16xi32>
    tpu.vector_store %arg23[%swap3A_1095], %swap3A_1098 {strides = array<i32>} : memref<80xi32, #tpu.memory_space<vmem>>, vector<16xi32>,
    %get3A_1099 = arith.constant 16 : index
    %get3A_1100 = tpu.vector_load %arg17[%get3A_1099] {strides = array<i32>} : memref<80xi32, #tpu.memory_space<vmem>>, vector<16xi32>,
    %get3A_1101 = vector.shape_cast %get3A_1100 : vector<16xi32> to vector<16xi32>
    %add3A_1102 = arith.addi %get3A_1101, %get3A_1101 : vector<16xi32>
    %add3A_1103 = vector.broadcast %arg0 : i32 to vector<16xi32>
    %add3A_1104 = arith.addi %add3A_1102, %add3A_1103 : vector<16xi32>
    %swap3A_1105 = arith.constant 16 : index
    %swap3A_1106 = tpu.vector_load %arg23[%swap3A_1105] {strides = array<i32>} : memref<80xi32, #tpu.memory_space<vmem>>, vector<16xi32>,
    %swap3A_1107 = vector.shape_cast %swap3A_1106 : vector<16xi32> to vector<16xi32>
    %swap3A_1108 = vector.shape_cast %add3A_1104 : vector<16xi32> to vector<16xi32>
    tpu.vector_store %arg23[%swap3A_1105], %swap3A_1108 {strides = array<i32>} : memref<80xi32, #tpu.memory_space<vmem>>, vector<16xi32>,
    %get3A_1109 = arith.constant 32 : index
    %get3A_1110 = tpu.vector_load %arg17[%get3A_1109] {strides = array<i32>} : memref<80xi32, #tpu.memory_space<vmem>>, vector<16xi32>,
    %get3A_1111 = vector.shape_cast %get3A_1110 : vector<16xi32> to vector<16xi32>
    %add3A_1112 = arith.addi %get3A_1111, %get3A_1111 : vector<16xi32>
    %add3A_1113 = vector.broadcast %arg0 : i32 to vector<16xi32>
    %add3A_1114 = arith.addi %add3A_1112, %add3A_1113 : vector<16xi32>
    %swap3A_1115 = arith.constant 32 : index
    %swap3A_1116 = tpu.vector_load %arg23[%swap3A_1115] {strides = array<i32>} : memref<80xi32, #tpu.memory_space<vmem>>, vector<16xi32>,
    %swap3A_1117 = vector.shape_cast %swap3A_1116 : vector<16xi32> to vector<16xi32>
    %swap3A_1118 = vector.shape_cast %add3A_1114 : vector<16xi32> to vector<16xi32>
    tpu.vector_store %arg23[%swap3A_1115], %swap3A_1118 {strides = array<i32>} : memref<80xi32, #tpu.memory_space<vmem>>, vector<16xi32>,
    %get3A_1119 = arith.constant 48 : index
    %get3A_1120 = tpu.vector_load %arg17[%get3A_1119] {strides = array<i32>} : memref<80xi32, #tpu.memory_space<vmem>>, vector<16xi32>,
    %get3A_1121 = vector.shape_cast %get3A_1120 : vector<16xi32> to vector<16xi32>
    %add3A_1122 = arith.addi %get3A_1121, %get3A_1121 : vector<16xi32>
    %add3A_1123 = vector.broadcast %arg0 : i32 to vector<16xi32>
    %add3A_1124 = arith.addi %add3A_1122, %add3A_1123 : vector<16xi32>
    %swap3A_1125 = arith.constant 48 : index
    %swap3A_1126 = tpu.vector_load %arg23[%swap3A_1125] {strides = array<i32>} : memref<80xi32, #tpu.memory_space<vmem>>, vector<16xi32>,
    %swap3A_1127 = vector.shape_cast %swap3A_1126 : vector<16xi32> to vector<16xi32>
    %swap3A_1128 = vector.shape_cast %add3A_1124 : vector<16xi32> to vector<16xi32>
    tpu.vector_store %arg23[%swap3A_1125], %swap3A_1128 {strides = array<i32>} : memref<80xi32, #tpu.memory_space<vmem>>, vector<16xi32>,
    %get3A_1129 = arith.constant 64 : index
    %get3A_1130 = tpu.vector_load %arg17[%get3A_1129] {strides = array<i32>} : memref<80xi32, #tpu.memory_space<vmem>>, vector<16xi32>,
    %get3A_1131 = vector.shape_cast %get3A_1130 : vector<16xi32> to vector<16xi32>
    %add3A_1132 = arith.addi %get3A_1131, %get3A_1131 : vector<16xi32>
    %add3A_1133 = vector.broadcast %arg0 : i32 to vector<16xi32>
    %add3A_1134 = arith.addi %add3A_1132, %add3A_1133 : vector<16xi32>
    %swap3A_1135 = arith.constant 64 : index
    %swap3A_1136 = tpu.vector_load %arg23[%swap3A_1135] {strides = array<i32>} : memref<80xi32, #tpu.memory_space<vmem>>, vector<16xi32>,
    %swap3A_1137 = vector.shape_cast %swap3A_1136 : vector<16xi32> to vector<16xi32>
    %swap3A_1138 = vector.shape_cast %add3A_1134 : vector<16xi32> to vector<16xi32>
    tpu.vector_store %arg23[%swap3A_1135], %swap3A_1138 {strides = array<i32>} : memref<80xi32, #tpu.memory_space<vmem>>, vector<16xi32>,
    %dma_start3A_1139 = arith.constant 0 : i32
    %dma_start3A_1140 = arith.constant 0 : i32
    %dma_start3A_1141 = tpu.memref_slice %arg2[%dma_start3A_1139, %dma_start3A_1140] : memref<20000x128xf32, #tpu.memory_space<hbm>> -> memref<20000x128xf32, #tpu.memory_space<hbm>>
    tpu.enqueue_indirect_dma source(%dma_start3A_1141 : memref<20000x128xf32, #tpu.memory_space<hbm>>) target(%arg11 : memref<80x128xf32, #tpu.memory_space<vmem>>) offsets(%arg23 : memref<80xi32, #tpu.memory_space<vmem>>) semaphore(%arg32 : memref<!tpu.dma_semaphore, #tpu.memory_space<semaphore_mem>>)
    %dma_wait3A_1142 = arith.constant 0 : i32
    %dma_wait3A_1143 = arith.constant 0 : i32
    %dma_wait3A_1144 = tpu.memref_slice %arg2[%dma_wait3A_1142, %dma_wait3A_1143] : memref<20000x128xf32, #tpu.memory_space<hbm>> -> memref<20000x128xf32, #tpu.memory_space<hbm>>
    tpu.wait_indirect_dma semaphore(%arg33 : memref<!tpu.dma_semaphore, #tpu.memory_space<semaphore_mem>>) src(%dma_wait3A_1144 : memref<20000x128xf32, #tpu.memory_space<hbm>>) dst(%arg12 : memref<80x128xf32, #tpu.memory_space<vmem>>)
    %dma_start3A_1145 = arith.constant 0 : i32
    %dma_start3A_1146 = arith.constant 0 : i32
    %dma_start3A_1147 = tpu.memref_slice %arg8[%dma_start3A_1145, %dma_start3A_1146] : memref<10112x128xf32, #tpu.memory_space<vmem_shared>> -> memref<10112x128xf32, #tpu.memory_space<vmem_shared>>
    tpu.enqueue_indirect_dma source(%arg12 : memref<80x128xf32, #tpu.memory_space<vmem>>) target(%dma_start3A_1147 : memref<10112x128xf32, #tpu.memory_space<vmem_shared>>) offsets(%arg27 : memref<80xi32, #tpu.memory_space<vmem>>) semaphore(%arg36 : memref<!tpu.dma_semaphore, #tpu.memory_space<semaphore_mem>>) {add = true}
    %dma_start3A_1148 = arith.constant 0 : i32
    %dma_start3A_1149 = arith.constant 0 : i32
    %dma_start3A_1150 = tpu.memref_slice %arg9[%dma_start3A_1148, %dma_start3A_1149] : memref<10112x8xf32, #tpu.memory_space<vmem_shared>> -> memref<10112x8xf32, #tpu.memory_space<vmem_shared>>
    tpu.enqueue_indirect_dma source(%arg10 : memref<80x8xf32, #tpu.memory_space<vmem>>) target(%dma_start3A_1150 : memref<10112x8xf32, #tpu.memory_space<vmem_shared>>) offsets(%arg27 : memref<80xi32, #tpu.memory_space<vmem>>) semaphore(%arg39 : memref<!tpu.dma_semaphore, #tpu.memory_space<semaphore_mem>>) {add = true}
    %dma_wait3A_1151 = arith.constant 0 : i32
    %dma_wait3A_1152 = arith.constant 0 : i32
    %dma_wait3A_1153 = tpu.memref_slice %arg8[%dma_wait3A_1151, %dma_wait3A_1152] : memref<10112x128xf32, #tpu.memory_space<vmem_shared>> -> memref<10112x128xf32, #tpu.memory_space<vmem_shared>>
    tpu.wait_indirect_dma semaphore(%arg36 : memref<!tpu.dma_semaphore, #tpu.memory_space<semaphore_mem>>) src(%arg12 : memref<80x128xf32, #tpu.memory_space<vmem>>) dst(%dma_wait3A_1153 : memref<10112x128xf32, #tpu.memory_space<vmem_shared>>)
    %dma_wait3A_1154 = arith.constant 0 : i32
    %dma_wait3A_1155 = arith.constant 0 : i32
    %dma_wait3A_1156 = tpu.memref_slice %arg9[%dma_wait3A_1154, %dma_wait3A_1155] : memref<10112x8xf32, #tpu.memory_space<vmem_shared>> -> memref<10112x8xf32, #tpu.memory_space<vmem_shared>>
    tpu.wait_indirect_dma semaphore(%arg39 : memref<!tpu.dma_semaphore, #tpu.memory_space<semaphore_mem>>) src(%arg10 : memref<80x8xf32, #tpu.memory_space<vmem>>) dst(%dma_wait3A_1156 : memref<10112x8xf32, #tpu.memory_space<vmem_shared>>)
    %dma_wait3A_1157 = arith.constant 0 : i32
    %dma_wait3A_1158 = tpu.memref_slice %arg3[%dma_wait3A_1157] : memref<160000xi32, #tpu.memory_space<hbm>> -> memref<80xi32, #tpu.memory_space<hbm>>
    %dma_wait3A_1159 = arith.constant 0 : i32
    %dma_wait3A_1160 = tpu.memref_slice %arg3[%dma_wait3A_1159] : memref<160000xi32, #tpu.memory_space<hbm>> -> memref<80xi32, #tpu.memory_space<hbm>>
    tpu.wait_dma2 semaphore(%arg45 : memref<!tpu.dma_semaphore, #tpu.memory_space<semaphore_mem>>) src(%dma_wait3A_1160 : memref<80xi32, #tpu.memory_space<hbm>>) dst(%arg18 : memref<80xi32, #tpu.memory_space<vmem>>)
    %dma_wait3A_1161 = arith.constant 0 : i32
    %dma_wait3A_1162 = tpu.memref_slice %arg4[%dma_wait3A_1161] : memref<160000xi32, #tpu.memory_space<hbm>> -> memref<80xi32, #tpu.memory_space<hbm>>
    %dma_wait3A_1163 = arith.constant 0 : i32
    %dma_wait3A_1164 = tpu.memref_slice %arg4[%dma_wait3A_1163] : memref<160000xi32, #tpu.memory_space<hbm>> -> memref<80xi32, #tpu.memory_space<hbm>>
    tpu.wait_dma2 semaphore(%arg45 : memref<!tpu.dma_semaphore, #tpu.memory_space<semaphore_mem>>) src(%dma_wait3A_1164 : memref<80xi32, #tpu.memory_space<hbm>>) dst(%arg30 : memref<80xi32, #tpu.memory_space<vmem>>)
    %get3A_1165 = arith.constant 0 : index
    %get3A_1166 = tpu.vector_load %arg18[%get3A_1165] {strides = array<i32>} : memref<80xi32, #tpu.memory_space<vmem>>, vector<16xi32>,
    %get3A_1167 = vector.shape_cast %get3A_1166 : vector<16xi32> to vector<16xi32>
    %add3A_1168 = arith.addi %get3A_1167, %get3A_1167 : vector<16xi32>
    %add3A_1169 = vector.broadcast %arg0 : i32 to vector<16xi32>
    %add3A_1170 = arith.addi %add3A_1168, %add3A_1169 : vector<16xi32>
    %swap3A_1171 = arith.constant 0 : index
    %swap3A_1172 = tpu.vector_load %arg24[%swap3A_1171] {strides = array<i32>} : memref<80xi32, #tpu.memory_space<vmem>>, vector<16xi32>,
    %swap3A_1173 = vector.shape_cast %swap3A_1172 : vector<16xi32> to vector<16xi32>
    %swap3A_1174 = vector.shape_cast %add3A_1170 : vector<16xi32> to vector<16xi32>
    tpu.vector_store %arg24[%swap3A_1171], %swap3A_1174 {strides = array<i32>} : memref<80xi32, #tpu.memory_space<vmem>>, vector<16xi32>,
    %get3A_1175 = arith.constant 16 : index
    %get3A_1176 = tpu.vector_load %arg18[%get3A_1175] {strides = array<i32>} : memref<80xi32, #tpu.memory_space<vmem>>, vector<16xi32>,
    %get3A_1177 = vector.shape_cast %get3A_1176 : vector<16xi32> to vector<16xi32>
    %add3A_1178 = arith.addi %get3A_1177, %get3A_1177 : vector<16xi32>
    %add3A_1179 = vector.broadcast %arg0 : i32 to vector<16xi32>
    %add3A_1180 = arith.addi %add3A_1178, %add3A_1179 : vector<16xi32>
    %swap3A_1181 = arith.constant 16 : index
    %swap3A_1182 = tpu.vector_load %arg24[%swap3A_1181] {strides = array<i32>} : memref<80xi32, #tpu.memory_space<vmem>>, vector<16xi32>,
    %swap3A_1183 = vector.shape_cast %swap3A_1182 : vector<16xi32> to vector<16xi32>
    %swap3A_1184 = vector.shape_cast %add3A_1180 : vector<16xi32> to vector<16xi32>
    tpu.vector_store %arg24[%swap3A_1181], %swap3A_1184 {strides = array<i32>} : memref<80xi32, #tpu.memory_space<vmem>>, vector<16xi32>,
    %get3A_1185 = arith.constant 32 : index
    %get3A_1186 = tpu.vector_load %arg18[%get3A_1185] {strides = array<i32>} : memref<80xi32, #tpu.memory_space<vmem>>, vector<16xi32>,
    %get3A_1187 = vector.shape_cast %get3A_1186 : vector<16xi32> to vector<16xi32>
    %add3A_1188 = arith.addi %get3A_1187, %get3A_1187 : vector<16xi32>
    %add3A_1189 = vector.broadcast %arg0 : i32 to vector<16xi32>
    %add3A_1190 = arith.addi %add3A_1188, %add3A_1189 : vector<16xi32>
    %swap3A_1191 = arith.constant 32 : index
    %swap3A_1192 = tpu.vector_load %arg24[%swap3A_1191] {strides = array<i32>} : memref<80xi32, #tpu.memory_space<vmem>>, vector<16xi32>,
    %swap3A_1193 = vector.shape_cast %swap3A_1192 : vector<16xi32> to vector<16xi32>
    %swap3A_1194 = vector.shape_cast %add3A_1190 : vector<16xi32> to vector<16xi32>
    tpu.vector_store %arg24[%swap3A_1191], %swap3A_1194 {strides = array<i32>} : memref<80xi32, #tpu.memory_space<vmem>>, vector<16xi32>,
    %get3A_1195 = arith.constant 48 : index
    %get3A_1196 = tpu.vector_load %arg18[%get3A_1195] {strides = array<i32>} : memref<80xi32, #tpu.memory_space<vmem>>, vector<16xi32>,
    %get3A_1197 = vector.shape_cast %get3A_1196 : vector<16xi32> to vector<16xi32>
    %add3A_1198 = arith.addi %get3A_1197, %get3A_1197 : vector<16xi32>
    %add3A_1199 = vector.broadcast %arg0 : i32 to vector<16xi32>
    %add3A_1200 = arith.addi %add3A_1198, %add3A_1199 : vector<16xi32>
    %swap3A_1201 = arith.constant 48 : index
    %swap3A_1202 = tpu.vector_load %arg24[%swap3A_1201] {strides = array<i32>} : memref<80xi32, #tpu.memory_space<vmem>>, vector<16xi32>,
    %swap3A_1203 = vector.shape_cast %swap3A_1202 : vector<16xi32> to vector<16xi32>
    %swap3A_1204 = vector.shape_cast %add3A_1200 : vector<16xi32> to vector<16xi32>
    tpu.vector_store %arg24[%swap3A_1201], %swap3A_1204 {strides = array<i32>} : memref<80xi32, #tpu.memory_space<vmem>>, vector<16xi32>,
    %get3A_1205 = arith.constant 64 : index
    %get3A_1206 = tpu.vector_load %arg18[%get3A_1205] {strides = array<i32>} : memref<80xi32, #tpu.memory_space<vmem>>, vector<16xi32>,
    %get3A_1207 = vector.shape_cast %get3A_1206 : vector<16xi32> to vector<16xi32>
    %add3A_1208 = arith.addi %get3A_1207, %get3A_1207 : vector<16xi32>
    %add3A_1209 = vector.broadcast %arg0 : i32 to vector<16xi32>
    %add3A_1210 = arith.addi %add3A_1208, %add3A_1209 : vector<16xi32>
    %swap3A_1211 = arith.constant 64 : index
    %swap3A_1212 = tpu.vector_load %arg24[%swap3A_1211] {strides = array<i32>} : memref<80xi32, #tpu.memory_space<vmem>>, vector<16xi32>,
    %swap3A_1213 = vector.shape_cast %swap3A_1212 : vector<16xi32> to vector<16xi32>
    %swap3A_1214 = vector.shape_cast %add3A_1210 : vector<16xi32> to vector<16xi32>
    tpu.vector_store %arg24[%swap3A_1211], %swap3A_1214 {strides = array<i32>} : memref<80xi32, #tpu.memory_space<vmem>>, vector<16xi32>,
    %dma_start3A_1215 = arith.constant 0 : i32
    %dma_start3A_1216 = arith.constant 0 : i32
    %dma_start3A_1217 = tpu.memref_slice %arg2[%dma_start3A_1215, %dma_start3A_1216] : memref<20000x128xf32, #tpu.memory_space<hbm>> -> memref<20000x128xf32, #tpu.memory_space<hbm>>
    tpu.enqueue_indirect_dma source(%dma_start3A_1217 : memref<20000x128xf32, #tpu.memory_space<hbm>>) target(%arg12 : memref<80x128xf32, #tpu.memory_space<vmem>>) offsets(%arg24 : memref<80xi32, #tpu.memory_space<vmem>>) semaphore(%arg33 : memref<!tpu.dma_semaphore, #tpu.memory_space<semaphore_mem>>)
    %dma_wait3A_1218 = arith.constant 0 : i32
    %dma_wait3A_1219 = arith.constant 0 : i32
    %dma_wait3A_1220 = tpu.memref_slice %arg2[%dma_wait3A_1218, %dma_wait3A_1219] : memref<20000x128xf32, #tpu.memory_space<hbm>> -> memref<20000x128xf32, #tpu.memory_space<hbm>>
    tpu.wait_indirect_dma semaphore(%arg34 : memref<!tpu.dma_semaphore, #tpu.memory_space<semaphore_mem>>) src(%dma_wait3A_1220 : memref<20000x128xf32, #tpu.memory_space<hbm>>) dst(%arg13 : memref<80x128xf32, #tpu.memory_space<vmem>>)
    %dma_start3A_1221 = arith.constant 0 : i32
    %dma_start3A_1222 = arith.constant 0 : i32
    %dma_start3A_1223 = tpu.memref_slice %arg8[%dma_start3A_1221, %dma_start3A_1222] : memref<10112x128xf32, #tpu.memory_space<vmem_shared>> -> memref<10112x128xf32, #tpu.memory_space<vmem_shared>>
    tpu.enqueue_indirect_dma source(%arg13 : memref<80x128xf32, #tpu.memory_space<vmem>>) target(%dma_start3A_1223 : memref<10112x128xf32, #tpu.memory_space<vmem_shared>>) offsets(%arg28 : memref<80xi32, #tpu.memory_space<vmem>>) semaphore(%arg37 : memref<!tpu.dma_semaphore, #tpu.memory_space<semaphore_mem>>) {add = true}
    %dma_start3A_1224 = arith.constant 0 : i32
    %dma_start3A_1225 = arith.constant 0 : i32
    %dma_start3A_1226 = tpu.memref_slice %arg9[%dma_start3A_1224, %dma_start3A_1225] : memref<10112x8xf32, #tpu.memory_space<vmem_shared>> -> memref<10112x8xf32, #tpu.memory_space<vmem_shared>>
    tpu.enqueue_indirect_dma source(%arg10 : memref<80x8xf32, #tpu.memory_space<vmem>>) target(%dma_start3A_1226 : memref<10112x8xf32, #tpu.memory_space<vmem_shared>>) offsets(%arg28 : memref<80xi32, #tpu.memory_space<vmem>>) semaphore(%arg40 : memref<!tpu.dma_semaphore, #tpu.memory_space<semaphore_mem>>) {add = true}
    %dma_wait3A_1227 = arith.constant 0 : i32
    %dma_wait3A_1228 = arith.constant 0 : i32
    %dma_wait3A_1229 = tpu.memref_slice %arg8[%dma_wait3A_1227, %dma_wait3A_1228] : memref<10112x128xf32, #tpu.memory_space<vmem_shared>> -> memref<10112x128xf32, #tpu.memory_space<vmem_shared>>
    tpu.wait_indirect_dma semaphore(%arg37 : memref<!tpu.dma_semaphore, #tpu.memory_space<semaphore_mem>>) src(%arg13 : memref<80x128xf32, #tpu.memory_space<vmem>>) dst(%dma_wait3A_1229 : memref<10112x128xf32, #tpu.memory_space<vmem_shared>>)
    %dma_wait3A_1230 = arith.constant 0 : i32
    %dma_wait3A_1231 = arith.constant 0 : i32
    %dma_wait3A_1232 = tpu.memref_slice %arg9[%dma_wait3A_1230, %dma_wait3A_1231] : memref<10112x8xf32, #tpu.memory_space<vmem_shared>> -> memref<10112x8xf32, #tpu.memory_space<vmem_shared>>
    tpu.wait_indirect_dma semaphore(%arg40 : memref<!tpu.dma_semaphore, #tpu.memory_space<semaphore_mem>>) src(%arg10 : memref<80x8xf32, #tpu.memory_space<vmem>>) dst(%dma_wait3A_1232 : memref<10112x8xf32, #tpu.memory_space<vmem_shared>>)
    %dma_wait3A_1233 = arith.constant 0 : i32
    %dma_wait3A_1234 = arith.constant 0 : i32
    %dma_wait3A_1235 = tpu.memref_slice %arg2[%dma_wait3A_1233, %dma_wait3A_1234] : memref<20000x128xf32, #tpu.memory_space<hbm>> -> memref<20000x128xf32, #tpu.memory_space<hbm>>
    tpu.wait_indirect_dma semaphore(%arg32 : memref<!tpu.dma_semaphore, #tpu.memory_space<semaphore_mem>>) src(%dma_wait3A_1235 : memref<20000x128xf32, #tpu.memory_space<hbm>>) dst(%arg11 : memref<80x128xf32, #tpu.memory_space<vmem>>)
    %dma_start3A_1236 = arith.constant 0 : i32
    %dma_start3A_1237 = arith.constant 0 : i32
    %dma_start3A_1238 = tpu.memref_slice %arg8[%dma_start3A_1236, %dma_start3A_1237] : memref<10112x128xf32, #tpu.memory_space<vmem_shared>> -> memref<10112x128xf32, #tpu.memory_space<vmem_shared>>
    tpu.enqueue_indirect_dma source(%arg11 : memref<80x128xf32, #tpu.memory_space<vmem>>) target(%dma_start3A_1238 : memref<10112x128xf32, #tpu.memory_space<vmem_shared>>) offsets(%arg29 : memref<80xi32, #tpu.memory_space<vmem>>) semaphore(%arg35 : memref<!tpu.dma_semaphore, #tpu.memory_space<semaphore_mem>>) {add = true}
    %dma_start3A_1239 = arith.constant 0 : i32
    %dma_start3A_1240 = arith.constant 0 : i32
    %dma_start3A_1241 = tpu.memref_slice %arg9[%dma_start3A_1239, %dma_start3A_1240] : memref<10112x8xf32, #tpu.memory_space<vmem_shared>> -> memref<10112x8xf32, #tpu.memory_space<vmem_shared>>
    tpu.enqueue_indirect_dma source(%arg10 : memref<80x8xf32, #tpu.memory_space<vmem>>) target(%dma_start3A_1241 : memref<10112x8xf32, #tpu.memory_space<vmem_shared>>) offsets(%arg29 : memref<80xi32, #tpu.memory_space<vmem>>) semaphore(%arg38 : memref<!tpu.dma_semaphore, #tpu.memory_space<semaphore_mem>>) {add = true}
    %dma_wait3A_1242 = arith.constant 0 : i32
    %dma_wait3A_1243 = arith.constant 0 : i32
    %dma_wait3A_1244 = tpu.memref_slice %arg8[%dma_wait3A_1242, %dma_wait3A_1243] : memref<10112x128xf32, #tpu.memory_space<vmem_shared>> -> memref<10112x128xf32, #tpu.memory_space<vmem_shared>>
    tpu.wait_indirect_dma semaphore(%arg35 : memref<!tpu.dma_semaphore, #tpu.memory_space<semaphore_mem>>) src(%arg11 : memref<80x128xf32, #tpu.memory_space<vmem>>) dst(%dma_wait3A_1244 : memref<10112x128xf32, #tpu.memory_space<vmem_shared>>)
    %dma_wait3A_1245 = arith.constant 0 : i32
    %dma_wait3A_1246 = arith.constant 0 : i32
    %dma_wait3A_1247 = tpu.memref_slice %arg9[%dma_wait3A_1245, %dma_wait3A_1246] : memref<10112x8xf32, #tpu.memory_space<vmem_shared>> -> memref<10112x8xf32, #tpu.memory_space<vmem_shared>>
    tpu.wait_indirect_dma semaphore(%arg38 : memref<!tpu.dma_semaphore, #tpu.memory_space<semaphore_mem>>) src(%arg10 : memref<80x8xf32, #tpu.memory_space<vmem>>) dst(%dma_wait3A_1247 : memref<10112x8xf32, #tpu.memory_space<vmem_shared>>)
    %dma_wait3A_1248 = arith.constant 0 : i32
    %dma_wait3A_1249 = arith.constant 0 : i32
    %dma_wait3A_1250 = tpu.memref_slice %arg2[%dma_wait3A_1248, %dma_wait3A_1249] : memref<20000x128xf32, #tpu.memory_space<hbm>> -> memref<20000x128xf32, #tpu.memory_space<hbm>>
    tpu.wait_indirect_dma semaphore(%arg33 : memref<!tpu.dma_semaphore, #tpu.memory_space<semaphore_mem>>) src(%dma_wait3A_1250 : memref<20000x128xf32, #tpu.memory_space<hbm>>) dst(%arg12 : memref<80x128xf32, #tpu.memory_space<vmem>>)
    %dma_start3A_1251 = arith.constant 0 : i32
    %dma_start3A_1252 = arith.constant 0 : i32
    %dma_start3A_1253 = tpu.memref_slice %arg8[%dma_start3A_1251, %dma_start3A_1252] : memref<10112x128xf32, #tpu.memory_space<vmem_shared>> -> memref<10112x128xf32, #tpu.memory_space<vmem_shared>>
    tpu.enqueue_indirect_dma source(%arg12 : memref<80x128xf32, #tpu.memory_space<vmem>>) target(%dma_start3A_1253 : memref<10112x128xf32, #tpu.memory_space<vmem_shared>>) offsets(%arg30 : memref<80xi32, #tpu.memory_space<vmem>>) semaphore(%arg36 : memref<!tpu.dma_semaphore, #tpu.memory_space<semaphore_mem>>) {add = true}
    %dma_start3A_1254 = arith.constant 0 : i32
    %dma_start3A_1255 = arith.constant 0 : i32
    %dma_start3A_1256 = tpu.memref_slice %arg9[%dma_start3A_1254, %dma_start3A_1255] : memref<10112x8xf32, #tpu.memory_space<vmem_shared>> -> memref<10112x8xf32, #tpu.memory_space<vmem_shared>>
    tpu.enqueue_indirect_dma source(%arg10 : memref<80x8xf32, #tpu.memory_space<vmem>>) target(%dma_start3A_1256 : memref<10112x8xf32, #tpu.memory_space<vmem_shared>>) offsets(%arg30 : memref<80xi32, #tpu.memory_space<vmem>>) semaphore(%arg39 : memref<!tpu.dma_semaphore, #tpu.memory_space<semaphore_mem>>) {add = true}
    %dma_wait3A_1257 = arith.constant 0 : i32
    %dma_wait3A_1258 = arith.constant 0 : i32
    %dma_wait3A_1259 = tpu.memref_slice %arg8[%dma_wait3A_1257, %dma_wait3A_1258] : memref<10112x128xf32, #tpu.memory_space<vmem_shared>> -> memref<10112x128xf32, #tpu.memory_space<vmem_shared>>
    tpu.wait_indirect_dma semaphore(%arg36 : memref<!tpu.dma_semaphore, #tpu.memory_space<semaphore_mem>>) src(%arg12 : memref<80x128xf32, #tpu.memory_space<vmem>>) dst(%dma_wait3A_1259 : memref<10112x128xf32, #tpu.memory_space<vmem_shared>>)
    %dma_wait3A_1260 = arith.constant 0 : i32
    %dma_wait3A_1261 = arith.constant 0 : i32
    %dma_wait3A_1262 = tpu.memref_slice %arg9[%dma_wait3A_1260, %dma_wait3A_1261] : memref<10112x8xf32, #tpu.memory_space<vmem_shared>> -> memref<10112x8xf32, #tpu.memory_space<vmem_shared>>
    tpu.wait_indirect_dma semaphore(%arg39 : memref<!tpu.dma_semaphore, #tpu.memory_space<semaphore_mem>>) src(%arg10 : memref<80x8xf32, #tpu.memory_space<vmem>>) dst(%dma_wait3A_1262 : memref<10112x8xf32, #tpu.memory_space<vmem_shared>>)
    %barrier3A_1263 = arith.constant 0 : index
    tpu.barrier barrier_id(%barrier3A_1263)
    %mul3A_1264 = arith.constant 632 : i32
    %mul3A_1265 = arith.muli %arg1, %mul3A_1264 : i32
    %mul3A_1266 = arith.constant 10112 : i32
    %mul3A_1267 = arith.muli %arg0, %mul3A_1266 : i32
    %mul3A_1268 = arith.constant 632 : i32
    %mul3A_1269 = arith.muli %arg1, %mul3A_1268 : i32
    %add3A_1270 = arith.addi %mul3A_1267, %mul3A_1269 : i32
    %dma_start3A_1271 = arith.constant 0 : i32
    %dma_start3A_1272 = tpu.memref_slice %arg7[%add3A_1270, %dma_start3A_1271] : memref<20224x8xf32, #tpu.memory_space<hbm>> -> memref<632x8xf32, #tpu.memory_space<hbm>>
    %dma_start3A_1273 = arith.constant 0 : i32
    %dma_start3A_1274 = tpu.memref_slice %arg9[%mul3A_1265, %dma_start3A_1273] : memref<10112x8xf32, #tpu.memory_space<vmem_shared>> -> memref<632x8xf32, #tpu.memory_space<vmem_shared>>
    tpu.enqueue_dma source(%dma_start3A_1274 : memref<632x8xf32, #tpu.memory_space<vmem_shared>>) target(%dma_start3A_1272 : memref<632x8xf32, #tpu.memory_space<hbm>>) target_semaphore(%arg33 : memref<!tpu.dma_semaphore, #tpu.memory_space<semaphore_mem>>)
    %mul3A_1275 = arith.constant 632 : i32
    %mul3A_1276 = arith.muli %arg1, %mul3A_1275 : i32
    %mul3A_1277 = arith.constant 10112 : i32
    %mul3A_1278 = arith.muli %arg0, %mul3A_1277 : i32
    %mul3A_1279 = arith.constant 632 : i32
    %mul3A_1280 = arith.muli %arg1, %mul3A_1279 : i32
    %add3A_1281 = arith.addi %mul3A_1278, %mul3A_1280 : i32
    %dma_start3A_1282 = arith.constant 0 : i32
    %dma_start3A_1283 = tpu.memref_slice %arg6[%add3A_1281, %dma_start3A_1282] : memref<20224x128xf32, #tpu.memory_space<hbm>> -> memref<632x128xf32, #tpu.memory_space<hbm>>
    %dma_start3A_1284 = arith.constant 0 : i32
    %dma_start3A_1285 = tpu.memref_slice %arg8[%mul3A_1276, %dma_start3A_1284] : memref<10112x128xf32, #tpu.memory_space<vmem_shared>> -> memref<632x128xf32, #tpu.memory_space<vmem_shared>>
    tpu.enqueue_dma source(%dma_start3A_1285 : memref<632x128xf32, #tpu.memory_space<vmem_shared>>) target(%dma_start3A_1283 : memref<632x128xf32, #tpu.memory_space<hbm>>) target_semaphore(%arg32 : memref<!tpu.dma_semaphore, #tpu.memory_space<semaphore_mem>>)
    %mul3A_1286 = arith.constant 632 : i32
    %mul3A_1287 = arith.muli %arg1, %mul3A_1286 : i32
    %dma_wait3A_1288 = arith.constant 0 : i32
    %dma_wait3A_1289 = arith.constant 0 : i32
    %dma_wait3A_1290 = tpu.memref_slice %arg7[%dma_wait3A_1288, %dma_wait3A_1289] : memref<20224x8xf32, #tpu.memory_space<hbm>> -> memref<632x8xf32, #tpu.memory_space<hbm>>
    %dma_wait3A_1291 = arith.constant 0 : i32
    %dma_wait3A_1292 = tpu.memref_slice %arg9[%mul3A_1287, %dma_wait3A_1291] : memref<10112x8xf32, #tpu.memory_space<vmem_shared>> -> memref<632x8xf32, #tpu.memory_space<vmem_shared>>
    tpu.wait_dma2 semaphore(%arg33 : memref<!tpu.dma_semaphore, #tpu.memory_space<semaphore_mem>>) src(%dma_wait3A_1292 : memref<632x8xf32, #tpu.memory_space<vmem_shared>>) dst(%dma_wait3A_1290 : memref<632x8xf32, #tpu.memory_space<hbm>>)
    %mul3A_1293 = arith.constant 632 : i32
    %mul3A_1294 = arith.muli %arg1, %mul3A_1293 : i32
    %dma_wait3A_1295 = arith.constant 0 : i32
    %dma_wait3A_1296 = arith.constant 0 : i32
    %dma_wait3A_1297 = tpu.memref_slice %arg6[%dma_wait3A_1295, %dma_wait3A_1296] : memref<20224x128xf32, #tpu.memory_space<hbm>> -> memref<632x128xf32, #tpu.memory_space<hbm>>
    %dma_wait3A_1298 = arith.constant 0 : i32
    %dma_wait3A_1299 = tpu.memref_slice %arg8[%mul3A_1294, %dma_wait3A_1298] : memref<10112x128xf32, #tpu.memory_space<vmem_shared>> -> memref<632x128xf32, #tpu.memory_space<vmem_shared>>
    tpu.wait_dma2 semaphore(%arg32 : memref<!tpu.dma_semaphore, #tpu.memory_space<semaphore_mem>>) src(%dma_wait3A_1299 : memref<632x128xf32, #tpu.memory_space<vmem_shared>>) dst(%dma_wait3A_1297 : memref<632x128xf32, #tpu.memory_space<hbm>>)
    return
  }
}

module attributes {stable_mosaic.version = 14 : i64} {
  func.func @_tc_xwr_body(%arg0: i32, %arg1: memref<1264x256xf32, #tpu.memory_space<vmem>>, %arg2: memref<256x256xf32, #tpu.memory_space<vmem>>, %arg3: memref<1x256xf32, #tpu.memory_space<vmem>>, %arg4: memref<1264x256xbf16, #tpu.memory_space<vmem>>) attributes {dimension_semantics = [#tpu.dimension_semantics<arbitrary>], iteration_bounds = array<i64: 8>, scalar_prefetch = 0 : i64, scratch_operands = 0 : i64, tpu.core_type = #tpu.core_type<tc>, window_params = [{transform_indices = @transform_0, window_bounds = array<i64: 1264, 256>}, {pipeline_mode = #tpu.pipeline_mode<synchronous>, transform_indices = @transform_1, window_bounds = array<i64: 256, 256>}, {pipeline_mode = #tpu.pipeline_mode<synchronous>, transform_indices = @transform_2, window_bounds = array<i64: 1, 256>}, {transform_indices = @transform_3, window_bounds = array<i64: 1264, 256>}]} {
    %get3A = arith.constant 0 : index
    %get3A_0 = arith.constant 0 : index
    %get3A_1 = vector.load %arg1[%get3A, %get3A_0] : memref<1264x256xf32, #tpu.memory_space<vmem>>, vector<1264x256xf32>
    %get3A_2 = arith.constant 0 : index
    %get3A_3 = arith.constant 0 : index
    %get3A_4 = vector.load %arg2[%get3A_2, %get3A_3] : memref<256x256xf32, #tpu.memory_space<vmem>>, vector<256x256xf32>
    %dot_general3A = arith.constant dense<0.000000e+00> : vector<1264x256xf32>
    %dot_general3A_5 = tpu.matmul %get3A_1, %get3A_4, %dot_general3A {dimension_numbers = #tpu.dot_dimension_numbers<[1], [0], [0], [1], [0, 0, 1, 1], [], []>, transpose_lhs_hint = false} : vector<1264x256xf32>, vector<256x256xf32>, vector<1264x256xf32> -> vector<1264x256xf32>
    %get3A_6 = arith.constant 0 : index
    %get3A_7 = arith.constant 0 : index
    %get3A_8 = vector.load %arg3[%get3A_6, %get3A_7] : memref<1x256xf32, #tpu.memory_space<vmem>>, vector<1x256xf32>
    %add3A = vector.broadcast %get3A_8 : vector<1x256xf32> to vector<1264x256xf32>
    %add3A_9 = arith.addf %dot_general3A_5, %add3A : vector<1264x256xf32>
    %convert_element_type3A = arith.truncf %add3A_9 : vector<1264x256xf32> to vector<1264x256xbf16>
    %swap3A = arith.constant 0 : index
    %swap3A_10 = arith.constant 0 : index
    %swap3A_11 = vector.load %arg4[%swap3A, %swap3A_10] : memref<1264x256xbf16, #tpu.memory_space<vmem>>, vector<1264x256xbf16>
    tpu.vector_store %arg4[%swap3A, %swap3A_10], %convert_element_type3A {strides = array<i32>} : memref<1264x256xbf16, #tpu.memory_space<vmem>>, vector<1264x256xbf16>,
    return
  }
  func.func @transform_0(%arg0: i32) -> (i32, i32) {
    %c0_i32 = arith.constant 0 : i32
    %c0_i32_0 = arith.constant 0 : i32
    return %arg0, %c0_i32 : i32, i32
  }
  func.func @transform_1(%arg0: i32) -> (i32, i32) {
    %c0_i32 = arith.constant 0 : i32
    %c0_i32_0 = arith.constant 0 : i32
    %c0_i32_1 = arith.constant 0 : i32
    return %c0_i32, %c0_i32_0 : i32, i32
  }
  func.func @transform_2(%arg0: i32) -> (i32, i32) {
    %c0_i32 = arith.constant 0 : i32
    %c0_i32_0 = arith.constant 0 : i32
    %c0_i32_1 = arith.constant 0 : i32
    return %c0_i32, %c0_i32_0 : i32, i32
  }
  func.func @transform_3(%arg0: i32) -> (i32, i32) {
    %c0_i32 = arith.constant 0 : i32
    %c0_i32_0 = arith.constant 0 : i32
    return %arg0, %c0_i32 : i32, i32
  }
}

module attributes {stable_mosaic.version = 14 : i64} {
  func.func @_tc_body(%arg0: i32, %arg1: memref<1264x128xf32, #tpu.memory_space<vmem>>, %arg2: memref<1264x128xf32, #tpu.memory_space<vmem>>, %arg3: memref<1264x8xf32, #tpu.memory_space<vmem>>, %arg4: memref<1264x256xbf16, #tpu.memory_space<vmem>>, %arg5: memref<1264x256xf32, #tpu.memory_space<vmem>>, %arg6: memref<256x256xbf16, #tpu.memory_space<vmem>>, %arg7: memref<1x256xf32, #tpu.memory_space<vmem>>, %arg8: memref<1x256xf32, #tpu.memory_space<vmem>>, %arg9: memref<1264x256xf32, #tpu.memory_space<vmem>>) attributes {dimension_semantics = [#tpu.dimension_semantics<arbitrary>], iteration_bounds = array<i64: 8>, scalar_prefetch = 0 : i64, scratch_operands = 0 : i64, tpu.core_type = #tpu.core_type<tc>, window_params = [{transform_indices = @transform_0, window_bounds = array<i64: 1264, 128>}, {transform_indices = @transform_1, window_bounds = array<i64: 1264, 128>}, {transform_indices = @transform_2, window_bounds = array<i64: 1264, 8>}, {transform_indices = @transform_3, window_bounds = array<i64: 1264, 256>}, {transform_indices = @transform_4, window_bounds = array<i64: 1264, 256>}, {pipeline_mode = #tpu.pipeline_mode<synchronous>, transform_indices = @transform_5, window_bounds = array<i64: 256, 256>}, {pipeline_mode = #tpu.pipeline_mode<synchronous>, transform_indices = @transform_6, window_bounds = array<i64: 1, 256>}, {pipeline_mode = #tpu.pipeline_mode<synchronous>, transform_indices = @transform_7, window_bounds = array<i64: 1, 256>}, {transform_indices = @transform_8, window_bounds = array<i64: 1264, 256>}]} {
    %get3A = arith.constant 0 : index
    %get3A_0 = arith.constant 0 : index
    %get3A_1 = vector.load %arg3[%get3A, %get3A_0] : memref<1264x8xf32, #tpu.memory_space<vmem>>, vector<1264x1xf32>
    %max3A = arith.constant 1.000000e+00 : f32
    %max3A_2 = vector.broadcast %max3A : f32 to vector<1264x1xf32>
    %max3A_3 = arith.maximumf %get3A_1, %max3A_2 : vector<1264x1xf32>
    %div3A = arith.constant 1.000000e+00 : f32
    %div3A_4 = vector.broadcast %div3A : f32 to vector<1264x1xf32>
    %div3A_5 = arith.divf %div3A_4, %max3A_3 : vector<1264x1xf32>
    %get3A_6 = arith.constant 0 : index
    %get3A_7 = arith.constant 0 : index
    %get3A_8 = vector.load %arg1[%get3A_6, %get3A_7] : memref<1264x128xf32, #tpu.memory_space<vmem>>, vector<1264x128xf32>
    %mul3A = vector.broadcast %div3A_5 : vector<1264x1xf32> to vector<1264x128xf32>
    %mul3A_9 = arith.mulf %get3A_8, %mul3A : vector<1264x128xf32>
    %convert_element_type3A = arith.truncf %mul3A_9 : vector<1264x128xf32> to vector<1264x128xbf16>
    %get3A_10 = arith.constant 0 : index
    %get3A_11 = arith.constant 0 : index
    %get3A_12 = vector.load %arg2[%get3A_10, %get3A_11] : memref<1264x128xf32, #tpu.memory_space<vmem>>, vector<1264x128xf32>
    %mul3A_13 = vector.broadcast %div3A_5 : vector<1264x1xf32> to vector<1264x128xf32>
    %mul3A_14 = arith.mulf %get3A_12, %mul3A_13 : vector<1264x128xf32>
    %convert_element_type3A_15 = arith.truncf %mul3A_14 : vector<1264x128xf32> to vector<1264x128xbf16>
    %get3A_16 = arith.constant 0 : index
    %get3A_17 = arith.constant 0 : index
    %get3A_18 = vector.load %arg6[%get3A_16, %get3A_17] : memref<256x256xbf16, #tpu.memory_space<vmem>>, vector<128x256xbf16>
    %dot_general3A = arith.constant dense<0.000000e+00> : vector<1264x256xf32>
    %dot_general3A_19 = tpu.matmul %convert_element_type3A, %get3A_18, %dot_general3A {dimension_numbers = #tpu.dot_dimension_numbers<[1], [0], [0], [1], [0, 0, 1, 1], [], []>, transpose_lhs_hint = false} : vector<1264x128xbf16>, vector<128x256xbf16>, vector<1264x256xf32> -> vector<1264x256xf32>
    %get3A_20 = arith.constant 128 : index
    %get3A_21 = arith.constant 0 : index
    %get3A_22 = vector.load %arg6[%get3A_20, %get3A_21] : memref<256x256xbf16, #tpu.memory_space<vmem>>, vector<128x256xbf16>
    %dot_general3A_23 = arith.constant dense<0.000000e+00> : vector<1264x256xf32>
    %dot_general3A_24 = tpu.matmul %convert_element_type3A_15, %get3A_22, %dot_general3A_23 {dimension_numbers = #tpu.dot_dimension_numbers<[1], [0], [0], [1], [0, 0, 1, 1], [], []>, transpose_lhs_hint = false} : vector<1264x128xbf16>, vector<128x256xbf16>, vector<1264x256xf32> -> vector<1264x256xf32>
    %add3A = arith.addf %dot_general3A_19, %dot_general3A_24 : vector<1264x256xf32>
    %get3A_25 = arith.constant 0 : index
    %get3A_26 = arith.constant 0 : index
    %get3A_27 = vector.load %arg4[%get3A_25, %get3A_26] : memref<1264x256xbf16, #tpu.memory_space<vmem>>, vector<1264x256xbf16>
    %convert_element_type3A_28 = arith.extf %get3A_27 : vector<1264x256xbf16> to vector<1264x256xf32>
    %add3A_29 = arith.addf %add3A, %convert_element_type3A_28 : vector<1264x256xf32>
    %reduce_sum3A = arith.constant dense<0.000000e+00> : vector<1264xf32>
    %reduce_sum3A_30 = vector.multi_reduction <add>, %add3A_29, %reduce_sum3A [1] : vector<1264x256xf32> to vector<1264xf32>
    %broadcast_in_dim3A = vector.shape_cast %reduce_sum3A_30 : vector<1264xf32> to vector<1264x1xf32>
    %div3A_31 = arith.constant 2.560000e+02 : f32
    %div3A_32 = vector.broadcast %div3A_31 : f32 to vector<1264x1xf32>
    %div3A_33 = arith.divf %broadcast_in_dim3A, %div3A_32 : vector<1264x1xf32>
    %sub3A = vector.broadcast %div3A_33 : vector<1264x1xf32> to vector<1264x256xf32>
    %sub3A_34 = arith.subf %add3A_29, %sub3A : vector<1264x256xf32>
    %mul3A_35 = arith.mulf %sub3A_34, %sub3A_34 : vector<1264x256xf32>
    %reduce_sum3A_36 = arith.constant dense<0.000000e+00> : vector<1264xf32>
    %reduce_sum3A_37 = vector.multi_reduction <add>, %mul3A_35, %reduce_sum3A_36 [1] : vector<1264x256xf32> to vector<1264xf32>
    %broadcast_in_dim3A_38 = vector.shape_cast %reduce_sum3A_37 : vector<1264xf32> to vector<1264x1xf32>
    %div3A_39 = arith.constant 2.560000e+02 : f32
    %div3A_40 = vector.broadcast %div3A_39 : f32 to vector<1264x1xf32>
    %div3A_41 = arith.divf %broadcast_in_dim3A_38, %div3A_40 : vector<1264x1xf32>
    %add3A_42 = arith.constant 9.99999974E-6 : f32
    %add3A_43 = vector.broadcast %add3A_42 : f32 to vector<1264x1xf32>
    %add3A_44 = arith.addf %div3A_41, %add3A_43 : vector<1264x1xf32>
    %rsqrt3A = math.rsqrt %add3A_44 : vector<1264x1xf32>
    %mul3A_45 = vector.broadcast %rsqrt3A : vector<1264x1xf32> to vector<1264x256xf32>
    %mul3A_46 = arith.mulf %sub3A_34, %mul3A_45 : vector<1264x256xf32>
    %get3A_47 = arith.constant 0 : index
    %get3A_48 = arith.constant 0 : index
    %get3A_49 = vector.load %arg7[%get3A_47, %get3A_48] : memref<1x256xf32, #tpu.memory_space<vmem>>, vector<1x256xf32>
    %mul3A_50 = vector.broadcast %get3A_49 : vector<1x256xf32> to vector<1264x256xf32>
    %mul3A_51 = arith.mulf %mul3A_46, %mul3A_50 : vector<1264x256xf32>
    %get3A_52 = arith.constant 0 : index
    %get3A_53 = arith.constant 0 : index
    %get3A_54 = vector.load %arg8[%get3A_52, %get3A_53] : memref<1x256xf32, #tpu.memory_space<vmem>>, vector<1x256xf32>
    %add3A_55 = vector.broadcast %get3A_54 : vector<1x256xf32> to vector<1264x256xf32>
    %add3A_56 = arith.addf %mul3A_51, %add3A_55 : vector<1264x256xf32>
    %mul3A_57 = arith.constant 5.000000e-01 : f32
    %mul3A_58 = vector.broadcast %mul3A_57 : f32 to vector<1264x256xf32>
    %mul3A_59 = arith.mulf %mul3A_58, %add3A_56 : vector<1264x256xf32>
    %mul3A_60 = arith.constant 0.707106769 : f32
    %mul3A_61 = vector.broadcast %mul3A_60 : f32 to vector<1264x256xf32>
    %mul3A_62 = arith.mulf %add3A_56, %mul3A_61 : vector<1264x256xf32>
    %erf3A = math.erf %mul3A_62 : vector<1264x256xf32>
    %add3A_63 = arith.constant 1.000000e+00 : f32
    %add3A_64 = vector.broadcast %add3A_63 : f32 to vector<1264x256xf32>
    %add3A_65 = arith.addf %add3A_64, %erf3A : vector<1264x256xf32>
    %mul3A_66 = arith.mulf %mul3A_59, %add3A_65 : vector<1264x256xf32>
    %get3A_67 = arith.constant 0 : index
    %get3A_68 = arith.constant 0 : index
    %get3A_69 = vector.load %arg5[%get3A_67, %get3A_68] : memref<1264x256xf32, #tpu.memory_space<vmem>>, vector<1264x256xf32>
    %add3A_70 = arith.addf %mul3A_66, %get3A_69 : vector<1264x256xf32>
    %swap3A = arith.constant 0 : index
    %swap3A_71 = arith.constant 0 : index
    %swap3A_72 = vector.load %arg9[%swap3A, %swap3A_71] : memref<1264x256xf32, #tpu.memory_space<vmem>>, vector<1264x256xf32>
    tpu.vector_store %arg9[%swap3A, %swap3A_71], %add3A_70 {strides = array<i32>} : memref<1264x256xf32, #tpu.memory_space<vmem>>, vector<1264x256xf32>,
    return
  }
  func.func @transform_0(%arg0: i32) -> (i32, i32) {
    %c0_i32 = arith.constant 0 : i32
    %c0_i32_0 = arith.constant 0 : i32
    return %arg0, %c0_i32 : i32, i32
  }
  func.func @transform_1(%arg0: i32) -> (i32, i32) {
    %add3A = arith.constant 8 : i32
    %add3A_0 = arith.addi %add3A, %arg0 : i32
    %c0_i32 = arith.constant 0 : i32
    %c0_i32_1 = arith.constant 0 : i32
    return %add3A_0, %c0_i32 : i32, i32
  }
  func.func @transform_2(%arg0: i32) -> (i32, i32) {
    %c0_i32 = arith.constant 0 : i32
    %c0_i32_0 = arith.constant 0 : i32
    return %arg0, %c0_i32 : i32, i32
  }
  func.func @transform_3(%arg0: i32) -> (i32, i32) {
    %c0_i32 = arith.constant 0 : i32
    %c0_i32_0 = arith.constant 0 : i32
    return %arg0, %c0_i32 : i32, i32
  }
  func.func @transform_4(%arg0: i32) -> (i32, i32) {
    %c0_i32 = arith.constant 0 : i32
    %c0_i32_0 = arith.constant 0 : i32
    return %arg0, %c0_i32 : i32, i32
  }
  func.func @transform_5(%arg0: i32) -> (i32, i32) {
    %c0_i32 = arith.constant 0 : i32
    %c0_i32_0 = arith.constant 0 : i32
    %c0_i32_1 = arith.constant 0 : i32
    return %c0_i32, %c0_i32_0 : i32, i32
  }
  func.func @transform_6(%arg0: i32) -> (i32, i32) {
    %c0_i32 = arith.constant 0 : i32
    %c0_i32_0 = arith.constant 0 : i32
    %c0_i32_1 = arith.constant 0 : i32
    return %c0_i32, %c0_i32_0 : i32, i32
  }
  func.func @transform_7(%arg0: i32) -> (i32, i32) {
    %c0_i32 = arith.constant 0 : i32
    %c0_i32_0 = arith.constant 0 : i32
    %c0_i32_1 = arith.constant 0 : i32
    return %c0_i32, %c0_i32_0 : i32, i32
  }
  func.func @transform_8(%arg0: i32) -> (i32, i32) {
    %c0_i32 = arith.constant 0 : i32
    %c0_i32_0 = arith.constant 0 : i32
    return %arg0, %c0_i32 : i32, i32
  }
}

</mosaic_0001>

<sc_bundles>
// kernel: kernel.5.cloned.1.call-start
scs
__scs_entry_jumppad:
0x0: {  	(pc) =	sbr.rel $0x88, $3  }
0x1: {  	(tag) =	ssettag $0x0;
	lr =	simm.s32 $0x1  }
0x2: {  	[smem:$0x3F9A] =	sst lr;
	_ =	strace $0xD0000000  }
0x3: {  	_ = 	snop  }
0x4: {  	_ = 	snop  }
0x5: {  	_ = 	snop  }
0x6: {  	_ = 	snop  }
0x7: {  	_ = 	snop  }
__scs_overlays_trampoline_lowered:
0x8: {  	[smem:$0x3FA9] =	sst s0  }
0x9: {  	[smem:$0x3FAA] =	sst s1  }
0xa: {  	[smem:$0x3FAB] =	sst s2  }
0xb: {  	[smem:$0x3FAC] =	sst s3  }
0xc: {  	[smem:$0x3FAD] =	sst s4  }
0xd: {  	[smem:$0x3FAE] =	sst s5  }
0xe: {  	[smem:$0x3FAF] =	sst s6  }
0xf: {  	[smem:$0x3FB0] =	sst s7  }
0x10: {  	[smem:$0x3FB1] =	sst s8  }
0x11: {  	[smem:$0x3FB2] =	sst s9;
	s0 =	simm.s32 @!p0 $0x0  }
0x12: {  	s1 =	sld [smem:$0x3F98];
	s0 =	simm.s32 @p0 $0x1  }
0x13: {  	[smem:$0x3FB3] =	sst s0;
	s0 =	simm.s32 @!p1 $0x0  }
0x14: {  	s2 =	sld [smem:$0x3F97];
	s0 =	simm.s32 @p1 $0x1  }
0x15: {  	[smem:$0x3FB4] =	sst s0;
	s0 =	simm.s32 @!p2 $0x0  }
0x16: {  	s3 =	sld [smem:$0x3FDB];
	s0 =	simm.s32 @p2 $0x1  }
0x17: {  	s4 =	simm.s32 $0x1BF5;
	[smem:$0x3FB6] =	sst s0  }
0x18: {  	s0 =	sld [smem:$0x3F99];
	_ =	swait.ge [sflag:s4], $0x0  }
0x19: {  	s7 =	sld [smem:$0x3F9A]  }
0x1a: {  	s8 =	sadd.s32 $0xFFFFE003, lr  }
0x1b: {  	s9 =	sadd.s32 $0xFFFFFEF7, lr;
	s5 =	simm.s32 $0xFFFFFFFF;
	p2 =	slt.u32 s8, $0xFFFFF086  }
0x1c: {  	p1 =	slt.u32 s9, $0xF7A;
	s5 =	simm.s32 @!p2 $0x0  }
0x1d: {  	s5 =	simm.s32 @p1 $0x1;
	p0 =	seq.s32 s7, s2  }
0x1e: {  	s7 =	smul.u32 @!p0 $0xF7A, s2;
	p2 =	seq.s32 @!p0 s5, $0x0  }
0x1f: {  	s9 =	smul.u32 $0xF7A, s1;
	s8 =	simm.s32 @!p0 $0x1BF5;
	p2 =	por !p2, p0  }
0x20: {  	[sflag:s8] =	ssyncset.s32 @!p0 $0xFFFFF086;
	s6 =	sadd.s32 @!p0 s3, s7;
	s7 =	simm.s32 @!p0 $0x108  }
0x21: {  	s3 =	sadd.s32 s3, s9;
	s6 =	sadd.s32 @!p0 $0x88, s6;
	s7 =	simm.s32 @p2 $0x1082  }
0x22: {  	[simem:s7], [sflag:s8] =	dma.local @!p0 [hbm:s6], $0xF7A  }
0x23: {  	s9 =	sor.u32 $0xD0000000, s2;
	s6 =	simm.s32 $0x108;
	_ =	swait.ge @!p0 [sflag:s8], $0x0  }
0x24: {  	s3 =	sadd.s32 $0x88, s3;
	s6 =	simm.s32 @!p1 $0x1082;
	[sflag:s4] =	ssyncset.s32 $0xFFFFF086  }
0x25: {  	[simem:s6], [sflag:s4] =	dma.local [hbm:s3], $0xF7A  }
0x26: {  	[smem:$0x3F9A] =	sst s1;
	(tag) =	ssettag s2;
	_ =	strace s9  }
0x27: {  	s1 =	sld [smem:$0x3FAA]  }
0x28: {  	s2 =	sld [smem:$0x3FAB]  }
0x29: {  	s4 =	sld [smem:$0x3FAD]  }
0x2a: {  	p0 =	seq.s32 s5, $0x0;
	s5 =	sld [smem:$0x3FAE]  }
0x2b: {  	s6 =	sld [smem:$0x3FAF]  }
0x2c: {  	s7 =	sld [smem:$0x3FB0]  }
0x2d: {  	s3 =	simm.s32 $0x108;
	s8 =	sld [smem:$0x3FB1]  }
0x2e: {  	s3 =	simm.s32 @!p0 $0x1082;
	s9 =	sld [smem:$0x3FB2]  }
0x2f: {  	lr =	sadd.s32 s0, s3;
	s0 =	sld [smem:$0x3FA9]  }
0x30: {  	s3 =	sld [smem:$0x3FAC]  }
0x31: {  	[smem:$0x3FB5] =	sst s10  }
0x32: {  	s10 =	sld [smem:$0x3FB3];
	_ =	sdelay $0x3  }
0x33: {  	p0 =	seq.s32 s10, $0x1;
	s10 =	sld [smem:$0x3FB5];
	_ =	sdelay $0x3  }
0x34: {  	[smem:$0x3FB5] =	sst s10  }
0x35: {  	s10 =	sld [smem:$0x3FB4];
	_ =	sdelay $0x3  }
0x36: {  	p1 =	seq.s32 s10, $0x1;
	s10 =	sld [smem:$0x3FB5];
	_ =	sdelay $0x3  }
0x37: {  	[smem:$0x3FB5] =	sst s10  }
0x38: {  	s10 =	sld [smem:$0x3FB6]  }
0x39: {  	_ = 	snop;
	(pc) =	sbr.ind lr, $3  }
0x3a: {  	_ = 	snop  }
0x3b: {  	_ = 	snop  }
0x3c: {  	p2 =	seq.s32 s10, $0x1;
	s10 =	sld [smem:$0x3FB5]  }
0x3d: {  	_ =	shalt  }
0x3e: {  	_ =	shalt  }
0x3f: {  	_ =	shalt  }
0x40: {  	_ =	shalt  }
0x41: {  	_ =	shalt  }
0x42: {  	_ =	shalt  }
0x43: {  	_ =	shalt  }
0x44: {  	_ =	shalt  }
0x45: {  	_ =	shalt  }
0x46: {  	_ =	shalt  }
0x47: {  	_ =	shalt  }
0x48: {  	_ =	shalt  }
0x49: {  	_ =	shalt  }
0x4a: {  	_ =	shalt  }
0x4b: {  	_ =	shalt  }
0x4c: {  	_ =	shalt  }
0x4d: {  	_ =	shalt  }
0x4e: {  	_ =	shalt  }
0x4f: {  	_ =	shalt  }
0x50: {  	_ =	shalt  }
0x51: {  	_ =	shalt  }
0x52: {  	_ =	shalt  }
0x53: {  	_ =	shalt  }
0x54: {  	_ =	shalt  }
0x55: {  	_ =	shalt  }
0x56: {  	_ =	shalt  }
0x57: {  	_ =	shalt  }
0x58: {  	_ =	shalt  }
0x59: {  	_ =	shalt  }
0x5a: {  	_ =	shalt  }
0x5b: {  	_ =	shalt  }
0x5c: {  	_ =	shalt  }
0x5d: {  	_ =	shalt  }
0x5e: {  	_ =	shalt  }
0x5f: {  	_ =	shalt  }
0x60: {  	_ =	shalt  }
0x61: {  	_ =	shalt  }
0x62: {  	_ =	shalt  }
0x63: {  	_ =	shalt  }
0x64: {  	_ =	shalt  }
0x65: {  	_ =	shalt  }
0x66: {  	_ =	shalt  }
0x67: {  	_ =	shalt  }
0x68: {  	_ =	shalt  }
0x69: {  	_ =	shalt  }
0x6a: {  	_ =	shalt  }
0x6b: {  	_ =	shalt  }
0x6c: {  	_ =	shalt  }
0x6d: {  	_ =	shalt  }
0x6e: {  	_ =	shalt  }
0x6f: {  	_ =	shalt  }
0x70: {  	_ =	shalt  }
0x71: {  	_ =	shalt  }
0x72: {  	_ =	shalt  }
0x73: {  	_ =	shalt  }
0x74: {  	_ =	shalt  }
0x75: {  	_ =	shalt  }
0x76: {  	_ =	shalt  }
0x77: {  	_ =	shalt  }
0x78: {  	_ =	shalt  }
0x79: {  	_ =	shalt  }
0x7a: {  	_ =	shalt  }
0x7b: {  	_ =	shalt  }
0x7c: {  	_ =	shalt  }
0x7d: {  	_ =	shalt  }
0x7e: {  	_ =	shalt  }
0x7f: {  	_ =	shalt  }
0x80: {  	_ =	shalt  }
0x81: {  	_ =	shalt  }
0x82: {  	_ =	shalt  }
0x83: {  	_ =	shalt  }
0x84: {  	_ =	shalt  }
0x85: {  	_ =	shalt  }
0x86: {  	_ =	shalt  }
0x87: {  	_ =	shalt  }
.Lfunc_end0:
.L_simem_size_0:
called_computation_lowered:
.L_overlay_start_0:
0x88: {  	s2 =	sld [smem:$0x3FD9]  }
0x89: {  	s3 =	sld [smem:$0x3FFE];
	_ =	sdelay $0x1  }
0x8a: {  	s1 =	srdreg.scid  }
0x8b: {  	s0 =	sand.u32 $0x1, s1  }
0x8c: {  	s17 =	sshll.u32 s0, $0xA;
	s2 =	sadd.s32 s3, s2  }
0x8d: {  	s2 =	sadd.s32 s2, s17  }
0x8e: {  	[smem:$0x3FC1] =	sst s2  }
0x8f: {  	_ = 	snop  }
0x90: {  	s2 =	sld [smem:$0x3FD0];
	(tm) =	ssettm $0x1  }
0x91: {  	s18 =	sld [smem:$0x3FFB];
	_ =	sdelay $0x3  }
0x92: {  	_ =	strace s18  }
0x93: {  	s3 =	sld [smem:$0x3FFC];
	_ =	sdelay $0x3  }
0x94: {  	_ =	strace s3  }
0x95: {  	s3 =	sld [smem:$0x3FFD];
	_ =	sdelay $0x3  }
0x96: {  	_ =	strace s3  }
0x97: {  	_ =	strace $0x8FFFFFFF  }
0x98: {  	s19 =	sld [smem:$0x3FDB];
	_ =	sdelay $0x1  }
0x99: {  	s4 =	simm.s32 $_scs_section_size  }
0x9a: {  	s5 =	simm.s32 $_size__tile_overlayer_lowered;
	s6 =	simm.s32 $_tile_overlayer_lowered  }
0x9b: {  	s22 =	simm.s32 $0x1BFF;
	s21 =	sshll.u32 s6, $0x1;
	s3 =	sadd.s32 s4, s19  }
0x9c: {  	s7 =	simm.s32 $0x0;
	s20 =	sshll.u32 s5, $0x1;
	s5 =	sadd.s32 s21, s3  }
0x9d: {  	[timem:s7], [sflag:s22] =	dma.local [hbm:s5], s20  }
0x9e: {  	_ =	swait.ge [sflag:s22], s20  }
0x9f: {  	s4 =	ssub.s32 $0x0, s20;
	[sflag:s22] =	ssyncset.done $0x0  }
0xa0: {  	[sflag:s22] =	ssyncadd.s32 s4;
	_ =	sdelay $0x1  }
0xa1: {  	s23 =	simm.s32 $0x1B8B  }
0xa2: {  	_ =	swait.ge [sflag:s23], $0x1  }
0xa3: {  	[sflag:s23] =	ssyncset.done $0x0  }
0xa4: {  	s25 =	simm.s32 $0x1B8E;
	s24 =	sld [smem:$0x3FFE];
	[sflag:s23] =	ssyncadd.s32 $0xFFFFFFFF  }
0xa5: {  	s26 =	simm.s32 $execute0_lowered;
	[smem:$0x3FD2] =	sst s25  }
0xa6: {  	s5 =	sshll.u32 s26, $0x1;
	_ =	strace $0x80000046;
	[dreg:$0x1] =	wrdreg $0xFFFFFFFF  }
0xa7: {  	s28 =	simm.s32 $_size_execute0_lowered;
	s3 =	sadd.s32 s3, s5;
	[dreg:$0x0] =	wrdreg $0x0  }
0xa8: {  	s5 =	sshll.u32 s28, $0x1;
	[dreg:$0x2] =	wrdreg s3  }
0xa9: {  	[dreg:$0x3] =	wrdreg s5  }
0xaa: {  	[dreg:$0x4] =	wrdreg $0xC0  }
0xab: {  	_ =	task [dreg:s7], $0x5FFFF  }
0xac: {  	[dreg:$0x1] =	wrdreg $0xFFFFFFFF  }
0xad: {  	[dreg:$0x0] =	wrdreg $0x60  }
0xae: {  	[dreg:$0x2] =	wrdreg s2  }
0xaf: {  	[dreg:$0x3] =	wrdreg s24  }
0xb0: {  	[dreg:$0x4] =	wrdreg $0x0  }
0xb1: {  	[dreg:$0x5] =	wrdreg $0x13C000  }
0xb2: {  	[dreg:$0x6] =	wrdreg $0x9  }
0xb3: {  	_ =	task.clear_ibuf [dreg:s7], $0x7FFFF;
	_ =	strace $0x90000046  }
0xb4: {  	s29 =	simm.s32 $0x9;
	_ =	strace $0x80000048  }
0xb5: {  	_ =	swait.ge [sflag:s29], $0x1  }
0xb6: {  	[sflag:s29] =	ssyncadd.s32 $0xFFFFFFFF  }
0xb7: {  	_ =	strace $0x90000048  }
0xb8: {  	_ =	sfence  }
0xb9: {  	s30 =	sld [smem:$0x0];
	_ =	sdelay $0x2  }
0xba: {  	s31 =	sshll.u32 s1, $0xD;
	s1 =	sshrl.u32 s1, $0x2  }
0xbb: {  	s3 =	sand.u32 $0x4000, s31;
	s1 =	sadd.s32 s1, s30  }
0xbc: {  	s0 =	sor.u32 s3, s0;
	s1 =	sshll.u32 s1, $0x11  }
0xbd: {  	s0 =	sor.u32 s1, s0  }
0xbe: {  	s0 =	sadd.s32 $0x8F2B, s0  }
0xbf: {  	[sflag:s0] =	ssyncadd.remote.s32 $0x1  }
0xc0: {  	_ =	sfence.sel $0xFFFF  }
0xc1: {  	[dreg:$0x0] =	wrdreg $0xFFFFFFFF;
	(pc) =	sbr.abs _section_cstart, $3  }
0xc2: {  	[dreg:$0x1] =	wrdreg $0xFFFFFFFF  }
0xc3: {  	_ =	task.clear_ibuf [dreg:s7], $0x2FFFF;
	_ =	strace $0x9FFFFFFF  }
0xc4: {  	(tm) =	ssettm $0x7FFFFFFF  }
0xc5: {  	_ =	shalt  }
tec
execute0_lowered:
.L_overlay_start_1:
0x0: {  	(tag) =	ssettag $0x1  }
0x1: {  	s1 =	rddreg [dreg:$0x0]  }
0x2: {  	s0 =	rddreg [dreg:$0x1]  }
0x3: {  	s2 =	rddreg [dreg:$0x2]  }
0x4: {  	s4 =	rddreg [dreg:$0x3]  }
0x5: {  	s5 =	simm.s32 $0x0;
	s13 =	stileid.u32;
	s3 =	srdreg.scid  }
0x6: {  	[smem:$0x7FF] =	sst s5;
	s6 =	smul.u32 $0x2710, s13  }
0x7: {  	s7 =	sadd.s32 $0x6600, s0;
	s19 =	sand.u32 $0x1, s3;
	s23 =	smul.u32 $0x278, s13  }
0x8: {  	s10 =	sadd.s32 $0x1600, s0;
	s8 =	smul.u32 $0x2780, s19;
	s6 =	sshrl.u32 s6, $0x3  }
0x9: {  	_ =	strace $0x80000047;
	s9 =	ssub.s32 $0x2, s19;
	s12 =	sadd.s32 $0xA, s6  }
0xa: {  	s11 =	sshrl.u32 s9, $0x1;
	s3 =	sadd.s32 s23, s8;
	s24 =	sadd.s32 s7, s12  }
0xb: {  	s26 =	sadd.s32 $0x14, s6;
	s25 =	sadd.s32 s10, s12;
	[dreg:$0x7] =	wrdreg s24  }
0xc: {  	s8 =	ssub.s32 s9, s11;
	s14 =	sadd.s32 s7, s26;
	[dreg:$0x8] =	wrdreg s25  }
0xd: {  	s29 =	sadd.s32 $0x1E, s6;
	s9 =	sadd.s32 s10, s26;
	[dreg:$0x9] =	wrdreg s14  }
0xe: {  	s15 =	sadd.s32 s7, s29;
	[dreg:$0xa] =	wrdreg s9  }
0xf: {  	s17 =	sadd.s32 $0x28, s6;
	s16 =	sadd.s32 s10, s29;
	[dreg:$0xb] =	wrdreg s15  }
0x10: {  	s20 =	sadd.s32 $0x32, s6;
	s18 =	sadd.s32 s7, s17;
	[dreg:$0xc] =	wrdreg s16  }
0x11: {  	s23 =	sadd.s32 $0x4B0, s6;
	s21 =	sadd.s32 s7, s20;
	[dreg:$0xd] =	wrdreg s18  }
0x12: {  	s11 =	smul.u32 $0x4E2, s13;
	s12 =	sadd.s32 s10, s23;
	[dreg:$0xf] =	wrdreg s21  }
0x13: {  	s9 =	sadd.s32 s10, s17;
	[dreg:$0x12] =	wrdreg s12  }
0x14: {  	s22 =	sadd.s32 s11, s10;
	[dreg:$0xe] =	wrdreg s9  }
0x15: {  	s26 =	sadd.s32 $0x4C4, s6;
	s14 =	sadd.s32 s7, s23;
	[dreg:$0x5] =	wrdreg s22  }
0x16: {  	s29 =	sadd.s32 $0x4CE, s6;
	s15 =	sadd.s32 s7, s26;
	[dreg:$0x11] =	wrdreg s14  }
0x17: {  	s16 =	sadd.s32 s7, s29;
	[dreg:$0x15] =	wrdreg s15  }
0x18: {  	s17 =	sadd.s32 s10, s29;
	[dreg:$0x17] =	wrdreg s16  }
0x19: {  	s18 =	sadd.s32 s7, s6;
	[dreg:$0x18] =	wrdreg s17  }
0x1a: {  	s21 =	sadd.s32 s11, s7;
	[dreg:$0x19] =	wrdreg s18  }
0x1b: {  	s12 =	smax.u32 s8, $0x1;
	[dreg:$0x6] =	wrdreg s21  }
0x1c: {  	s24 =	sadd.s32 $0x4BA, s6;
	s9 =	sadd.s32 s10, s20;
	[smem:$0x7EF] =	sst s12  }
0x1d: {  	s23 =	sshll.u32 s3, $0x4;
	s25 =	sadd.s32 s7, s24;
	[dreg:$0x10] =	wrdreg s9  }
0x1e: {  	s3 =	sadd.s32 s3, s0;
	s20 =	sadd.s32 s10, s6;
	[dreg:$0x13] =	wrdreg s25  }
0x1f: {  	s3 =	sadd.s32 $0xB800, s3;
	[dreg:$0x1a] =	wrdreg s20  }
0x20: {  	s6 =	sadd.s32 $0x4D8, s6;
	s9 =	sadd.s32 s10, s24;
	[smem:$0x7ED] =	sst s3  }
0x21: {  	s28 =	simm.s32 $0x5;
	s7 =	sadd.s32 s7, s6;
	[dreg:$0x14] =	wrdreg s9  }
0x22: {  	s22 =	smul.u32 $0x4F000, s13;
	s6 =	sadd.s32 s10, s6;
	[dreg:$0x1b] =	wrdreg s7  }
0x23: {  	s25 =	sadd.s32 s23, s0;
	s0 =	sadd.s32 $0xB600, s0;
	[dreg:$0x1c] =	wrdreg s6  }
0x24: {  	s30 =	simm.s32 $0x7;
	s9 =	sadd.s32 s10, s26;
	[dreg:$0x1d] =	wrdreg s0  }
0x25: {  	s26 =	sshrl.u32 s22, $0x2;
	s11 =	sadd.s32 $0x10800, s25;
	[dreg:$0x16] =	wrdreg s9  }
0x26: {  	s31 =	simm.s32 $0x2;
	s26 =	sadd.s32 s26, s2;
	[smem:$0x7EE] =	sst s11  }
0x27: {  	s24 =	smul.u32 $0x4F00, s13;
	s13 =	sadd.s32 $0x2800, s26;
	[dreg:$0x1e] =	wrdreg s26  }
0x28: {  	v0 =	vmov s19;
	s19 =	simm.s32 $0xF;
	s14 =	sadd.s32 $0x5000, s26;
	[smem:$0x7F0] =	sst s13  }
0x29: {  	s8 =	simm.s32 $0xB;
	s15 =	sadd.s32 $0x7800, s26;
	[smem:$0x7F1] =	sst s14  }
0x2a: {  	s12 =	simm.s32 $0x1;
	s16 =	sadd.s32 $0xA000, s26;
	[smem:$0x7F2] =	sst s15  }
0x2b: {  	s6 =	simm.s32 $0xD;
	s17 =	sadd.s32 $0xC800, s26;
	[smem:$0x7F3] =	sst s16  }
0x2c: {  	s7 =	simm.s32 $0x0;
	s18 =	sadd.s32 $0xF000, s26;
	[smem:$0x7F4] =	sst s17  }
0x2d: {  	s29 =	sshrl.u32 s24, $0x2;
	s20 =	sadd.s32 $0x11800, s26;
	[smem:$0x7F5] =	sst s18  }
0x2e: {  	s9 =	simm.s32 $0x50;
	s10 =	sadd.s32 s29, s4;
	[smem:$0x7F6] =	sst s20  }
0x2f: {  	s11 =	simm.s32 $0x17A40;
	s21 =	sadd.s32 $0x278, s10;
	[dreg:$0x1f] =	wrdreg s10  }
0x30: {  	s22 =	sadd.s32 $0x4F0, s10;
	s23 =	sadd.s32 $0x768, s10;
	[smem:$0x7F7] =	sst s21  }
0x31: {  	s24 =	sadd.s32 $0x9E0, s10;
	s25 =	sadd.s32 $0xC58, s10;
	[smem:$0x7F8] =	sst s22  }
0x32: {  	s29 =	sadd.s32 $0xED0, s10;
	s0 =	sadd.s32 $0x1148, s10;
	[smem:$0x7F9] =	sst s23  }
0x33: {  	s10 =	simm.s32 $0x15240;
	s14 =	simm.s32 $0x8;
	[smem:$0x7FA] =	sst s24  }
0x34: {  	s15 =	simm.s32 $0xE;
	s16 =	simm.s32 $0x3;
	[smem:$0x7FB] =	sst s25  }
0x35: {  	s17 =	simm.s32 $0x6;
	s18 =	simm.s32 $0x9;
	[smem:$0x7FC] =	sst s29  }
0x36: {  	[smem:$0x7FD] =	sst s0;
	s21 =	simm.s32 $0x14FC0;
	s22 =	simm.s32 $0xC  }
0x37: {  	v1 =	vimm.f32 $0.0e+00;
	s23 =	simm.s32 $0x1A240;
	s25 =	simm.s32 $0x4;
	s0 =	simm.s32 $0xA  }
.LBB2_1:
0x38: {  	s3 =	rddreg [dreg:$0x1d];
	s29 =	simm.s32 $0x10  }
0x39: {  	[tilespmem:s21], [sflag:$0x10] =	stream.linear.gather [hbm4b:s3+s5], $0x280, $0x38;
	[tilespmem:$0x1CFE0] =	vst v63  }
0x3a: {  	_ =	swait.ge [sflag:s29], $0x280  }
0x3b: {  	[sflag:s29] =	ssyncset.done $0x0  }
0x3c: {  	s20 =	simm.s32 $0x0;
	s24 =	simm.s32 $0x200;
	[sflag:s29] =	ssyncadd.s32 $0xFFFFFD80  }
.LBB2_2:
0x3d: {  	p0 =	sne.s32 s24, $0x9E00;
	[tilespmem:s20+$0x152B0] =	vst v1  }
0x3e: {  	[tilespmem:s20+$0x15240] =	vst v1  }
0x3f: {  	[tilespmem:s20+$0x15250] =	vst v1  }
.Ltmp0:
0x40: {  	[tilespmem:s20+$0x15260] =	vst v1;
	(pc) =	sbr.rel @p0 .LBB2_2-.Ltmp0, $4  }
0x41: {  	[tilespmem:s20+$0x15270] =	vst v1  }
0x42: {  	[tilespmem:s20+$0x15280] =	vst v1  }
0x43: {  	[tilespmem:s20+$0x15290] =	vst v1  }
0x44: {  	[tilespmem:s20+$0x152A0] =	vst v1;
	s20 =	sshra.s32 s24, $0x2;
	s24 =	sadd.s32 $0x200, s24  }
0x45: {  	[tilespmem:s20+$0x152B0] =	vst v1  }
0x46: {  	[tilespmem:s20+$0x15240] =	vst v1  }
0x47: {  	[tilespmem:s20+$0x15250] =	vst v1  }
0x48: {  	[tilespmem:s20+$0x15260] =	vst v1  }
0x49: {  	[tilespmem:s20+$0x15270] =	vst v1  }
0x4a: {  	[tilespmem:s20+$0x15280] =	vst v1  }
0x4b: {  	[tilespmem:s20+$0x15290] =	vst v1  }
0x4c: {  	[tilespmem:s20+$0x152A0] =	vst v1;
	s24 =	simm.s32 $0x15240;
	s3 =	sld [smem:$0x7F0]  }
0x4d: {  	[spmem:s26] =	stream.linear.scatter [tilespmem:s24], [sflag:$0x4], $0x2800, $0x38;
	[tilespmem:$0x1CFE0] =	vst v63  }
0x4e: {  	s20 =	sld [smem:$0x7F1]  }
0x4f: {  	[spmem:s3] =	stream.linear.scatter [tilespmem:s24], [sflag:$0x4], $0x2800, $0x38;
	[tilespmem:$0x1CFE0] =	vst v63  }
0x50: {  	s26 =	sld [smem:$0x7F2]  }
0x51: {  	[spmem:s20] =	stream.linear.scatter [tilespmem:s24], [sflag:$0x4], $0x2800, $0x38;
	[tilespmem:$0x1CFE0] =	vst v63  }
0x52: {  	s29 =	sld [smem:$0x7F3]  }
0x53: {  	[spmem:s26] =	stream.linear.scatter [tilespmem:s24], [sflag:$0x4], $0x2800, $0x38;
	[tilespmem:$0x1CFE0] =	vst v63  }
0x54: {  	s13 =	sld [smem:$0x7F4]  }
0x55: {  	[spmem:s29] =	stream.linear.scatter [tilespmem:s24], [sflag:$0x4], $0x2800, $0x38;
	[tilespmem:$0x1CFE0] =	vst v63  }
0x56: {  	s20 =	sld [smem:$0x7F5]  }
0x57: {  	[spmem:s13] =	stream.linear.scatter [tilespmem:s24], [sflag:$0x4], $0x2800, $0x38;
	[tilespmem:$0x1CFE0] =	vst v63  }
0x58: {  	s26 =	sld [smem:$0x7F6]  }
0x59: {  	[spmem:s20] =	stream.linear.scatter [tilespmem:s24], [sflag:$0x4], $0x2800, $0x38;
	[tilespmem:$0x1CFE0] =	vst v63  }
0x5a: {  	s3 =	rddreg [dreg:$0x1f]  }
0x5b: {  	[spmem:s26] =	stream.linear.scatter [tilespmem:s24], [sflag:$0x4], $0x2400, $0x38;
	[tilespmem:$0x1CFE0] =	vst v63  }
0x5c: {  	s29 =	sadd.s32 $0x0, s3;
	s20 =	simm.s32 $0x20;
	s26 =	simm.s32 $0x15240  }
0x5d: {  	[spmem:s29] =	stream.linear.scatter [tilespmem:s24], [sflag:$0x5], $0x8, $0x38;
	[tilespmem:$0x1CFE0] =	vst v63  }
.LBB2_4:
0x5e: {  	p0 =	sne.s32 s20, $0x9C0  }
.Ltmp1:
0x5f: {  	_ = 	snop;
	(pc) =	sbr.rel @p0 .LBB2_4-.Ltmp1, $4  }
0x60: {  	_ = 	snop  }
0x61: {  	s29 =	sshra.s32 s20, $0x2;
	s20 =	sadd.s32 $0x20, s20  }
0x62: {  	s26 =	sadd.s32 $0x80, s26;
	s29 =	sadd.s32 s29, s3  }
0x63: {  	[spmem:s29] =	stream.linear.scatter [tilespmem:s26], [sflag:$0x5], $0x8, $0x38;
	[tilespmem:$0x1CFE0] =	vst v63  }
0x64: {  	s3 =	sld [smem:$0x7F7];
	_ =	sdelay $0x2  }
0x65: {  	s26 =	simm.s32 $0x20;
	s20 =	sadd.s32 $0x0, s3  }
0x66: {  	[spmem:s20] =	stream.linear.scatter [tilespmem:s24], [sflag:$0x5], $0x8, $0x38;
	[tilespmem:$0x1CFE0] =	vst v63  }
.LBB2_6:
0x67: {  	p0 =	sne.s32 s26, $0x9C0  }
.Ltmp2:
0x68: {  	_ = 	snop;
	(pc) =	sbr.rel @p0 .LBB2_6-.Ltmp2, $4  }
0x69: {  	_ = 	snop  }
0x6a: {  	s20 =	simm.s32 $0x15240;
	s29 =	sshra.s32 s26, $0x2  }
0x6b: {  	s26 =	sadd.s32 $0x20, s26;
	s24 =	sadd.s32 $0x80, s24;
	s29 =	sadd.s32 s29, s3  }
0x6c: {  	[spmem:s29] =	stream.linear.scatter [tilespmem:s24], [sflag:$0x5], $0x8, $0x38;
	[tilespmem:$0x1CFE0] =	vst v63  }
0x6d: {  	s3 =	sld [smem:$0x7F8];
	_ =	sdelay $0x2  }
0x6e: {  	s24 =	sadd.s32 $0x0, s3  }
0x6f: {  	[spmem:s24] =	stream.linear.scatter [tilespmem:s20], [sflag:$0x5], $0x8, $0x38;
	[tilespmem:$0x1CFE0] =	vst v63  }
0x70: {  	s26 =	simm.s32 $0x15240;
	s24 =	simm.s32 $0x20  }
.LBB2_8:
0x71: {  	p0 =	sne.s32 s24, $0x9C0  }
.Ltmp3:
0x72: {  	_ = 	snop;
	(pc) =	sbr.rel @p0 .LBB2_8-.Ltmp3, $4  }
0x73: {  	_ = 	snop  }
0x74: {  	s29 =	sshra.s32 s24, $0x2;
	s24 =	sadd.s32 $0x20, s24  }
0x75: {  	s26 =	sadd.s32 $0x80, s26;
	s29 =	sadd.s32 s29, s3  }
0x76: {  	[spmem:s29] =	stream.linear.scatter [tilespmem:s26], [sflag:$0x5], $0x8, $0x38;
	[tilespmem:$0x1CFE0] =	vst v63  }
0x77: {  	s3 =	sld [smem:$0x7F9];
	_ =	sdelay $0x2  }
0x78: {  	s26 =	simm.s32 $0x20;
	s24 =	sadd.s32 $0x0, s3  }
0x79: {  	[spmem:s24] =	stream.linear.scatter [tilespmem:s20], [sflag:$0x5], $0x8, $0x38;
	[tilespmem:$0x1CFE0] =	vst v63  }
.LBB2_10:
0x7a: {  	p0 =	sne.s32 s26, $0x9C0  }
.Ltmp4:
0x7b: {  	_ = 	snop;
	(pc) =	sbr.rel @p0 .LBB2_10-.Ltmp4, $4  }
0x7c: {  	_ = 	snop  }
0x7d: {  	s24 =	simm.s32 $0x15240;
	s29 =	sshra.s32 s26, $0x2  }
0x7e: {  	s26 =	sadd.s32 $0x20, s26;
	s20 =	sadd.s32 $0x80, s20;
	s29 =	sadd.s32 s29, s3  }
0x7f: {  	[spmem:s29] =	stream.linear.scatter [tilespmem:s20], [sflag:$0x5], $0x8, $0x38;
	[tilespmem:$0x1CFE0] =	vst v63  }
0x80: {  	s3 =	sld [smem:$0x7FA];
	_ =	sdelay $0x2  }
0x81: {  	s20 =	sadd.s32 $0x0, s3  }
0x82: {  	[spmem:s20] =	stream.linear.scatter [tilespmem:s24], [sflag:$0x5], $0x8, $0x38;
	[tilespmem:$0x1CFE0] =	vst v63  }
0x83: {  	s26 =	simm.s32 $0x15240;
	s20 =	simm.s32 $0x20  }
.LBB2_12:
0x84: {  	p0 =	sne.s32 s20, $0x9C0  }
.Ltmp5:
0x85: {  	_ = 	snop;
	(pc) =	sbr.rel @p0 .LBB2_12-.Ltmp5, $4  }
0x86: {  	_ = 	snop  }
0x87: {  	s29 =	sshra.s32 s20, $0x2;
	s20 =	sadd.s32 $0x20, s20  }
0x88: {  	s26 =	sadd.s32 $0x80, s26;
	s29 =	sadd.s32 s29, s3  }
0x89: {  	[spmem:s29] =	stream.linear.scatter [tilespmem:s26], [sflag:$0x5], $0x8, $0x38;
	[tilespmem:$0x1CFE0] =	vst v63  }
0x8a: {  	s3 =	sld [smem:$0x7FB];
	_ =	sdelay $0x2  }
0x8b: {  	s26 =	simm.s32 $0x20;
	s20 =	sadd.s32 $0x0, s3  }
0x8c: {  	[spmem:s20] =	stream.linear.scatter [tilespmem:s24], [sflag:$0x5], $0x8, $0x38;
	[tilespmem:$0x1CFE0] =	vst v63  }
.LBB2_14:
0x8d: {  	p0 =	sne.s32 s26, $0x9C0  }
.Ltmp6:
0x8e: {  	_ = 	snop;
	(pc) =	sbr.rel @p0 .LBB2_14-.Ltmp6, $4  }
0x8f: {  	_ = 	snop  }
0x90: {  	s20 =	simm.s32 $0x15240;
	s29 =	sshra.s32 s26, $0x2  }
0x91: {  	s26 =	sadd.s32 $0x20, s26;
	s24 =	sadd.s32 $0x80, s24;
	s29 =	sadd.s32 s29, s3  }
0x92: {  	[spmem:s29] =	stream.linear.scatter [tilespmem:s24], [sflag:$0x5], $0x8, $0x38;
	[tilespmem:$0x1CFE0] =	vst v63  }
0x93: {  	s3 =	sld [smem:$0x7FC];
	_ =	sdelay $0x2  }
0x94: {  	s24 =	sadd.s32 $0x0, s3  }
0x95: {  	[spmem:s24] =	stream.linear.scatter [tilespmem:s20], [sflag:$0x5], $0x8, $0x38;
	[tilespmem:$0x1CFE0] =	vst v63  }
0x96: {  	s26 =	simm.s32 $0x15240;
	s24 =	simm.s32 $0x20  }
.LBB2_16:
0x97: {  	p0 =	sne.s32 s24, $0x9C0  }
.Ltmp7:
0x98: {  	_ = 	snop;
	(pc) =	sbr.rel @p0 .LBB2_16-.Ltmp7, $4  }
0x99: {  	_ = 	snop  }
0x9a: {  	s29 =	sshra.s32 s24, $0x2;
	s24 =	sadd.s32 $0x20, s24  }
0x9b: {  	s26 =	sadd.s32 $0x80, s26;
	s29 =	sadd.s32 s29, s3  }
0x9c: {  	[spmem:s29] =	stream.linear.scatter [tilespmem:s26], [sflag:$0x5], $0x8, $0x38;
	[tilespmem:$0x1CFE0] =	vst v63  }
0x9d: {  	s3 =	sld [smem:$0x7FD];
	_ =	sdelay $0x2  }
0x9e: {  	s24 =	sadd.s32 $0x0, s3  }
0x9f: {  	[spmem:s24] =	stream.linear.scatter [tilespmem:s20], [sflag:$0x5], $0x8, $0x38;
	[tilespmem:$0x1CFE0] =	vst v63  }
0xa0: {  	[smem:$0x7EC] =	sst s7;
	s24 =	simm.s32 $0x20  }
.LBB2_18:
0xa1: {  	p0 =	sne.s32 s24, $0x9C0  }
.Ltmp8:
0xa2: {  	_ = 	snop;
	(pc) =	sbr.rel @p0 .LBB2_18-.Ltmp8, $4  }
0xa3: {  	_ = 	snop  }
0xa4: {  	s26 =	sshra.s32 s24, $0x2;
	s24 =	sadd.s32 $0x20, s24  }
0xa5: {  	s20 =	sadd.s32 $0x80, s20;
	s26 =	sadd.s32 s26, s3  }
0xa6: {  	[spmem:s26] =	stream.linear.scatter [tilespmem:s20], [sflag:$0x5], $0x8, $0x38;
	[tilespmem:$0x1CFE0] =	vst v63  }
0xa7: {  	s20 =	simm.s32 $0x0;
	s3 =	rddreg [dreg:$0x19];
	s7 =	simm.s32 $0x1CA40  }
0xa8: {  	[tilespmem:s7], [sflag:$0xA] =	stream.linear.gather [hbm4b:s3+s20], $0x50, $0x38;
	[tilespmem:$0x1CFE0] =	vst v63  }
0xa9: {  	s26 =	rddreg [dreg:$0x1a];
	s29 =	simm.s32 $0x1CE00  }
0xaa: {  	[tilespmem:s29], [sflag:$0xA] =	stream.linear.gather [hbm4b:s26+s20], $0x50, $0x38;
	[tilespmem:$0x1CFE0] =	vst v63  }
0xab: {  	s13 =	simm.s32 $0x1CA90;
	s7 =	rddreg [dreg:$0x7]  }
0xac: {  	[tilespmem:s13], [sflag:$0xB] =	stream.linear.gather [hbm4b:s7+s20], $0x50, $0x38;
	[tilespmem:$0x1CFE0] =	vst v63  }
0xad: {  	s24 =	rddreg [dreg:$0x8];
	s7 =	simm.s32 $0x1CE50  }
0xae: {  	[tilespmem:s7], [sflag:$0xB] =	stream.linear.gather [hbm4b:s24+s20], $0x50, $0x38;
	[tilespmem:$0x1CFE0] =	vst v63  }
0xaf: {  	s26 =	rddreg [dreg:$0x9];
	s13 =	simm.s32 $0x1CAE0  }
0xb0: {  	[tilespmem:s13], [sflag:$0xC] =	stream.linear.gather [hbm4b:s26+s20], $0x50, $0x38;
	[tilespmem:$0x1CFE0] =	vst v63  }
0xb1: {  	s24 =	rddreg [dreg:$0xa];
	s26 =	simm.s32 $0x1CEA0  }
0xb2: {  	[tilespmem:s26], [sflag:$0xC] =	stream.linear.gather [hbm4b:s24+s20], $0x50, $0x38;
	[tilespmem:$0x1CFE0] =	vst v63  }
0xb3: {  	s24 =	rddreg [dreg:$0xb];
	s26 =	simm.s32 $0x1CB30  }
0xb4: {  	[tilespmem:s26], [sflag:$0xD] =	stream.linear.gather [hbm4b:s24+s20], $0x50, $0x38;
	[tilespmem:$0x1CFE0] =	vst v63  }
0xb5: {  	s24 =	rddreg [dreg:$0xc];
	s26 =	simm.s32 $0x1CEF0  }
0xb6: {  	[tilespmem:s26], [sflag:$0xD] =	stream.linear.gather [hbm4b:s24+s20], $0x50, $0x38;
	[tilespmem:$0x1CFE0] =	vst v63  }
0xb7: {  	s24 =	rddreg [dreg:$0xd];
	s26 =	simm.s32 $0x1CB80  }
0xb8: {  	[tilespmem:s26], [sflag:$0xE] =	stream.linear.gather [hbm4b:s24+s20], $0x50, $0x38;
	[tilespmem:$0x1CFE0] =	vst v63  }
0xb9: {  	s13 =	rddreg [dreg:$0xe];
	s24 =	simm.s32 $0x1CF40  }
0xba: {  	[tilespmem:s24], [sflag:$0xE] =	stream.linear.gather [hbm4b:s13+s20], $0x50, $0x38;
	[tilespmem:$0x1CFE0] =	vst v63  }
0xbb: {  	_ =	swait.ge [sflag:s8], $0x50  }
0xbc: {  	[sflag:s8] =	ssyncset.done $0x0  }
0xbd: {  	[sflag:s8] =	ssyncadd.s32 $0xFFFFFFB0  }
0xbe: {  	_ =	swait.ge [sflag:s8], $0x50  }
0xbf: {  	[sflag:s8] =	ssyncset.done $0x0  }
0xc0: {  	[sflag:s8] =	ssyncadd.s32 $0xFFFFFFB0  }
0xc1: {  	v2 =	vld [tilespmem:$0x1CA90]  }
0xc2: {  	v3 =	vld [tilespmem:$0x1CAA0]  }
0xc3: {  	v4 =	vld [tilespmem:$0x1CAB0]  }
0xc4: {  	v5 =	vld [tilespmem:$0x1CAC0]  }
0xc5: {  	v6 =	vld [tilespmem:$0x1CAD0]  }
0xc6: {  	v2 =	vshll.u32 v2, $0x1  }
0xc7: {  	v3 =	vshll.u32 v3, $0x1;
	v2 =	vor.u32 v0, v2  }
0xc8: {  	[tilespmem:$0x1CC70] =	vst v2;
	v2 =	vor.u32 v0, v3;
	v3 =	vshll.u32 v4, $0x1  }
0xc9: {  	[tilespmem:$0x1CC80] =	vst v2;
	v2 =	vor.u32 v0, v3;
	v3 =	vshll.u32 v5, $0x1  }
0xca: {  	[tilespmem:$0x1CC90] =	vst v2;
	v2 =	vor.u32 v0, v3;
	v3 =	vshll.u32 v6, $0x1  }
0xcb: {  	[tilespmem:$0x1CCA0] =	vst v2;
	v2 =	vor.u32 v0, v3  }
0xcc: {  	s26 =	simm.s32 $0x1CC70;
	[tilespmem:$0x1CCB0] =	vst v2  }
0xcd: {  	[tilespmem:s11], [sflag:$0x2] =	stream.indirect.gather [hbm4b:s1+s9], $0x80, s26, s9, $0xb8;
	[tilespmem:$0x1CFE0] =	vst v63  }
0xce: {  	s24 =	simm.s32 $0x1CBD0;
	s13 =	rddreg [dreg:$0xf]  }
0xcf: {  	[tilespmem:s24], [sflag:$0xF] =	stream.linear.gather [hbm4b:s13+s20], $0x50, $0x38;
	[tilespmem:$0x1CFE0] =	vst v63  }
0xd0: {  	s26 =	rddreg [dreg:$0x10];
	s13 =	simm.s32 $0x1CF90  }
0xd1: {  	[tilespmem:s13], [sflag:$0xF] =	stream.linear.gather [hbm4b:s26+s20], $0x50, $0x38;
	[tilespmem:$0x1CFE0] =	vst v63  }
0xd2: {  	_ =	swait.ge [sflag:s22], $0x50  }
0xd3: {  	[sflag:s22] =	ssyncset.done $0x0  }
0xd4: {  	[sflag:s22] =	ssyncadd.s32 $0xFFFFFFB0  }
0xd5: {  	_ =	swait.ge [sflag:s22], $0x50  }
0xd6: {  	[sflag:s22] =	ssyncset.done $0x0  }
0xd7: {  	[sflag:s22] =	ssyncadd.s32 $0xFFFFFFB0  }
0xd8: {  	v2 =	vld [tilespmem:$0x1CAE0]  }
0xd9: {  	v3 =	vld [tilespmem:$0x1CAF0]  }
0xda: {  	v4 =	vld [tilespmem:$0x1CB00]  }
0xdb: {  	v5 =	vld [tilespmem:$0x1CB10]  }
0xdc: {  	v56 =	vld [tilespmem:$0x1CB20]  }
0xdd: {  	v2 =	vshll.u32 v2, $0x1  }
0xde: {  	v3 =	vshll.u32 v3, $0x1;
	v2 =	vor.u32 v0, v2  }
0xdf: {  	[tilespmem:$0x1CCC0] =	vst v2;
	v2 =	vor.u32 v0, v3;
	v3 =	vshll.u32 v4, $0x1  }
0xe0: {  	[tilespmem:$0x1CCD0] =	vst v2;
	v2 =	vor.u32 v0, v3;
	v3 =	vshll.u32 v5, $0x1  }
0xe1: {  	[tilespmem:$0x1CCE0] =	vst v2;
	v2 =	vor.u32 v0, v3;
	v3 =	vshll.u32 v56, $0x1  }
0xe2: {  	[tilespmem:$0x1CCF0] =	vst v2;
	v2 =	vor.u32 v0, v3  }
0xe3: {  	s20 =	simm.s32 $0x1CCC0;
	[tilespmem:$0x1CD00] =	vst v2  }
0xe4: {  	[tilespmem:s23], [sflag:$0x3] =	stream.indirect.gather [hbm4b:s1+s9], $0x80, s20, s9, $0xb8;
	[tilespmem:$0x1CFE0] =	vst v63  }
0xe5: {  	_ =	swait.ge [sflag:s25], $0x2800  }
0xe6: {  	[sflag:s25] =	ssyncset.done $0x0  }
0xe7: {  	[sflag:s25] =	ssyncadd.s32 $0xFFFFD800  }
0xe8: {  	_ =	swait.ge [sflag:s25], $0x2800  }
0xe9: {  	[sflag:s25] =	ssyncset.done $0x0  }
0xea: {  	[sflag:s25] =	ssyncadd.s32 $0xFFFFD800  }
0xeb: {  	_ =	swait.ge [sflag:s25], $0x2800  }
0xec: {  	[sflag:s25] =	ssyncset.done $0x0  }
0xed: {  	[sflag:s25] =	ssyncadd.s32 $0xFFFFD800  }
0xee: {  	_ =	swait.ge [sflag:s25], $0x2800  }
0xef: {  	[sflag:s25] =	ssyncset.done $0x0  }
0xf0: {  	[sflag:s25] =	ssyncadd.s32 $0xFFFFD800  }
0xf1: {  	_ =	swait.ge [sflag:s25], $0x2800  }
0xf2: {  	[sflag:s25] =	ssyncset.done $0x0  }
0xf3: {  	[sflag:s25] =	ssyncadd.s32 $0xFFFFD800  }
0xf4: {  	_ =	swait.ge [sflag:s25], $0x2800  }
0xf5: {  	[sflag:s25] =	ssyncset.done $0x0  }
0xf6: {  	[sflag:s25] =	ssyncadd.s32 $0xFFFFD800  }
0xf7: {  	_ =	swait.ge [sflag:s25], $0x2800  }
0xf8: {  	[sflag:s25] =	ssyncset.done $0x0  }
0xf9: {  	[sflag:s25] =	ssyncadd.s32 $0xFFFFD800  }
0xfa: {  	_ =	swait.ge [sflag:s25], $0x2400  }
0xfb: {  	[sflag:s25] =	ssyncset.done $0x0  }
0xfc: {  	[sflag:s25] =	ssyncadd.s32 $0xFFFFDC00  }
0xfd: {  	_ =	swait.ge [sflag:s28], $0x278  }
0xfe: {  	[sflag:s28] =	ssyncset.done $0x0  }
0xff: {  	[sflag:s28] =	ssyncadd.s32 $0xFFFFFD88  }
0x100: {  	_ =	swait.ge [sflag:s28], $0x278  }
0x101: {  	[sflag:s28] =	ssyncset.done $0x0  }
0x102: {  	[sflag:s28] =	ssyncadd.s32 $0xFFFFFD88  }
0x103: {  	_ =	swait.ge [sflag:s28], $0x278  }
0x104: {  	[sflag:s28] =	ssyncset.done $0x0  }
0x105: {  	[sflag:s28] =	ssyncadd.s32 $0xFFFFFD88  }
0x106: {  	_ =	swait.ge [sflag:s28], $0x278  }
0x107: {  	[sflag:s28] =	ssyncset.done $0x0  }
0x108: {  	[sflag:s28] =	ssyncadd.s32 $0xFFFFFD88  }
0x109: {  	_ =	swait.ge [sflag:s28], $0x278  }
0x10a: {  	[sflag:s28] =	ssyncset.done $0x0  }
0x10b: {  	[sflag:s28] =	ssyncadd.s32 $0xFFFFFD88  }
0x10c: {  	_ =	swait.ge [sflag:s28], $0x278  }
0x10d: {  	[sflag:s28] =	ssyncset.done $0x0  }
0x10e: {  	[sflag:s28] =	ssyncadd.s32 $0xFFFFFD88  }
0x10f: {  	_ =	swait.ge [sflag:s28], $0x278  }
0x110: {  	[sflag:s28] =	ssyncset.done $0x0  }
0x111: {  	[sflag:s28] =	ssyncadd.s32 $0xFFFFFD88  }
0x112: {  	_ =	swait.ge [sflag:s28], $0x278  }
0x113: {  	[sflag:s28] =	ssyncset.done $0x0  }
0x114: {  	[sflag:s28] =	ssyncadd.s32 $0xFFFFFD88  }
0x115: {  	_ =	swait.ge [sflag:s0], $0x50  }
0x116: {  	[sflag:s0] =	ssyncset.done $0x0  }
0x117: {  	[sflag:s0] =	ssyncadd.s32 $0xFFFFFFB0  }
0x118: {  	_ =	swait.ge [sflag:s0], $0x50  }
0x119: {  	[sflag:s0] =	ssyncset.done $0x0  }
0x11a: {  	[sflag:s0] =	ssyncadd.s32 $0xFFFFFFB0  }
0x11b: {  	v2 =	vld [tilespmem:$0x1CA40]  }
0x11c: {  	v3 =	vld [tilespmem:$0x1CA50]  }
0x11d: {  	v4 =	vld [tilespmem:$0x1CA60]  }
0x11e: {  	v5 =	vld [tilespmem:$0x1CA70]  }
0x11f: {  	v57 =	vld [tilespmem:$0x1CA80]  }
0x120: {  	v2 =	vshll.u32 v2, $0x1  }
0x121: {  	v3 =	vshll.u32 v3, $0x1;
	v2 =	vor.u32 v0, v2  }
0x122: {  	[tilespmem:$0x1CC20] =	vst v2;
	v2 =	vor.u32 v0, v3;
	v3 =	vshll.u32 v4, $0x1  }
0x123: {  	[tilespmem:$0x1CC30] =	vst v2;
	v2 =	vor.u32 v0, v3;
	v3 =	vshll.u32 v5, $0x1  }
0x124: {  	[tilespmem:$0x1CC40] =	vst v2;
	v2 =	vor.u32 v0, v3;
	v3 =	vshll.u32 v57, $0x1  }
0x125: {  	[tilespmem:$0x1CC50] =	vst v2;
	v2 =	vor.u32 v0, v3  }
0x126: {  	s24 =	simm.s32 $0x1CC20;
	[tilespmem:$0x1CC60] =	vst v2  }
0x127: {  	[tilespmem:s10], [sflag:$0x1] =	stream.indirect.gather [hbm4b:s1+s9], $0x80, s24, s9, $0xb8;
	[tilespmem:$0x1CFE0] =	vst v63  }
0x128: {  	[bflag:$0x0] =	sbarrier.arrive $0xFFFF  }
0x129: {  	_ =	swait.ge [sflag:s12], $0x2800  }
0x12a: {  	[sflag:s12] =	ssyncset.done $0x0  }
0x12b: {  	[sflag:s12] =	ssyncadd.s32 $0xFFFFD800  }
0x12c: {  	[spmem:s2] =	stream.indirect.scatter.add.f32 [tilespmem:s10], [sflag:$0x4], $0x80, s29, s9, $0xb8;
	[tilespmem:$0x1CFE0] =	vst v63  }
0x12d: {  	_ = 	snop  }
0x12e: {  	[spmem:s4] =	stream.indirect.scatter.add.f32 [tilespmem:s21], [sflag:$0x7], $0x8, s29, s9, $0xb8;
	[tilespmem:$0x1CFE0] =	vst v63  }
0x12f: {  	_ =	swait.ge [sflag:s25], $0x2800  }
0x130: {  	[sflag:s25] =	ssyncset.done $0x0  }
0x131: {  	[sflag:s25] =	ssyncadd.s32 $0xFFFFD800  }
0x132: {  	_ =	swait.ge [sflag:s30], $0x280  }
0x133: {  	s3 =	simm.s32 $0x1CA40;
	s26 =	rddreg [dreg:$0x6]  }
0x134: {  	[sflag:s30] =	ssyncset.done $0x0;
	s24 =	rddreg [dreg:$0x5];
	s20 =	sadd.s32 $0x0, s26  }
0x135: {  	[sflag:s30] =	ssyncadd.s32 $0xFFFFFD80;
	s24 =	sadd.s32 $0x0, s24;
	s26 =	sadd.s32 $0x3C, s20  }
0x136: {  	[tilespmem:s3], [sflag:$0xA] =	stream.linear.gather [hbm4b:s26+s5], $0x50, $0x38;
	[tilespmem:$0x1CFE0] =	vst v63  }
0x137: {  	s3 =	sadd.s32 $0x3C, s24  }
0x138: {  	[tilespmem:s29], [sflag:$0xA] =	stream.linear.gather [hbm4b:s3+s5], $0x50, $0x38;
	[tilespmem:$0x1CFE0] =	vst v63  }
0x139: {  	_ =	swait.ge [sflag:s6], $0x50  }
0x13a: {  	[sflag:s6] =	ssyncset.done $0x0  }
0x13b: {  	[sflag:s6] =	ssyncadd.s32 $0xFFFFFFB0  }
0x13c: {  	_ =	swait.ge [sflag:s6], $0x50  }
0x13d: {  	[sflag:s6] =	ssyncset.done $0x0  }
0x13e: {  	[sflag:s6] =	ssyncadd.s32 $0xFFFFFFB0  }
0x13f: {  	v2 =	vld [tilespmem:$0x1CB60]  }
0x140: {  	v3 =	vld [tilespmem:$0x1CB40]  }
0x141: {  	v4 =	vld [tilespmem:$0x1CB70]  }
0x142: {  	v5 =	vld [tilespmem:$0x1CB50]  }
0x143: {  	v58 =	vld [tilespmem:$0x1CB30]  }
0x144: {  	v2 =	vshll.u32 v2, $0x1  }
0x145: {  	v3 =	vshll.u32 v3, $0x1;
	v2 =	vor.u32 v0, v2  }
0x146: {  	v3 =	vor.u32 v0, v3;
	[tilespmem:$0x1CD40] =	vst v2;
	v2 =	vshll.u32 v4, $0x1  }
0x147: {  	[tilespmem:$0x1CD20] =	vst v3;
	v3 =	vshll.u32 v5, $0x1;
	v2 =	vor.u32 v0, v2  }
0x148: {  	v4 =	vshll.u32 v58, $0x1;
	v3 =	vor.u32 v0, v3;
	[tilespmem:$0x1CD50] =	vst v2  }
0x149: {  	v2 =	vor.u32 v0, v4;
	[tilespmem:$0x1CD30] =	vst v3  }
0x14a: {  	s29 =	simm.s32 $0x1CD10;
	[tilespmem:$0x1CD10] =	vst v2  }
0x14b: {  	[tilespmem:s10], [sflag:$0x1] =	stream.indirect.gather [hbm4b:s1+s9], $0x80, s29, s9, $0xb8;
	[tilespmem:$0x1CFE0] =	vst v63  }
0x14c: {  	_ =	swait.ge [sflag:s31], $0x2800  }
0x14d: {  	[sflag:s31] =	ssyncset.done $0x0  }
0x14e: {  	[sflag:s31] =	ssyncadd.s32 $0xFFFFD800  }
0x14f: {  	[spmem:s2] =	stream.indirect.scatter.add.f32 [tilespmem:s11], [sflag:$0x5], $0x80, s7, s9, $0xb8;
	[tilespmem:$0x1CFE0] =	vst v63  }
0x150: {  	_ = 	snop  }
0x151: {  	[spmem:s4] =	stream.indirect.scatter.add.f32 [tilespmem:s21], [sflag:$0x8], $0x8, s7, s9, $0xb8;
	[tilespmem:$0x1CFE0] =	vst v63  }
0x152: {  	_ =	swait.ge [sflag:s28], $0x2800  }
0x153: {  	[sflag:s28] =	ssyncset.done $0x0  }
0x154: {  	[sflag:s28] =	ssyncadd.s32 $0xFFFFD800  }
0x155: {  	_ =	swait.ge [sflag:s14], $0x280  }
0x156: {  	[sflag:s14] =	ssyncset.done $0x0  }
0x157: {  	s3 =	sadd.s32 $0x46, s20;
	s29 =	simm.s32 $0x1CA90;
	[sflag:s14] =	ssyncadd.s32 $0xFFFFFD80  }
0x158: {  	[tilespmem:s29], [sflag:$0xB] =	stream.linear.gather [hbm4b:s3+s5], $0x50, $0x38;
	[tilespmem:$0x1CFE0] =	vst v63  }
0x159: {  	s3 =	sadd.s32 $0x46, s24  }
0x15a: {  	[tilespmem:s7], [sflag:$0xB] =	stream.linear.gather [hbm4b:s3+s5], $0x50, $0x38;
	[tilespmem:$0x1CFE0] =	vst v63  }
0x15b: {  	_ =	swait.ge [sflag:s15], $0x50  }
0x15c: {  	[sflag:s15] =	ssyncset.done $0x0  }
0x15d: {  	[sflag:s15] =	ssyncadd.s32 $0xFFFFFFB0  }
0x15e: {  	_ =	swait.ge [sflag:s15], $0x50  }
0x15f: {  	[sflag:s15] =	ssyncset.done $0x0  }
0x160: {  	[sflag:s15] =	ssyncadd.s32 $0xFFFFFFB0  }
0x161: {  	v2 =	vld [tilespmem:$0x1CBB0]  }
0x162: {  	v3 =	vld [tilespmem:$0x1CBA0]  }
0x163: {  	v4 =	vld [tilespmem:$0x1CBC0]  }
0x164: {  	v5 =	vld [tilespmem:$0x1CB90]  }
0x165: {  	v59 =	vld [tilespmem:$0x1CB80]  }
0x166: {  	v2 =	vshll.u32 v2, $0x1  }
0x167: {  	v3 =	vshll.u32 v3, $0x1;
	v2 =	vor.u32 v0, v2  }
0x168: {  	v4 =	vshll.u32 v4, $0x1;
	v3 =	vor.u32 v0, v3;
	[tilespmem:$0x1CD90] =	vst v2  }
0x169: {  	v2 =	vor.u32 v0, v4;
	v4 =	vshll.u32 v5, $0x1;
	[tilespmem:$0x1CD80] =	vst v3  }
0x16a: {  	v3 =	vshll.u32 v59, $0x1;
	v4 =	vor.u32 v0, v4;
	[tilespmem:$0x1CDA0] =	vst v2  }
0x16b: {  	v2 =	vor.u32 v0, v3;
	[tilespmem:$0x1CD70] =	vst v4  }
0x16c: {  	s26 =	simm.s32 $0x1CD60;
	[tilespmem:$0x1CD60] =	vst v2  }
0x16d: {  	[tilespmem:s11], [sflag:$0x2] =	stream.indirect.gather [hbm4b:s1+s9], $0x80, s26, s9, $0xb8;
	[tilespmem:$0x1CFE0] =	vst v63  }
0x16e: {  	_ =	swait.ge [sflag:s16], $0x2800  }
0x16f: {  	[sflag:s16] =	ssyncset.done $0x0  }
0x170: {  	s29 =	simm.s32 $0x1CEA0;
	[sflag:s16] =	ssyncadd.s32 $0xFFFFD800  }
0x171: {  	[spmem:s2] =	stream.indirect.scatter.add.f32 [tilespmem:s23], [sflag:$0x6], $0x80, s29, s9, $0xb8;
	[tilespmem:$0x1CFE0] =	vst v63  }
0x172: {  	_ = 	snop  }
0x173: {  	[spmem:s4] =	stream.indirect.scatter.add.f32 [tilespmem:s21], [sflag:$0x9], $0x8, s29, s9, $0xb8;
	[tilespmem:$0x1CFE0] =	vst v63  }
0x174: {  	_ =	swait.ge [sflag:s17], $0x2800  }
0x175: {  	[sflag:s17] =	ssyncset.done $0x0  }
0x176: {  	[sflag:s17] =	ssyncadd.s32 $0xFFFFD800  }
0x177: {  	_ =	swait.ge [sflag:s18], $0x280  }
0x178: {  	[sflag:s18] =	ssyncset.done $0x0  }
0x179: {  	s7 =	sadd.s32 $0x50, s20;
	s29 =	simm.s32 $0x1CAE0;
	[sflag:s18] =	ssyncadd.s32 $0xFFFFFD80  }
0x17a: {  	[tilespmem:s29], [sflag:$0xC] =	stream.linear.gather [hbm4b:s7+s5], $0x50, $0x38;
	[tilespmem:$0x1CFE0] =	vst v63  }
0x17b: {  	s3 =	simm.s32 $0x1CEA0;
	s7 =	sadd.s32 $0x50, s24  }
0x17c: {  	[tilespmem:s3], [sflag:$0xC] =	stream.linear.gather [hbm4b:s7+s5], $0x50, $0x38;
	[tilespmem:$0x1CFE0] =	vst v63  }
0x17d: {  	_ =	swait.ge [sflag:s19], $0x50  }
0x17e: {  	[sflag:s19] =	ssyncset.done $0x0  }
0x17f: {  	[sflag:s19] =	ssyncadd.s32 $0xFFFFFFB0  }
0x180: {  	_ =	swait.ge [sflag:s19], $0x50  }
0x181: {  	[sflag:s19] =	ssyncset.done $0x0  }
0x182: {  	[sflag:s19] =	ssyncadd.s32 $0xFFFFFFB0  }
0x183: {  	v2 =	vld [tilespmem:$0x1CBD0]  }
0x184: {  	v3 =	vld [tilespmem:$0x1CC10]  }
0x185: {  	v4 =	vld [tilespmem:$0x1CBE0]  }
0x186: {  	v5 =	vld [tilespmem:$0x1CC00]  }
0x187: {  	v60 =	vld [tilespmem:$0x1CBF0]  }
0x188: {  	v2 =	vshll.u32 v2, $0x1  }
0x189: {  	v3 =	vshll.u32 v3, $0x1;
	v2 =	vor.u32 v0, v2  }
0x18a: {  	v3 =	vor.u32 v0, v3;
	[tilespmem:$0x1CDB0] =	vst v2;
	v2 =	vshll.u32 v4, $0x1  }
0x18b: {  	v4 =	vshll.u32 v5, $0x1;
	[tilespmem:$0x1CDF0] =	vst v3;
	v2 =	vor.u32 v0, v2  }
0x18c: {  	v3 =	vor.u32 v0, v4;
	[tilespmem:$0x1CDC0] =	vst v2;
	v2 =	vshll.u32 v60, $0x1  }
0x18d: {  	[tilespmem:$0x1CDE0] =	vst v3;
	v2 =	vor.u32 v0, v2  }
0x18e: {  	s26 =	simm.s32 $0x1CDB0;
	[tilespmem:$0x1CDD0] =	vst v2  }
0x18f: {  	[tilespmem:s23], [sflag:$0x3] =	stream.indirect.gather [hbm4b:s1+s9], $0x80, s26, s9, $0xb8;
	[tilespmem:$0x1CFE0] =	vst v63  }
0x190: {  	_ =	swait.ge [sflag:s12], $0x2800  }
0x191: {  	[sflag:s12] =	ssyncset.done $0x0  }
0x192: {  	s29 =	simm.s32 $0x1CEF0;
	[sflag:s12] =	ssyncadd.s32 $0xFFFFD800  }
0x193: {  	[spmem:s2] =	stream.indirect.scatter.add.f32 [tilespmem:s10], [sflag:$0x4], $0x80, s29, s9, $0xb8;
	[tilespmem:$0x1CFE0] =	vst v63  }
0x194: {  	_ = 	snop  }
0x195: {  	[spmem:s4] =	stream.indirect.scatter.add.f32 [tilespmem:s21], [sflag:$0x7], $0x8, s29, s9, $0xb8;
	[tilespmem:$0x1CFE0] =	vst v63  }
0x196: {  	_ =	swait.ge [sflag:s25], $0x2800  }
0x197: {  	[sflag:s25] =	ssyncset.done $0x0  }
0x198: {  	[sflag:s25] =	ssyncadd.s32 $0xFFFFD800  }
0x199: {  	_ =	swait.ge [sflag:s30], $0x280  }
0x19a: {  	[sflag:s30] =	ssyncset.done $0x0  }
0x19b: {  	s7 =	sadd.s32 $0x5A, s20;
	s29 =	simm.s32 $0x1CB30;
	[sflag:s30] =	ssyncadd.s32 $0xFFFFFD80  }
0x19c: {  	[tilespmem:s29], [sflag:$0xD] =	stream.linear.gather [hbm4b:s7+s5], $0x50, $0x38;
	[tilespmem:$0x1CFE0] =	vst v63  }
0x19d: {  	s3 =	simm.s32 $0x1CEF0;
	s7 =	sadd.s32 $0x5A, s24  }
0x19e: {  	[tilespmem:s3], [sflag:$0xD] =	stream.linear.gather [hbm4b:s7+s5], $0x50, $0x38;
	[tilespmem:$0x1CFE0] =	vst v63  }
0x19f: {  	_ =	swait.ge [sflag:s0], $0x50  }
0x1a0: {  	[sflag:s0] =	ssyncset.done $0x0  }
0x1a1: {  	[sflag:s0] =	ssyncadd.s32 $0xFFFFFFB0  }
0x1a2: {  	_ =	swait.ge [sflag:s0], $0x50  }
0x1a3: {  	[sflag:s0] =	ssyncset.done $0x0  }
0x1a4: {  	[sflag:s0] =	ssyncadd.s32 $0xFFFFFFB0  }
0x1a5: {  	v2 =	vld [tilespmem:$0x1CA40]  }
0x1a6: {  	v3 =	vld [tilespmem:$0x1CA80]  }
0x1a7: {  	v4 =	vld [tilespmem:$0x1CA50]  }
0x1a8: {  	v5 =	vld [tilespmem:$0x1CA60]  }
0x1a9: {  	v61 =	vld [tilespmem:$0x1CA70]  }
0x1aa: {  	v2 =	vshll.u32 v2, $0x1  }
0x1ab: {  	v3 =	vshll.u32 v3, $0x1;
	v2 =	vor.u32 v0, v2  }
0x1ac: {  	v3 =	vor.u32 v0, v3;
	[tilespmem:$0x1CC20] =	vst v2;
	v2 =	vshll.u32 v4, $0x1  }
0x1ad: {  	v4 =	vshll.u32 v5, $0x1;
	[tilespmem:$0x1CC60] =	vst v3;
	v2 =	vor.u32 v0, v2  }
0x1ae: {  	v3 =	vshll.u32 v61, $0x1;
	[tilespmem:$0x1CC30] =	vst v2;
	v2 =	vor.u32 v0, v4  }
0x1af: {  	[tilespmem:$0x1CC40] =	vst v2;
	v2 =	vor.u32 v0, v3  }
0x1b0: {  	s26 =	simm.s32 $0x1CC20;
	[tilespmem:$0x1CC50] =	vst v2  }
0x1b1: {  	[tilespmem:s10], [sflag:$0x1] =	stream.indirect.gather [hbm4b:s1+s9], $0x80, s26, s9, $0xb8;
	[tilespmem:$0x1CFE0] =	vst v63  }
0x1b2: {  	_ =	swait.ge [sflag:s31], $0x2800  }
0x1b3: {  	[sflag:s31] =	ssyncset.done $0x0  }
0x1b4: {  	s29 =	simm.s32 $0x1CF40;
	[sflag:s31] =	ssyncadd.s32 $0xFFFFD800  }
0x1b5: {  	[spmem:s2] =	stream.indirect.scatter.add.f32 [tilespmem:s11], [sflag:$0x5], $0x80, s29, s9, $0xb8;
	[tilespmem:$0x1CFE0] =	vst v63  }
0x1b6: {  	_ = 	snop  }
0x1b7: {  	[spmem:s4] =	stream.indirect.scatter.add.f32 [tilespmem:s21], [sflag:$0x8], $0x8, s29, s9, $0xb8;
	[tilespmem:$0x1CFE0] =	vst v63  }
0x1b8: {  	_ =	swait.ge [sflag:s28], $0x2800  }
0x1b9: {  	[sflag:s28] =	ssyncset.done $0x0  }
0x1ba: {  	[sflag:s28] =	ssyncadd.s32 $0xFFFFD800  }
0x1bb: {  	_ =	swait.ge [sflag:s14], $0x280  }
0x1bc: {  	[sflag:s14] =	ssyncset.done $0x0  }
0x1bd: {  	s7 =	sadd.s32 $0x64, s20;
	s29 =	simm.s32 $0x1CB80;
	[sflag:s14] =	ssyncadd.s32 $0xFFFFFD80  }
0x1be: {  	[tilespmem:s29], [sflag:$0xE] =	stream.linear.gather [hbm4b:s7+s5], $0x50, $0x38;
	[tilespmem:$0x1CFE0] =	vst v63  }
0x1bf: {  	s3 =	simm.s32 $0x1CF40;
	s29 =	sadd.s32 $0x64, s24  }
0x1c0: {  	[tilespmem:s3], [sflag:$0xE] =	stream.linear.gather [hbm4b:s29+s5], $0x50, $0x38;
	[tilespmem:$0x1CFE0] =	vst v63  }
0x1c1: {  	_ =	swait.ge [sflag:s8], $0x50  }
0x1c2: {  	[sflag:s8] =	ssyncset.done $0x0  }
0x1c3: {  	[sflag:s8] =	ssyncadd.s32 $0xFFFFFFB0  }
0x1c4: {  	_ =	swait.ge [sflag:s8], $0x50  }
0x1c5: {  	[sflag:s8] =	ssyncset.done $0x0  }
0x1c6: {  	[sflag:s8] =	ssyncadd.s32 $0xFFFFFFB0  }
0x1c7: {  	v2 =	vld [tilespmem:$0x1CAB0]  }
0x1c8: {  	v3 =	vld [tilespmem:$0x1CAA0]  }
0x1c9: {  	v4 =	vld [tilespmem:$0x1CAC0]  }
0x1ca: {  	v5 =	vld [tilespmem:$0x1CAD0]  }
0x1cb: {  	v62 =	vld [tilespmem:$0x1CA90];
	_ =	sdelay $0x1  }
0x1cc: {  	v3 =	vshll.u32 v3, $0x1  }
0x1cd: {  	v2 =	vshll.u32 v2, $0x1;
	v3 =	vor.u32 v0, v3  }
0x1ce: {  	v2 =	vor.u32 v0, v2;
	[tilespmem:$0x1CC80] =	vst v3;
	v3 =	vshll.u32 v4, $0x1  }
0x1cf: {  	v4 =	vshll.u32 v5, $0x1;
	v5 =	vshll.u32 v62, $0x1;
	[tilespmem:$0x1CC90] =	vst v2;
	v63 =	vor.u32 v0, v3  }
0x1d0: {  	s26 =	simm.s32 $0x3C;
	v2 =	vor.u32 v0, v4;
	v3 =	vor.u32 v0, v5;
	[tilespmem:$0x1CCA0] =	vst v63  }
.LBB2_20:
0x1d1: {  	[tilespmem:$0x1CC70] =	vst v3  }
0x1d2: {  	[tilespmem:$0x1CCB0] =	vst v2;
	s7 =	simm.s32 $0x1CC70  }
0x1d3: {  	[tilespmem:s11], [sflag:$0x2] =	stream.indirect.gather [hbm4b:s1+s9], $0x80, s7, s9, $0xb8;
	[tilespmem:$0x1CFE0] =	vst v63  }
0x1d4: {  	_ =	swait.ge [sflag:s16], $0x2800  }
0x1d5: {  	[sflag:s16] =	ssyncset.done $0x0  }
0x1d6: {  	[sflag:s16] =	ssyncadd.s32 $0xFFFFD800  }
0x1d7: {  	[spmem:s2] =	stream.indirect.scatter.add.f32 [tilespmem:s23], [sflag:$0x6], $0x80, s13, s9, $0xb8;
	[tilespmem:$0x1CFE0] =	vst v63  }
0x1d8: {  	_ = 	snop  }
0x1d9: {  	[spmem:s4] =	stream.indirect.scatter.add.f32 [tilespmem:s21], [sflag:$0x9], $0x8, s13, s9, $0xb8;
	[tilespmem:$0x1CFE0] =	vst v63  }
0x1da: {  	_ =	swait.ge [sflag:s17], $0x2800  }
0x1db: {  	[sflag:s17] =	ssyncset.done $0x0  }
0x1dc: {  	[sflag:s17] =	ssyncadd.s32 $0xFFFFD800  }
0x1dd: {  	_ =	swait.ge [sflag:s18], $0x280  }
0x1de: {  	[sflag:s18] =	ssyncset.done $0x0  }
0x1df: {  	s20 =	sadd.s32 $0x6E, s20;
	s7 =	simm.s32 $0x1CBD0;
	[sflag:s18] =	ssyncadd.s32 $0xFFFFFD80  }
0x1e0: {  	[tilespmem:s7], [sflag:$0xF] =	stream.linear.gather [hbm4b:s20+s5], $0x50, $0x38;
	[tilespmem:$0x1CFE0] =	vst v63  }
0x1e1: {  	s7 =	sadd.s32 $0x6E, s24  }
0x1e2: {  	[tilespmem:s13], [sflag:$0xF] =	stream.linear.gather [hbm4b:s7+s5], $0x50, $0x38;
	[tilespmem:$0x1CFE0] =	vst v63  }
0x1e3: {  	_ =	swait.ge [sflag:s22], $0x50  }
0x1e4: {  	[sflag:s22] =	ssyncset.done $0x0  }
0x1e5: {  	[sflag:s22] =	ssyncadd.s32 $0xFFFFFFB0  }
0x1e6: {  	_ =	swait.ge [sflag:s22], $0x50  }
0x1e7: {  	[sflag:s22] =	ssyncset.done $0x0  }
0x1e8: {  	[sflag:s22] =	ssyncadd.s32 $0xFFFFFFB0  }
0x1e9: {  	v2 =	vld [tilespmem:$0x1CAE0]  }
0x1ea: {  	v3 =	vld [tilespmem:$0x1CAF0]  }
0x1eb: {  	v4 =	vld [tilespmem:$0x1CB10]  }
0x1ec: {  	v5 =	vld [tilespmem:$0x1CB20]  }
0x1ed: {  	v6 =	vld [tilespmem:$0x1CB00]  }
0x1ee: {  	v2 =	vshll.u32 v2, $0x1  }
0x1ef: {  	v3 =	vshll.u32 v3, $0x1;
	v2 =	vor.u32 v0, v2  }
0x1f0: {  	[tilespmem:$0x1CCC0] =	vst v2;
	v2 =	vor.u32 v0, v3;
	v3 =	vshll.u32 v4, $0x1  }
0x1f1: {  	[tilespmem:$0x1CCD0] =	vst v2;
	v2 =	vor.u32 v0, v3;
	v3 =	vshll.u32 v5, $0x1  }
0x1f2: {  	[tilespmem:$0x1CCF0] =	vst v2;
	v2 =	vor.u32 v0, v3;
	v3 =	vshll.u32 v6, $0x1  }
0x1f3: {  	[tilespmem:$0x1CD00] =	vst v2;
	v2 =	vor.u32 v0, v3  }
0x1f4: {  	s24 =	simm.s32 $0x1CCC0;
	[tilespmem:$0x1CCE0] =	vst v2  }
0x1f5: {  	[tilespmem:s23], [sflag:$0x3] =	stream.indirect.gather [hbm4b:s1+s9], $0x80, s24, s9, $0xb8;
	[tilespmem:$0x1CFE0] =	vst v63  }
0x1f6: {  	_ =	swait.ge [sflag:s12], $0x2800  }
0x1f7: {  	[sflag:s12] =	ssyncset.done $0x0  }
0x1f8: {  	s3 =	simm.s32 $0x1CE00;
	[sflag:s12] =	ssyncadd.s32 $0xFFFFD800  }
0x1f9: {  	[spmem:s2] =	stream.indirect.scatter.add.f32 [tilespmem:s10], [sflag:$0x4], $0x80, s3, s9, $0xb8;
	[tilespmem:$0x1CFE0] =	vst v63  }
0x1fa: {  	_ = 	snop  }
0x1fb: {  	[spmem:s4] =	stream.indirect.scatter.add.f32 [tilespmem:s21], [sflag:$0x7], $0x8, s3, s9, $0xb8;
	[tilespmem:$0x1CFE0] =	vst v63  }
0x1fc: {  	_ =	swait.ge [sflag:s25], $0x2800  }
0x1fd: {  	[sflag:s25] =	ssyncset.done $0x0  }
0x1fe: {  	[sflag:s25] =	ssyncadd.s32 $0xFFFFD800  }
0x1ff: {  	_ =	swait.ge [sflag:s30], $0x280  }
0x200: {  	s29 =	smov.u32 s26;
	s7 =	simm.s32 $0x1CA40;
	s3 =	rddreg [dreg:$0x6]  }
0x201: {  	[sflag:s30] =	ssyncset.done $0x0;
	s24 =	rddreg [dreg:$0x5];
	s20 =	sadd.s32 s29, s3  }
0x202: {  	[sflag:s30] =	ssyncadd.s32 $0xFFFFFD80;
	s24 =	sadd.s32 s29, s24;
	s3 =	sadd.s32 $0x3C, s20  }
0x203: {  	[tilespmem:s7], [sflag:$0xA] =	stream.linear.gather [hbm4b:s3+s5], $0x50, $0x38;
	[tilespmem:$0x1CFE0] =	vst v63  }
0x204: {  	s29 =	simm.s32 $0x1CE00;
	s7 =	sadd.s32 $0x3C, s24  }
0x205: {  	[tilespmem:s29], [sflag:$0xA] =	stream.linear.gather [hbm4b:s7+s5], $0x50, $0x38;
	[tilespmem:$0x1CFE0] =	vst v63  }
0x206: {  	_ =	swait.ge [sflag:s6], $0x50  }
0x207: {  	[sflag:s6] =	ssyncset.done $0x0  }
0x208: {  	[sflag:s6] =	ssyncadd.s32 $0xFFFFFFB0  }
0x209: {  	_ =	swait.ge [sflag:s6], $0x50  }
0x20a: {  	[sflag:s6] =	ssyncset.done $0x0  }
0x20b: {  	[sflag:s6] =	ssyncadd.s32 $0xFFFFFFB0  }
0x20c: {  	v2 =	vld [tilespmem:$0x1CB60]  }
0x20d: {  	v3 =	vld [tilespmem:$0x1CB40]  }
0x20e: {  	v4 =	vld [tilespmem:$0x1CB70]  }
0x20f: {  	v5 =	vld [tilespmem:$0x1CB50]  }
0x210: {  	v58 =	vld [tilespmem:$0x1CB30]  }
0x211: {  	v2 =	vshll.u32 v2, $0x1  }
0x212: {  	v3 =	vshll.u32 v3, $0x1;
	v2 =	vor.u32 v0, v2  }
0x213: {  	v3 =	vor.u32 v0, v3;
	[tilespmem:$0x1CD40] =	vst v2;
	v2 =	vshll.u32 v4, $0x1  }
0x214: {  	[tilespmem:$0x1CD20] =	vst v3;
	v3 =	vshll.u32 v5, $0x1;
	v2 =	vor.u32 v0, v2  }
0x215: {  	v4 =	vshll.u32 v58, $0x1;
	v3 =	vor.u32 v0, v3;
	[tilespmem:$0x1CD50] =	vst v2  }
0x216: {  	v2 =	vor.u32 v0, v4;
	[tilespmem:$0x1CD30] =	vst v3  }
0x217: {  	s7 =	simm.s32 $0x1CD10;
	[tilespmem:$0x1CD10] =	vst v2  }
0x218: {  	[tilespmem:s10], [sflag:$0x1] =	stream.indirect.gather [hbm4b:s1+s9], $0x80, s7, s9, $0xb8;
	[tilespmem:$0x1CFE0] =	vst v63  }
0x219: {  	_ =	swait.ge [sflag:s31], $0x2800  }
0x21a: {  	[sflag:s31] =	ssyncset.done $0x0  }
0x21b: {  	s7 =	simm.s32 $0x1CE50;
	[sflag:s31] =	ssyncadd.s32 $0xFFFFD800  }
0x21c: {  	[spmem:s2] =	stream.indirect.scatter.add.f32 [tilespmem:s11], [sflag:$0x5], $0x80, s7, s9, $0xb8;
	[tilespmem:$0x1CFE0] =	vst v63  }
0x21d: {  	_ = 	snop  }
0x21e: {  	[spmem:s4] =	stream.indirect.scatter.add.f32 [tilespmem:s21], [sflag:$0x8], $0x8, s7, s9, $0xb8;
	[tilespmem:$0x1CFE0] =	vst v63  }
0x21f: {  	_ =	swait.ge [sflag:s28], $0x2800  }
0x220: {  	[sflag:s28] =	ssyncset.done $0x0  }
0x221: {  	[sflag:s28] =	ssyncadd.s32 $0xFFFFD800  }
0x222: {  	_ =	swait.ge [sflag:s14], $0x280  }
0x223: {  	[sflag:s14] =	ssyncset.done $0x0  }
0x224: {  	s3 =	sadd.s32 $0x46, s20;
	s10 =	simm.s32 $0x1CA90;
	[sflag:s14] =	ssyncadd.s32 $0xFFFFFD80  }
0x225: {  	[tilespmem:s10], [sflag:$0xB] =	stream.linear.gather [hbm4b:s3+s5], $0x50, $0x38;
	[tilespmem:$0x1CFE0] =	vst v63  }
0x226: {  	s10 =	sadd.s32 $0x46, s24  }
0x227: {  	[tilespmem:s7], [sflag:$0xB] =	stream.linear.gather [hbm4b:s10+s5], $0x50, $0x38;
	[tilespmem:$0x1CFE0] =	vst v63  }
0x228: {  	_ =	swait.ge [sflag:s15], $0x50  }
0x229: {  	[sflag:s15] =	ssyncset.done $0x0  }
0x22a: {  	[sflag:s15] =	ssyncadd.s32 $0xFFFFFFB0  }
0x22b: {  	_ =	swait.ge [sflag:s15], $0x50  }
0x22c: {  	[sflag:s15] =	ssyncset.done $0x0  }
0x22d: {  	[sflag:s15] =	ssyncadd.s32 $0xFFFFFFB0  }
0x22e: {  	v3 =	vld [tilespmem:$0x1CBB0]  }
0x22f: {  	v2 =	vld [tilespmem:$0x1CBA0]  }
0x230: {  	v4 =	vld [tilespmem:$0x1CBC0]  }
0x231: {  	v5 =	vld [tilespmem:$0x1CB80]  }
0x232: {  	v59 =	vld [tilespmem:$0x1CB90]  }
0x233: {  	v3 =	vshll.u32 v3, $0x1  }
0x234: {  	v2 =	vshll.u32 v2, $0x1;
	v3 =	vor.u32 v0, v3  }
0x235: {  	v4 =	vshll.u32 v4, $0x1;
	v2 =	vor.u32 v0, v2;
	[tilespmem:$0x1CD90] =	vst v3  }
0x236: {  	v5 =	vshll.u32 v5, $0x1;
	v3 =	vor.u32 v0, v4;
	[tilespmem:$0x1CD80] =	vst v2  }
0x237: {  	v4 =	vor.u32 v0, v5;
	v5 =	vshll.u32 v59, $0x1;
	[tilespmem:$0x1CDA0] =	vst v3  }
0x238: {  	v2 =	vor.u32 v0, v5;
	[tilespmem:$0x1CD60] =	vst v4  }
0x239: {  	s10 =	simm.s32 $0x1CD60;
	[tilespmem:$0x1CD70] =	vst v2  }
0x23a: {  	[tilespmem:s11], [sflag:$0x2] =	stream.indirect.gather [hbm4b:s1+s9], $0x80, s10, s9, $0xb8;
	[tilespmem:$0x1CFE0] =	vst v63  }
0x23b: {  	_ =	swait.ge [sflag:s16], $0x2800  }
0x23c: {  	[sflag:s16] =	ssyncset.done $0x0  }
0x23d: {  	s7 =	simm.s32 $0x1CEA0;
	[sflag:s16] =	ssyncadd.s32 $0xFFFFD800  }
0x23e: {  	[spmem:s2] =	stream.indirect.scatter.add.f32 [tilespmem:s23], [sflag:$0x6], $0x80, s7, s9, $0xb8;
	[tilespmem:$0x1CFE0] =	vst v63  }
0x23f: {  	_ = 	snop  }
0x240: {  	[spmem:s4] =	stream.indirect.scatter.add.f32 [tilespmem:s21], [sflag:$0x9], $0x8, s7, s9, $0xb8;
	[tilespmem:$0x1CFE0] =	vst v63  }
0x241: {  	_ =	swait.ge [sflag:s17], $0x2800  }
0x242: {  	[sflag:s17] =	ssyncset.done $0x0  }
0x243: {  	[sflag:s17] =	ssyncadd.s32 $0xFFFFD800  }
0x244: {  	_ =	swait.ge [sflag:s18], $0x280  }
0x245: {  	[sflag:s18] =	ssyncset.done $0x0  }
0x246: {  	s3 =	sadd.s32 $0x50, s20;
	s10 =	simm.s32 $0x1CAE0;
	[sflag:s18] =	ssyncadd.s32 $0xFFFFFD80  }
0x247: {  	[tilespmem:s10], [sflag:$0xC] =	stream.linear.gather [hbm4b:s3+s5], $0x50, $0x38;
	[tilespmem:$0x1CFE0] =	vst v63  }
0x248: {  	s3 =	sadd.s32 $0x50, s24  }
0x249: {  	[tilespmem:s7], [sflag:$0xC] =	stream.linear.gather [hbm4b:s3+s5], $0x50, $0x38;
	[tilespmem:$0x1CFE0] =	vst v63  }
0x24a: {  	_ =	swait.ge [sflag:s19], $0x50  }
0x24b: {  	[sflag:s19] =	ssyncset.done $0x0  }
0x24c: {  	[sflag:s19] =	ssyncadd.s32 $0xFFFFFFB0  }
0x24d: {  	_ =	swait.ge [sflag:s19], $0x50  }
0x24e: {  	[sflag:s19] =	ssyncset.done $0x0  }
0x24f: {  	[sflag:s19] =	ssyncadd.s32 $0xFFFFFFB0  }
0x250: {  	v2 =	vld [tilespmem:$0x1CBD0]  }
0x251: {  	v3 =	vld [tilespmem:$0x1CC10]  }
0x252: {  	v4 =	vld [tilespmem:$0x1CBE0]  }
0x253: {  	v5 =	vld [tilespmem:$0x1CC00]  }
0x254: {  	v60 =	vld [tilespmem:$0x1CBF0]  }
0x255: {  	v2 =	vshll.u32 v2, $0x1  }
0x256: {  	v3 =	vshll.u32 v3, $0x1;
	v2 =	vor.u32 v0, v2  }
0x257: {  	v3 =	vor.u32 v0, v3;
	[tilespmem:$0x1CDB0] =	vst v2;
	v2 =	vshll.u32 v4, $0x1  }
0x258: {  	v4 =	vshll.u32 v5, $0x1;
	[tilespmem:$0x1CDF0] =	vst v3;
	v2 =	vor.u32 v0, v2  }
0x259: {  	v3 =	vor.u32 v0, v4;
	[tilespmem:$0x1CDC0] =	vst v2;
	v2 =	vshll.u32 v60, $0x1  }
0x25a: {  	[tilespmem:$0x1CDE0] =	vst v3;
	v2 =	vor.u32 v0, v2  }
0x25b: {  	s7 =	simm.s32 $0x1CDB0;
	[tilespmem:$0x1CDD0] =	vst v2  }
0x25c: {  	[tilespmem:s23], [sflag:$0x3] =	stream.indirect.gather [hbm4b:s1+s9], $0x80, s7, s9, $0xb8;
	[tilespmem:$0x1CFE0] =	vst v63  }
0x25d: {  	_ =	swait.ge [sflag:s12], $0x2800  }
0x25e: {  	[sflag:s12] =	ssyncset.done $0x0  }
0x25f: {  	s10 =	simm.s32 $0x15240;
	s7 =	simm.s32 $0x1CEF0;
	[sflag:s12] =	ssyncadd.s32 $0xFFFFD800  }
0x260: {  	[spmem:s2] =	stream.indirect.scatter.add.f32 [tilespmem:s10], [sflag:$0x4], $0x80, s7, s9, $0xb8;
	[tilespmem:$0x1CFE0] =	vst v63  }
0x261: {  	_ = 	snop  }
0x262: {  	[spmem:s4] =	stream.indirect.scatter.add.f32 [tilespmem:s21], [sflag:$0x7], $0x8, s7, s9, $0xb8;
	[tilespmem:$0x1CFE0] =	vst v63  }
0x263: {  	_ =	swait.ge [sflag:s25], $0x2800  }
0x264: {  	[sflag:s25] =	ssyncset.done $0x0  }
0x265: {  	[sflag:s25] =	ssyncadd.s32 $0xFFFFD800  }
0x266: {  	_ =	swait.ge [sflag:s30], $0x280  }
0x267: {  	[sflag:s30] =	ssyncset.done $0x0  }
0x268: {  	s3 =	sadd.s32 $0x5A, s20;
	s23 =	simm.s32 $0x1CB30;
	[sflag:s30] =	ssyncadd.s32 $0xFFFFFD80  }
0x269: {  	[tilespmem:s23], [sflag:$0xD] =	stream.linear.gather [hbm4b:s3+s5], $0x50, $0x38;
	[tilespmem:$0x1CFE0] =	vst v63  }
0x26a: {  	s3 =	sadd.s32 $0x5A, s24  }
0x26b: {  	[tilespmem:s7], [sflag:$0xD] =	stream.linear.gather [hbm4b:s3+s5], $0x50, $0x38;
	[tilespmem:$0x1CFE0] =	vst v63  }
0x26c: {  	_ =	swait.ge [sflag:s0], $0x50  }
0x26d: {  	[sflag:s0] =	ssyncset.done $0x0  }
0x26e: {  	[sflag:s0] =	ssyncadd.s32 $0xFFFFFFB0  }
0x26f: {  	_ =	swait.ge [sflag:s0], $0x50  }
0x270: {  	[sflag:s0] =	ssyncset.done $0x0  }
0x271: {  	[sflag:s0] =	ssyncadd.s32 $0xFFFFFFB0  }
0x272: {  	v2 =	vld [tilespmem:$0x1CA40]  }
0x273: {  	v3 =	vld [tilespmem:$0x1CA80]  }
0x274: {  	v4 =	vld [tilespmem:$0x1CA50]  }
0x275: {  	v5 =	vld [tilespmem:$0x1CA60]  }
0x276: {  	v61 =	vld [tilespmem:$0x1CA70]  }
0x277: {  	v2 =	vshll.u32 v2, $0x1  }
0x278: {  	v3 =	vshll.u32 v3, $0x1;
	v2 =	vor.u32 v0, v2  }
0x279: {  	v3 =	vor.u32 v0, v3;
	[tilespmem:$0x1CC20] =	vst v2;
	v2 =	vshll.u32 v4, $0x1  }
0x27a: {  	v4 =	vshll.u32 v5, $0x1;
	[tilespmem:$0x1CC60] =	vst v3;
	v2 =	vor.u32 v0, v2  }
0x27b: {  	v3 =	vshll.u32 v61, $0x1;
	[tilespmem:$0x1CC30] =	vst v2;
	v2 =	vor.u32 v0, v4  }
0x27c: {  	[tilespmem:$0x1CC40] =	vst v2;
	v2 =	vor.u32 v0, v3  }
0x27d: {  	s7 =	simm.s32 $0x1CC20;
	[tilespmem:$0x1CC50] =	vst v2  }
0x27e: {  	[tilespmem:s10], [sflag:$0x1] =	stream.indirect.gather [hbm4b:s1+s9], $0x80, s7, s9, $0xb8;
	[tilespmem:$0x1CFE0] =	vst v63  }
0x27f: {  	_ =	swait.ge [sflag:s31], $0x2800  }
0x280: {  	[sflag:s31] =	ssyncset.done $0x0  }
0x281: {  	s7 =	simm.s32 $0x1CF40;
	[sflag:s31] =	ssyncadd.s32 $0xFFFFD800  }
0x282: {  	[spmem:s2] =	stream.indirect.scatter.add.f32 [tilespmem:s11], [sflag:$0x5], $0x80, s7, s9, $0xb8;
	[tilespmem:$0x1CFE0] =	vst v63  }
0x283: {  	_ = 	snop  }
0x284: {  	[spmem:s4] =	stream.indirect.scatter.add.f32 [tilespmem:s21], [sflag:$0x8], $0x8, s7, s9, $0xb8;
	[tilespmem:$0x1CFE0] =	vst v63  }
0x285: {  	_ =	swait.ge [sflag:s28], $0x2800  }
0x286: {  	[sflag:s28] =	ssyncset.done $0x0  }
0x287: {  	[sflag:s28] =	ssyncadd.s32 $0xFFFFD800  }
0x288: {  	_ =	swait.ge [sflag:s14], $0x280  }
0x289: {  	[sflag:s14] =	ssyncset.done $0x0  }
0x28a: {  	s3 =	sadd.s32 $0x64, s20;
	s11 =	simm.s32 $0x1CB80;
	[sflag:s14] =	ssyncadd.s32 $0xFFFFFD80  }
0x28b: {  	[tilespmem:s11], [sflag:$0xE] =	stream.linear.gather [hbm4b:s3+s5], $0x50, $0x38;
	[tilespmem:$0x1CFE0] =	vst v63  }
0x28c: {  	s3 =	sadd.s32 $0x64, s24  }
0x28d: {  	[tilespmem:s7], [sflag:$0xE] =	stream.linear.gather [hbm4b:s3+s5], $0x50, $0x38;
	[tilespmem:$0x1CFE0] =	vst v63  }
0x28e: {  	_ =	swait.ge [sflag:s8], $0x50  }
0x28f: {  	[sflag:s8] =	ssyncset.done $0x0  }
0x290: {  	[sflag:s8] =	ssyncadd.s32 $0xFFFFFFB0  }
0x291: {  	_ =	swait.ge [sflag:s8], $0x50  }
0x292: {  	[sflag:s8] =	ssyncset.done $0x0  }
0x293: {  	[sflag:s8] =	ssyncadd.s32 $0xFFFFFFB0  }
0x294: {  	v2 =	vld [tilespmem:$0x1CAB0]  }
0x295: {  	v3 =	vld [tilespmem:$0x1CAA0]  }
0x296: {  	v4 =	vld [tilespmem:$0x1CAC0]  }
0x297: {  	v5 =	vld [tilespmem:$0x1CAD0]  }
0x298: {  	v62 =	vld [tilespmem:$0x1CA90]  }
0x299: {  	p0 =	sne.s32 s26, $0x438  }
.Ltmp9:
0x29a: {  	v3 =	vshll.u32 v3, $0x1;
	(pc) =	sbr.rel @p0 .LBB2_20-.Ltmp9, $4  }
0x29b: {  	v2 =	vshll.u32 v2, $0x1;
	v3 =	vor.u32 v0, v3  }
0x29c: {  	v2 =	vor.u32 v0, v2;
	[tilespmem:$0x1CC80] =	vst v3;
	v3 =	vshll.u32 v4, $0x1  }
0x29d: {  	v4 =	vshll.u32 v5, $0x1;
	v5 =	vshll.u32 v62, $0x1;
	[tilespmem:$0x1CC90] =	vst v2;
	v63 =	vor.u32 v0, v3  }
0x29e: {  	s26 =	sadd.s32 $0x3C, s26;
	s23 =	simm.s32 $0x1A240;
	s11 =	simm.s32 $0x17A40;
	v2 =	vor.u32 v0, v4;
	v3 =	vor.u32 v0, v5;
	[tilespmem:$0x1CCA0] =	vst v63  }
0x29f: {  	[tilespmem:$0x1CC70] =	vst v3  }
0x2a0: {  	[tilespmem:$0x1CCB0] =	vst v2;
	s3 =	simm.s32 $0x1CC70  }
0x2a1: {  	[tilespmem:s11], [sflag:$0x2] =	stream.indirect.gather [hbm4b:s1+s9], $0x80, s3, s9, $0xb8;
	[tilespmem:$0x1CFE0] =	vst v63  }
0x2a2: {  	_ =	swait.ge [sflag:s16], $0x2800  }
0x2a3: {  	[sflag:s16] =	ssyncset.done $0x0  }
0x2a4: {  	[sflag:s16] =	ssyncadd.s32 $0xFFFFD800  }
0x2a5: {  	[spmem:s2] =	stream.indirect.scatter.add.f32 [tilespmem:s23], [sflag:$0x6], $0x80, s13, s9, $0xb8;
	[tilespmem:$0x1CFE0] =	vst v63  }
0x2a6: {  	_ = 	snop  }
0x2a7: {  	[spmem:s4] =	stream.indirect.scatter.add.f32 [tilespmem:s21], [sflag:$0x9], $0x8, s13, s9, $0xb8;
	[tilespmem:$0x1CFE0] =	vst v63  }
0x2a8: {  	_ =	swait.ge [sflag:s17], $0x2800  }
0x2a9: {  	[sflag:s17] =	ssyncset.done $0x0  }
0x2aa: {  	[sflag:s17] =	ssyncadd.s32 $0xFFFFD800  }
0x2ab: {  	_ =	swait.ge [sflag:s18], $0x280  }
0x2ac: {  	[sflag:s18] =	ssyncset.done $0x0  }
0x2ad: {  	s20 =	sadd.s32 $0x6E, s20;
	s7 =	simm.s32 $0x1CBD0;
	[sflag:s18] =	ssyncadd.s32 $0xFFFFFD80  }
0x2ae: {  	[tilespmem:s7], [sflag:$0xF] =	stream.linear.gather [hbm4b:s20+s5], $0x50, $0x38;
	[tilespmem:$0x1CFE0] =	vst v63  }
0x2af: {  	s26 =	sadd.s32 $0x6E, s24  }
0x2b0: {  	[tilespmem:s13], [sflag:$0xF] =	stream.linear.gather [hbm4b:s26+s5], $0x50, $0x38;
	[tilespmem:$0x1CFE0] =	vst v63  }
0x2b1: {  	_ =	swait.ge [sflag:s22], $0x50  }
0x2b2: {  	[sflag:s22] =	ssyncset.done $0x0  }
0x2b3: {  	[sflag:s22] =	ssyncadd.s32 $0xFFFFFFB0  }
0x2b4: {  	_ =	swait.ge [sflag:s22], $0x50  }
0x2b5: {  	[sflag:s22] =	ssyncset.done $0x0  }
0x2b6: {  	[sflag:s22] =	ssyncadd.s32 $0xFFFFFFB0  }
0x2b7: {  	v2 =	vld [tilespmem:$0x1CAE0]  }
0x2b8: {  	v3 =	vld [tilespmem:$0x1CAF0]  }
0x2b9: {  	v4 =	vld [tilespmem:$0x1CB10]  }
0x2ba: {  	v5 =	vld [tilespmem:$0x1CB20]  }
0x2bb: {  	v6 =	vld [tilespmem:$0x1CB00]  }
0x2bc: {  	v2 =	vshll.u32 v2, $0x1  }
0x2bd: {  	v3 =	vshll.u32 v3, $0x1;
	v2 =	vor.u32 v0, v2  }
0x2be: {  	[tilespmem:$0x1CCC0] =	vst v2;
	v2 =	vor.u32 v0, v3;
	v3 =	vshll.u32 v4, $0x1  }
0x2bf: {  	[tilespmem:$0x1CCD0] =	vst v2;
	v2 =	vor.u32 v0, v3;
	v3 =	vshll.u32 v5, $0x1  }
0x2c0: {  	[tilespmem:$0x1CCF0] =	vst v2;
	v2 =	vor.u32 v0, v3;
	v3 =	vshll.u32 v6, $0x1  }
0x2c1: {  	[tilespmem:$0x1CD00] =	vst v2;
	v2 =	vor.u32 v0, v3  }
0x2c2: {  	s7 =	simm.s32 $0x1CCC0;
	[tilespmem:$0x1CCE0] =	vst v2  }
0x2c3: {  	[tilespmem:s23], [sflag:$0x3] =	stream.indirect.gather [hbm4b:s1+s9], $0x80, s7, s9, $0xb8;
	[tilespmem:$0x1CFE0] =	vst v63  }
0x2c4: {  	_ =	swait.ge [sflag:s12], $0x2800  }
0x2c5: {  	[sflag:s12] =	ssyncset.done $0x0  }
0x2c6: {  	[sflag:s12] =	ssyncadd.s32 $0xFFFFD800  }
0x2c7: {  	[spmem:s2] =	stream.indirect.scatter.add.f32 [tilespmem:s10], [sflag:$0x4], $0x80, s29, s9, $0xb8;
	[tilespmem:$0x1CFE0] =	vst v63  }
0x2c8: {  	_ = 	snop  }
0x2c9: {  	[spmem:s4] =	stream.indirect.scatter.add.f32 [tilespmem:s21], [sflag:$0x7], $0x8, s29, s9, $0xb8;
	[tilespmem:$0x1CFE0] =	vst v63  }
0x2ca: {  	_ =	swait.ge [sflag:s25], $0x2800  }
0x2cb: {  	[sflag:s25] =	ssyncset.done $0x0  }
0x2cc: {  	[sflag:s25] =	ssyncadd.s32 $0xFFFFD800  }
0x2cd: {  	_ =	swait.ge [sflag:s30], $0x280  }
0x2ce: {  	[sflag:s30] =	ssyncset.done $0x0  }
0x2cf: {  	s24 =	simm.s32 $0x1CA40;
	s20 =	rddreg [dreg:$0x11];
	[sflag:s30] =	ssyncadd.s32 $0xFFFFFD80  }
0x2d0: {  	[tilespmem:s24], [sflag:$0xA] =	stream.linear.gather [hbm4b:s20+s5], $0x50, $0x38;
	[tilespmem:$0x1CFE0] =	vst v63  }
0x2d1: {  	s26 =	rddreg [dreg:$0x12]  }
0x2d2: {  	[tilespmem:s29], [sflag:$0xA] =	stream.linear.gather [hbm4b:s26+s5], $0x50, $0x38;
	[tilespmem:$0x1CFE0] =	vst v63  }
0x2d3: {  	_ =	swait.ge [sflag:s6], $0x50  }
0x2d4: {  	[sflag:s6] =	ssyncset.done $0x0  }
0x2d5: {  	[sflag:s6] =	ssyncadd.s32 $0xFFFFFFB0  }
0x2d6: {  	_ =	swait.ge [sflag:s6], $0x50  }
0x2d7: {  	[sflag:s6] =	ssyncset.done $0x0  }
0x2d8: {  	[sflag:s6] =	ssyncadd.s32 $0xFFFFFFB0  }
0x2d9: {  	v2 =	vld [tilespmem:$0x1CB30]  }
0x2da: {  	v3 =	vld [tilespmem:$0x1CB40]  }
0x2db: {  	v40 =	vld [tilespmem:$0x1CB50]  }
0x2dc: {  	v41 =	vld [tilespmem:$0x1CB60]  }
0x2dd: {  	v42 =	vld [tilespmem:$0x1CB70]  }
0x2de: {  	v2 =	vshll.u32 v2, $0x1  }
0x2df: {  	v3 =	vshll.u32 v3, $0x1;
	v2 =	vor.u32 v0, v2  }
0x2e0: {  	[tilespmem:$0x1CD10] =	vst v2;
	v2 =	vor.u32 v0, v3;
	v3 =	vshll.u32 v40, $0x1  }
0x2e1: {  	[tilespmem:$0x1CD20] =	vst v2;
	v2 =	vor.u32 v0, v3;
	v3 =	vshll.u32 v41, $0x1  }
0x2e2: {  	[tilespmem:$0x1CD30] =	vst v2;
	v2 =	vor.u32 v0, v3;
	v3 =	vshll.u32 v42, $0x1  }
0x2e3: {  	[tilespmem:$0x1CD40] =	vst v2;
	v2 =	vor.u32 v0, v3  }
0x2e4: {  	s7 =	simm.s32 $0x1CD10;
	[tilespmem:$0x1CD50] =	vst v2  }
0x2e5: {  	[tilespmem:s10], [sflag:$0x1] =	stream.indirect.gather [hbm4b:s1+s9], $0x80, s7, s9, $0xb8;
	[tilespmem:$0x1CFE0] =	vst v63  }
0x2e6: {  	_ =	swait.ge [sflag:s31], $0x2800  }
0x2e7: {  	[sflag:s31] =	ssyncset.done $0x0  }
0x2e8: {  	s20 =	simm.s32 $0x1CE50;
	[sflag:s31] =	ssyncadd.s32 $0xFFFFD800  }
0x2e9: {  	[spmem:s2] =	stream.indirect.scatter.add.f32 [tilespmem:s11], [sflag:$0x5], $0x80, s20, s9, $0xb8;
	[tilespmem:$0x1CFE0] =	vst v63  }
0x2ea: {  	_ = 	snop  }
0x2eb: {  	[spmem:s4] =	stream.indirect.scatter.add.f32 [tilespmem:s21], [sflag:$0x8], $0x8, s20, s9, $0xb8;
	[tilespmem:$0x1CFE0] =	vst v63  }
0x2ec: {  	_ =	swait.ge [sflag:s28], $0x2800  }
0x2ed: {  	[sflag:s28] =	ssyncset.done $0x0  }
0x2ee: {  	[sflag:s28] =	ssyncadd.s32 $0xFFFFD800  }
0x2ef: {  	_ =	swait.ge [sflag:s14], $0x280  }
0x2f0: {  	[sflag:s14] =	ssyncset.done $0x0  }
0x2f1: {  	s26 =	simm.s32 $0x1CA90;
	s24 =	rddreg [dreg:$0x13];
	[sflag:s14] =	ssyncadd.s32 $0xFFFFFD80  }
0x2f2: {  	[tilespmem:s26], [sflag:$0xB] =	stream.linear.gather [hbm4b:s24+s5], $0x50, $0x38;
	[tilespmem:$0x1CFE0] =	vst v63  }
0x2f3: {  	s20 =	simm.s32 $0x1CE50;
	s24 =	rddreg [dreg:$0x14]  }
0x2f4: {  	[tilespmem:s20], [sflag:$0xB] =	stream.linear.gather [hbm4b:s24+s5], $0x50, $0x38;
	[tilespmem:$0x1CFE0] =	vst v63  }
0x2f5: {  	_ =	swait.ge [sflag:s15], $0x50  }
0x2f6: {  	[sflag:s15] =	ssyncset.done $0x0  }
0x2f7: {  	[sflag:s15] =	ssyncadd.s32 $0xFFFFFFB0  }
0x2f8: {  	_ =	swait.ge [sflag:s15], $0x50  }
0x2f9: {  	[sflag:s15] =	ssyncset.done $0x0  }
0x2fa: {  	[sflag:s15] =	ssyncadd.s32 $0xFFFFFFB0  }
0x2fb: {  	v2 =	vld [tilespmem:$0x1CB80]  }
0x2fc: {  	v3 =	vld [tilespmem:$0x1CB90]  }
0x2fd: {  	v43 =	vld [tilespmem:$0x1CBA0]  }
0x2fe: {  	v44 =	vld [tilespmem:$0x1CBB0]  }
0x2ff: {  	v45 =	vld [tilespmem:$0x1CBC0]  }
0x300: {  	v2 =	vshll.u32 v2, $0x1  }
0x301: {  	v3 =	vshll.u32 v3, $0x1;
	v2 =	vor.u32 v0, v2  }
0x302: {  	[tilespmem:$0x1CD60] =	vst v2;
	v2 =	vor.u32 v0, v3;
	v3 =	vshll.u32 v43, $0x1  }
0x303: {  	[tilespmem:$0x1CD70] =	vst v2;
	v2 =	vor.u32 v0, v3;
	v3 =	vshll.u32 v44, $0x1  }
0x304: {  	[tilespmem:$0x1CD80] =	vst v2;
	v2 =	vor.u32 v0, v3;
	v3 =	vshll.u32 v45, $0x1  }
0x305: {  	[tilespmem:$0x1CD90] =	vst v2;
	v2 =	vor.u32 v0, v3  }
0x306: {  	s26 =	simm.s32 $0x1CD60;
	[tilespmem:$0x1CDA0] =	vst v2  }
0x307: {  	[tilespmem:s11], [sflag:$0x2] =	stream.indirect.gather [hbm4b:s1+s9], $0x80, s26, s9, $0xb8;
	[tilespmem:$0x1CFE0] =	vst v63  }
0x308: {  	_ =	swait.ge [sflag:s16], $0x2800  }
0x309: {  	[sflag:s16] =	ssyncset.done $0x0  }
0x30a: {  	s24 =	simm.s32 $0x1CEA0;
	[sflag:s16] =	ssyncadd.s32 $0xFFFFD800  }
0x30b: {  	[spmem:s2] =	stream.indirect.scatter.add.f32 [tilespmem:s23], [sflag:$0x6], $0x80, s24, s9, $0xb8;
	[tilespmem:$0x1CFE0] =	vst v63  }
0x30c: {  	_ = 	snop  }
0x30d: {  	[spmem:s4] =	stream.indirect.scatter.add.f32 [tilespmem:s21], [sflag:$0x9], $0x8, s24, s9, $0xb8;
	[tilespmem:$0x1CFE0] =	vst v63  }
0x30e: {  	_ =	swait.ge [sflag:s17], $0x2800  }
0x30f: {  	[sflag:s17] =	ssyncset.done $0x0  }
0x310: {  	[sflag:s17] =	ssyncadd.s32 $0xFFFFD800  }
0x311: {  	_ =	swait.ge [sflag:s18], $0x280  }
0x312: {  	[sflag:s18] =	ssyncset.done $0x0  }
0x313: {  	s20 =	simm.s32 $0x1CAE0;
	s7 =	rddreg [dreg:$0x15];
	[sflag:s18] =	ssyncadd.s32 $0xFFFFFD80  }
0x314: {  	[tilespmem:s20], [sflag:$0xC] =	stream.linear.gather [hbm4b:s7+s5], $0x50, $0x38;
	[tilespmem:$0x1CFE0] =	vst v63  }
0x315: {  	s26 =	rddreg [dreg:$0x16]  }
0x316: {  	[tilespmem:s24], [sflag:$0xC] =	stream.linear.gather [hbm4b:s26+s5], $0x50, $0x38;
	[tilespmem:$0x1CFE0] =	vst v63  }
0x317: {  	_ =	swait.ge [sflag:s19], $0x50  }
0x318: {  	[sflag:s19] =	ssyncset.done $0x0  }
0x319: {  	[sflag:s19] =	ssyncadd.s32 $0xFFFFFFB0  }
0x31a: {  	_ =	swait.ge [sflag:s19], $0x50  }
0x31b: {  	[sflag:s19] =	ssyncset.done $0x0  }
0x31c: {  	[sflag:s19] =	ssyncadd.s32 $0xFFFFFFB0  }
0x31d: {  	v2 =	vld [tilespmem:$0x1CBD0]  }
0x31e: {  	v3 =	vld [tilespmem:$0x1CBE0]  }
0x31f: {  	v46 =	vld [tilespmem:$0x1CBF0]  }
0x320: {  	v47 =	vld [tilespmem:$0x1CC00]  }
0x321: {  	v48 =	vld [tilespmem:$0x1CC10]  }
0x322: {  	v2 =	vshll.u32 v2, $0x1  }
0x323: {  	v3 =	vshll.u32 v3, $0x1;
	v2 =	vor.u32 v0, v2  }
0x324: {  	[tilespmem:$0x1CDB0] =	vst v2;
	v2 =	vor.u32 v0, v3;
	v3 =	vshll.u32 v46, $0x1  }
0x325: {  	[tilespmem:$0x1CDC0] =	vst v2;
	v2 =	vor.u32 v0, v3;
	v3 =	vshll.u32 v47, $0x1  }
0x326: {  	[tilespmem:$0x1CDD0] =	vst v2;
	v2 =	vor.u32 v0, v3;
	v3 =	vshll.u32 v48, $0x1  }
0x327: {  	[tilespmem:$0x1CDE0] =	vst v2;
	v2 =	vor.u32 v0, v3  }
0x328: {  	s7 =	simm.s32 $0x1CDB0;
	[tilespmem:$0x1CDF0] =	vst v2  }
0x329: {  	[tilespmem:s23], [sflag:$0x3] =	stream.indirect.gather [hbm4b:s1+s9], $0x80, s7, s9, $0xb8;
	[tilespmem:$0x1CFE0] =	vst v63  }
0x32a: {  	_ =	swait.ge [sflag:s12], $0x2800  }
0x32b: {  	[sflag:s12] =	ssyncset.done $0x0  }
0x32c: {  	s7 =	simm.s32 $0x1CEF0;
	[sflag:s12] =	ssyncadd.s32 $0xFFFFD800  }
0x32d: {  	[spmem:s2] =	stream.indirect.scatter.add.f32 [tilespmem:s10], [sflag:$0x4], $0x80, s7, s9, $0xb8;
	[tilespmem:$0x1CFE0] =	vst v63  }
0x32e: {  	_ = 	snop  }
0x32f: {  	[spmem:s4] =	stream.indirect.scatter.add.f32 [tilespmem:s21], [sflag:$0x7], $0x8, s7, s9, $0xb8;
	[tilespmem:$0x1CFE0] =	vst v63  }
0x330: {  	_ =	swait.ge [sflag:s25], $0x2800  }
0x331: {  	[sflag:s25] =	ssyncset.done $0x0  }
0x332: {  	[sflag:s25] =	ssyncadd.s32 $0xFFFFD800  }
0x333: {  	_ =	swait.ge [sflag:s30], $0x280  }
0x334: {  	[sflag:s30] =	ssyncset.done $0x0  }
0x335: {  	s26 =	simm.s32 $0x1CB30;
	s20 =	rddreg [dreg:$0x17];
	[sflag:s30] =	ssyncadd.s32 $0xFFFFFD80  }
0x336: {  	[tilespmem:s26], [sflag:$0xD] =	stream.linear.gather [hbm4b:s20+s5], $0x50, $0x38;
	[tilespmem:$0x1CFE0] =	vst v63  }
0x337: {  	s26 =	rddreg [dreg:$0x18]  }
0x338: {  	[tilespmem:s7], [sflag:$0xD] =	stream.linear.gather [hbm4b:s26+s5], $0x50, $0x38;
	[tilespmem:$0x1CFE0] =	vst v63  }
0x339: {  	_ =	swait.ge [sflag:s0], $0x50  }
0x33a: {  	[sflag:s0] =	ssyncset.done $0x0  }
0x33b: {  	[sflag:s0] =	ssyncadd.s32 $0xFFFFFFB0  }
0x33c: {  	_ =	swait.ge [sflag:s0], $0x50  }
0x33d: {  	[sflag:s0] =	ssyncset.done $0x0  }
0x33e: {  	[sflag:s0] =	ssyncadd.s32 $0xFFFFFFB0  }
0x33f: {  	v2 =	vld [tilespmem:$0x1CA40]  }
0x340: {  	v3 =	vld [tilespmem:$0x1CA50]  }
0x341: {  	v49 =	vld [tilespmem:$0x1CA60]  }
0x342: {  	v50 =	vld [tilespmem:$0x1CA70]  }
0x343: {  	v51 =	vld [tilespmem:$0x1CA80]  }
0x344: {  	v2 =	vshll.u32 v2, $0x1  }
0x345: {  	v3 =	vshll.u32 v3, $0x1;
	v2 =	vor.u32 v0, v2  }
0x346: {  	[tilespmem:$0x1CC20] =	vst v2;
	v2 =	vor.u32 v0, v3;
	v3 =	vshll.u32 v49, $0x1  }
0x347: {  	[tilespmem:$0x1CC30] =	vst v2;
	v2 =	vor.u32 v0, v3;
	v3 =	vshll.u32 v50, $0x1  }
0x348: {  	[tilespmem:$0x1CC40] =	vst v2;
	v2 =	vor.u32 v0, v3;
	v3 =	vshll.u32 v51, $0x1  }
0x349: {  	[tilespmem:$0x1CC50] =	vst v2;
	v2 =	vor.u32 v0, v3  }
0x34a: {  	s20 =	simm.s32 $0x1CC20;
	[tilespmem:$0x1CC60] =	vst v2  }
0x34b: {  	[tilespmem:s10], [sflag:$0x1] =	stream.indirect.gather [hbm4b:s1+s9], $0x80, s20, s9, $0xb8;
	[tilespmem:$0x1CFE0] =	vst v63  }
0x34c: {  	_ =	swait.ge [sflag:s31], $0x2800  }
0x34d: {  	[sflag:s31] =	ssyncset.done $0x0  }
0x34e: {  	s20 =	simm.s32 $0x1CF40;
	[sflag:s31] =	ssyncadd.s32 $0xFFFFD800  }
0x34f: {  	[spmem:s2] =	stream.indirect.scatter.add.f32 [tilespmem:s11], [sflag:$0x5], $0x80, s20, s9, $0xb8;
	[tilespmem:$0x1CFE0] =	vst v63  }
0x350: {  	_ = 	snop  }
0x351: {  	[spmem:s4] =	stream.indirect.scatter.add.f32 [tilespmem:s21], [sflag:$0x8], $0x8, s20, s9, $0xb8;
	[tilespmem:$0x1CFE0] =	vst v63  }
0x352: {  	_ =	swait.ge [sflag:s28], $0x2800  }
0x353: {  	[sflag:s28] =	ssyncset.done $0x0  }
0x354: {  	[sflag:s28] =	ssyncadd.s32 $0xFFFFD800  }
0x355: {  	_ =	swait.ge [sflag:s14], $0x280  }
0x356: {  	[sflag:s14] =	ssyncset.done $0x0  }
0x357: {  	s26 =	simm.s32 $0x1CB80;
	s3 =	rddreg [dreg:$0x1b];
	[sflag:s14] =	ssyncadd.s32 $0xFFFFFD80  }
0x358: {  	[tilespmem:s26], [sflag:$0xE] =	stream.linear.gather [hbm4b:s3+s5], $0x50, $0x38;
	[tilespmem:$0x1CFE0] =	vst v63  }
0x359: {  	s26 =	rddreg [dreg:$0x1c]  }
0x35a: {  	[tilespmem:s20], [sflag:$0xE] =	stream.linear.gather [hbm4b:s26+s5], $0x50, $0x38;
	[tilespmem:$0x1CFE0] =	vst v63  }
0x35b: {  	_ =	swait.ge [sflag:s8], $0x50  }
0x35c: {  	[sflag:s8] =	ssyncset.done $0x0  }
0x35d: {  	[sflag:s8] =	ssyncadd.s32 $0xFFFFFFB0  }
0x35e: {  	_ =	swait.ge [sflag:s8], $0x50  }
0x35f: {  	[sflag:s8] =	ssyncset.done $0x0  }
0x360: {  	[sflag:s8] =	ssyncadd.s32 $0xFFFFFFB0  }
0x361: {  	v2 =	vld [tilespmem:$0x1CA90]  }
0x362: {  	v3 =	vld [tilespmem:$0x1CAA0]  }
0x363: {  	v52 =	vld [tilespmem:$0x1CAB0]  }
0x364: {  	v53 =	vld [tilespmem:$0x1CAC0]  }
0x365: {  	v54 =	vld [tilespmem:$0x1CAD0]  }
0x366: {  	v2 =	vshll.u32 v2, $0x1  }
0x367: {  	v3 =	vshll.u32 v3, $0x1;
	v2 =	vor.u32 v0, v2  }
0x368: {  	[tilespmem:$0x1CC70] =	vst v2;
	v2 =	vor.u32 v0, v3;
	v3 =	vshll.u32 v52, $0x1  }
0x369: {  	[tilespmem:$0x1CC80] =	vst v2;
	v2 =	vor.u32 v0, v3;
	v3 =	vshll.u32 v53, $0x1  }
0x36a: {  	[tilespmem:$0x1CC90] =	vst v2;
	v2 =	vor.u32 v0, v3;
	v3 =	vshll.u32 v54, $0x1  }
0x36b: {  	[tilespmem:$0x1CCA0] =	vst v2;
	v2 =	vor.u32 v0, v3  }
0x36c: {  	s26 =	simm.s32 $0x1CC70;
	[tilespmem:$0x1CCB0] =	vst v2  }
0x36d: {  	[tilespmem:s11], [sflag:$0x2] =	stream.indirect.gather [hbm4b:s1+s9], $0x80, s26, s9, $0xb8;
	[tilespmem:$0x1CFE0] =	vst v63  }
0x36e: {  	_ =	swait.ge [sflag:s16], $0x2800  }
0x36f: {  	[sflag:s16] =	ssyncset.done $0x0  }
0x370: {  	[sflag:s16] =	ssyncadd.s32 $0xFFFFD800  }
0x371: {  	[spmem:s2] =	stream.indirect.scatter.add.f32 [tilespmem:s23], [sflag:$0x6], $0x80, s13, s9, $0xb8;
	[tilespmem:$0x1CFE0] =	vst v63  }
0x372: {  	_ = 	snop  }
0x373: {  	[spmem:s4] =	stream.indirect.scatter.add.f32 [tilespmem:s21], [sflag:$0x9], $0x8, s13, s9, $0xb8;
	[tilespmem:$0x1CFE0] =	vst v63  }
0x374: {  	_ =	swait.ge [sflag:s17], $0x2800  }
0x375: {  	[sflag:s17] =	ssyncset.done $0x0  }
0x376: {  	[sflag:s17] =	ssyncadd.s32 $0xFFFFD800  }
0x377: {  	_ =	swait.ge [sflag:s18], $0x280  }
0x378: {  	[sflag:s18] =	ssyncset.done $0x0  }
0x379: {  	[sflag:s18] =	ssyncadd.s32 $0xFFFFFD80  }
0x37a: {  	_ =	swait.ge [sflag:s22], $0x50  }
0x37b: {  	[sflag:s22] =	ssyncset.done $0x0  }
0x37c: {  	[sflag:s22] =	ssyncadd.s32 $0xFFFFFFB0  }
0x37d: {  	_ =	swait.ge [sflag:s22], $0x50  }
0x37e: {  	[sflag:s22] =	ssyncset.done $0x0  }
0x37f: {  	[sflag:s22] =	ssyncadd.s32 $0xFFFFFFB0  }
0x380: {  	v2 =	vld [tilespmem:$0x1CAE0]  }
0x381: {  	v3 =	vld [tilespmem:$0x1CAF0]  }
0x382: {  	v55 =	vld [tilespmem:$0x1CB00]  }
0x383: {  	v56 =	vld [tilespmem:$0x1CB10]  }
0x384: {  	v57 =	vld [tilespmem:$0x1CB20]  }
0x385: {  	v2 =	vshll.u32 v2, $0x1  }
0x386: {  	v3 =	vshll.u32 v3, $0x1;
	v2 =	vor.u32 v0, v2  }
0x387: {  	[tilespmem:$0x1CCC0] =	vst v2;
	v2 =	vor.u32 v0, v3;
	v3 =	vshll.u32 v55, $0x1  }
0x388: {  	[tilespmem:$0x1CCD0] =	vst v2;
	v2 =	vor.u32 v0, v3;
	v3 =	vshll.u32 v56, $0x1  }
0x389: {  	[tilespmem:$0x1CCE0] =	vst v2;
	v2 =	vor.u32 v0, v3;
	v3 =	vshll.u32 v57, $0x1  }
0x38a: {  	[tilespmem:$0x1CCF0] =	vst v2;
	v2 =	vor.u32 v0, v3  }
0x38b: {  	s13 =	simm.s32 $0x1CCC0;
	[tilespmem:$0x1CD00] =	vst v2  }
0x38c: {  	[tilespmem:s23], [sflag:$0x3] =	stream.indirect.gather [hbm4b:s1+s9], $0x80, s13, s9, $0xb8;
	[tilespmem:$0x1CFE0] =	vst v63  }
0x38d: {  	_ =	swait.ge [sflag:s12], $0x2800  }
0x38e: {  	[sflag:s12] =	ssyncset.done $0x0  }
0x38f: {  	[sflag:s12] =	ssyncadd.s32 $0xFFFFD800  }
0x390: {  	[spmem:s2] =	stream.indirect.scatter.add.f32 [tilespmem:s10], [sflag:$0x4], $0x80, s29, s9, $0xb8;
	[tilespmem:$0x1CFE0] =	vst v63  }
0x391: {  	_ = 	snop  }
0x392: {  	[spmem:s4] =	stream.indirect.scatter.add.f32 [tilespmem:s21], [sflag:$0x7], $0x8, s29, s9, $0xb8;
	[tilespmem:$0x1CFE0] =	vst v63  }
0x393: {  	_ =	swait.ge [sflag:s25], $0x2800  }
0x394: {  	[sflag:s25] =	ssyncset.done $0x0  }
0x395: {  	[sflag:s25] =	ssyncadd.s32 $0xFFFFD800  }
0x396: {  	_ =	swait.ge [sflag:s30], $0x280  }
0x397: {  	[sflag:s30] =	ssyncset.done $0x0  }
0x398: {  	[sflag:s30] =	ssyncadd.s32 $0xFFFFFD80  }
0x399: {  	_ =	swait.ge [sflag:s6], $0x50  }
0x39a: {  	[sflag:s6] =	ssyncset.done $0x0  }
0x39b: {  	[sflag:s6] =	ssyncadd.s32 $0xFFFFFFB0  }
0x39c: {  	_ =	swait.ge [sflag:s6], $0x50  }
0x39d: {  	[sflag:s6] =	ssyncset.done $0x0  }
0x39e: {  	[sflag:s6] =	ssyncadd.s32 $0xFFFFFFB0  }
0x39f: {  	v2 =	vld [tilespmem:$0x1CB30]  }
0x3a0: {  	v3 =	vld [tilespmem:$0x1CB40]  }
0x3a1: {  	v58 =	vld [tilespmem:$0x1CB50]  }
0x3a2: {  	v59 =	vld [tilespmem:$0x1CB60]  }
0x3a3: {  	v60 =	vld [tilespmem:$0x1CB70]  }
0x3a4: {  	v2 =	vshll.u32 v2, $0x1  }
0x3a5: {  	v3 =	vshll.u32 v3, $0x1;
	v2 =	vor.u32 v0, v2  }
0x3a6: {  	[tilespmem:$0x1CD10] =	vst v2;
	v2 =	vor.u32 v0, v3;
	v3 =	vshll.u32 v58, $0x1  }
0x3a7: {  	[tilespmem:$0x1CD20] =	vst v2;
	v2 =	vor.u32 v0, v3;
	v3 =	vshll.u32 v59, $0x1  }
0x3a8: {  	[tilespmem:$0x1CD30] =	vst v2;
	v2 =	vor.u32 v0, v3;
	v3 =	vshll.u32 v60, $0x1  }
0x3a9: {  	[tilespmem:$0x1CD40] =	vst v2;
	v2 =	vor.u32 v0, v3  }
0x3aa: {  	s26 =	simm.s32 $0x1CD10;
	[tilespmem:$0x1CD50] =	vst v2  }
0x3ab: {  	[tilespmem:s10], [sflag:$0x1] =	stream.indirect.gather [hbm4b:s1+s9], $0x80, s26, s9, $0xb8;
	[tilespmem:$0x1CFE0] =	vst v63  }
0x3ac: {  	_ =	swait.ge [sflag:s31], $0x2800  }
0x3ad: {  	[sflag:s31] =	ssyncset.done $0x0  }
0x3ae: {  	s29 =	simm.s32 $0x1CE50;
	[sflag:s31] =	ssyncadd.s32 $0xFFFFD800  }
0x3af: {  	[spmem:s2] =	stream.indirect.scatter.add.f32 [tilespmem:s11], [sflag:$0x5], $0x80, s29, s9, $0xb8;
	[tilespmem:$0x1CFE0] =	vst v63  }
0x3b0: {  	_ = 	snop  }
0x3b1: {  	[spmem:s4] =	stream.indirect.scatter.add.f32 [tilespmem:s21], [sflag:$0x8], $0x8, s29, s9, $0xb8;
	[tilespmem:$0x1CFE0] =	vst v63  }
0x3b2: {  	_ =	swait.ge [sflag:s28], $0x2800  }
0x3b3: {  	[sflag:s28] =	ssyncset.done $0x0  }
0x3b4: {  	[sflag:s28] =	ssyncadd.s32 $0xFFFFD800  }
0x3b5: {  	_ =	swait.ge [sflag:s14], $0x280  }
0x3b6: {  	[sflag:s14] =	ssyncset.done $0x0  }
0x3b7: {  	[sflag:s14] =	ssyncadd.s32 $0xFFFFFD80  }
0x3b8: {  	_ =	swait.ge [sflag:s15], $0x50  }
0x3b9: {  	[sflag:s15] =	ssyncset.done $0x0  }
0x3ba: {  	[sflag:s15] =	ssyncadd.s32 $0xFFFFFFB0  }
0x3bb: {  	_ =	swait.ge [sflag:s15], $0x50  }
0x3bc: {  	[sflag:s15] =	ssyncset.done $0x0  }
0x3bd: {  	[sflag:s15] =	ssyncadd.s32 $0xFFFFFFB0  }
0x3be: {  	v2 =	vld [tilespmem:$0x1CB80]  }
0x3bf: {  	v3 =	vld [tilespmem:$0x1CB90]  }
0x3c0: {  	v61 =	vld [tilespmem:$0x1CBA0]  }
0x3c1: {  	v62 =	vld [tilespmem:$0x1CBB0]  }
0x3c2: {  	v63 =	vld [tilespmem:$0x1CBC0]  }
0x3c3: {  	v2 =	vshll.u32 v2, $0x1  }
0x3c4: {  	v3 =	vshll.u32 v3, $0x1;
	v2 =	vor.u32 v0, v2  }
0x3c5: {  	[tilespmem:$0x1CD60] =	vst v2;
	v2 =	vor.u32 v0, v3;
	v3 =	vshll.u32 v61, $0x1  }
0x3c6: {  	[tilespmem:$0x1CD70] =	vst v2;
	v2 =	vor.u32 v0, v3;
	v3 =	vshll.u32 v62, $0x1  }
0x3c7: {  	[tilespmem:$0x1CD80] =	vst v2;
	v2 =	vor.u32 v0, v3;
	v3 =	vshll.u32 v63, $0x1  }
0x3c8: {  	[tilespmem:$0x1CD90] =	vst v2;
	v2 =	vor.u32 v0, v3  }
0x3c9: {  	s13 =	simm.s32 $0x1CD60;
	[tilespmem:$0x1CDA0] =	vst v2  }
0x3ca: {  	[tilespmem:s11], [sflag:$0x2] =	stream.indirect.gather [hbm4b:s1+s9], $0x80, s13, s9, $0xb8;
	[tilespmem:$0x1CFE0] =	vst v63  }
0x3cb: {  	_ =	swait.ge [sflag:s16], $0x2800  }
0x3cc: {  	[sflag:s16] =	ssyncset.done $0x0  }
0x3cd: {  	[sflag:s16] =	ssyncadd.s32 $0xFFFFD800  }
0x3ce: {  	[spmem:s2] =	stream.indirect.scatter.add.f32 [tilespmem:s23], [sflag:$0x6], $0x80, s24, s9, $0xb8;
	[tilespmem:$0x1CFE0] =	vst v63  }
0x3cf: {  	_ = 	snop  }
0x3d0: {  	[spmem:s4] =	stream.indirect.scatter.add.f32 [tilespmem:s21], [sflag:$0x9], $0x8, s24, s9, $0xb8;
	[tilespmem:$0x1CFE0] =	vst v63  }
0x3d1: {  	_ =	swait.ge [sflag:s17], $0x2800  }
0x3d2: {  	[sflag:s17] =	ssyncset.done $0x0  }
0x3d3: {  	[sflag:s17] =	ssyncadd.s32 $0xFFFFD800  }
0x3d4: {  	_ =	swait.ge [sflag:s18], $0x280  }
0x3d5: {  	[sflag:s18] =	ssyncset.done $0x0  }
0x3d6: {  	[sflag:s18] =	ssyncadd.s32 $0xFFFFFD80  }
0x3d7: {  	_ =	swait.ge [sflag:s12], $0x2800  }
0x3d8: {  	[sflag:s12] =	ssyncset.done $0x0  }
0x3d9: {  	[sflag:s12] =	ssyncadd.s32 $0xFFFFD800  }
0x3da: {  	[spmem:s2] =	stream.indirect.scatter.add.f32 [tilespmem:s10], [sflag:$0x4], $0x80, s7, s9, $0xb8;
	[tilespmem:$0x1CFE0] =	vst v63  }
0x3db: {  	_ = 	snop  }
0x3dc: {  	[spmem:s4] =	stream.indirect.scatter.add.f32 [tilespmem:s21], [sflag:$0x7], $0x8, s7, s9, $0xb8;
	[tilespmem:$0x1CFE0] =	vst v63  }
0x3dd: {  	_ =	swait.ge [sflag:s25], $0x2800  }
0x3de: {  	[sflag:s25] =	ssyncset.done $0x0  }
0x3df: {  	[sflag:s25] =	ssyncadd.s32 $0xFFFFD800  }
0x3e0: {  	_ =	swait.ge [sflag:s30], $0x280  }
0x3e1: {  	[sflag:s30] =	ssyncset.done $0x0  }
0x3e2: {  	[sflag:s30] =	ssyncadd.s32 $0xFFFFFD80  }
0x3e3: {  	_ =	swait.ge [sflag:s31], $0x2800  }
0x3e4: {  	[sflag:s31] =	ssyncset.done $0x0  }
0x3e5: {  	[sflag:s31] =	ssyncadd.s32 $0xFFFFD800  }
0x3e6: {  	[spmem:s2] =	stream.indirect.scatter.add.f32 [tilespmem:s11], [sflag:$0x5], $0x80, s20, s9, $0xb8;
	[tilespmem:$0x1CFE0] =	vst v63  }
0x3e7: {  	_ = 	snop  }
0x3e8: {  	[spmem:s4] =	stream.indirect.scatter.add.f32 [tilespmem:s21], [sflag:$0x8], $0x8, s20, s9, $0xb8;
	[tilespmem:$0x1CFE0] =	vst v63  }
0x3e9: {  	_ =	swait.ge [sflag:s28], $0x2800  }
0x3ea: {  	[sflag:s28] =	ssyncset.done $0x0  }
0x3eb: {  	[sflag:s28] =	ssyncadd.s32 $0xFFFFD800  }
0x3ec: {  	_ =	swait.ge [sflag:s14], $0x280  }
0x3ed: {  	[sflag:s14] =	ssyncset.done $0x0  }
0x3ee: {  	[sflag:s14] =	ssyncadd.s32 $0xFFFFFD80  }
0x3ef: {  	[bflag:$0x0] =	sbarrier.arrive $0xFFFF  }
0x3f0: {  	s24 =	stileid.u32;
	s7 =	sld [smem:$0x7ED]  }
0x3f1: {  	s3 =	sshll.u32 s24, $0x6;
	s29 =	rddreg [dreg:$0x1f]  }
0x3f2: {  	s26 =	sor.u32 $0x1C02, s3;
	s24 =	sshrl.u32 s29, $0x3  }
0x3f3: {  	[hbm:s7], [sflag:s26] =	dma.local [spmem:s24], $0x278  }
0x3f4: {  	s24 =	sld [smem:$0x7EE]  }
0x3f5: {  	s26 =	rddreg [dreg:$0x1e]  }
0x3f6: {  	s3 =	sor.u32 $0x1C01, s3;
	s13 =	sshrl.u32 s26, $0x3  }
0x3f7: {  	[hbm:s24], [sflag:s3] =	dma.local [spmem:s13], $0x2780  }
0x3f8: {  	_ =	swait.ge [sflag:s31], $0x278  }
0x3f9: {  	[sflag:s31] =	ssyncset.done $0x0  }
0x3fa: {  	[sflag:s31] =	ssyncadd.s32 $0xFFFFFD88  }
0x3fb: {  	_ =	swait.ge [sflag:s12], $0x2780  }
0x3fc: {  	s24 =	sld [smem:$0x7EC]  }
0x3fd: {  	s29 =	sld [smem:$0x7EF];
	_ =	sdelay $0x1  }
0x3fe: {  	s7 =	sadd.s32 $0x1, s24  }
0x3ff: {  	p0 =	sne.s32 s7, s29  }
.Ltmp10:
0x400: {  	_ = 	snop;
	(pc) =	sbr.rel @p0 .LBB2_1-.Ltmp10, $3  }
0x401: {  	_ =	sdelay $0x1  }
0x402: {  	[sflag:s12] =	ssyncset.done $0x0  }
0x403: {  	[sflag:s12] =	ssyncadd.s32 $0xFFFFD880  }
0x404: {  	_ =	sfence.sel $0x180000  }
0x405: {  	[bflag:$0x0] =	sbarrier.arrive $0xFFFF  }
0x406: {  	_ =	strace $0x90000047  }
0x407: {  	s0 =	stileid.u32;
	[bflag:$0x2] =	sbarrier.arrive $0xFFFF  }
0x408: {  	p0 =	sne.s32 s0, $0x0;
	s0 =	rddreg [dreg:$0x4]  }
0x409: {  	s0 =	sadd.s32 @!p0 $0x100000, s0  }
0x40a: {  	[sflag:s0] =	ssyncadd.tile.s32 @!p0 $0x1;
	_ =	shalt  }
.Lfunc_end2:
_tile_overlayer_lowered:
.L_overlay_start_2:
0x40b: {  	(tag) =	ssettag $0x2  }
0x40c: {  	s0 =	rddreg [dreg:$0x0];
	s2 =	stileid.u32  }
0x40d: {  	s1 =	rddreg [dreg:$0x1];
	p0 =	sne.s32 s2, $0x0  }
0x40e: {  	s3 =	rddreg [dreg:$0x2];
	[bflag:$0x3] =	sbarrier.arrive $0xFFFF;
	s2 =	simm.s32 @!p0 $0x1C10  }
0x40f: {  	[timem:s3], [sflag:s2] =	dma.local @!p0 [hbm:s0], s1  }
0x410: {  	s0 =	simm.s32 @!p0 $0x10  }
0x411: {  	_ =	swait.ge @!p0 [sflag:s0], s1  }
0x412: {  	s1 =	ssub.s32 @!p0 $0x0, s1;
	[sflag:s0] =	ssyncset.done @!p0 $0x0  }
0x413: {  	[sflag:s0] =	ssyncadd.s32 @!p0 s1  }
0x414: {  	[bflag:$0x3] =	sbarrier.arrive $0xFFFF  }
0x415: {  	_ =	shalt  }

</sc_bundles>
